<compile_context>
chip_gen: v7x
topology: tpu7x:2x2x1
jax: 0.10.2.dev20260603
libtpu: 0.0.44.dev20260713+nightly
codegen_flags: <defaults>
</compile_context>

<pallas_src>
import functools

import jax
import jax.numpy as jnp
from jax import lax
from jax.experimental import pallas as pl
from jax.experimental.pallas import tpu as pltpu
from jax.experimental.pallas import tpu_sc as plsc

N_ROWS = 2_000_000
L = 16
NC, NS = 2, 16
NW = NC * NS
VECS = N_ROWS // L
CHUNK_VECS = 500
CHUNK_ROWS = CHUNK_VECS * L
N_CHUNKS = VECS // CHUNK_VECS
BASE_CHUNKS = N_CHUNKS // NW
EXTRA = N_CHUNKS - BASE_CHUNKS * NW

_mesh = plsc.VectorSubcoreMesh(core_axis_name="c", subcore_axis_name="s")


@functools.partial(
    pl.kernel,
    mesh=_mesh,
    compiler_params=pltpu.CompilerParams(
        needs_layout_passes=False, use_tc_tiling_on_sc=False),
    out_type=jax.ShapeDtypeStruct((NW, L), jnp.float32),
    scratch_types=[
        pltpu.VMEM((2, CHUNK_ROWS), jnp.float32),
        pltpu.VMEM((2, CHUNK_ROWS), jnp.float32),
        pltpu.VMEM((2, CHUNK_ROWS), jnp.int32),
        pltpu.VMEM((L,), jnp.float32),
        pltpu.SemaphoreType.DMA,
        pltpu.SemaphoreType.DMA,
    ],
)
def _count_matches(logits_hbm, tgt_hbm, partials_hbm,
                   buf0, buf1, buf_t, acc_v, sem0, sem1):
    cid = lax.axis_index("c")
    sid = lax.axis_index("s")
    wid = sid * NC + cid
    first = wid * BASE_CHUNKS + jnp.minimum(wid, EXTRA)
    has_extra = wid < EXTRA

    sems = (sem0, sem1)

    def dma_triple(ci, slot):
        r0 = (first + ci) * CHUNK_ROWS
        sem = sems[slot]
        return (
            pltpu.make_async_copy(
                logits_hbm.at[0, pl.ds(r0, CHUNK_ROWS)], buf0.at[slot], sem),
            pltpu.make_async_copy(
                logits_hbm.at[1, pl.ds(r0, CHUNK_ROWS)], buf1.at[slot], sem),
            pltpu.make_async_copy(
                tgt_hbm.at[pl.ds(r0, CHUNK_ROWS)], buf_t.at[slot], sem),
        )

    def fire(ci, slot):
        for cp in dma_triple(ci, slot):
            cp.start()

    def drain(ci, slot):
        for cp in dma_triple(ci, slot):
            cp.wait()

    def compute(slot, acc):
        def compute_vec(j, acc):
            off = j * L
            o0 = buf0[slot, pl.ds(off, L)]
            o1 = buf1[slot, pl.ds(off, L)]
            t = buf_t[slot, pl.ds(off, L)]
            m = (o1 > o0) == (t > 0)
            return acc + jnp.where(m, 1.0, 0.0).astype(jnp.float32)
        return lax.fori_loop(0, CHUNK_VECS, compute_vec, acc, unroll=8)

    acc = jnp.zeros((L,), jnp.float32)
    fire(0, 0)
    for ci in range(BASE_CHUNKS):
        slot = ci % 2
        if ci + 1 < BASE_CHUNKS:
            fire(ci + 1, 1 - slot)
        else:
            @pl.when(has_extra)
            def _():
                fire(BASE_CHUNKS, 1 - slot)
        drain(ci, slot)
        acc = compute(slot, acc)

    tail_slot = BASE_CHUNKS % 2

    @pl.when(has_extra)
    def _():
        drain(BASE_CHUNKS, tail_slot)

    tail_acc = compute(tail_slot, acc)
    acc = jnp.where(has_extra, tail_acc, acc)

    acc_v[...] = acc
    pltpu.sync_copy(acc_v, partials_hbm.at[wid])


def kernel(output, target, segments):
    del segments
    partials = _count_matches(output.T, target)
    return jnp.sum(partials) / jnp.float32(N_ROWS)

# --- scband reference (transcript-rebuilt; emitter-appended) ---
"""Pipeline reference for scband-f1-score-48627619725798 (READ-ONLY COPY).

The authoritative reference and input builder live on the scoring server;
editing this copy changes nothing except your own understanding.
"""

import jax, jax.numpy as jnp
import numpy as np

N = 2000000
C = 2

def setup_inputs(seed: int = 0) -> dict:
    key = jax.random.key(seed)
    k1, k2, k3 = jax.random.split(key, 3)
    output = jax.random.normal(k1, (N, C), dtype=jnp.float32)
    target = jax.random.randint(k2, (N,), 0, 2, dtype=jnp.int64)
    segments = jax.random.randint(k3, (N,), 0, 2, dtype=jnp.int64)
    return {"output": output, "target": target, "segments": segments}

def reference(output, target, segments):
    # pred = argmax over classes
    pred = jnp.argmax(output, axis=1)
    rows = jnp.arange(output.shape[0])
    # scatter one-hot masks, mirroring torch .scatter_(1, idx, 1.0)
    pre_mask = jnp.zeros(output.shape, dtype=output.dtype).at[rows, pred].set(1.0)
    tar_mask = jnp.zeros(output.shape, dtype=output.dtype).at[rows, target].set(1.0)
    TP = (pre_mask[:, 1] * tar_mask[:, 1]).astype(jnp.float32).sum()
    FP = (pre_mask[:, 1] * tar_mask[:, 0]).astype(jnp.float32).sum()
    FN = (pre_mask[:, 0] * tar_mask[:, 1]).astype(jnp.float32).sum()
    TN = (pre_mask[:, 0] * tar_mask[:, 0]).astype(jnp.float32).sum()
    precision = TP / (TP + FP + 1e-10)
    recall = TP / (TP + FN + 1e-10)
    F1 = 2 * precision * recall / (precision + recall + 1e-10)
    # module returns accuracy despite computing F1 stats
    acc = (pred == target).astype(jnp.float32).mean()
    return acc

if __name__ == "__main__":
    import jax
    _d = setup_inputs()
    print(jax.jit(kernel)(*tuple(_d.values())))

</pallas_src>

<mosaic_0001>
#map = affine_map<(d0, d1) -> (0, 0)>
#map1 = affine_map<(d0, d1) -> (0)>
module attributes {stable_mosaic.version = 14 : i64} {
  func.func @_count_matches(%arg0: i32, %arg1: i32, %arg2: memref<2x2000000xf32, #tpu.memory_space<hbm>>, %arg3: memref<2000000xi32, #tpu.memory_space<hbm>>, %arg4: memref<32x16xf32, #tpu.memory_space<hbm>>, %arg5: memref<2x8000xf32, #tpu.memory_space<vmem>>, %arg6: memref<2x8000xf32, #tpu.memory_space<vmem>>, %arg7: memref<2x8000xi32, #tpu.memory_space<vmem>>, %arg8: memref<16xf32, #tpu.memory_space<vmem>>, %arg9: memref<!tpu.dma_semaphore, #tpu.memory_space<semaphore_mem>>, %arg10: memref<!tpu.dma_semaphore, #tpu.memory_space<semaphore_mem>>) attributes {dimension_semantics = [#tpu.dimension_semantics<core_parallel>, #tpu.dimension_semantics<subcore_parallel>], iteration_bounds = array<i64: 2, 16>, scalar_prefetch = 0 : i64, scratch_operands = 6 : i64, tpu.core_type = #tpu.core_type<sc_vector_subcore>, window_params = [{transform_indices = #map}, {transform_indices = #map1}, {transform_indices = #map}]} {
    %mul3A = arith.constant 2 : i32
    %mul3A_0 = arith.muli %arg1, %mul3A : i32
    %add3A = arith.addi %mul3A_0, %arg0 : i32
    %mul3A_1 = arith.constant 7 : i32
    %mul3A_2 = arith.muli %add3A, %mul3A_1 : i32
    %min3A = arith.constant 26 : i32
    %min3A_3 = arith.minsi %add3A, %min3A : i32
    %add3A_4 = arith.addi %mul3A_2, %min3A_3 : i32
    %lt3A = arith.constant 26 : i32
    %lt3A_5 = arith.cmpi slt, %add3A, %lt3A : i32
    %broadcast_in_dim3A = arith.constant 0.000000e+00 : f32
    %broadcast_in_dim3A_6 = vector.broadcast %broadcast_in_dim3A : f32 to vector<16xf32>
    %add3A_7 = arith.constant 0 : i32
    %add3A_8 = arith.addi %add3A_4, %add3A_7 : i32
    %mul3A_9 = arith.constant 8000 : i32
    %mul3A_10 = arith.muli %add3A_8, %mul3A_9 : i32
    %dma_start3A = arith.constant 0 : i32
    %dma_start3A_11 = arith.constant 0 : i32
    %dma_start3A_12 = arith.constant 0 : i32
    %dma_start3A_13 = tpu.memref_slice %arg5[%dma_start3A_11, %dma_start3A_12] : memref<2x8000xf32, #tpu.memory_space<vmem>> -> memref<1x8000xf32, #tpu.memory_space<vmem>>
    %dma_start3A_14 = tpu.memref_squeeze %dma_start3A_13 : memref<1x8000xf32, #tpu.memory_space<vmem>> -> memref<8000xf32, #tpu.memory_space<vmem>>
    %dma_start3A_15 = tpu.memref_slice %arg2[%dma_start3A, %mul3A_10] : memref<2x2000000xf32, #tpu.memory_space<hbm>> -> memref<1x8000xf32, #tpu.memory_space<hbm>>
    %dma_start3A_16 = tpu.memref_squeeze %dma_start3A_15 : memref<1x8000xf32, #tpu.memory_space<hbm>> -> memref<8000xf32, #tpu.memory_space<hbm>>
    %dma_start3A_17 = arith.constant 0 : i32
    %dma_start3A_18 = tpu.memref_slice %arg5[%dma_start3A_11, %dma_start3A_17] : memref<2x8000xf32, #tpu.memory_space<vmem>> -> memref<1x8000xf32, #tpu.memory_space<vmem>>
    %dma_start3A_19 = tpu.memref_squeeze %dma_start3A_18 : memref<1x8000xf32, #tpu.memory_space<vmem>> -> memref<8000xf32, #tpu.memory_space<vmem>>
    %dma_start3A_20 = tpu.memref_slice %arg2[%dma_start3A, %mul3A_10] : memref<2x2000000xf32, #tpu.memory_space<hbm>> -> memref<1x8000xf32, #tpu.memory_space<hbm>>
    %dma_start3A_21 = tpu.memref_squeeze %dma_start3A_20 : memref<1x8000xf32, #tpu.memory_space<hbm>> -> memref<8000xf32, #tpu.memory_space<hbm>>
    tpu.enqueue_dma source(%dma_start3A_21 : memref<8000xf32, #tpu.memory_space<hbm>>) target(%dma_start3A_19 : memref<8000xf32, #tpu.memory_space<vmem>>) target_semaphore(%arg9 : memref<!tpu.dma_semaphore, #tpu.memory_space<semaphore_mem>>)
    %dma_start3A_22 = arith.constant 1 : i32
    %dma_start3A_23 = arith.constant 0 : i32
    %dma_start3A_24 = arith.constant 0 : i32
    %dma_start3A_25 = tpu.memref_slice %arg6[%dma_start3A_23, %dma_start3A_24] : memref<2x8000xf32, #tpu.memory_space<vmem>> -> memref<1x8000xf32, #tpu.memory_space<vmem>>
    %dma_start3A_26 = tpu.memref_squeeze %dma_start3A_25 : memref<1x8000xf32, #tpu.memory_space<vmem>> -> memref<8000xf32, #tpu.memory_space<vmem>>
    %dma_start3A_27 = tpu.memref_slice %arg2[%dma_start3A_22, %mul3A_10] : memref<2x2000000xf32, #tpu.memory_space<hbm>> -> memref<1x8000xf32, #tpu.memory_space<hbm>>
    %dma_start3A_28 = tpu.memref_squeeze %dma_start3A_27 : memref<1x8000xf32, #tpu.memory_space<hbm>> -> memref<8000xf32, #tpu.memory_space<hbm>>
    %dma_start3A_29 = arith.constant 0 : i32
    %dma_start3A_30 = tpu.memref_slice %arg6[%dma_start3A_23, %dma_start3A_29] : memref<2x8000xf32, #tpu.memory_space<vmem>> -> memref<1x8000xf32, #tpu.memory_space<vmem>>
    %dma_start3A_31 = tpu.memref_squeeze %dma_start3A_30 : memref<1x8000xf32, #tpu.memory_space<vmem>> -> memref<8000xf32, #tpu.memory_space<vmem>>
    %dma_start3A_32 = tpu.memref_slice %arg2[%dma_start3A_22, %mul3A_10] : memref<2x2000000xf32, #tpu.memory_space<hbm>> -> memref<1x8000xf32, #tpu.memory_space<hbm>>
    %dma_start3A_33 = tpu.memref_squeeze %dma_start3A_32 : memref<1x8000xf32, #tpu.memory_space<hbm>> -> memref<8000xf32, #tpu.memory_space<hbm>>
    tpu.enqueue_dma source(%dma_start3A_33 : memref<8000xf32, #tpu.memory_space<hbm>>) target(%dma_start3A_31 : memref<8000xf32, #tpu.memory_space<vmem>>) target_semaphore(%arg9 : memref<!tpu.dma_semaphore, #tpu.memory_space<semaphore_mem>>)
    %dma_start3A_34 = arith.constant 0 : i32
    %dma_start3A_35 = arith.constant 0 : i32
    %dma_start3A_36 = tpu.memref_slice %arg7[%dma_start3A_34, %dma_start3A_35] : memref<2x8000xi32, #tpu.memory_space<vmem>> -> memref<1x8000xi32, #tpu.memory_space<vmem>>
    %dma_start3A_37 = tpu.memref_squeeze %dma_start3A_36 : memref<1x8000xi32, #tpu.memory_space<vmem>> -> memref<8000xi32, #tpu.memory_space<vmem>>
    %dma_start3A_38 = tpu.memref_slice %arg3[%mul3A_10] : memref<2000000xi32, #tpu.memory_space<hbm>> -> memref<8000xi32, #tpu.memory_space<hbm>>
    %dma_start3A_39 = arith.constant 0 : i32
    %dma_start3A_40 = tpu.memref_slice %arg7[%dma_start3A_34, %dma_start3A_39] : memref<2x8000xi32, #tpu.memory_space<vmem>> -> memref<1x8000xi32, #tpu.memory_space<vmem>>
    %dma_start3A_41 = tpu.memref_squeeze %dma_start3A_40 : memref<1x8000xi32, #tpu.memory_space<vmem>> -> memref<8000xi32, #tpu.memory_space<vmem>>
    %dma_start3A_42 = tpu.memref_slice %arg3[%mul3A_10] : memref<2000000xi32, #tpu.memory_space<hbm>> -> memref<8000xi32, #tpu.memory_space<hbm>>
    tpu.enqueue_dma source(%dma_start3A_42 : memref<8000xi32, #tpu.memory_space<hbm>>) target(%dma_start3A_41 : memref<8000xi32, #tpu.memory_space<vmem>>) target_semaphore(%arg9 : memref<!tpu.dma_semaphore, #tpu.memory_space<semaphore_mem>>)
    %add3A_43 = arith.constant 1 : i32
    %add3A_44 = arith.addi %add3A_4, %add3A_43 : i32
    %mul3A_45 = arith.constant 8000 : i32
    %mul3A_46 = arith.muli %add3A_44, %mul3A_45 : i32
    %dma_start3A_47 = arith.constant 0 : i32
    %dma_start3A_48 = arith.constant 1 : i32
    %dma_start3A_49 = arith.constant 0 : i32
    %dma_start3A_50 = tpu.memref_slice %arg5[%dma_start3A_48, %dma_start3A_49] : memref<2x8000xf32, #tpu.memory_space<vmem>> -> memref<1x8000xf32, #tpu.memory_space<vmem>>
    %dma_start3A_51 = tpu.memref_squeeze %dma_start3A_50 : memref<1x8000xf32, #tpu.memory_space<vmem>> -> memref<8000xf32, #tpu.memory_space<vmem>>
    %dma_start3A_52 = tpu.memref_slice %arg2[%dma_start3A_47, %mul3A_46] : memref<2x2000000xf32, #tpu.memory_space<hbm>> -> memref<1x8000xf32, #tpu.memory_space<hbm>>
    %dma_start3A_53 = tpu.memref_squeeze %dma_start3A_52 : memref<1x8000xf32, #tpu.memory_space<hbm>> -> memref<8000xf32, #tpu.memory_space<hbm>>
    %dma_start3A_54 = arith.constant 0 : i32
    %dma_start3A_55 = tpu.memref_slice %arg5[%dma_start3A_48, %dma_start3A_54] : memref<2x8000xf32, #tpu.memory_space<vmem>> -> memref<1x8000xf32, #tpu.memory_space<vmem>>
    %dma_start3A_56 = tpu.memref_squeeze %dma_start3A_55 : memref<1x8000xf32, #tpu.memory_space<vmem>> -> memref<8000xf32, #tpu.memory_space<vmem>>
    %dma_start3A_57 = tpu.memref_slice %arg2[%dma_start3A_47, %mul3A_46] : memref<2x2000000xf32, #tpu.memory_space<hbm>> -> memref<1x8000xf32, #tpu.memory_space<hbm>>
    %dma_start3A_58 = tpu.memref_squeeze %dma_start3A_57 : memref<1x8000xf32, #tpu.memory_space<hbm>> -> memref<8000xf32, #tpu.memory_space<hbm>>
    tpu.enqueue_dma source(%dma_start3A_58 : memref<8000xf32, #tpu.memory_space<hbm>>) target(%dma_start3A_56 : memref<8000xf32, #tpu.memory_space<vmem>>) target_semaphore(%arg10 : memref<!tpu.dma_semaphore, #tpu.memory_space<semaphore_mem>>)
    %dma_start3A_59 = arith.constant 1 : i32
    %dma_start3A_60 = arith.constant 1 : i32
    %dma_start3A_61 = arith.constant 0 : i32
    %dma_start3A_62 = tpu.memref_slice %arg6[%dma_start3A_60, %dma_start3A_61] : memref<2x8000xf32, #tpu.memory_space<vmem>> -> memref<1x8000xf32, #tpu.memory_space<vmem>>
    %dma_start3A_63 = tpu.memref_squeeze %dma_start3A_62 : memref<1x8000xf32, #tpu.memory_space<vmem>> -> memref<8000xf32, #tpu.memory_space<vmem>>
    %dma_start3A_64 = tpu.memref_slice %arg2[%dma_start3A_59, %mul3A_46] : memref<2x2000000xf32, #tpu.memory_space<hbm>> -> memref<1x8000xf32, #tpu.memory_space<hbm>>
    %dma_start3A_65 = tpu.memref_squeeze %dma_start3A_64 : memref<1x8000xf32, #tpu.memory_space<hbm>> -> memref<8000xf32, #tpu.memory_space<hbm>>
    %dma_start3A_66 = arith.constant 0 : i32
    %dma_start3A_67 = tpu.memref_slice %arg6[%dma_start3A_60, %dma_start3A_66] : memref<2x8000xf32, #tpu.memory_space<vmem>> -> memref<1x8000xf32, #tpu.memory_space<vmem>>
    %dma_start3A_68 = tpu.memref_squeeze %dma_start3A_67 : memref<1x8000xf32, #tpu.memory_space<vmem>> -> memref<8000xf32, #tpu.memory_space<vmem>>
    %dma_start3A_69 = tpu.memref_slice %arg2[%dma_start3A_59, %mul3A_46] : memref<2x2000000xf32, #tpu.memory_space<hbm>> -> memref<1x8000xf32, #tpu.memory_space<hbm>>
    %dma_start3A_70 = tpu.memref_squeeze %dma_start3A_69 : memref<1x8000xf32, #tpu.memory_space<hbm>> -> memref<8000xf32, #tpu.memory_space<hbm>>
    tpu.enqueue_dma source(%dma_start3A_70 : memref<8000xf32, #tpu.memory_space<hbm>>) target(%dma_start3A_68 : memref<8000xf32, #tpu.memory_space<vmem>>) target_semaphore(%arg10 : memref<!tpu.dma_semaphore, #tpu.memory_space<semaphore_mem>>)
    %dma_start3A_71 = arith.constant 1 : i32
    %dma_start3A_72 = arith.constant 0 : i32
    %dma_start3A_73 = tpu.memref_slice %arg7[%dma_start3A_71, %dma_start3A_72] : memref<2x8000xi32, #tpu.memory_space<vmem>> -> memref<1x8000xi32, #tpu.memory_space<vmem>>
    %dma_start3A_74 = tpu.memref_squeeze %dma_start3A_73 : memref<1x8000xi32, #tpu.memory_space<vmem>> -> memref<8000xi32, #tpu.memory_space<vmem>>
    %dma_start3A_75 = tpu.memref_slice %arg3[%mul3A_46] : memref<2000000xi32, #tpu.memory_space<hbm>> -> memref<8000xi32, #tpu.memory_space<hbm>>
    %dma_start3A_76 = arith.constant 0 : i32
    %dma_start3A_77 = tpu.memref_slice %arg7[%dma_start3A_71, %dma_start3A_76] : memref<2x8000xi32, #tpu.memory_space<vmem>> -> memref<1x8000xi32, #tpu.memory_space<vmem>>
    %dma_start3A_78 = tpu.memref_squeeze %dma_start3A_77 : memref<1x8000xi32, #tpu.memory_space<vmem>> -> memref<8000xi32, #tpu.memory_space<vmem>>
    %dma_start3A_79 = tpu.memref_slice %arg3[%mul3A_46] : memref<2000000xi32, #tpu.memory_space<hbm>> -> memref<8000xi32, #tpu.memory_space<hbm>>
    tpu.enqueue_dma source(%dma_start3A_79 : memref<8000xi32, #tpu.memory_space<hbm>>) target(%dma_start3A_78 : memref<8000xi32, #tpu.memory_space<vmem>>) target_semaphore(%arg10 : memref<!tpu.dma_semaphore, #tpu.memory_space<semaphore_mem>>)
    %add3A_80 = arith.constant 0 : i32
    %add3A_81 = arith.addi %add3A_4, %add3A_80 : i32
    %mul3A_82 = arith.constant 8000 : i32
    %mul3A_83 = arith.muli %add3A_81, %mul3A_82 : i32
    %dma_wait3A = arith.constant 0 : i32
    %dma_wait3A_84 = arith.constant 0 : i32
    %dma_wait3A_85 = arith.constant 0 : i32
    %dma_wait3A_86 = tpu.memref_slice %arg5[%dma_wait3A_84, %dma_wait3A_85] : memref<2x8000xf32, #tpu.memory_space<vmem>> -> memref<1x8000xf32, #tpu.memory_space<vmem>>
    %dma_wait3A_87 = tpu.memref_squeeze %dma_wait3A_86 : memref<1x8000xf32, #tpu.memory_space<vmem>> -> memref<8000xf32, #tpu.memory_space<vmem>>
    %dma_wait3A_88 = tpu.memref_slice %arg2[%dma_wait3A, %mul3A_83] : memref<2x2000000xf32, #tpu.memory_space<hbm>> -> memref<1x8000xf32, #tpu.memory_space<hbm>>
    %dma_wait3A_89 = tpu.memref_squeeze %dma_wait3A_88 : memref<1x8000xf32, #tpu.memory_space<hbm>> -> memref<8000xf32, #tpu.memory_space<hbm>>
    %dma_wait3A_90 = arith.constant 0 : i32
    %dma_wait3A_91 = tpu.memref_slice %arg5[%dma_wait3A_84, %dma_wait3A_90] : memref<2x8000xf32, #tpu.memory_space<vmem>> -> memref<1x8000xf32, #tpu.memory_space<vmem>>
    %dma_wait3A_92 = tpu.memref_squeeze %dma_wait3A_91 : memref<1x8000xf32, #tpu.memory_space<vmem>> -> memref<8000xf32, #tpu.memory_space<vmem>>
    %dma_wait3A_93 = tpu.memref_slice %arg2[%dma_wait3A, %mul3A_83] : memref<2x2000000xf32, #tpu.memory_space<hbm>> -> memref<1x8000xf32, #tpu.memory_space<hbm>>
    %dma_wait3A_94 = tpu.memref_squeeze %dma_wait3A_93 : memref<1x8000xf32, #tpu.memory_space<hbm>> -> memref<8000xf32, #tpu.memory_space<hbm>>
    tpu.wait_dma2 semaphore(%arg9 : memref<!tpu.dma_semaphore, #tpu.memory_space<semaphore_mem>>) src(%dma_wait3A_94 : memref<8000xf32, #tpu.memory_space<hbm>>) dst(%dma_wait3A_92 : memref<8000xf32, #tpu.memory_space<vmem>>)
    %dma_wait3A_95 = arith.constant 1 : i32
    %dma_wait3A_96 = arith.constant 0 : i32
    %dma_wait3A_97 = arith.constant 0 : i32
    %dma_wait3A_98 = tpu.memref_slice %arg6[%dma_wait3A_96, %dma_wait3A_97] : memref<2x8000xf32, #tpu.memory_space<vmem>> -> memref<1x8000xf32, #tpu.memory_space<vmem>>
    %dma_wait3A_99 = tpu.memref_squeeze %dma_wait3A_98 : memref<1x8000xf32, #tpu.memory_space<vmem>> -> memref<8000xf32, #tpu.memory_space<vmem>>
    %dma_wait3A_100 = tpu.memref_slice %arg2[%dma_wait3A_95, %mul3A_83] : memref<2x2000000xf32, #tpu.memory_space<hbm>> -> memref<1x8000xf32, #tpu.memory_space<hbm>>
    %dma_wait3A_101 = tpu.memref_squeeze %dma_wait3A_100 : memref<1x8000xf32, #tpu.memory_space<hbm>> -> memref<8000xf32, #tpu.memory_space<hbm>>
    %dma_wait3A_102 = arith.constant 0 : i32
    %dma_wait3A_103 = tpu.memref_slice %arg6[%dma_wait3A_96, %dma_wait3A_102] : memref<2x8000xf32, #tpu.memory_space<vmem>> -> memref<1x8000xf32, #tpu.memory_space<vmem>>
    %dma_wait3A_104 = tpu.memref_squeeze %dma_wait3A_103 : memref<1x8000xf32, #tpu.memory_space<vmem>> -> memref<8000xf32, #tpu.memory_space<vmem>>
    %dma_wait3A_105 = tpu.memref_slice %arg2[%dma_wait3A_95, %mul3A_83] : memref<2x2000000xf32, #tpu.memory_space<hbm>> -> memref<1x8000xf32, #tpu.memory_space<hbm>>
    %dma_wait3A_106 = tpu.memref_squeeze %dma_wait3A_105 : memref<1x8000xf32, #tpu.memory_space<hbm>> -> memref<8000xf32, #tpu.memory_space<hbm>>
    tpu.wait_dma2 semaphore(%arg9 : memref<!tpu.dma_semaphore, #tpu.memory_space<semaphore_mem>>) src(%dma_wait3A_106 : memref<8000xf32, #tpu.memory_space<hbm>>) dst(%dma_wait3A_104 : memref<8000xf32, #tpu.memory_space<vmem>>)
    %dma_wait3A_107 = arith.constant 0 : i32
    %dma_wait3A_108 = arith.constant 0 : i32
    %dma_wait3A_109 = tpu.memref_slice %arg7[%dma_wait3A_107, %dma_wait3A_108] : memref<2x8000xi32, #tpu.memory_space<vmem>> -> memref<1x8000xi32, #tpu.memory_space<vmem>>
    %dma_wait3A_110 = tpu.memref_squeeze %dma_wait3A_109 : memref<1x8000xi32, #tpu.memory_space<vmem>> -> memref<8000xi32, #tpu.memory_space<vmem>>
    %dma_wait3A_111 = tpu.memref_slice %arg3[%mul3A_83] : memref<2000000xi32, #tpu.memory_space<hbm>> -> memref<8000xi32, #tpu.memory_space<hbm>>
    %dma_wait3A_112 = arith.constant 0 : i32
    %dma_wait3A_113 = tpu.memref_slice %arg7[%dma_wait3A_107, %dma_wait3A_112] : memref<2x8000xi32, #tpu.memory_space<vmem>> -> memref<1x8000xi32, #tpu.memory_space<vmem>>
    %dma_wait3A_114 = tpu.memref_squeeze %dma_wait3A_113 : memref<1x8000xi32, #tpu.memory_space<vmem>> -> memref<8000xi32, #tpu.memory_space<vmem>>
    %dma_wait3A_115 = tpu.memref_slice %arg3[%mul3A_83] : memref<2000000xi32, #tpu.memory_space<hbm>> -> memref<8000xi32, #tpu.memory_space<hbm>>
    tpu.wait_dma2 semaphore(%arg9 : memref<!tpu.dma_semaphore, #tpu.memory_space<semaphore_mem>>) src(%dma_wait3A_115 : memref<8000xi32, #tpu.memory_space<hbm>>) dst(%dma_wait3A_114 : memref<8000xi32, #tpu.memory_space<vmem>>)
    %scan3A = arith.constant 0 : i32
    %scan3A_116 = arith.constant 496 : i32
    %scan3A_117 = arith.addi %scan3A, %scan3A_116 : i32
    %scan3A_118 = arith.constant 8 : i32
    %scan3A_119 = scf.for %scan3A_1499 = %scan3A to %scan3A_117 step %scan3A_118 iter_args(%scan3A_1500 = %broadcast_in_dim3A_6) -> (vector<16xf32>)  : i32 {
      %mul3A_1501 = arith.constant 16 : i32
      %mul3A_1502 = arith.muli %scan3A_1499, %mul3A_1501 : i32
      %get3A_1503 = arith.constant 0 : i32
      %get3A_1504 = arith.index_cast %get3A_1503 : i32 to index
      %get3A_1505 = arith.index_cast %mul3A_1502 : i32 to index
      %get3A_1506 = tpu.vector_load %arg5[%get3A_1504, %get3A_1505] {strides = array<i32>} : memref<2x8000xf32, #tpu.memory_space<vmem>>, vector<16xf32>,
      %get3A_1507 = arith.constant 0 : i32
      %get3A_1508 = arith.index_cast %get3A_1507 : i32 to index
      %get3A_1509 = arith.index_cast %mul3A_1502 : i32 to index
      %get3A_1510 = tpu.vector_load %arg6[%get3A_1508, %get3A_1509] {strides = array<i32>} : memref<2x8000xf32, #tpu.memory_space<vmem>>, vector<16xf32>,
      %get3A_1511 = arith.constant 0 : i32
      %get3A_1512 = arith.index_cast %get3A_1511 : i32 to index
      %get3A_1513 = arith.index_cast %mul3A_1502 : i32 to index
      %get3A_1514 = tpu.vector_load %arg7[%get3A_1512, %get3A_1513] {strides = array<i32>} : memref<2x8000xi32, #tpu.memory_space<vmem>>, vector<16xi32>,
      %gt3A_1515 = arith.cmpf ogt, %get3A_1510, %get3A_1506 : vector<16xf32>
      %gt3A_1516 = arith.constant 0 : i32
      %gt3A_1517 = vector.broadcast %gt3A_1516 : i32 to vector<16xi32>
      %gt3A_1518 = arith.cmpi sgt, %get3A_1514, %gt3A_1517 : vector<16xi32>
      %eq3A_1519 = arith.xori %gt3A_1515, %gt3A_1518 : vector<16xi1>
      %eq3A_1520 = arith.constant dense<true> : vector<16xi1>
      %eq3A_1521 = arith.xori %eq3A_1519, %eq3A_1520 : vector<16xi1>
      %jit3A_1522 = arith.constant 1.000000e+00 : f32
      %jit3A_1523 = arith.constant 0.000000e+00 : f32
      %broadcast_in_dim3A_1524 = vector.broadcast %jit3A_1522 : f32 to vector<16xf32>
      %broadcast_in_dim3A_1525 = vector.broadcast %jit3A_1523 : f32 to vector<16xf32>
      %select_n3A_1526 = arith.select %eq3A_1521, %broadcast_in_dim3A_1524, %broadcast_in_dim3A_1525 : vector<16xi1>, vector<16xf32>
      %add3A_1527 = arith.addf %scan3A_1500, %select_n3A_1526 : vector<16xf32>
      %scan3A_1528 = arith.constant 1 : i32
      %scan3A_1529 = arith.addi %scan3A_1499, %scan3A_1528 : i32
      %mul3A_1530 = arith.constant 16 : i32
      %mul3A_1531 = arith.muli %scan3A_1529, %mul3A_1530 : i32
      %get3A_1532 = arith.constant 0 : i32
      %get3A_1533 = arith.index_cast %get3A_1532 : i32 to index
      %get3A_1534 = arith.index_cast %mul3A_1531 : i32 to index
      %get3A_1535 = tpu.vector_load %arg5[%get3A_1533, %get3A_1534] {strides = array<i32>} : memref<2x8000xf32, #tpu.memory_space<vmem>>, vector<16xf32>,
      %get3A_1536 = arith.constant 0 : i32
      %get3A_1537 = arith.index_cast %get3A_1536 : i32 to index
      %get3A_1538 = arith.index_cast %mul3A_1531 : i32 to index
      %get3A_1539 = tpu.vector_load %arg6[%get3A_1537, %get3A_1538] {strides = array<i32>} : memref<2x8000xf32, #tpu.memory_space<vmem>>, vector<16xf32>,
      %get3A_1540 = arith.constant 0 : i32
      %get3A_1541 = arith.index_cast %get3A_1540 : i32 to index
      %get3A_1542 = arith.index_cast %mul3A_1531 : i32 to index
      %get3A_1543 = tpu.vector_load %arg7[%get3A_1541, %get3A_1542] {strides = array<i32>} : memref<2x8000xi32, #tpu.memory_space<vmem>>, vector<16xi32>,
      %gt3A_1544 = arith.cmpf ogt, %get3A_1539, %get3A_1535 : vector<16xf32>
      %gt3A_1545 = arith.constant 0 : i32
      %gt3A_1546 = vector.broadcast %gt3A_1545 : i32 to vector<16xi32>
      %gt3A_1547 = arith.cmpi sgt, %get3A_1543, %gt3A_1546 : vector<16xi32>
      %eq3A_1548 = arith.xori %gt3A_1544, %gt3A_1547 : vector<16xi1>
      %eq3A_1549 = arith.constant dense<true> : vector<16xi1>
      %eq3A_1550 = arith.xori %eq3A_1548, %eq3A_1549 : vector<16xi1>
      %jit3A_1551 = arith.constant 1.000000e+00 : f32
      %jit3A_1552 = arith.constant 0.000000e+00 : f32
      %broadcast_in_dim3A_1553 = vector.broadcast %jit3A_1551 : f32 to vector<16xf32>
      %broadcast_in_dim3A_1554 = vector.broadcast %jit3A_1552 : f32 to vector<16xf32>
      %select_n3A_1555 = arith.select %eq3A_1550, %broadcast_in_dim3A_1553, %broadcast_in_dim3A_1554 : vector<16xi1>, vector<16xf32>
      %add3A_1556 = arith.addf %add3A_1527, %select_n3A_1555 : vector<16xf32>
      %scan3A_1557 = arith.constant 2 : i32
      %scan3A_1558 = arith.addi %scan3A_1499, %scan3A_1557 : i32
      %mul3A_1559 = arith.constant 16 : i32
      %mul3A_1560 = arith.muli %scan3A_1558, %mul3A_1559 : i32
      %get3A_1561 = arith.constant 0 : i32
      %get3A_1562 = arith.index_cast %get3A_1561 : i32 to index
      %get3A_1563 = arith.index_cast %mul3A_1560 : i32 to index
      %get3A_1564 = tpu.vector_load %arg5[%get3A_1562, %get3A_1563] {strides = array<i32>} : memref<2x8000xf32, #tpu.memory_space<vmem>>, vector<16xf32>,
      %get3A_1565 = arith.constant 0 : i32
      %get3A_1566 = arith.index_cast %get3A_1565 : i32 to index
      %get3A_1567 = arith.index_cast %mul3A_1560 : i32 to index
      %get3A_1568 = tpu.vector_load %arg6[%get3A_1566, %get3A_1567] {strides = array<i32>} : memref<2x8000xf32, #tpu.memory_space<vmem>>, vector<16xf32>,
      %get3A_1569 = arith.constant 0 : i32
      %get3A_1570 = arith.index_cast %get3A_1569 : i32 to index
      %get3A_1571 = arith.index_cast %mul3A_1560 : i32 to index
      %get3A_1572 = tpu.vector_load %arg7[%get3A_1570, %get3A_1571] {strides = array<i32>} : memref<2x8000xi32, #tpu.memory_space<vmem>>, vector<16xi32>,
      %gt3A_1573 = arith.cmpf ogt, %get3A_1568, %get3A_1564 : vector<16xf32>
      %gt3A_1574 = arith.constant 0 : i32
      %gt3A_1575 = vector.broadcast %gt3A_1574 : i32 to vector<16xi32>
      %gt3A_1576 = arith.cmpi sgt, %get3A_1572, %gt3A_1575 : vector<16xi32>
      %eq3A_1577 = arith.xori %gt3A_1573, %gt3A_1576 : vector<16xi1>
      %eq3A_1578 = arith.constant dense<true> : vector<16xi1>
      %eq3A_1579 = arith.xori %eq3A_1577, %eq3A_1578 : vector<16xi1>
      %jit3A_1580 = arith.constant 1.000000e+00 : f32
      %jit3A_1581 = arith.constant 0.000000e+00 : f32
      %broadcast_in_dim3A_1582 = vector.broadcast %jit3A_1580 : f32 to vector<16xf32>
      %broadcast_in_dim3A_1583 = vector.broadcast %jit3A_1581 : f32 to vector<16xf32>
      %select_n3A_1584 = arith.select %eq3A_1579, %broadcast_in_dim3A_1582, %broadcast_in_dim3A_1583 : vector<16xi1>, vector<16xf32>
      %add3A_1585 = arith.addf %add3A_1556, %select_n3A_1584 : vector<16xf32>
      %scan3A_1586 = arith.constant 3 : i32
      %scan3A_1587 = arith.addi %scan3A_1499, %scan3A_1586 : i32
      %mul3A_1588 = arith.constant 16 : i32
      %mul3A_1589 = arith.muli %scan3A_1587, %mul3A_1588 : i32
      %get3A_1590 = arith.constant 0 : i32
      %get3A_1591 = arith.index_cast %get3A_1590 : i32 to index
      %get3A_1592 = arith.index_cast %mul3A_1589 : i32 to index
      %get3A_1593 = tpu.vector_load %arg5[%get3A_1591, %get3A_1592] {strides = array<i32>} : memref<2x8000xf32, #tpu.memory_space<vmem>>, vector<16xf32>,
      %get3A_1594 = arith.constant 0 : i32
      %get3A_1595 = arith.index_cast %get3A_1594 : i32 to index
      %get3A_1596 = arith.index_cast %mul3A_1589 : i32 to index
      %get3A_1597 = tpu.vector_load %arg6[%get3A_1595, %get3A_1596] {strides = array<i32>} : memref<2x8000xf32, #tpu.memory_space<vmem>>, vector<16xf32>,
      %get3A_1598 = arith.constant 0 : i32
      %get3A_1599 = arith.index_cast %get3A_1598 : i32 to index
      %get3A_1600 = arith.index_cast %mul3A_1589 : i32 to index
      %get3A_1601 = tpu.vector_load %arg7[%get3A_1599, %get3A_1600] {strides = array<i32>} : memref<2x8000xi32, #tpu.memory_space<vmem>>, vector<16xi32>,
      %gt3A_1602 = arith.cmpf ogt, %get3A_1597, %get3A_1593 : vector<16xf32>
      %gt3A_1603 = arith.constant 0 : i32
      %gt3A_1604 = vector.broadcast %gt3A_1603 : i32 to vector<16xi32>
      %gt3A_1605 = arith.cmpi sgt, %get3A_1601, %gt3A_1604 : vector<16xi32>
      %eq3A_1606 = arith.xori %gt3A_1602, %gt3A_1605 : vector<16xi1>
      %eq3A_1607 = arith.constant dense<true> : vector<16xi1>
      %eq3A_1608 = arith.xori %eq3A_1606, %eq3A_1607 : vector<16xi1>
      %jit3A_1609 = arith.constant 1.000000e+00 : f32
      %jit3A_1610 = arith.constant 0.000000e+00 : f32
      %broadcast_in_dim3A_1611 = vector.broadcast %jit3A_1609 : f32 to vector<16xf32>
      %broadcast_in_dim3A_1612 = vector.broadcast %jit3A_1610 : f32 to vector<16xf32>
      %select_n3A_1613 = arith.select %eq3A_1608, %broadcast_in_dim3A_1611, %broadcast_in_dim3A_1612 : vector<16xi1>, vector<16xf32>
      %add3A_1614 = arith.addf %add3A_1585, %select_n3A_1613 : vector<16xf32>
      %scan3A_1615 = arith.constant 4 : i32
      %scan3A_1616 = arith.addi %scan3A_1499, %scan3A_1615 : i32
      %mul3A_1617 = arith.constant 16 : i32
      %mul3A_1618 = arith.muli %scan3A_1616, %mul3A_1617 : i32
      %get3A_1619 = arith.constant 0 : i32
      %get3A_1620 = arith.index_cast %get3A_1619 : i32 to index
      %get3A_1621 = arith.index_cast %mul3A_1618 : i32 to index
      %get3A_1622 = tpu.vector_load %arg5[%get3A_1620, %get3A_1621] {strides = array<i32>} : memref<2x8000xf32, #tpu.memory_space<vmem>>, vector<16xf32>,
      %get3A_1623 = arith.constant 0 : i32
      %get3A_1624 = arith.index_cast %get3A_1623 : i32 to index
      %get3A_1625 = arith.index_cast %mul3A_1618 : i32 to index
      %get3A_1626 = tpu.vector_load %arg6[%get3A_1624, %get3A_1625] {strides = array<i32>} : memref<2x8000xf32, #tpu.memory_space<vmem>>, vector<16xf32>,
      %get3A_1627 = arith.constant 0 : i32
      %get3A_1628 = arith.index_cast %get3A_1627 : i32 to index
      %get3A_1629 = arith.index_cast %mul3A_1618 : i32 to index
      %get3A_1630 = tpu.vector_load %arg7[%get3A_1628, %get3A_1629] {strides = array<i32>} : memref<2x8000xi32, #tpu.memory_space<vmem>>, vector<16xi32>,
      %gt3A_1631 = arith.cmpf ogt, %get3A_1626, %get3A_1622 : vector<16xf32>
      %gt3A_1632 = arith.constant 0 : i32
      %gt3A_1633 = vector.broadcast %gt3A_1632 : i32 to vector<16xi32>
      %gt3A_1634 = arith.cmpi sgt, %get3A_1630, %gt3A_1633 : vector<16xi32>
      %eq3A_1635 = arith.xori %gt3A_1631, %gt3A_1634 : vector<16xi1>
      %eq3A_1636 = arith.constant dense<true> : vector<16xi1>
      %eq3A_1637 = arith.xori %eq3A_1635, %eq3A_1636 : vector<16xi1>
      %jit3A_1638 = arith.constant 1.000000e+00 : f32
      %jit3A_1639 = arith.constant 0.000000e+00 : f32
      %broadcast_in_dim3A_1640 = vector.broadcast %jit3A_1638 : f32 to vector<16xf32>
      %broadcast_in_dim3A_1641 = vector.broadcast %jit3A_1639 : f32 to vector<16xf32>
      %select_n3A_1642 = arith.select %eq3A_1637, %broadcast_in_dim3A_1640, %broadcast_in_dim3A_1641 : vector<16xi1>, vector<16xf32>
      %add3A_1643 = arith.addf %add3A_1614, %select_n3A_1642 : vector<16xf32>
      %scan3A_1644 = arith.constant 5 : i32
      %scan3A_1645 = arith.addi %scan3A_1499, %scan3A_1644 : i32
      %mul3A_1646 = arith.constant 16 : i32
      %mul3A_1647 = arith.muli %scan3A_1645, %mul3A_1646 : i32
      %get3A_1648 = arith.constant 0 : i32
      %get3A_1649 = arith.index_cast %get3A_1648 : i32 to index
      %get3A_1650 = arith.index_cast %mul3A_1647 : i32 to index
      %get3A_1651 = tpu.vector_load %arg5[%get3A_1649, %get3A_1650] {strides = array<i32>} : memref<2x8000xf32, #tpu.memory_space<vmem>>, vector<16xf32>,
      %get3A_1652 = arith.constant 0 : i32
      %get3A_1653 = arith.index_cast %get3A_1652 : i32 to index
      %get3A_1654 = arith.index_cast %mul3A_1647 : i32 to index
      %get3A_1655 = tpu.vector_load %arg6[%get3A_1653, %get3A_1654] {strides = array<i32>} : memref<2x8000xf32, #tpu.memory_space<vmem>>, vector<16xf32>,
      %get3A_1656 = arith.constant 0 : i32
      %get3A_1657 = arith.index_cast %get3A_1656 : i32 to index
      %get3A_1658 = arith.index_cast %mul3A_1647 : i32 to index
      %get3A_1659 = tpu.vector_load %arg7[%get3A_1657, %get3A_1658] {strides = array<i32>} : memref<2x8000xi32, #tpu.memory_space<vmem>>, vector<16xi32>,
      %gt3A_1660 = arith.cmpf ogt, %get3A_1655, %get3A_1651 : vector<16xf32>
      %gt3A_1661 = arith.constant 0 : i32
      %gt3A_1662 = vector.broadcast %gt3A_1661 : i32 to vector<16xi32>
      %gt3A_1663 = arith.cmpi sgt, %get3A_1659, %gt3A_1662 : vector<16xi32>
      %eq3A_1664 = arith.xori %gt3A_1660, %gt3A_1663 : vector<16xi1>
      %eq3A_1665 = arith.constant dense<true> : vector<16xi1>
      %eq3A_1666 = arith.xori %eq3A_1664, %eq3A_1665 : vector<16xi1>
      %jit3A_1667 = arith.constant 1.000000e+00 : f32
      %jit3A_1668 = arith.constant 0.000000e+00 : f32
      %broadcast_in_dim3A_1669 = vector.broadcast %jit3A_1667 : f32 to vector<16xf32>
      %broadcast_in_dim3A_1670 = vector.broadcast %jit3A_1668 : f32 to vector<16xf32>
      %select_n3A_1671 = arith.select %eq3A_1666, %broadcast_in_dim3A_1669, %broadcast_in_dim3A_1670 : vector<16xi1>, vector<16xf32>
      %add3A_1672 = arith.addf %add3A_1643, %select_n3A_1671 : vector<16xf32>
      %scan3A_1673 = arith.constant 6 : i32
      %scan3A_1674 = arith.addi %scan3A_1499, %scan3A_1673 : i32
      %mul3A_1675 = arith.constant 16 : i32
      %mul3A_1676 = arith.muli %scan3A_1674, %mul3A_1675 : i32
      %get3A_1677 = arith.constant 0 : i32
      %get3A_1678 = arith.index_cast %get3A_1677 : i32 to index
      %get3A_1679 = arith.index_cast %mul3A_1676 : i32 to index
      %get3A_1680 = tpu.vector_load %arg5[%get3A_1678, %get3A_1679] {strides = array<i32>} : memref<2x8000xf32, #tpu.memory_space<vmem>>, vector<16xf32>,
      %get3A_1681 = arith.constant 0 : i32
      %get3A_1682 = arith.index_cast %get3A_1681 : i32 to index
      %get3A_1683 = arith.index_cast %mul3A_1676 : i32 to index
      %get3A_1684 = tpu.vector_load %arg6[%get3A_1682, %get3A_1683] {strides = array<i32>} : memref<2x8000xf32, #tpu.memory_space<vmem>>, vector<16xf32>,
      %get3A_1685 = arith.constant 0 : i32
      %get3A_1686 = arith.index_cast %get3A_1685 : i32 to index
      %get3A_1687 = arith.index_cast %mul3A_1676 : i32 to index
      %get3A_1688 = tpu.vector_load %arg7[%get3A_1686, %get3A_1687] {strides = array<i32>} : memref<2x8000xi32, #tpu.memory_space<vmem>>, vector<16xi32>,
      %gt3A_1689 = arith.cmpf ogt, %get3A_1684, %get3A_1680 : vector<16xf32>
      %gt3A_1690 = arith.constant 0 : i32
      %gt3A_1691 = vector.broadcast %gt3A_1690 : i32 to vector<16xi32>
      %gt3A_1692 = arith.cmpi sgt, %get3A_1688, %gt3A_1691 : vector<16xi32>
      %eq3A_1693 = arith.xori %gt3A_1689, %gt3A_1692 : vector<16xi1>
      %eq3A_1694 = arith.constant dense<true> : vector<16xi1>
      %eq3A_1695 = arith.xori %eq3A_1693, %eq3A_1694 : vector<16xi1>
      %jit3A_1696 = arith.constant 1.000000e+00 : f32
      %jit3A_1697 = arith.constant 0.000000e+00 : f32
      %broadcast_in_dim3A_1698 = vector.broadcast %jit3A_1696 : f32 to vector<16xf32>
      %broadcast_in_dim3A_1699 = vector.broadcast %jit3A_1697 : f32 to vector<16xf32>
      %select_n3A_1700 = arith.select %eq3A_1695, %broadcast_in_dim3A_1698, %broadcast_in_dim3A_1699 : vector<16xi1>, vector<16xf32>
      %add3A_1701 = arith.addf %add3A_1672, %select_n3A_1700 : vector<16xf32>
      %scan3A_1702 = arith.constant 7 : i32
      %scan3A_1703 = arith.addi %scan3A_1499, %scan3A_1702 : i32
      %mul3A_1704 = arith.constant 16 : i32
      %mul3A_1705 = arith.muli %scan3A_1703, %mul3A_1704 : i32
      %get3A_1706 = arith.constant 0 : i32
      %get3A_1707 = arith.index_cast %get3A_1706 : i32 to index
      %get3A_1708 = arith.index_cast %mul3A_1705 : i32 to index
      %get3A_1709 = tpu.vector_load %arg5[%get3A_1707, %get3A_1708] {strides = array<i32>} : memref<2x8000xf32, #tpu.memory_space<vmem>>, vector<16xf32>,
      %get3A_1710 = arith.constant 0 : i32
      %get3A_1711 = arith.index_cast %get3A_1710 : i32 to index
      %get3A_1712 = arith.index_cast %mul3A_1705 : i32 to index
      %get3A_1713 = tpu.vector_load %arg6[%get3A_1711, %get3A_1712] {strides = array<i32>} : memref<2x8000xf32, #tpu.memory_space<vmem>>, vector<16xf32>,
      %get3A_1714 = arith.constant 0 : i32
      %get3A_1715 = arith.index_cast %get3A_1714 : i32 to index
      %get3A_1716 = arith.index_cast %mul3A_1705 : i32 to index
      %get3A_1717 = tpu.vector_load %arg7[%get3A_1715, %get3A_1716] {strides = array<i32>} : memref<2x8000xi32, #tpu.memory_space<vmem>>, vector<16xi32>,
      %gt3A_1718 = arith.cmpf ogt, %get3A_1713, %get3A_1709 : vector<16xf32>
      %gt3A_1719 = arith.constant 0 : i32
      %gt3A_1720 = vector.broadcast %gt3A_1719 : i32 to vector<16xi32>
      %gt3A_1721 = arith.cmpi sgt, %get3A_1717, %gt3A_1720 : vector<16xi32>
      %eq3A_1722 = arith.xori %gt3A_1718, %gt3A_1721 : vector<16xi1>
      %eq3A_1723 = arith.constant dense<true> : vector<16xi1>
      %eq3A_1724 = arith.xori %eq3A_1722, %eq3A_1723 : vector<16xi1>
      %jit3A_1725 = arith.constant 1.000000e+00 : f32
      %jit3A_1726 = arith.constant 0.000000e+00 : f32
      %broadcast_in_dim3A_1727 = vector.broadcast %jit3A_1725 : f32 to vector<16xf32>
      %broadcast_in_dim3A_1728 = vector.broadcast %jit3A_1726 : f32 to vector<16xf32>
      %select_n3A_1729 = arith.select %eq3A_1724, %broadcast_in_dim3A_1727, %broadcast_in_dim3A_1728 : vector<16xi1>, vector<16xf32>
      %add3A_1730 = arith.addf %add3A_1701, %select_n3A_1729 : vector<16xf32>
      scf.yield %add3A_1730 : vector<16xf32>
    }
    %scan3A_120 = arith.constant 496 : i32
    %scan3A_121 = arith.addi %scan3A, %scan3A_120 : i32
    %mul3A_122 = arith.constant 16 : i32
    %mul3A_123 = arith.muli %scan3A_121, %mul3A_122 : i32
    %get3A = arith.constant 0 : i32
    %get3A_124 = arith.index_cast %get3A : i32 to index
    %get3A_125 = arith.index_cast %mul3A_123 : i32 to index
    %get3A_126 = tpu.vector_load %arg5[%get3A_124, %get3A_125] {strides = array<i32>} : memref<2x8000xf32, #tpu.memory_space<vmem>>, vector<16xf32>,
    %get3A_127 = arith.constant 0 : i32
    %get3A_128 = arith.index_cast %get3A_127 : i32 to index
    %get3A_129 = arith.index_cast %mul3A_123 : i32 to index
    %get3A_130 = tpu.vector_load %arg6[%get3A_128, %get3A_129] {strides = array<i32>} : memref<2x8000xf32, #tpu.memory_space<vmem>>, vector<16xf32>,
    %get3A_131 = arith.constant 0 : i32
    %get3A_132 = arith.index_cast %get3A_131 : i32 to index
    %get3A_133 = arith.index_cast %mul3A_123 : i32 to index
    %get3A_134 = tpu.vector_load %arg7[%get3A_132, %get3A_133] {strides = array<i32>} : memref<2x8000xi32, #tpu.memory_space<vmem>>, vector<16xi32>,
    %gt3A = arith.cmpf ogt, %get3A_130, %get3A_126 : vector<16xf32>
    %gt3A_135 = arith.constant 0 : i32
    %gt3A_136 = vector.broadcast %gt3A_135 : i32 to vector<16xi32>
    %gt3A_137 = arith.cmpi sgt, %get3A_134, %gt3A_136 : vector<16xi32>
    %eq3A = arith.xori %gt3A, %gt3A_137 : vector<16xi1>
    %eq3A_138 = arith.constant dense<true> : vector<16xi1>
    %eq3A_139 = arith.xori %eq3A, %eq3A_138 : vector<16xi1>
    %jit3A = arith.constant 1.000000e+00 : f32
    %jit3A_140 = arith.constant 0.000000e+00 : f32
    %broadcast_in_dim3A_141 = vector.broadcast %jit3A : f32 to vector<16xf32>
    %broadcast_in_dim3A_142 = vector.broadcast %jit3A_140 : f32 to vector<16xf32>
    %select_n3A = arith.select %eq3A_139, %broadcast_in_dim3A_141, %broadcast_in_dim3A_142 : vector<16xi1>, vector<16xf32>
    %add3A_143 = arith.addf %scan3A_119, %select_n3A : vector<16xf32>
    %scan3A_144 = arith.constant 497 : i32
    %scan3A_145 = arith.addi %scan3A, %scan3A_144 : i32
    %mul3A_146 = arith.constant 16 : i32
    %mul3A_147 = arith.muli %scan3A_145, %mul3A_146 : i32
    %get3A_148 = arith.constant 0 : i32
    %get3A_149 = arith.index_cast %get3A_148 : i32 to index
    %get3A_150 = arith.index_cast %mul3A_147 : i32 to index
    %get3A_151 = tpu.vector_load %arg5[%get3A_149, %get3A_150] {strides = array<i32>} : memref<2x8000xf32, #tpu.memory_space<vmem>>, vector<16xf32>,
    %get3A_152 = arith.constant 0 : i32
    %get3A_153 = arith.index_cast %get3A_152 : i32 to index
    %get3A_154 = arith.index_cast %mul3A_147 : i32 to index
    %get3A_155 = tpu.vector_load %arg6[%get3A_153, %get3A_154] {strides = array<i32>} : memref<2x8000xf32, #tpu.memory_space<vmem>>, vector<16xf32>,
    %get3A_156 = arith.constant 0 : i32
    %get3A_157 = arith.index_cast %get3A_156 : i32 to index
    %get3A_158 = arith.index_cast %mul3A_147 : i32 to index
    %get3A_159 = tpu.vector_load %arg7[%get3A_157, %get3A_158] {strides = array<i32>} : memref<2x8000xi32, #tpu.memory_space<vmem>>, vector<16xi32>,
    %gt3A_160 = arith.cmpf ogt, %get3A_155, %get3A_151 : vector<16xf32>
    %gt3A_161 = arith.constant 0 : i32
    %gt3A_162 = vector.broadcast %gt3A_161 : i32 to vector<16xi32>
    %gt3A_163 = arith.cmpi sgt, %get3A_159, %gt3A_162 : vector<16xi32>
    %eq3A_164 = arith.xori %gt3A_160, %gt3A_163 : vector<16xi1>
    %eq3A_165 = arith.constant dense<true> : vector<16xi1>
    %eq3A_166 = arith.xori %eq3A_164, %eq3A_165 : vector<16xi1>
    %jit3A_167 = arith.constant 1.000000e+00 : f32
    %jit3A_168 = arith.constant 0.000000e+00 : f32
    %broadcast_in_dim3A_169 = vector.broadcast %jit3A_167 : f32 to vector<16xf32>
    %broadcast_in_dim3A_170 = vector.broadcast %jit3A_168 : f32 to vector<16xf32>
    %select_n3A_171 = arith.select %eq3A_166, %broadcast_in_dim3A_169, %broadcast_in_dim3A_170 : vector<16xi1>, vector<16xf32>
    %add3A_172 = arith.addf %add3A_143, %select_n3A_171 : vector<16xf32>
    %scan3A_173 = arith.constant 498 : i32
    %scan3A_174 = arith.addi %scan3A, %scan3A_173 : i32
    %mul3A_175 = arith.constant 16 : i32
    %mul3A_176 = arith.muli %scan3A_174, %mul3A_175 : i32
    %get3A_177 = arith.constant 0 : i32
    %get3A_178 = arith.index_cast %get3A_177 : i32 to index
    %get3A_179 = arith.index_cast %mul3A_176 : i32 to index
    %get3A_180 = tpu.vector_load %arg5[%get3A_178, %get3A_179] {strides = array<i32>} : memref<2x8000xf32, #tpu.memory_space<vmem>>, vector<16xf32>,
    %get3A_181 = arith.constant 0 : i32
    %get3A_182 = arith.index_cast %get3A_181 : i32 to index
    %get3A_183 = arith.index_cast %mul3A_176 : i32 to index
    %get3A_184 = tpu.vector_load %arg6[%get3A_182, %get3A_183] {strides = array<i32>} : memref<2x8000xf32, #tpu.memory_space<vmem>>, vector<16xf32>,
    %get3A_185 = arith.constant 0 : i32
    %get3A_186 = arith.index_cast %get3A_185 : i32 to index
    %get3A_187 = arith.index_cast %mul3A_176 : i32 to index
    %get3A_188 = tpu.vector_load %arg7[%get3A_186, %get3A_187] {strides = array<i32>} : memref<2x8000xi32, #tpu.memory_space<vmem>>, vector<16xi32>,
    %gt3A_189 = arith.cmpf ogt, %get3A_184, %get3A_180 : vector<16xf32>
    %gt3A_190 = arith.constant 0 : i32
    %gt3A_191 = vector.broadcast %gt3A_190 : i32 to vector<16xi32>
    %gt3A_192 = arith.cmpi sgt, %get3A_188, %gt3A_191 : vector<16xi32>
    %eq3A_193 = arith.xori %gt3A_189, %gt3A_192 : vector<16xi1>
    %eq3A_194 = arith.constant dense<true> : vector<16xi1>
    %eq3A_195 = arith.xori %eq3A_193, %eq3A_194 : vector<16xi1>
    %jit3A_196 = arith.constant 1.000000e+00 : f32
    %jit3A_197 = arith.constant 0.000000e+00 : f32
    %broadcast_in_dim3A_198 = vector.broadcast %jit3A_196 : f32 to vector<16xf32>
    %broadcast_in_dim3A_199 = vector.broadcast %jit3A_197 : f32 to vector<16xf32>
    %select_n3A_200 = arith.select %eq3A_195, %broadcast_in_dim3A_198, %broadcast_in_dim3A_199 : vector<16xi1>, vector<16xf32>
    %add3A_201 = arith.addf %add3A_172, %select_n3A_200 : vector<16xf32>
    %scan3A_202 = arith.constant 499 : i32
    %scan3A_203 = arith.addi %scan3A, %scan3A_202 : i32
    %mul3A_204 = arith.constant 16 : i32
    %mul3A_205 = arith.muli %scan3A_203, %mul3A_204 : i32
    %get3A_206 = arith.constant 0 : i32
    %get3A_207 = arith.index_cast %get3A_206 : i32 to index
    %get3A_208 = arith.index_cast %mul3A_205 : i32 to index
    %get3A_209 = tpu.vector_load %arg5[%get3A_207, %get3A_208] {strides = array<i32>} : memref<2x8000xf32, #tpu.memory_space<vmem>>, vector<16xf32>,
    %get3A_210 = arith.constant 0 : i32
    %get3A_211 = arith.index_cast %get3A_210 : i32 to index
    %get3A_212 = arith.index_cast %mul3A_205 : i32 to index
    %get3A_213 = tpu.vector_load %arg6[%get3A_211, %get3A_212] {strides = array<i32>} : memref<2x8000xf32, #tpu.memory_space<vmem>>, vector<16xf32>,
    %get3A_214 = arith.constant 0 : i32
    %get3A_215 = arith.index_cast %get3A_214 : i32 to index
    %get3A_216 = arith.index_cast %mul3A_205 : i32 to index
    %get3A_217 = tpu.vector_load %arg7[%get3A_215, %get3A_216] {strides = array<i32>} : memref<2x8000xi32, #tpu.memory_space<vmem>>, vector<16xi32>,
    %gt3A_218 = arith.cmpf ogt, %get3A_213, %get3A_209 : vector<16xf32>
    %gt3A_219 = arith.constant 0 : i32
    %gt3A_220 = vector.broadcast %gt3A_219 : i32 to vector<16xi32>
    %gt3A_221 = arith.cmpi sgt, %get3A_217, %gt3A_220 : vector<16xi32>
    %eq3A_222 = arith.xori %gt3A_218, %gt3A_221 : vector<16xi1>
    %eq3A_223 = arith.constant dense<true> : vector<16xi1>
    %eq3A_224 = arith.xori %eq3A_222, %eq3A_223 : vector<16xi1>
    %jit3A_225 = arith.constant 1.000000e+00 : f32
    %jit3A_226 = arith.constant 0.000000e+00 : f32
    %broadcast_in_dim3A_227 = vector.broadcast %jit3A_225 : f32 to vector<16xf32>
    %broadcast_in_dim3A_228 = vector.broadcast %jit3A_226 : f32 to vector<16xf32>
    %select_n3A_229 = arith.select %eq3A_224, %broadcast_in_dim3A_227, %broadcast_in_dim3A_228 : vector<16xi1>, vector<16xf32>
    %add3A_230 = arith.addf %add3A_201, %select_n3A_229 : vector<16xf32>
    %scan3A_231 = arith.constant 500 : i32
    %add3A_232 = arith.constant 2 : i32
    %add3A_233 = arith.addi %add3A_4, %add3A_232 : i32
    %mul3A_234 = arith.constant 8000 : i32
    %mul3A_235 = arith.muli %add3A_233, %mul3A_234 : i32
    %dma_start3A_236 = arith.constant 0 : i32
    %dma_start3A_237 = arith.constant 0 : i32
    %dma_start3A_238 = arith.constant 0 : i32
    %dma_start3A_239 = tpu.memref_slice %arg5[%dma_start3A_237, %dma_start3A_238] : memref<2x8000xf32, #tpu.memory_space<vmem>> -> memref<1x8000xf32, #tpu.memory_space<vmem>>
    %dma_start3A_240 = tpu.memref_squeeze %dma_start3A_239 : memref<1x8000xf32, #tpu.memory_space<vmem>> -> memref<8000xf32, #tpu.memory_space<vmem>>
    %dma_start3A_241 = tpu.memref_slice %arg2[%dma_start3A_236, %mul3A_235] : memref<2x2000000xf32, #tpu.memory_space<hbm>> -> memref<1x8000xf32, #tpu.memory_space<hbm>>
    %dma_start3A_242 = tpu.memref_squeeze %dma_start3A_241 : memref<1x8000xf32, #tpu.memory_space<hbm>> -> memref<8000xf32, #tpu.memory_space<hbm>>
    %dma_start3A_243 = arith.constant 0 : i32
    %dma_start3A_244 = tpu.memref_slice %arg5[%dma_start3A_237, %dma_start3A_243] : memref<2x8000xf32, #tpu.memory_space<vmem>> -> memref<1x8000xf32, #tpu.memory_space<vmem>>
    %dma_start3A_245 = tpu.memref_squeeze %dma_start3A_244 : memref<1x8000xf32, #tpu.memory_space<vmem>> -> memref<8000xf32, #tpu.memory_space<vmem>>
    %dma_start3A_246 = tpu.memref_slice %arg2[%dma_start3A_236, %mul3A_235] : memref<2x2000000xf32, #tpu.memory_space<hbm>> -> memref<1x8000xf32, #tpu.memory_space<hbm>>
    %dma_start3A_247 = tpu.memref_squeeze %dma_start3A_246 : memref<1x8000xf32, #tpu.memory_space<hbm>> -> memref<8000xf32, #tpu.memory_space<hbm>>
    tpu.enqueue_dma source(%dma_start3A_247 : memref<8000xf32, #tpu.memory_space<hbm>>) target(%dma_start3A_245 : memref<8000xf32, #tpu.memory_space<vmem>>) target_semaphore(%arg9 : memref<!tpu.dma_semaphore, #tpu.memory_space<semaphore_mem>>)
    %dma_start3A_248 = arith.constant 1 : i32
    %dma_start3A_249 = arith.constant 0 : i32
    %dma_start3A_250 = arith.constant 0 : i32
    %dma_start3A_251 = tpu.memref_slice %arg6[%dma_start3A_249, %dma_start3A_250] : memref<2x8000xf32, #tpu.memory_space<vmem>> -> memref<1x8000xf32, #tpu.memory_space<vmem>>
    %dma_start3A_252 = tpu.memref_squeeze %dma_start3A_251 : memref<1x8000xf32, #tpu.memory_space<vmem>> -> memref<8000xf32, #tpu.memory_space<vmem>>
    %dma_start3A_253 = tpu.memref_slice %arg2[%dma_start3A_248, %mul3A_235] : memref<2x2000000xf32, #tpu.memory_space<hbm>> -> memref<1x8000xf32, #tpu.memory_space<hbm>>
    %dma_start3A_254 = tpu.memref_squeeze %dma_start3A_253 : memref<1x8000xf32, #tpu.memory_space<hbm>> -> memref<8000xf32, #tpu.memory_space<hbm>>
    %dma_start3A_255 = arith.constant 0 : i32
    %dma_start3A_256 = tpu.memref_slice %arg6[%dma_start3A_249, %dma_start3A_255] : memref<2x8000xf32, #tpu.memory_space<vmem>> -> memref<1x8000xf32, #tpu.memory_space<vmem>>
    %dma_start3A_257 = tpu.memref_squeeze %dma_start3A_256 : memref<1x8000xf32, #tpu.memory_space<vmem>> -> memref<8000xf32, #tpu.memory_space<vmem>>
    %dma_start3A_258 = tpu.memref_slice %arg2[%dma_start3A_248, %mul3A_235] : memref<2x2000000xf32, #tpu.memory_space<hbm>> -> memref<1x8000xf32, #tpu.memory_space<hbm>>
    %dma_start3A_259 = tpu.memref_squeeze %dma_start3A_258 : memref<1x8000xf32, #tpu.memory_space<hbm>> -> memref<8000xf32, #tpu.memory_space<hbm>>
    tpu.enqueue_dma source(%dma_start3A_259 : memref<8000xf32, #tpu.memory_space<hbm>>) target(%dma_start3A_257 : memref<8000xf32, #tpu.memory_space<vmem>>) target_semaphore(%arg9 : memref<!tpu.dma_semaphore, #tpu.memory_space<semaphore_mem>>)
    %dma_start3A_260 = arith.constant 0 : i32
    %dma_start3A_261 = arith.constant 0 : i32
    %dma_start3A_262 = tpu.memref_slice %arg7[%dma_start3A_260, %dma_start3A_261] : memref<2x8000xi32, #tpu.memory_space<vmem>> -> memref<1x8000xi32, #tpu.memory_space<vmem>>
    %dma_start3A_263 = tpu.memref_squeeze %dma_start3A_262 : memref<1x8000xi32, #tpu.memory_space<vmem>> -> memref<8000xi32, #tpu.memory_space<vmem>>
    %dma_start3A_264 = tpu.memref_slice %arg3[%mul3A_235] : memref<2000000xi32, #tpu.memory_space<hbm>> -> memref<8000xi32, #tpu.memory_space<hbm>>
    %dma_start3A_265 = arith.constant 0 : i32
    %dma_start3A_266 = tpu.memref_slice %arg7[%dma_start3A_260, %dma_start3A_265] : memref<2x8000xi32, #tpu.memory_space<vmem>> -> memref<1x8000xi32, #tpu.memory_space<vmem>>
    %dma_start3A_267 = tpu.memref_squeeze %dma_start3A_266 : memref<1x8000xi32, #tpu.memory_space<vmem>> -> memref<8000xi32, #tpu.memory_space<vmem>>
    %dma_start3A_268 = tpu.memref_slice %arg3[%mul3A_235] : memref<2000000xi32, #tpu.memory_space<hbm>> -> memref<8000xi32, #tpu.memory_space<hbm>>
    tpu.enqueue_dma source(%dma_start3A_268 : memref<8000xi32, #tpu.memory_space<hbm>>) target(%dma_start3A_267 : memref<8000xi32, #tpu.memory_space<vmem>>) target_semaphore(%arg9 : memref<!tpu.dma_semaphore, #tpu.memory_space<semaphore_mem>>)
    %add3A_269 = arith.constant 1 : i32
    %add3A_270 = arith.addi %add3A_4, %add3A_269 : i32
    %mul3A_271 = arith.constant 8000 : i32
    %mul3A_272 = arith.muli %add3A_270, %mul3A_271 : i32
    %dma_wait3A_273 = arith.constant 0 : i32
    %dma_wait3A_274 = arith.constant 1 : i32
    %dma_wait3A_275 = arith.constant 0 : i32
    %dma_wait3A_276 = tpu.memref_slice %arg5[%dma_wait3A_274, %dma_wait3A_275] : memref<2x8000xf32, #tpu.memory_space<vmem>> -> memref<1x8000xf32, #tpu.memory_space<vmem>>
    %dma_wait3A_277 = tpu.memref_squeeze %dma_wait3A_276 : memref<1x8000xf32, #tpu.memory_space<vmem>> -> memref<8000xf32, #tpu.memory_space<vmem>>
    %dma_wait3A_278 = tpu.memref_slice %arg2[%dma_wait3A_273, %mul3A_272] : memref<2x2000000xf32, #tpu.memory_space<hbm>> -> memref<1x8000xf32, #tpu.memory_space<hbm>>
    %dma_wait3A_279 = tpu.memref_squeeze %dma_wait3A_278 : memref<1x8000xf32, #tpu.memory_space<hbm>> -> memref<8000xf32, #tpu.memory_space<hbm>>
    %dma_wait3A_280 = arith.constant 0 : i32
    %dma_wait3A_281 = tpu.memref_slice %arg5[%dma_wait3A_274, %dma_wait3A_280] : memref<2x8000xf32, #tpu.memory_space<vmem>> -> memref<1x8000xf32, #tpu.memory_space<vmem>>
    %dma_wait3A_282 = tpu.memref_squeeze %dma_wait3A_281 : memref<1x8000xf32, #tpu.memory_space<vmem>> -> memref<8000xf32, #tpu.memory_space<vmem>>
    %dma_wait3A_283 = tpu.memref_slice %arg2[%dma_wait3A_273, %mul3A_272] : memref<2x2000000xf32, #tpu.memory_space<hbm>> -> memref<1x8000xf32, #tpu.memory_space<hbm>>
    %dma_wait3A_284 = tpu.memref_squeeze %dma_wait3A_283 : memref<1x8000xf32, #tpu.memory_space<hbm>> -> memref<8000xf32, #tpu.memory_space<hbm>>
    tpu.wait_dma2 semaphore(%arg10 : memref<!tpu.dma_semaphore, #tpu.memory_space<semaphore_mem>>) src(%dma_wait3A_284 : memref<8000xf32, #tpu.memory_space<hbm>>) dst(%dma_wait3A_282 : memref<8000xf32, #tpu.memory_space<vmem>>)
    %dma_wait3A_285 = arith.constant 1 : i32
    %dma_wait3A_286 = arith.constant 1 : i32
    %dma_wait3A_287 = arith.constant 0 : i32
    %dma_wait3A_288 = tpu.memref_slice %arg6[%dma_wait3A_286, %dma_wait3A_287] : memref<2x8000xf32, #tpu.memory_space<vmem>> -> memref<1x8000xf32, #tpu.memory_space<vmem>>
    %dma_wait3A_289 = tpu.memref_squeeze %dma_wait3A_288 : memref<1x8000xf32, #tpu.memory_space<vmem>> -> memref<8000xf32, #tpu.memory_space<vmem>>
    %dma_wait3A_290 = tpu.memref_slice %arg2[%dma_wait3A_285, %mul3A_272] : memref<2x2000000xf32, #tpu.memory_space<hbm>> -> memref<1x8000xf32, #tpu.memory_space<hbm>>
    %dma_wait3A_291 = tpu.memref_squeeze %dma_wait3A_290 : memref<1x8000xf32, #tpu.memory_space<hbm>> -> memref<8000xf32, #tpu.memory_space<hbm>>
    %dma_wait3A_292 = arith.constant 0 : i32
    %dma_wait3A_293 = tpu.memref_slice %arg6[%dma_wait3A_286, %dma_wait3A_292] : memref<2x8000xf32, #tpu.memory_space<vmem>> -> memref<1x8000xf32, #tpu.memory_space<vmem>>
    %dma_wait3A_294 = tpu.memref_squeeze %dma_wait3A_293 : memref<1x8000xf32, #tpu.memory_space<vmem>> -> memref<8000xf32, #tpu.memory_space<vmem>>
    %dma_wait3A_295 = tpu.memref_slice %arg2[%dma_wait3A_285, %mul3A_272] : memref<2x2000000xf32, #tpu.memory_space<hbm>> -> memref<1x8000xf32, #tpu.memory_space<hbm>>
    %dma_wait3A_296 = tpu.memref_squeeze %dma_wait3A_295 : memref<1x8000xf32, #tpu.memory_space<hbm>> -> memref<8000xf32, #tpu.memory_space<hbm>>
    tpu.wait_dma2 semaphore(%arg10 : memref<!tpu.dma_semaphore, #tpu.memory_space<semaphore_mem>>) src(%dma_wait3A_296 : memref<8000xf32, #tpu.memory_space<hbm>>) dst(%dma_wait3A_294 : memref<8000xf32, #tpu.memory_space<vmem>>)
    %dma_wait3A_297 = arith.constant 1 : i32
    %dma_wait3A_298 = arith.constant 0 : i32
    %dma_wait3A_299 = tpu.memref_slice %arg7[%dma_wait3A_297, %dma_wait3A_298] : memref<2x8000xi32, #tpu.memory_space<vmem>> -> memref<1x8000xi32, #tpu.memory_space<vmem>>
    %dma_wait3A_300 = tpu.memref_squeeze %dma_wait3A_299 : memref<1x8000xi32, #tpu.memory_space<vmem>> -> memref<8000xi32, #tpu.memory_space<vmem>>
    %dma_wait3A_301 = tpu.memref_slice %arg3[%mul3A_272] : memref<2000000xi32, #tpu.memory_space<hbm>> -> memref<8000xi32, #tpu.memory_space<hbm>>
    %dma_wait3A_302 = arith.constant 0 : i32
    %dma_wait3A_303 = tpu.memref_slice %arg7[%dma_wait3A_297, %dma_wait3A_302] : memref<2x8000xi32, #tpu.memory_space<vmem>> -> memref<1x8000xi32, #tpu.memory_space<vmem>>
    %dma_wait3A_304 = tpu.memref_squeeze %dma_wait3A_303 : memref<1x8000xi32, #tpu.memory_space<vmem>> -> memref<8000xi32, #tpu.memory_space<vmem>>
    %dma_wait3A_305 = tpu.memref_slice %arg3[%mul3A_272] : memref<2000000xi32, #tpu.memory_space<hbm>> -> memref<8000xi32, #tpu.memory_space<hbm>>
    tpu.wait_dma2 semaphore(%arg10 : memref<!tpu.dma_semaphore, #tpu.memory_space<semaphore_mem>>) src(%dma_wait3A_305 : memref<8000xi32, #tpu.memory_space<hbm>>) dst(%dma_wait3A_304 : memref<8000xi32, #tpu.memory_space<vmem>>)
    %scan3A_306 = arith.constant 0 : i32
    %scan3A_307 = arith.constant 496 : i32
    %scan3A_308 = arith.addi %scan3A_306, %scan3A_307 : i32
    %scan3A_309 = arith.constant 8 : i32
    %scan3A_310 = scf.for %scan3A_1499 = %scan3A_306 to %scan3A_308 step %scan3A_309 iter_args(%scan3A_1500 = %add3A_230) -> (vector<16xf32>)  : i32 {
      %mul3A_1501 = arith.constant 16 : i32
      %mul3A_1502 = arith.muli %scan3A_1499, %mul3A_1501 : i32
      %get3A_1503 = arith.constant 1 : i32
      %get3A_1504 = arith.index_cast %get3A_1503 : i32 to index
      %get3A_1505 = arith.index_cast %mul3A_1502 : i32 to index
      %get3A_1506 = tpu.vector_load %arg5[%get3A_1504, %get3A_1505] {strides = array<i32>} : memref<2x8000xf32, #tpu.memory_space<vmem>>, vector<16xf32>,
      %get3A_1507 = arith.constant 1 : i32
      %get3A_1508 = arith.index_cast %get3A_1507 : i32 to index
      %get3A_1509 = arith.index_cast %mul3A_1502 : i32 to index
      %get3A_1510 = tpu.vector_load %arg6[%get3A_1508, %get3A_1509] {strides = array<i32>} : memref<2x8000xf32, #tpu.memory_space<vmem>>, vector<16xf32>,
      %get3A_1511 = arith.constant 1 : i32
      %get3A_1512 = arith.index_cast %get3A_1511 : i32 to index
      %get3A_1513 = arith.index_cast %mul3A_1502 : i32 to index
      %get3A_1514 = tpu.vector_load %arg7[%get3A_1512, %get3A_1513] {strides = array<i32>} : memref<2x8000xi32, #tpu.memory_space<vmem>>, vector<16xi32>,
      %gt3A_1515 = arith.cmpf ogt, %get3A_1510, %get3A_1506 : vector<16xf32>
      %gt3A_1516 = arith.constant 0 : i32
      %gt3A_1517 = vector.broadcast %gt3A_1516 : i32 to vector<16xi32>
      %gt3A_1518 = arith.cmpi sgt, %get3A_1514, %gt3A_1517 : vector<16xi32>
      %eq3A_1519 = arith.xori %gt3A_1515, %gt3A_1518 : vector<16xi1>
      %eq3A_1520 = arith.constant dense<true> : vector<16xi1>
      %eq3A_1521 = arith.xori %eq3A_1519, %eq3A_1520 : vector<16xi1>
      %jit3A_1522 = arith.constant 1.000000e+00 : f32
      %jit3A_1523 = arith.constant 0.000000e+00 : f32
      %broadcast_in_dim3A_1524 = vector.broadcast %jit3A_1522 : f32 to vector<16xf32>
      %broadcast_in_dim3A_1525 = vector.broadcast %jit3A_1523 : f32 to vector<16xf32>
      %select_n3A_1526 = arith.select %eq3A_1521, %broadcast_in_dim3A_1524, %broadcast_in_dim3A_1525 : vector<16xi1>, vector<16xf32>
      %add3A_1527 = arith.addf %scan3A_1500, %select_n3A_1526 : vector<16xf32>
      %scan3A_1528 = arith.constant 1 : i32
      %scan3A_1529 = arith.addi %scan3A_1499, %scan3A_1528 : i32
      %mul3A_1530 = arith.constant 16 : i32
      %mul3A_1531 = arith.muli %scan3A_1529, %mul3A_1530 : i32
      %get3A_1532 = arith.constant 1 : i32
      %get3A_1533 = arith.index_cast %get3A_1532 : i32 to index
      %get3A_1534 = arith.index_cast %mul3A_1531 : i32 to index
      %get3A_1535 = tpu.vector_load %arg5[%get3A_1533, %get3A_1534] {strides = array<i32>} : memref<2x8000xf32, #tpu.memory_space<vmem>>, vector<16xf32>,
      %get3A_1536 = arith.constant 1 : i32
      %get3A_1537 = arith.index_cast %get3A_1536 : i32 to index
      %get3A_1538 = arith.index_cast %mul3A_1531 : i32 to index
      %get3A_1539 = tpu.vector_load %arg6[%get3A_1537, %get3A_1538] {strides = array<i32>} : memref<2x8000xf32, #tpu.memory_space<vmem>>, vector<16xf32>,
      %get3A_1540 = arith.constant 1 : i32
      %get3A_1541 = arith.index_cast %get3A_1540 : i32 to index
      %get3A_1542 = arith.index_cast %mul3A_1531 : i32 to index
      %get3A_1543 = tpu.vector_load %arg7[%get3A_1541, %get3A_1542] {strides = array<i32>} : memref<2x8000xi32, #tpu.memory_space<vmem>>, vector<16xi32>,
      %gt3A_1544 = arith.cmpf ogt, %get3A_1539, %get3A_1535 : vector<16xf32>
      %gt3A_1545 = arith.constant 0 : i32
      %gt3A_1546 = vector.broadcast %gt3A_1545 : i32 to vector<16xi32>
      %gt3A_1547 = arith.cmpi sgt, %get3A_1543, %gt3A_1546 : vector<16xi32>
      %eq3A_1548 = arith.xori %gt3A_1544, %gt3A_1547 : vector<16xi1>
      %eq3A_1549 = arith.constant dense<true> : vector<16xi1>
      %eq3A_1550 = arith.xori %eq3A_1548, %eq3A_1549 : vector<16xi1>
      %jit3A_1551 = arith.constant 1.000000e+00 : f32
      %jit3A_1552 = arith.constant 0.000000e+00 : f32
      %broadcast_in_dim3A_1553 = vector.broadcast %jit3A_1551 : f32 to vector<16xf32>
      %broadcast_in_dim3A_1554 = vector.broadcast %jit3A_1552 : f32 to vector<16xf32>
      %select_n3A_1555 = arith.select %eq3A_1550, %broadcast_in_dim3A_1553, %broadcast_in_dim3A_1554 : vector<16xi1>, vector<16xf32>
      %add3A_1556 = arith.addf %add3A_1527, %select_n3A_1555 : vector<16xf32>
      %scan3A_1557 = arith.constant 2 : i32
      %scan3A_1558 = arith.addi %scan3A_1499, %scan3A_1557 : i32
      %mul3A_1559 = arith.constant 16 : i32
      %mul3A_1560 = arith.muli %scan3A_1558, %mul3A_1559 : i32
      %get3A_1561 = arith.constant 1 : i32
      %get3A_1562 = arith.index_cast %get3A_1561 : i32 to index
      %get3A_1563 = arith.index_cast %mul3A_1560 : i32 to index
      %get3A_1564 = tpu.vector_load %arg5[%get3A_1562, %get3A_1563] {strides = array<i32>} : memref<2x8000xf32, #tpu.memory_space<vmem>>, vector<16xf32>,
      %get3A_1565 = arith.constant 1 : i32
      %get3A_1566 = arith.index_cast %get3A_1565 : i32 to index
      %get3A_1567 = arith.index_cast %mul3A_1560 : i32 to index
      %get3A_1568 = tpu.vector_load %arg6[%get3A_1566, %get3A_1567] {strides = array<i32>} : memref<2x8000xf32, #tpu.memory_space<vmem>>, vector<16xf32>,
      %get3A_1569 = arith.constant 1 : i32
      %get3A_1570 = arith.index_cast %get3A_1569 : i32 to index
      %get3A_1571 = arith.index_cast %mul3A_1560 : i32 to index
      %get3A_1572 = tpu.vector_load %arg7[%get3A_1570, %get3A_1571] {strides = array<i32>} : memref<2x8000xi32, #tpu.memory_space<vmem>>, vector<16xi32>,
      %gt3A_1573 = arith.cmpf ogt, %get3A_1568, %get3A_1564 : vector<16xf32>
      %gt3A_1574 = arith.constant 0 : i32
      %gt3A_1575 = vector.broadcast %gt3A_1574 : i32 to vector<16xi32>
      %gt3A_1576 = arith.cmpi sgt, %get3A_1572, %gt3A_1575 : vector<16xi32>
      %eq3A_1577 = arith.xori %gt3A_1573, %gt3A_1576 : vector<16xi1>
      %eq3A_1578 = arith.constant dense<true> : vector<16xi1>
      %eq3A_1579 = arith.xori %eq3A_1577, %eq3A_1578 : vector<16xi1>
      %jit3A_1580 = arith.constant 1.000000e+00 : f32
      %jit3A_1581 = arith.constant 0.000000e+00 : f32
      %broadcast_in_dim3A_1582 = vector.broadcast %jit3A_1580 : f32 to vector<16xf32>
      %broadcast_in_dim3A_1583 = vector.broadcast %jit3A_1581 : f32 to vector<16xf32>
      %select_n3A_1584 = arith.select %eq3A_1579, %broadcast_in_dim3A_1582, %broadcast_in_dim3A_1583 : vector<16xi1>, vector<16xf32>
      %add3A_1585 = arith.addf %add3A_1556, %select_n3A_1584 : vector<16xf32>
      %scan3A_1586 = arith.constant 3 : i32
      %scan3A_1587 = arith.addi %scan3A_1499, %scan3A_1586 : i32
      %mul3A_1588 = arith.constant 16 : i32
      %mul3A_1589 = arith.muli %scan3A_1587, %mul3A_1588 : i32
      %get3A_1590 = arith.constant 1 : i32
      %get3A_1591 = arith.index_cast %get3A_1590 : i32 to index
      %get3A_1592 = arith.index_cast %mul3A_1589 : i32 to index
      %get3A_1593 = tpu.vector_load %arg5[%get3A_1591, %get3A_1592] {strides = array<i32>} : memref<2x8000xf32, #tpu.memory_space<vmem>>, vector<16xf32>,
      %get3A_1594 = arith.constant 1 : i32
      %get3A_1595 = arith.index_cast %get3A_1594 : i32 to index
      %get3A_1596 = arith.index_cast %mul3A_1589 : i32 to index
      %get3A_1597 = tpu.vector_load %arg6[%get3A_1595, %get3A_1596] {strides = array<i32>} : memref<2x8000xf32, #tpu.memory_space<vmem>>, vector<16xf32>,
      %get3A_1598 = arith.constant 1 : i32
      %get3A_1599 = arith.index_cast %get3A_1598 : i32 to index
      %get3A_1600 = arith.index_cast %mul3A_1589 : i32 to index
      %get3A_1601 = tpu.vector_load %arg7[%get3A_1599, %get3A_1600] {strides = array<i32>} : memref<2x8000xi32, #tpu.memory_space<vmem>>, vector<16xi32>,
      %gt3A_1602 = arith.cmpf ogt, %get3A_1597, %get3A_1593 : vector<16xf32>
      %gt3A_1603 = arith.constant 0 : i32
      %gt3A_1604 = vector.broadcast %gt3A_1603 : i32 to vector<16xi32>
      %gt3A_1605 = arith.cmpi sgt, %get3A_1601, %gt3A_1604 : vector<16xi32>
      %eq3A_1606 = arith.xori %gt3A_1602, %gt3A_1605 : vector<16xi1>
      %eq3A_1607 = arith.constant dense<true> : vector<16xi1>
      %eq3A_1608 = arith.xori %eq3A_1606, %eq3A_1607 : vector<16xi1>
      %jit3A_1609 = arith.constant 1.000000e+00 : f32
      %jit3A_1610 = arith.constant 0.000000e+00 : f32
      %broadcast_in_dim3A_1611 = vector.broadcast %jit3A_1609 : f32 to vector<16xf32>
      %broadcast_in_dim3A_1612 = vector.broadcast %jit3A_1610 : f32 to vector<16xf32>
      %select_n3A_1613 = arith.select %eq3A_1608, %broadcast_in_dim3A_1611, %broadcast_in_dim3A_1612 : vector<16xi1>, vector<16xf32>
      %add3A_1614 = arith.addf %add3A_1585, %select_n3A_1613 : vector<16xf32>
      %scan3A_1615 = arith.constant 4 : i32
      %scan3A_1616 = arith.addi %scan3A_1499, %scan3A_1615 : i32
      %mul3A_1617 = arith.constant 16 : i32
      %mul3A_1618 = arith.muli %scan3A_1616, %mul3A_1617 : i32
      %get3A_1619 = arith.constant 1 : i32
      %get3A_1620 = arith.index_cast %get3A_1619 : i32 to index
      %get3A_1621 = arith.index_cast %mul3A_1618 : i32 to index
      %get3A_1622 = tpu.vector_load %arg5[%get3A_1620, %get3A_1621] {strides = array<i32>} : memref<2x8000xf32, #tpu.memory_space<vmem>>, vector<16xf32>,
      %get3A_1623 = arith.constant 1 : i32
      %get3A_1624 = arith.index_cast %get3A_1623 : i32 to index
      %get3A_1625 = arith.index_cast %mul3A_1618 : i32 to index
      %get3A_1626 = tpu.vector_load %arg6[%get3A_1624, %get3A_1625] {strides = array<i32>} : memref<2x8000xf32, #tpu.memory_space<vmem>>, vector<16xf32>,
      %get3A_1627 = arith.constant 1 : i32
      %get3A_1628 = arith.index_cast %get3A_1627 : i32 to index
      %get3A_1629 = arith.index_cast %mul3A_1618 : i32 to index
      %get3A_1630 = tpu.vector_load %arg7[%get3A_1628, %get3A_1629] {strides = array<i32>} : memref<2x8000xi32, #tpu.memory_space<vmem>>, vector<16xi32>,
      %gt3A_1631 = arith.cmpf ogt, %get3A_1626, %get3A_1622 : vector<16xf32>
      %gt3A_1632 = arith.constant 0 : i32
      %gt3A_1633 = vector.broadcast %gt3A_1632 : i32 to vector<16xi32>
      %gt3A_1634 = arith.cmpi sgt, %get3A_1630, %gt3A_1633 : vector<16xi32>
      %eq3A_1635 = arith.xori %gt3A_1631, %gt3A_1634 : vector<16xi1>
      %eq3A_1636 = arith.constant dense<true> : vector<16xi1>
      %eq3A_1637 = arith.xori %eq3A_1635, %eq3A_1636 : vector<16xi1>
      %jit3A_1638 = arith.constant 1.000000e+00 : f32
      %jit3A_1639 = arith.constant 0.000000e+00 : f32
      %broadcast_in_dim3A_1640 = vector.broadcast %jit3A_1638 : f32 to vector<16xf32>
      %broadcast_in_dim3A_1641 = vector.broadcast %jit3A_1639 : f32 to vector<16xf32>
      %select_n3A_1642 = arith.select %eq3A_1637, %broadcast_in_dim3A_1640, %broadcast_in_dim3A_1641 : vector<16xi1>, vector<16xf32>
      %add3A_1643 = arith.addf %add3A_1614, %select_n3A_1642 : vector<16xf32>
      %scan3A_1644 = arith.constant 5 : i32
      %scan3A_1645 = arith.addi %scan3A_1499, %scan3A_1644 : i32
      %mul3A_1646 = arith.constant 16 : i32
      %mul3A_1647 = arith.muli %scan3A_1645, %mul3A_1646 : i32
      %get3A_1648 = arith.constant 1 : i32
      %get3A_1649 = arith.index_cast %get3A_1648 : i32 to index
      %get3A_1650 = arith.index_cast %mul3A_1647 : i32 to index
      %get3A_1651 = tpu.vector_load %arg5[%get3A_1649, %get3A_1650] {strides = array<i32>} : memref<2x8000xf32, #tpu.memory_space<vmem>>, vector<16xf32>,
      %get3A_1652 = arith.constant 1 : i32
      %get3A_1653 = arith.index_cast %get3A_1652 : i32 to index
      %get3A_1654 = arith.index_cast %mul3A_1647 : i32 to index
      %get3A_1655 = tpu.vector_load %arg6[%get3A_1653, %get3A_1654] {strides = array<i32>} : memref<2x8000xf32, #tpu.memory_space<vmem>>, vector<16xf32>,
      %get3A_1656 = arith.constant 1 : i32
      %get3A_1657 = arith.index_cast %get3A_1656 : i32 to index
      %get3A_1658 = arith.index_cast %mul3A_1647 : i32 to index
      %get3A_1659 = tpu.vector_load %arg7[%get3A_1657, %get3A_1658] {strides = array<i32>} : memref<2x8000xi32, #tpu.memory_space<vmem>>, vector<16xi32>,
      %gt3A_1660 = arith.cmpf ogt, %get3A_1655, %get3A_1651 : vector<16xf32>
      %gt3A_1661 = arith.constant 0 : i32
      %gt3A_1662 = vector.broadcast %gt3A_1661 : i32 to vector<16xi32>
      %gt3A_1663 = arith.cmpi sgt, %get3A_1659, %gt3A_1662 : vector<16xi32>
      %eq3A_1664 = arith.xori %gt3A_1660, %gt3A_1663 : vector<16xi1>
      %eq3A_1665 = arith.constant dense<true> : vector<16xi1>
      %eq3A_1666 = arith.xori %eq3A_1664, %eq3A_1665 : vector<16xi1>
      %jit3A_1667 = arith.constant 1.000000e+00 : f32
      %jit3A_1668 = arith.constant 0.000000e+00 : f32
      %broadcast_in_dim3A_1669 = vector.broadcast %jit3A_1667 : f32 to vector<16xf32>
      %broadcast_in_dim3A_1670 = vector.broadcast %jit3A_1668 : f32 to vector<16xf32>
      %select_n3A_1671 = arith.select %eq3A_1666, %broadcast_in_dim3A_1669, %broadcast_in_dim3A_1670 : vector<16xi1>, vector<16xf32>
      %add3A_1672 = arith.addf %add3A_1643, %select_n3A_1671 : vector<16xf32>
      %scan3A_1673 = arith.constant 6 : i32
      %scan3A_1674 = arith.addi %scan3A_1499, %scan3A_1673 : i32
      %mul3A_1675 = arith.constant 16 : i32
      %mul3A_1676 = arith.muli %scan3A_1674, %mul3A_1675 : i32
      %get3A_1677 = arith.constant 1 : i32
      %get3A_1678 = arith.index_cast %get3A_1677 : i32 to index
      %get3A_1679 = arith.index_cast %mul3A_1676 : i32 to index
      %get3A_1680 = tpu.vector_load %arg5[%get3A_1678, %get3A_1679] {strides = array<i32>} : memref<2x8000xf32, #tpu.memory_space<vmem>>, vector<16xf32>,
      %get3A_1681 = arith.constant 1 : i32
      %get3A_1682 = arith.index_cast %get3A_1681 : i32 to index
      %get3A_1683 = arith.index_cast %mul3A_1676 : i32 to index
      %get3A_1684 = tpu.vector_load %arg6[%get3A_1682, %get3A_1683] {strides = array<i32>} : memref<2x8000xf32, #tpu.memory_space<vmem>>, vector<16xf32>,
      %get3A_1685 = arith.constant 1 : i32
      %get3A_1686 = arith.index_cast %get3A_1685 : i32 to index
      %get3A_1687 = arith.index_cast %mul3A_1676 : i32 to index
      %get3A_1688 = tpu.vector_load %arg7[%get3A_1686, %get3A_1687] {strides = array<i32>} : memref<2x8000xi32, #tpu.memory_space<vmem>>, vector<16xi32>,
      %gt3A_1689 = arith.cmpf ogt, %get3A_1684, %get3A_1680 : vector<16xf32>
      %gt3A_1690 = arith.constant 0 : i32
      %gt3A_1691 = vector.broadcast %gt3A_1690 : i32 to vector<16xi32>
      %gt3A_1692 = arith.cmpi sgt, %get3A_1688, %gt3A_1691 : vector<16xi32>
      %eq3A_1693 = arith.xori %gt3A_1689, %gt3A_1692 : vector<16xi1>
      %eq3A_1694 = arith.constant dense<true> : vector<16xi1>
      %eq3A_1695 = arith.xori %eq3A_1693, %eq3A_1694 : vector<16xi1>
      %jit3A_1696 = arith.constant 1.000000e+00 : f32
      %jit3A_1697 = arith.constant 0.000000e+00 : f32
      %broadcast_in_dim3A_1698 = vector.broadcast %jit3A_1696 : f32 to vector<16xf32>
      %broadcast_in_dim3A_1699 = vector.broadcast %jit3A_1697 : f32 to vector<16xf32>
      %select_n3A_1700 = arith.select %eq3A_1695, %broadcast_in_dim3A_1698, %broadcast_in_dim3A_1699 : vector<16xi1>, vector<16xf32>
      %add3A_1701 = arith.addf %add3A_1672, %select_n3A_1700 : vector<16xf32>
      %scan3A_1702 = arith.constant 7 : i32
      %scan3A_1703 = arith.addi %scan3A_1499, %scan3A_1702 : i32
      %mul3A_1704 = arith.constant 16 : i32
      %mul3A_1705 = arith.muli %scan3A_1703, %mul3A_1704 : i32
      %get3A_1706 = arith.constant 1 : i32
      %get3A_1707 = arith.index_cast %get3A_1706 : i32 to index
      %get3A_1708 = arith.index_cast %mul3A_1705 : i32 to index
      %get3A_1709 = tpu.vector_load %arg5[%get3A_1707, %get3A_1708] {strides = array<i32>} : memref<2x8000xf32, #tpu.memory_space<vmem>>, vector<16xf32>,
      %get3A_1710 = arith.constant 1 : i32
      %get3A_1711 = arith.index_cast %get3A_1710 : i32 to index
      %get3A_1712 = arith.index_cast %mul3A_1705 : i32 to index
      %get3A_1713 = tpu.vector_load %arg6[%get3A_1711, %get3A_1712] {strides = array<i32>} : memref<2x8000xf32, #tpu.memory_space<vmem>>, vector<16xf32>,
      %get3A_1714 = arith.constant 1 : i32
      %get3A_1715 = arith.index_cast %get3A_1714 : i32 to index
      %get3A_1716 = arith.index_cast %mul3A_1705 : i32 to index
      %get3A_1717 = tpu.vector_load %arg7[%get3A_1715, %get3A_1716] {strides = array<i32>} : memref<2x8000xi32, #tpu.memory_space<vmem>>, vector<16xi32>,
      %gt3A_1718 = arith.cmpf ogt, %get3A_1713, %get3A_1709 : vector<16xf32>
      %gt3A_1719 = arith.constant 0 : i32
      %gt3A_1720 = vector.broadcast %gt3A_1719 : i32 to vector<16xi32>
      %gt3A_1721 = arith.cmpi sgt, %get3A_1717, %gt3A_1720 : vector<16xi32>
      %eq3A_1722 = arith.xori %gt3A_1718, %gt3A_1721 : vector<16xi1>
      %eq3A_1723 = arith.constant dense<true> : vector<16xi1>
      %eq3A_1724 = arith.xori %eq3A_1722, %eq3A_1723 : vector<16xi1>
      %jit3A_1725 = arith.constant 1.000000e+00 : f32
      %jit3A_1726 = arith.constant 0.000000e+00 : f32
      %broadcast_in_dim3A_1727 = vector.broadcast %jit3A_1725 : f32 to vector<16xf32>
      %broadcast_in_dim3A_1728 = vector.broadcast %jit3A_1726 : f32 to vector<16xf32>
      %select_n3A_1729 = arith.select %eq3A_1724, %broadcast_in_dim3A_1727, %broadcast_in_dim3A_1728 : vector<16xi1>, vector<16xf32>
      %add3A_1730 = arith.addf %add3A_1701, %select_n3A_1729 : vector<16xf32>
      scf.yield %add3A_1730 : vector<16xf32>
    }
    %scan3A_311 = arith.constant 496 : i32
    %scan3A_312 = arith.addi %scan3A_306, %scan3A_311 : i32
    %mul3A_313 = arith.constant 16 : i32
    %mul3A_314 = arith.muli %scan3A_312, %mul3A_313 : i32
    %get3A_315 = arith.constant 1 : i32
    %get3A_316 = arith.index_cast %get3A_315 : i32 to index
    %get3A_317 = arith.index_cast %mul3A_314 : i32 to index
    %get3A_318 = tpu.vector_load %arg5[%get3A_316, %get3A_317] {strides = array<i32>} : memref<2x8000xf32, #tpu.memory_space<vmem>>, vector<16xf32>,
    %get3A_319 = arith.constant 1 : i32
    %get3A_320 = arith.index_cast %get3A_319 : i32 to index
    %get3A_321 = arith.index_cast %mul3A_314 : i32 to index
    %get3A_322 = tpu.vector_load %arg6[%get3A_320, %get3A_321] {strides = array<i32>} : memref<2x8000xf32, #tpu.memory_space<vmem>>, vector<16xf32>,
    %get3A_323 = arith.constant 1 : i32
    %get3A_324 = arith.index_cast %get3A_323 : i32 to index
    %get3A_325 = arith.index_cast %mul3A_314 : i32 to index
    %get3A_326 = tpu.vector_load %arg7[%get3A_324, %get3A_325] {strides = array<i32>} : memref<2x8000xi32, #tpu.memory_space<vmem>>, vector<16xi32>,
    %gt3A_327 = arith.cmpf ogt, %get3A_322, %get3A_318 : vector<16xf32>
    %gt3A_328 = arith.constant 0 : i32
    %gt3A_329 = vector.broadcast %gt3A_328 : i32 to vector<16xi32>
    %gt3A_330 = arith.cmpi sgt, %get3A_326, %gt3A_329 : vector<16xi32>
    %eq3A_331 = arith.xori %gt3A_327, %gt3A_330 : vector<16xi1>
    %eq3A_332 = arith.constant dense<true> : vector<16xi1>
    %eq3A_333 = arith.xori %eq3A_331, %eq3A_332 : vector<16xi1>
    %jit3A_334 = arith.constant 1.000000e+00 : f32
    %jit3A_335 = arith.constant 0.000000e+00 : f32
    %broadcast_in_dim3A_336 = vector.broadcast %jit3A_334 : f32 to vector<16xf32>
    %broadcast_in_dim3A_337 = vector.broadcast %jit3A_335 : f32 to vector<16xf32>
    %select_n3A_338 = arith.select %eq3A_333, %broadcast_in_dim3A_336, %broadcast_in_dim3A_337 : vector<16xi1>, vector<16xf32>
    %add3A_339 = arith.addf %scan3A_310, %select_n3A_338 : vector<16xf32>
    %scan3A_340 = arith.constant 497 : i32
    %scan3A_341 = arith.addi %scan3A_306, %scan3A_340 : i32
    %mul3A_342 = arith.constant 16 : i32
    %mul3A_343 = arith.muli %scan3A_341, %mul3A_342 : i32
    %get3A_344 = arith.constant 1 : i32
    %get3A_345 = arith.index_cast %get3A_344 : i32 to index
    %get3A_346 = arith.index_cast %mul3A_343 : i32 to index
    %get3A_347 = tpu.vector_load %arg5[%get3A_345, %get3A_346] {strides = array<i32>} : memref<2x8000xf32, #tpu.memory_space<vmem>>, vector<16xf32>,
    %get3A_348 = arith.constant 1 : i32
    %get3A_349 = arith.index_cast %get3A_348 : i32 to index
    %get3A_350 = arith.index_cast %mul3A_343 : i32 to index
    %get3A_351 = tpu.vector_load %arg6[%get3A_349, %get3A_350] {strides = array<i32>} : memref<2x8000xf32, #tpu.memory_space<vmem>>, vector<16xf32>,
    %get3A_352 = arith.constant 1 : i32
    %get3A_353 = arith.index_cast %get3A_352 : i32 to index
    %get3A_354 = arith.index_cast %mul3A_343 : i32 to index
    %get3A_355 = tpu.vector_load %arg7[%get3A_353, %get3A_354] {strides = array<i32>} : memref<2x8000xi32, #tpu.memory_space<vmem>>, vector<16xi32>,
    %gt3A_356 = arith.cmpf ogt, %get3A_351, %get3A_347 : vector<16xf32>
    %gt3A_357 = arith.constant 0 : i32
    %gt3A_358 = vector.broadcast %gt3A_357 : i32 to vector<16xi32>
    %gt3A_359 = arith.cmpi sgt, %get3A_355, %gt3A_358 : vector<16xi32>
    %eq3A_360 = arith.xori %gt3A_356, %gt3A_359 : vector<16xi1>
    %eq3A_361 = arith.constant dense<true> : vector<16xi1>
    %eq3A_362 = arith.xori %eq3A_360, %eq3A_361 : vector<16xi1>
    %jit3A_363 = arith.constant 1.000000e+00 : f32
    %jit3A_364 = arith.constant 0.000000e+00 : f32
    %broadcast_in_dim3A_365 = vector.broadcast %jit3A_363 : f32 to vector<16xf32>
    %broadcast_in_dim3A_366 = vector.broadcast %jit3A_364 : f32 to vector<16xf32>
    %select_n3A_367 = arith.select %eq3A_362, %broadcast_in_dim3A_365, %broadcast_in_dim3A_366 : vector<16xi1>, vector<16xf32>
    %add3A_368 = arith.addf %add3A_339, %select_n3A_367 : vector<16xf32>
    %scan3A_369 = arith.constant 498 : i32
    %scan3A_370 = arith.addi %scan3A_306, %scan3A_369 : i32
    %mul3A_371 = arith.constant 16 : i32
    %mul3A_372 = arith.muli %scan3A_370, %mul3A_371 : i32
    %get3A_373 = arith.constant 1 : i32
    %get3A_374 = arith.index_cast %get3A_373 : i32 to index
    %get3A_375 = arith.index_cast %mul3A_372 : i32 to index
    %get3A_376 = tpu.vector_load %arg5[%get3A_374, %get3A_375] {strides = array<i32>} : memref<2x8000xf32, #tpu.memory_space<vmem>>, vector<16xf32>,
    %get3A_377 = arith.constant 1 : i32
    %get3A_378 = arith.index_cast %get3A_377 : i32 to index
    %get3A_379 = arith.index_cast %mul3A_372 : i32 to index
    %get3A_380 = tpu.vector_load %arg6[%get3A_378, %get3A_379] {strides = array<i32>} : memref<2x8000xf32, #tpu.memory_space<vmem>>, vector<16xf32>,
    %get3A_381 = arith.constant 1 : i32
    %get3A_382 = arith.index_cast %get3A_381 : i32 to index
    %get3A_383 = arith.index_cast %mul3A_372 : i32 to index
    %get3A_384 = tpu.vector_load %arg7[%get3A_382, %get3A_383] {strides = array<i32>} : memref<2x8000xi32, #tpu.memory_space<vmem>>, vector<16xi32>,
    %gt3A_385 = arith.cmpf ogt, %get3A_380, %get3A_376 : vector<16xf32>
    %gt3A_386 = arith.constant 0 : i32
    %gt3A_387 = vector.broadcast %gt3A_386 : i32 to vector<16xi32>
    %gt3A_388 = arith.cmpi sgt, %get3A_384, %gt3A_387 : vector<16xi32>
    %eq3A_389 = arith.xori %gt3A_385, %gt3A_388 : vector<16xi1>
    %eq3A_390 = arith.constant dense<true> : vector<16xi1>
    %eq3A_391 = arith.xori %eq3A_389, %eq3A_390 : vector<16xi1>
    %jit3A_392 = arith.constant 1.000000e+00 : f32
    %jit3A_393 = arith.constant 0.000000e+00 : f32
    %broadcast_in_dim3A_394 = vector.broadcast %jit3A_392 : f32 to vector<16xf32>
    %broadcast_in_dim3A_395 = vector.broadcast %jit3A_393 : f32 to vector<16xf32>
    %select_n3A_396 = arith.select %eq3A_391, %broadcast_in_dim3A_394, %broadcast_in_dim3A_395 : vector<16xi1>, vector<16xf32>
    %add3A_397 = arith.addf %add3A_368, %select_n3A_396 : vector<16xf32>
    %scan3A_398 = arith.constant 499 : i32
    %scan3A_399 = arith.addi %scan3A_306, %scan3A_398 : i32
    %mul3A_400 = arith.constant 16 : i32
    %mul3A_401 = arith.muli %scan3A_399, %mul3A_400 : i32
    %get3A_402 = arith.constant 1 : i32
    %get3A_403 = arith.index_cast %get3A_402 : i32 to index
    %get3A_404 = arith.index_cast %mul3A_401 : i32 to index
    %get3A_405 = tpu.vector_load %arg5[%get3A_403, %get3A_404] {strides = array<i32>} : memref<2x8000xf32, #tpu.memory_space<vmem>>, vector<16xf32>,
    %get3A_406 = arith.constant 1 : i32
    %get3A_407 = arith.index_cast %get3A_406 : i32 to index
    %get3A_408 = arith.index_cast %mul3A_401 : i32 to index
    %get3A_409 = tpu.vector_load %arg6[%get3A_407, %get3A_408] {strides = array<i32>} : memref<2x8000xf32, #tpu.memory_space<vmem>>, vector<16xf32>,
    %get3A_410 = arith.constant 1 : i32
    %get3A_411 = arith.index_cast %get3A_410 : i32 to index
    %get3A_412 = arith.index_cast %mul3A_401 : i32 to index
    %get3A_413 = tpu.vector_load %arg7[%get3A_411, %get3A_412] {strides = array<i32>} : memref<2x8000xi32, #tpu.memory_space<vmem>>, vector<16xi32>,
    %gt3A_414 = arith.cmpf ogt, %get3A_409, %get3A_405 : vector<16xf32>
    %gt3A_415 = arith.constant 0 : i32
    %gt3A_416 = vector.broadcast %gt3A_415 : i32 to vector<16xi32>
    %gt3A_417 = arith.cmpi sgt, %get3A_413, %gt3A_416 : vector<16xi32>
    %eq3A_418 = arith.xori %gt3A_414, %gt3A_417 : vector<16xi1>
    %eq3A_419 = arith.constant dense<true> : vector<16xi1>
    %eq3A_420 = arith.xori %eq3A_418, %eq3A_419 : vector<16xi1>
    %jit3A_421 = arith.constant 1.000000e+00 : f32
    %jit3A_422 = arith.constant 0.000000e+00 : f32
    %broadcast_in_dim3A_423 = vector.broadcast %jit3A_421 : f32 to vector<16xf32>
    %broadcast_in_dim3A_424 = vector.broadcast %jit3A_422 : f32 to vector<16xf32>
    %select_n3A_425 = arith.select %eq3A_420, %broadcast_in_dim3A_423, %broadcast_in_dim3A_424 : vector<16xi1>, vector<16xf32>
    %add3A_426 = arith.addf %add3A_397, %select_n3A_425 : vector<16xf32>
    %scan3A_427 = arith.constant 500 : i32
    %add3A_428 = arith.constant 3 : i32
    %add3A_429 = arith.addi %add3A_4, %add3A_428 : i32
    %mul3A_430 = arith.constant 8000 : i32
    %mul3A_431 = arith.muli %add3A_429, %mul3A_430 : i32
    %dma_start3A_432 = arith.constant 0 : i32
    %dma_start3A_433 = arith.constant 1 : i32
    %dma_start3A_434 = arith.constant 0 : i32
    %dma_start3A_435 = tpu.memref_slice %arg5[%dma_start3A_433, %dma_start3A_434] : memref<2x8000xf32, #tpu.memory_space<vmem>> -> memref<1x8000xf32, #tpu.memory_space<vmem>>
    %dma_start3A_436 = tpu.memref_squeeze %dma_start3A_435 : memref<1x8000xf32, #tpu.memory_space<vmem>> -> memref<8000xf32, #tpu.memory_space<vmem>>
    %dma_start3A_437 = tpu.memref_slice %arg2[%dma_start3A_432, %mul3A_431] : memref<2x2000000xf32, #tpu.memory_space<hbm>> -> memref<1x8000xf32, #tpu.memory_space<hbm>>
    %dma_start3A_438 = tpu.memref_squeeze %dma_start3A_437 : memref<1x8000xf32, #tpu.memory_space<hbm>> -> memref<8000xf32, #tpu.memory_space<hbm>>
    %dma_start3A_439 = arith.constant 0 : i32
    %dma_start3A_440 = tpu.memref_slice %arg5[%dma_start3A_433, %dma_start3A_439] : memref<2x8000xf32, #tpu.memory_space<vmem>> -> memref<1x8000xf32, #tpu.memory_space<vmem>>
    %dma_start3A_441 = tpu.memref_squeeze %dma_start3A_440 : memref<1x8000xf32, #tpu.memory_space<vmem>> -> memref<8000xf32, #tpu.memory_space<vmem>>
    %dma_start3A_442 = tpu.memref_slice %arg2[%dma_start3A_432, %mul3A_431] : memref<2x2000000xf32, #tpu.memory_space<hbm>> -> memref<1x8000xf32, #tpu.memory_space<hbm>>
    %dma_start3A_443 = tpu.memref_squeeze %dma_start3A_442 : memref<1x8000xf32, #tpu.memory_space<hbm>> -> memref<8000xf32, #tpu.memory_space<hbm>>
    tpu.enqueue_dma source(%dma_start3A_443 : memref<8000xf32, #tpu.memory_space<hbm>>) target(%dma_start3A_441 : memref<8000xf32, #tpu.memory_space<vmem>>) target_semaphore(%arg10 : memref<!tpu.dma_semaphore, #tpu.memory_space<semaphore_mem>>)
    %dma_start3A_444 = arith.constant 1 : i32
    %dma_start3A_445 = arith.constant 1 : i32
    %dma_start3A_446 = arith.constant 0 : i32
    %dma_start3A_447 = tpu.memref_slice %arg6[%dma_start3A_445, %dma_start3A_446] : memref<2x8000xf32, #tpu.memory_space<vmem>> -> memref<1x8000xf32, #tpu.memory_space<vmem>>
    %dma_start3A_448 = tpu.memref_squeeze %dma_start3A_447 : memref<1x8000xf32, #tpu.memory_space<vmem>> -> memref<8000xf32, #tpu.memory_space<vmem>>
    %dma_start3A_449 = tpu.memref_slice %arg2[%dma_start3A_444, %mul3A_431] : memref<2x2000000xf32, #tpu.memory_space<hbm>> -> memref<1x8000xf32, #tpu.memory_space<hbm>>
    %dma_start3A_450 = tpu.memref_squeeze %dma_start3A_449 : memref<1x8000xf32, #tpu.memory_space<hbm>> -> memref<8000xf32, #tpu.memory_space<hbm>>
    %dma_start3A_451 = arith.constant 0 : i32
    %dma_start3A_452 = tpu.memref_slice %arg6[%dma_start3A_445, %dma_start3A_451] : memref<2x8000xf32, #tpu.memory_space<vmem>> -> memref<1x8000xf32, #tpu.memory_space<vmem>>
    %dma_start3A_453 = tpu.memref_squeeze %dma_start3A_452 : memref<1x8000xf32, #tpu.memory_space<vmem>> -> memref<8000xf32, #tpu.memory_space<vmem>>
    %dma_start3A_454 = tpu.memref_slice %arg2[%dma_start3A_444, %mul3A_431] : memref<2x2000000xf32, #tpu.memory_space<hbm>> -> memref<1x8000xf32, #tpu.memory_space<hbm>>
    %dma_start3A_455 = tpu.memref_squeeze %dma_start3A_454 : memref<1x8000xf32, #tpu.memory_space<hbm>> -> memref<8000xf32, #tpu.memory_space<hbm>>
    tpu.enqueue_dma source(%dma_start3A_455 : memref<8000xf32, #tpu.memory_space<hbm>>) target(%dma_start3A_453 : memref<8000xf32, #tpu.memory_space<vmem>>) target_semaphore(%arg10 : memref<!tpu.dma_semaphore, #tpu.memory_space<semaphore_mem>>)
    %dma_start3A_456 = arith.constant 1 : i32
    %dma_start3A_457 = arith.constant 0 : i32
    %dma_start3A_458 = tpu.memref_slice %arg7[%dma_start3A_456, %dma_start3A_457] : memref<2x8000xi32, #tpu.memory_space<vmem>> -> memref<1x8000xi32, #tpu.memory_space<vmem>>
    %dma_start3A_459 = tpu.memref_squeeze %dma_start3A_458 : memref<1x8000xi32, #tpu.memory_space<vmem>> -> memref<8000xi32, #tpu.memory_space<vmem>>
    %dma_start3A_460 = tpu.memref_slice %arg3[%mul3A_431] : memref<2000000xi32, #tpu.memory_space<hbm>> -> memref<8000xi32, #tpu.memory_space<hbm>>
    %dma_start3A_461 = arith.constant 0 : i32
    %dma_start3A_462 = tpu.memref_slice %arg7[%dma_start3A_456, %dma_start3A_461] : memref<2x8000xi32, #tpu.memory_space<vmem>> -> memref<1x8000xi32, #tpu.memory_space<vmem>>
    %dma_start3A_463 = tpu.memref_squeeze %dma_start3A_462 : memref<1x8000xi32, #tpu.memory_space<vmem>> -> memref<8000xi32, #tpu.memory_space<vmem>>
    %dma_start3A_464 = tpu.memref_slice %arg3[%mul3A_431] : memref<2000000xi32, #tpu.memory_space<hbm>> -> memref<8000xi32, #tpu.memory_space<hbm>>
    tpu.enqueue_dma source(%dma_start3A_464 : memref<8000xi32, #tpu.memory_space<hbm>>) target(%dma_start3A_463 : memref<8000xi32, #tpu.memory_space<vmem>>) target_semaphore(%arg10 : memref<!tpu.dma_semaphore, #tpu.memory_space<semaphore_mem>>)
    %add3A_465 = arith.constant 2 : i32
    %add3A_466 = arith.addi %add3A_4, %add3A_465 : i32
    %mul3A_467 = arith.constant 8000 : i32
    %mul3A_468 = arith.muli %add3A_466, %mul3A_467 : i32
    %dma_wait3A_469 = arith.constant 0 : i32
    %dma_wait3A_470 = arith.constant 0 : i32
    %dma_wait3A_471 = arith.constant 0 : i32
    %dma_wait3A_472 = tpu.memref_slice %arg5[%dma_wait3A_470, %dma_wait3A_471] : memref<2x8000xf32, #tpu.memory_space<vmem>> -> memref<1x8000xf32, #tpu.memory_space<vmem>>
    %dma_wait3A_473 = tpu.memref_squeeze %dma_wait3A_472 : memref<1x8000xf32, #tpu.memory_space<vmem>> -> memref<8000xf32, #tpu.memory_space<vmem>>
    %dma_wait3A_474 = tpu.memref_slice %arg2[%dma_wait3A_469, %mul3A_468] : memref<2x2000000xf32, #tpu.memory_space<hbm>> -> memref<1x8000xf32, #tpu.memory_space<hbm>>
    %dma_wait3A_475 = tpu.memref_squeeze %dma_wait3A_474 : memref<1x8000xf32, #tpu.memory_space<hbm>> -> memref<8000xf32, #tpu.memory_space<hbm>>
    %dma_wait3A_476 = arith.constant 0 : i32
    %dma_wait3A_477 = tpu.memref_slice %arg5[%dma_wait3A_470, %dma_wait3A_476] : memref<2x8000xf32, #tpu.memory_space<vmem>> -> memref<1x8000xf32, #tpu.memory_space<vmem>>
    %dma_wait3A_478 = tpu.memref_squeeze %dma_wait3A_477 : memref<1x8000xf32, #tpu.memory_space<vmem>> -> memref<8000xf32, #tpu.memory_space<vmem>>
    %dma_wait3A_479 = tpu.memref_slice %arg2[%dma_wait3A_469, %mul3A_468] : memref<2x2000000xf32, #tpu.memory_space<hbm>> -> memref<1x8000xf32, #tpu.memory_space<hbm>>
    %dma_wait3A_480 = tpu.memref_squeeze %dma_wait3A_479 : memref<1x8000xf32, #tpu.memory_space<hbm>> -> memref<8000xf32, #tpu.memory_space<hbm>>
    tpu.wait_dma2 semaphore(%arg9 : memref<!tpu.dma_semaphore, #tpu.memory_space<semaphore_mem>>) src(%dma_wait3A_480 : memref<8000xf32, #tpu.memory_space<hbm>>) dst(%dma_wait3A_478 : memref<8000xf32, #tpu.memory_space<vmem>>)
    %dma_wait3A_481 = arith.constant 1 : i32
    %dma_wait3A_482 = arith.constant 0 : i32
    %dma_wait3A_483 = arith.constant 0 : i32
    %dma_wait3A_484 = tpu.memref_slice %arg6[%dma_wait3A_482, %dma_wait3A_483] : memref<2x8000xf32, #tpu.memory_space<vmem>> -> memref<1x8000xf32, #tpu.memory_space<vmem>>
    %dma_wait3A_485 = tpu.memref_squeeze %dma_wait3A_484 : memref<1x8000xf32, #tpu.memory_space<vmem>> -> memref<8000xf32, #tpu.memory_space<vmem>>
    %dma_wait3A_486 = tpu.memref_slice %arg2[%dma_wait3A_481, %mul3A_468] : memref<2x2000000xf32, #tpu.memory_space<hbm>> -> memref<1x8000xf32, #tpu.memory_space<hbm>>
    %dma_wait3A_487 = tpu.memref_squeeze %dma_wait3A_486 : memref<1x8000xf32, #tpu.memory_space<hbm>> -> memref<8000xf32, #tpu.memory_space<hbm>>
    %dma_wait3A_488 = arith.constant 0 : i32
    %dma_wait3A_489 = tpu.memref_slice %arg6[%dma_wait3A_482, %dma_wait3A_488] : memref<2x8000xf32, #tpu.memory_space<vmem>> -> memref<1x8000xf32, #tpu.memory_space<vmem>>
    %dma_wait3A_490 = tpu.memref_squeeze %dma_wait3A_489 : memref<1x8000xf32, #tpu.memory_space<vmem>> -> memref<8000xf32, #tpu.memory_space<vmem>>
    %dma_wait3A_491 = tpu.memref_slice %arg2[%dma_wait3A_481, %mul3A_468] : memref<2x2000000xf32, #tpu.memory_space<hbm>> -> memref<1x8000xf32, #tpu.memory_space<hbm>>
    %dma_wait3A_492 = tpu.memref_squeeze %dma_wait3A_491 : memref<1x8000xf32, #tpu.memory_space<hbm>> -> memref<8000xf32, #tpu.memory_space<hbm>>
    tpu.wait_dma2 semaphore(%arg9 : memref<!tpu.dma_semaphore, #tpu.memory_space<semaphore_mem>>) src(%dma_wait3A_492 : memref<8000xf32, #tpu.memory_space<hbm>>) dst(%dma_wait3A_490 : memref<8000xf32, #tpu.memory_space<vmem>>)
    %dma_wait3A_493 = arith.constant 0 : i32
    %dma_wait3A_494 = arith.constant 0 : i32
    %dma_wait3A_495 = tpu.memref_slice %arg7[%dma_wait3A_493, %dma_wait3A_494] : memref<2x8000xi32, #tpu.memory_space<vmem>> -> memref<1x8000xi32, #tpu.memory_space<vmem>>
    %dma_wait3A_496 = tpu.memref_squeeze %dma_wait3A_495 : memref<1x8000xi32, #tpu.memory_space<vmem>> -> memref<8000xi32, #tpu.memory_space<vmem>>
    %dma_wait3A_497 = tpu.memref_slice %arg3[%mul3A_468] : memref<2000000xi32, #tpu.memory_space<hbm>> -> memref<8000xi32, #tpu.memory_space<hbm>>
    %dma_wait3A_498 = arith.constant 0 : i32
    %dma_wait3A_499 = tpu.memref_slice %arg7[%dma_wait3A_493, %dma_wait3A_498] : memref<2x8000xi32, #tpu.memory_space<vmem>> -> memref<1x8000xi32, #tpu.memory_space<vmem>>
    %dma_wait3A_500 = tpu.memref_squeeze %dma_wait3A_499 : memref<1x8000xi32, #tpu.memory_space<vmem>> -> memref<8000xi32, #tpu.memory_space<vmem>>
    %dma_wait3A_501 = tpu.memref_slice %arg3[%mul3A_468] : memref<2000000xi32, #tpu.memory_space<hbm>> -> memref<8000xi32, #tpu.memory_space<hbm>>
    tpu.wait_dma2 semaphore(%arg9 : memref<!tpu.dma_semaphore, #tpu.memory_space<semaphore_mem>>) src(%dma_wait3A_501 : memref<8000xi32, #tpu.memory_space<hbm>>) dst(%dma_wait3A_500 : memref<8000xi32, #tpu.memory_space<vmem>>)
    %scan3A_502 = arith.constant 0 : i32
    %scan3A_503 = arith.constant 496 : i32
    %scan3A_504 = arith.addi %scan3A_502, %scan3A_503 : i32
    %scan3A_505 = arith.constant 8 : i32
    %scan3A_506 = scf.for %scan3A_1499 = %scan3A_502 to %scan3A_504 step %scan3A_505 iter_args(%scan3A_1500 = %add3A_426) -> (vector<16xf32>)  : i32 {
      %mul3A_1501 = arith.constant 16 : i32
      %mul3A_1502 = arith.muli %scan3A_1499, %mul3A_1501 : i32
      %get3A_1503 = arith.constant 0 : i32
      %get3A_1504 = arith.index_cast %get3A_1503 : i32 to index
      %get3A_1505 = arith.index_cast %mul3A_1502 : i32 to index
      %get3A_1506 = tpu.vector_load %arg5[%get3A_1504, %get3A_1505] {strides = array<i32>} : memref<2x8000xf32, #tpu.memory_space<vmem>>, vector<16xf32>,
      %get3A_1507 = arith.constant 0 : i32
      %get3A_1508 = arith.index_cast %get3A_1507 : i32 to index
      %get3A_1509 = arith.index_cast %mul3A_1502 : i32 to index
      %get3A_1510 = tpu.vector_load %arg6[%get3A_1508, %get3A_1509] {strides = array<i32>} : memref<2x8000xf32, #tpu.memory_space<vmem>>, vector<16xf32>,
      %get3A_1511 = arith.constant 0 : i32
      %get3A_1512 = arith.index_cast %get3A_1511 : i32 to index
      %get3A_1513 = arith.index_cast %mul3A_1502 : i32 to index
      %get3A_1514 = tpu.vector_load %arg7[%get3A_1512, %get3A_1513] {strides = array<i32>} : memref<2x8000xi32, #tpu.memory_space<vmem>>, vector<16xi32>,
      %gt3A_1515 = arith.cmpf ogt, %get3A_1510, %get3A_1506 : vector<16xf32>
      %gt3A_1516 = arith.constant 0 : i32
      %gt3A_1517 = vector.broadcast %gt3A_1516 : i32 to vector<16xi32>
      %gt3A_1518 = arith.cmpi sgt, %get3A_1514, %gt3A_1517 : vector<16xi32>
      %eq3A_1519 = arith.xori %gt3A_1515, %gt3A_1518 : vector<16xi1>
      %eq3A_1520 = arith.constant dense<true> : vector<16xi1>
      %eq3A_1521 = arith.xori %eq3A_1519, %eq3A_1520 : vector<16xi1>
      %jit3A_1522 = arith.constant 1.000000e+00 : f32
      %jit3A_1523 = arith.constant 0.000000e+00 : f32
      %broadcast_in_dim3A_1524 = vector.broadcast %jit3A_1522 : f32 to vector<16xf32>
      %broadcast_in_dim3A_1525 = vector.broadcast %jit3A_1523 : f32 to vector<16xf32>
      %select_n3A_1526 = arith.select %eq3A_1521, %broadcast_in_dim3A_1524, %broadcast_in_dim3A_1525 : vector<16xi1>, vector<16xf32>
      %add3A_1527 = arith.addf %scan3A_1500, %select_n3A_1526 : vector<16xf32>
      %scan3A_1528 = arith.constant 1 : i32
      %scan3A_1529 = arith.addi %scan3A_1499, %scan3A_1528 : i32
      %mul3A_1530 = arith.constant 16 : i32
      %mul3A_1531 = arith.muli %scan3A_1529, %mul3A_1530 : i32
      %get3A_1532 = arith.constant 0 : i32
      %get3A_1533 = arith.index_cast %get3A_1532 : i32 to index
      %get3A_1534 = arith.index_cast %mul3A_1531 : i32 to index
      %get3A_1535 = tpu.vector_load %arg5[%get3A_1533, %get3A_1534] {strides = array<i32>} : memref<2x8000xf32, #tpu.memory_space<vmem>>, vector<16xf32>,
      %get3A_1536 = arith.constant 0 : i32
      %get3A_1537 = arith.index_cast %get3A_1536 : i32 to index
      %get3A_1538 = arith.index_cast %mul3A_1531 : i32 to index
      %get3A_1539 = tpu.vector_load %arg6[%get3A_1537, %get3A_1538] {strides = array<i32>} : memref<2x8000xf32, #tpu.memory_space<vmem>>, vector<16xf32>,
      %get3A_1540 = arith.constant 0 : i32
      %get3A_1541 = arith.index_cast %get3A_1540 : i32 to index
      %get3A_1542 = arith.index_cast %mul3A_1531 : i32 to index
      %get3A_1543 = tpu.vector_load %arg7[%get3A_1541, %get3A_1542] {strides = array<i32>} : memref<2x8000xi32, #tpu.memory_space<vmem>>, vector<16xi32>,
      %gt3A_1544 = arith.cmpf ogt, %get3A_1539, %get3A_1535 : vector<16xf32>
      %gt3A_1545 = arith.constant 0 : i32
      %gt3A_1546 = vector.broadcast %gt3A_1545 : i32 to vector<16xi32>
      %gt3A_1547 = arith.cmpi sgt, %get3A_1543, %gt3A_1546 : vector<16xi32>
      %eq3A_1548 = arith.xori %gt3A_1544, %gt3A_1547 : vector<16xi1>
      %eq3A_1549 = arith.constant dense<true> : vector<16xi1>
      %eq3A_1550 = arith.xori %eq3A_1548, %eq3A_1549 : vector<16xi1>
      %jit3A_1551 = arith.constant 1.000000e+00 : f32
      %jit3A_1552 = arith.constant 0.000000e+00 : f32
      %broadcast_in_dim3A_1553 = vector.broadcast %jit3A_1551 : f32 to vector<16xf32>
      %broadcast_in_dim3A_1554 = vector.broadcast %jit3A_1552 : f32 to vector<16xf32>
      %select_n3A_1555 = arith.select %eq3A_1550, %broadcast_in_dim3A_1553, %broadcast_in_dim3A_1554 : vector<16xi1>, vector<16xf32>
      %add3A_1556 = arith.addf %add3A_1527, %select_n3A_1555 : vector<16xf32>
      %scan3A_1557 = arith.constant 2 : i32
      %scan3A_1558 = arith.addi %scan3A_1499, %scan3A_1557 : i32
      %mul3A_1559 = arith.constant 16 : i32
      %mul3A_1560 = arith.muli %scan3A_1558, %mul3A_1559 : i32
      %get3A_1561 = arith.constant 0 : i32
      %get3A_1562 = arith.index_cast %get3A_1561 : i32 to index
      %get3A_1563 = arith.index_cast %mul3A_1560 : i32 to index
      %get3A_1564 = tpu.vector_load %arg5[%get3A_1562, %get3A_1563] {strides = array<i32>} : memref<2x8000xf32, #tpu.memory_space<vmem>>, vector<16xf32>,
      %get3A_1565 = arith.constant 0 : i32
      %get3A_1566 = arith.index_cast %get3A_1565 : i32 to index
      %get3A_1567 = arith.index_cast %mul3A_1560 : i32 to index
      %get3A_1568 = tpu.vector_load %arg6[%get3A_1566, %get3A_1567] {strides = array<i32>} : memref<2x8000xf32, #tpu.memory_space<vmem>>, vector<16xf32>,
      %get3A_1569 = arith.constant 0 : i32
      %get3A_1570 = arith.index_cast %get3A_1569 : i32 to index
      %get3A_1571 = arith.index_cast %mul3A_1560 : i32 to index
      %get3A_1572 = tpu.vector_load %arg7[%get3A_1570, %get3A_1571] {strides = array<i32>} : memref<2x8000xi32, #tpu.memory_space<vmem>>, vector<16xi32>,
      %gt3A_1573 = arith.cmpf ogt, %get3A_1568, %get3A_1564 : vector<16xf32>
      %gt3A_1574 = arith.constant 0 : i32
      %gt3A_1575 = vector.broadcast %gt3A_1574 : i32 to vector<16xi32>
      %gt3A_1576 = arith.cmpi sgt, %get3A_1572, %gt3A_1575 : vector<16xi32>
      %eq3A_1577 = arith.xori %gt3A_1573, %gt3A_1576 : vector<16xi1>
      %eq3A_1578 = arith.constant dense<true> : vector<16xi1>
      %eq3A_1579 = arith.xori %eq3A_1577, %eq3A_1578 : vector<16xi1>
      %jit3A_1580 = arith.constant 1.000000e+00 : f32
      %jit3A_1581 = arith.constant 0.000000e+00 : f32
      %broadcast_in_dim3A_1582 = vector.broadcast %jit3A_1580 : f32 to vector<16xf32>
      %broadcast_in_dim3A_1583 = vector.broadcast %jit3A_1581 : f32 to vector<16xf32>
      %select_n3A_1584 = arith.select %eq3A_1579, %broadcast_in_dim3A_1582, %broadcast_in_dim3A_1583 : vector<16xi1>, vector<16xf32>
      %add3A_1585 = arith.addf %add3A_1556, %select_n3A_1584 : vector<16xf32>
      %scan3A_1586 = arith.constant 3 : i32
      %scan3A_1587 = arith.addi %scan3A_1499, %scan3A_1586 : i32
      %mul3A_1588 = arith.constant 16 : i32
      %mul3A_1589 = arith.muli %scan3A_1587, %mul3A_1588 : i32
      %get3A_1590 = arith.constant 0 : i32
      %get3A_1591 = arith.index_cast %get3A_1590 : i32 to index
      %get3A_1592 = arith.index_cast %mul3A_1589 : i32 to index
      %get3A_1593 = tpu.vector_load %arg5[%get3A_1591, %get3A_1592] {strides = array<i32>} : memref<2x8000xf32, #tpu.memory_space<vmem>>, vector<16xf32>,
      %get3A_1594 = arith.constant 0 : i32
      %get3A_1595 = arith.index_cast %get3A_1594 : i32 to index
      %get3A_1596 = arith.index_cast %mul3A_1589 : i32 to index
      %get3A_1597 = tpu.vector_load %arg6[%get3A_1595, %get3A_1596] {strides = array<i32>} : memref<2x8000xf32, #tpu.memory_space<vmem>>, vector<16xf32>,
      %get3A_1598 = arith.constant 0 : i32
      %get3A_1599 = arith.index_cast %get3A_1598 : i32 to index
      %get3A_1600 = arith.index_cast %mul3A_1589 : i32 to index
      %get3A_1601 = tpu.vector_load %arg7[%get3A_1599, %get3A_1600] {strides = array<i32>} : memref<2x8000xi32, #tpu.memory_space<vmem>>, vector<16xi32>,
      %gt3A_1602 = arith.cmpf ogt, %get3A_1597, %get3A_1593 : vector<16xf32>
      %gt3A_1603 = arith.constant 0 : i32
      %gt3A_1604 = vector.broadcast %gt3A_1603 : i32 to vector<16xi32>
      %gt3A_1605 = arith.cmpi sgt, %get3A_1601, %gt3A_1604 : vector<16xi32>
      %eq3A_1606 = arith.xori %gt3A_1602, %gt3A_1605 : vector<16xi1>
      %eq3A_1607 = arith.constant dense<true> : vector<16xi1>
      %eq3A_1608 = arith.xori %eq3A_1606, %eq3A_1607 : vector<16xi1>
      %jit3A_1609 = arith.constant 1.000000e+00 : f32
      %jit3A_1610 = arith.constant 0.000000e+00 : f32
      %broadcast_in_dim3A_1611 = vector.broadcast %jit3A_1609 : f32 to vector<16xf32>
      %broadcast_in_dim3A_1612 = vector.broadcast %jit3A_1610 : f32 to vector<16xf32>
      %select_n3A_1613 = arith.select %eq3A_1608, %broadcast_in_dim3A_1611, %broadcast_in_dim3A_1612 : vector<16xi1>, vector<16xf32>
      %add3A_1614 = arith.addf %add3A_1585, %select_n3A_1613 : vector<16xf32>
      %scan3A_1615 = arith.constant 4 : i32
      %scan3A_1616 = arith.addi %scan3A_1499, %scan3A_1615 : i32
      %mul3A_1617 = arith.constant 16 : i32
      %mul3A_1618 = arith.muli %scan3A_1616, %mul3A_1617 : i32
      %get3A_1619 = arith.constant 0 : i32
      %get3A_1620 = arith.index_cast %get3A_1619 : i32 to index
      %get3A_1621 = arith.index_cast %mul3A_1618 : i32 to index
      %get3A_1622 = tpu.vector_load %arg5[%get3A_1620, %get3A_1621] {strides = array<i32>} : memref<2x8000xf32, #tpu.memory_space<vmem>>, vector<16xf32>,
      %get3A_1623 = arith.constant 0 : i32
      %get3A_1624 = arith.index_cast %get3A_1623 : i32 to index
      %get3A_1625 = arith.index_cast %mul3A_1618 : i32 to index
      %get3A_1626 = tpu.vector_load %arg6[%get3A_1624, %get3A_1625] {strides = array<i32>} : memref<2x8000xf32, #tpu.memory_space<vmem>>, vector<16xf32>,
      %get3A_1627 = arith.constant 0 : i32
      %get3A_1628 = arith.index_cast %get3A_1627 : i32 to index
      %get3A_1629 = arith.index_cast %mul3A_1618 : i32 to index
      %get3A_1630 = tpu.vector_load %arg7[%get3A_1628, %get3A_1629] {strides = array<i32>} : memref<2x8000xi32, #tpu.memory_space<vmem>>, vector<16xi32>,
      %gt3A_1631 = arith.cmpf ogt, %get3A_1626, %get3A_1622 : vector<16xf32>
      %gt3A_1632 = arith.constant 0 : i32
      %gt3A_1633 = vector.broadcast %gt3A_1632 : i32 to vector<16xi32>
      %gt3A_1634 = arith.cmpi sgt, %get3A_1630, %gt3A_1633 : vector<16xi32>
      %eq3A_1635 = arith.xori %gt3A_1631, %gt3A_1634 : vector<16xi1>
      %eq3A_1636 = arith.constant dense<true> : vector<16xi1>
      %eq3A_1637 = arith.xori %eq3A_1635, %eq3A_1636 : vector<16xi1>
      %jit3A_1638 = arith.constant 1.000000e+00 : f32
      %jit3A_1639 = arith.constant 0.000000e+00 : f32
      %broadcast_in_dim3A_1640 = vector.broadcast %jit3A_1638 : f32 to vector<16xf32>
      %broadcast_in_dim3A_1641 = vector.broadcast %jit3A_1639 : f32 to vector<16xf32>
      %select_n3A_1642 = arith.select %eq3A_1637, %broadcast_in_dim3A_1640, %broadcast_in_dim3A_1641 : vector<16xi1>, vector<16xf32>
      %add3A_1643 = arith.addf %add3A_1614, %select_n3A_1642 : vector<16xf32>
      %scan3A_1644 = arith.constant 5 : i32
      %scan3A_1645 = arith.addi %scan3A_1499, %scan3A_1644 : i32
      %mul3A_1646 = arith.constant 16 : i32
      %mul3A_1647 = arith.muli %scan3A_1645, %mul3A_1646 : i32
      %get3A_1648 = arith.constant 0 : i32
      %get3A_1649 = arith.index_cast %get3A_1648 : i32 to index
      %get3A_1650 = arith.index_cast %mul3A_1647 : i32 to index
      %get3A_1651 = tpu.vector_load %arg5[%get3A_1649, %get3A_1650] {strides = array<i32>} : memref<2x8000xf32, #tpu.memory_space<vmem>>, vector<16xf32>,
      %get3A_1652 = arith.constant 0 : i32
      %get3A_1653 = arith.index_cast %get3A_1652 : i32 to index
      %get3A_1654 = arith.index_cast %mul3A_1647 : i32 to index
      %get3A_1655 = tpu.vector_load %arg6[%get3A_1653, %get3A_1654] {strides = array<i32>} : memref<2x8000xf32, #tpu.memory_space<vmem>>, vector<16xf32>,
      %get3A_1656 = arith.constant 0 : i32
      %get3A_1657 = arith.index_cast %get3A_1656 : i32 to index
      %get3A_1658 = arith.index_cast %mul3A_1647 : i32 to index
      %get3A_1659 = tpu.vector_load %arg7[%get3A_1657, %get3A_1658] {strides = array<i32>} : memref<2x8000xi32, #tpu.memory_space<vmem>>, vector<16xi32>,
      %gt3A_1660 = arith.cmpf ogt, %get3A_1655, %get3A_1651 : vector<16xf32>
      %gt3A_1661 = arith.constant 0 : i32
      %gt3A_1662 = vector.broadcast %gt3A_1661 : i32 to vector<16xi32>
      %gt3A_1663 = arith.cmpi sgt, %get3A_1659, %gt3A_1662 : vector<16xi32>
      %eq3A_1664 = arith.xori %gt3A_1660, %gt3A_1663 : vector<16xi1>
      %eq3A_1665 = arith.constant dense<true> : vector<16xi1>
      %eq3A_1666 = arith.xori %eq3A_1664, %eq3A_1665 : vector<16xi1>
      %jit3A_1667 = arith.constant 1.000000e+00 : f32
      %jit3A_1668 = arith.constant 0.000000e+00 : f32
      %broadcast_in_dim3A_1669 = vector.broadcast %jit3A_1667 : f32 to vector<16xf32>
      %broadcast_in_dim3A_1670 = vector.broadcast %jit3A_1668 : f32 to vector<16xf32>
      %select_n3A_1671 = arith.select %eq3A_1666, %broadcast_in_dim3A_1669, %broadcast_in_dim3A_1670 : vector<16xi1>, vector<16xf32>
      %add3A_1672 = arith.addf %add3A_1643, %select_n3A_1671 : vector<16xf32>
      %scan3A_1673 = arith.constant 6 : i32
      %scan3A_1674 = arith.addi %scan3A_1499, %scan3A_1673 : i32
      %mul3A_1675 = arith.constant 16 : i32
      %mul3A_1676 = arith.muli %scan3A_1674, %mul3A_1675 : i32
      %get3A_1677 = arith.constant 0 : i32
      %get3A_1678 = arith.index_cast %get3A_1677 : i32 to index
      %get3A_1679 = arith.index_cast %mul3A_1676 : i32 to index
      %get3A_1680 = tpu.vector_load %arg5[%get3A_1678, %get3A_1679] {strides = array<i32>} : memref<2x8000xf32, #tpu.memory_space<vmem>>, vector<16xf32>,
      %get3A_1681 = arith.constant 0 : i32
      %get3A_1682 = arith.index_cast %get3A_1681 : i32 to index
      %get3A_1683 = arith.index_cast %mul3A_1676 : i32 to index
      %get3A_1684 = tpu.vector_load %arg6[%get3A_1682, %get3A_1683] {strides = array<i32>} : memref<2x8000xf32, #tpu.memory_space<vmem>>, vector<16xf32>,
      %get3A_1685 = arith.constant 0 : i32
      %get3A_1686 = arith.index_cast %get3A_1685 : i32 to index
      %get3A_1687 = arith.index_cast %mul3A_1676 : i32 to index
      %get3A_1688 = tpu.vector_load %arg7[%get3A_1686, %get3A_1687] {strides = array<i32>} : memref<2x8000xi32, #tpu.memory_space<vmem>>, vector<16xi32>,
      %gt3A_1689 = arith.cmpf ogt, %get3A_1684, %get3A_1680 : vector<16xf32>
      %gt3A_1690 = arith.constant 0 : i32
      %gt3A_1691 = vector.broadcast %gt3A_1690 : i32 to vector<16xi32>
      %gt3A_1692 = arith.cmpi sgt, %get3A_1688, %gt3A_1691 : vector<16xi32>
      %eq3A_1693 = arith.xori %gt3A_1689, %gt3A_1692 : vector<16xi1>
      %eq3A_1694 = arith.constant dense<true> : vector<16xi1>
      %eq3A_1695 = arith.xori %eq3A_1693, %eq3A_1694 : vector<16xi1>
      %jit3A_1696 = arith.constant 1.000000e+00 : f32
      %jit3A_1697 = arith.constant 0.000000e+00 : f32
      %broadcast_in_dim3A_1698 = vector.broadcast %jit3A_1696 : f32 to vector<16xf32>
      %broadcast_in_dim3A_1699 = vector.broadcast %jit3A_1697 : f32 to vector<16xf32>
      %select_n3A_1700 = arith.select %eq3A_1695, %broadcast_in_dim3A_1698, %broadcast_in_dim3A_1699 : vector<16xi1>, vector<16xf32>
      %add3A_1701 = arith.addf %add3A_1672, %select_n3A_1700 : vector<16xf32>
      %scan3A_1702 = arith.constant 7 : i32
      %scan3A_1703 = arith.addi %scan3A_1499, %scan3A_1702 : i32
      %mul3A_1704 = arith.constant 16 : i32
      %mul3A_1705 = arith.muli %scan3A_1703, %mul3A_1704 : i32
      %get3A_1706 = arith.constant 0 : i32
      %get3A_1707 = arith.index_cast %get3A_1706 : i32 to index
      %get3A_1708 = arith.index_cast %mul3A_1705 : i32 to index
      %get3A_1709 = tpu.vector_load %arg5[%get3A_1707, %get3A_1708] {strides = array<i32>} : memref<2x8000xf32, #tpu.memory_space<vmem>>, vector<16xf32>,
      %get3A_1710 = arith.constant 0 : i32
      %get3A_1711 = arith.index_cast %get3A_1710 : i32 to index
      %get3A_1712 = arith.index_cast %mul3A_1705 : i32 to index
      %get3A_1713 = tpu.vector_load %arg6[%get3A_1711, %get3A_1712] {strides = array<i32>} : memref<2x8000xf32, #tpu.memory_space<vmem>>, vector<16xf32>,
      %get3A_1714 = arith.constant 0 : i32
      %get3A_1715 = arith.index_cast %get3A_1714 : i32 to index
      %get3A_1716 = arith.index_cast %mul3A_1705 : i32 to index
      %get3A_1717 = tpu.vector_load %arg7[%get3A_1715, %get3A_1716] {strides = array<i32>} : memref<2x8000xi32, #tpu.memory_space<vmem>>, vector<16xi32>,
      %gt3A_1718 = arith.cmpf ogt, %get3A_1713, %get3A_1709 : vector<16xf32>
      %gt3A_1719 = arith.constant 0 : i32
      %gt3A_1720 = vector.broadcast %gt3A_1719 : i32 to vector<16xi32>
      %gt3A_1721 = arith.cmpi sgt, %get3A_1717, %gt3A_1720 : vector<16xi32>
      %eq3A_1722 = arith.xori %gt3A_1718, %gt3A_1721 : vector<16xi1>
      %eq3A_1723 = arith.constant dense<true> : vector<16xi1>
      %eq3A_1724 = arith.xori %eq3A_1722, %eq3A_1723 : vector<16xi1>
      %jit3A_1725 = arith.constant 1.000000e+00 : f32
      %jit3A_1726 = arith.constant 0.000000e+00 : f32
      %broadcast_in_dim3A_1727 = vector.broadcast %jit3A_1725 : f32 to vector<16xf32>
      %broadcast_in_dim3A_1728 = vector.broadcast %jit3A_1726 : f32 to vector<16xf32>
      %select_n3A_1729 = arith.select %eq3A_1724, %broadcast_in_dim3A_1727, %broadcast_in_dim3A_1728 : vector<16xi1>, vector<16xf32>
      %add3A_1730 = arith.addf %add3A_1701, %select_n3A_1729 : vector<16xf32>
      scf.yield %add3A_1730 : vector<16xf32>
    }
    %scan3A_507 = arith.constant 496 : i32
    %scan3A_508 = arith.addi %scan3A_502, %scan3A_507 : i32
    %mul3A_509 = arith.constant 16 : i32
    %mul3A_510 = arith.muli %scan3A_508, %mul3A_509 : i32
    %get3A_511 = arith.constant 0 : i32
    %get3A_512 = arith.index_cast %get3A_511 : i32 to index
    %get3A_513 = arith.index_cast %mul3A_510 : i32 to index
    %get3A_514 = tpu.vector_load %arg5[%get3A_512, %get3A_513] {strides = array<i32>} : memref<2x8000xf32, #tpu.memory_space<vmem>>, vector<16xf32>,
    %get3A_515 = arith.constant 0 : i32
    %get3A_516 = arith.index_cast %get3A_515 : i32 to index
    %get3A_517 = arith.index_cast %mul3A_510 : i32 to index
    %get3A_518 = tpu.vector_load %arg6[%get3A_516, %get3A_517] {strides = array<i32>} : memref<2x8000xf32, #tpu.memory_space<vmem>>, vector<16xf32>,
    %get3A_519 = arith.constant 0 : i32
    %get3A_520 = arith.index_cast %get3A_519 : i32 to index
    %get3A_521 = arith.index_cast %mul3A_510 : i32 to index
    %get3A_522 = tpu.vector_load %arg7[%get3A_520, %get3A_521] {strides = array<i32>} : memref<2x8000xi32, #tpu.memory_space<vmem>>, vector<16xi32>,
    %gt3A_523 = arith.cmpf ogt, %get3A_518, %get3A_514 : vector<16xf32>
    %gt3A_524 = arith.constant 0 : i32
    %gt3A_525 = vector.broadcast %gt3A_524 : i32 to vector<16xi32>
    %gt3A_526 = arith.cmpi sgt, %get3A_522, %gt3A_525 : vector<16xi32>
    %eq3A_527 = arith.xori %gt3A_523, %gt3A_526 : vector<16xi1>
    %eq3A_528 = arith.constant dense<true> : vector<16xi1>
    %eq3A_529 = arith.xori %eq3A_527, %eq3A_528 : vector<16xi1>
    %jit3A_530 = arith.constant 1.000000e+00 : f32
    %jit3A_531 = arith.constant 0.000000e+00 : f32
    %broadcast_in_dim3A_532 = vector.broadcast %jit3A_530 : f32 to vector<16xf32>
    %broadcast_in_dim3A_533 = vector.broadcast %jit3A_531 : f32 to vector<16xf32>
    %select_n3A_534 = arith.select %eq3A_529, %broadcast_in_dim3A_532, %broadcast_in_dim3A_533 : vector<16xi1>, vector<16xf32>
    %add3A_535 = arith.addf %scan3A_506, %select_n3A_534 : vector<16xf32>
    %scan3A_536 = arith.constant 497 : i32
    %scan3A_537 = arith.addi %scan3A_502, %scan3A_536 : i32
    %mul3A_538 = arith.constant 16 : i32
    %mul3A_539 = arith.muli %scan3A_537, %mul3A_538 : i32
    %get3A_540 = arith.constant 0 : i32
    %get3A_541 = arith.index_cast %get3A_540 : i32 to index
    %get3A_542 = arith.index_cast %mul3A_539 : i32 to index
    %get3A_543 = tpu.vector_load %arg5[%get3A_541, %get3A_542] {strides = array<i32>} : memref<2x8000xf32, #tpu.memory_space<vmem>>, vector<16xf32>,
    %get3A_544 = arith.constant 0 : i32
    %get3A_545 = arith.index_cast %get3A_544 : i32 to index
    %get3A_546 = arith.index_cast %mul3A_539 : i32 to index
    %get3A_547 = tpu.vector_load %arg6[%get3A_545, %get3A_546] {strides = array<i32>} : memref<2x8000xf32, #tpu.memory_space<vmem>>, vector<16xf32>,
    %get3A_548 = arith.constant 0 : i32
    %get3A_549 = arith.index_cast %get3A_548 : i32 to index
    %get3A_550 = arith.index_cast %mul3A_539 : i32 to index
    %get3A_551 = tpu.vector_load %arg7[%get3A_549, %get3A_550] {strides = array<i32>} : memref<2x8000xi32, #tpu.memory_space<vmem>>, vector<16xi32>,
    %gt3A_552 = arith.cmpf ogt, %get3A_547, %get3A_543 : vector<16xf32>
    %gt3A_553 = arith.constant 0 : i32
    %gt3A_554 = vector.broadcast %gt3A_553 : i32 to vector<16xi32>
    %gt3A_555 = arith.cmpi sgt, %get3A_551, %gt3A_554 : vector<16xi32>
    %eq3A_556 = arith.xori %gt3A_552, %gt3A_555 : vector<16xi1>
    %eq3A_557 = arith.constant dense<true> : vector<16xi1>
    %eq3A_558 = arith.xori %eq3A_556, %eq3A_557 : vector<16xi1>
    %jit3A_559 = arith.constant 1.000000e+00 : f32
    %jit3A_560 = arith.constant 0.000000e+00 : f32
    %broadcast_in_dim3A_561 = vector.broadcast %jit3A_559 : f32 to vector<16xf32>
    %broadcast_in_dim3A_562 = vector.broadcast %jit3A_560 : f32 to vector<16xf32>
    %select_n3A_563 = arith.select %eq3A_558, %broadcast_in_dim3A_561, %broadcast_in_dim3A_562 : vector<16xi1>, vector<16xf32>
    %add3A_564 = arith.addf %add3A_535, %select_n3A_563 : vector<16xf32>
    %scan3A_565 = arith.constant 498 : i32
    %scan3A_566 = arith.addi %scan3A_502, %scan3A_565 : i32
    %mul3A_567 = arith.constant 16 : i32
    %mul3A_568 = arith.muli %scan3A_566, %mul3A_567 : i32
    %get3A_569 = arith.constant 0 : i32
    %get3A_570 = arith.index_cast %get3A_569 : i32 to index
    %get3A_571 = arith.index_cast %mul3A_568 : i32 to index
    %get3A_572 = tpu.vector_load %arg5[%get3A_570, %get3A_571] {strides = array<i32>} : memref<2x8000xf32, #tpu.memory_space<vmem>>, vector<16xf32>,
    %get3A_573 = arith.constant 0 : i32
    %get3A_574 = arith.index_cast %get3A_573 : i32 to index
    %get3A_575 = arith.index_cast %mul3A_568 : i32 to index
    %get3A_576 = tpu.vector_load %arg6[%get3A_574, %get3A_575] {strides = array<i32>} : memref<2x8000xf32, #tpu.memory_space<vmem>>, vector<16xf32>,
    %get3A_577 = arith.constant 0 : i32
    %get3A_578 = arith.index_cast %get3A_577 : i32 to index
    %get3A_579 = arith.index_cast %mul3A_568 : i32 to index
    %get3A_580 = tpu.vector_load %arg7[%get3A_578, %get3A_579] {strides = array<i32>} : memref<2x8000xi32, #tpu.memory_space<vmem>>, vector<16xi32>,
    %gt3A_581 = arith.cmpf ogt, %get3A_576, %get3A_572 : vector<16xf32>
    %gt3A_582 = arith.constant 0 : i32
    %gt3A_583 = vector.broadcast %gt3A_582 : i32 to vector<16xi32>
    %gt3A_584 = arith.cmpi sgt, %get3A_580, %gt3A_583 : vector<16xi32>
    %eq3A_585 = arith.xori %gt3A_581, %gt3A_584 : vector<16xi1>
    %eq3A_586 = arith.constant dense<true> : vector<16xi1>
    %eq3A_587 = arith.xori %eq3A_585, %eq3A_586 : vector<16xi1>
    %jit3A_588 = arith.constant 1.000000e+00 : f32
    %jit3A_589 = arith.constant 0.000000e+00 : f32
    %broadcast_in_dim3A_590 = vector.broadcast %jit3A_588 : f32 to vector<16xf32>
    %broadcast_in_dim3A_591 = vector.broadcast %jit3A_589 : f32 to vector<16xf32>
    %select_n3A_592 = arith.select %eq3A_587, %broadcast_in_dim3A_590, %broadcast_in_dim3A_591 : vector<16xi1>, vector<16xf32>
    %add3A_593 = arith.addf %add3A_564, %select_n3A_592 : vector<16xf32>
    %scan3A_594 = arith.constant 499 : i32
    %scan3A_595 = arith.addi %scan3A_502, %scan3A_594 : i32
    %mul3A_596 = arith.constant 16 : i32
    %mul3A_597 = arith.muli %scan3A_595, %mul3A_596 : i32
    %get3A_598 = arith.constant 0 : i32
    %get3A_599 = arith.index_cast %get3A_598 : i32 to index
    %get3A_600 = arith.index_cast %mul3A_597 : i32 to index
    %get3A_601 = tpu.vector_load %arg5[%get3A_599, %get3A_600] {strides = array<i32>} : memref<2x8000xf32, #tpu.memory_space<vmem>>, vector<16xf32>,
    %get3A_602 = arith.constant 0 : i32
    %get3A_603 = arith.index_cast %get3A_602 : i32 to index
    %get3A_604 = arith.index_cast %mul3A_597 : i32 to index
    %get3A_605 = tpu.vector_load %arg6[%get3A_603, %get3A_604] {strides = array<i32>} : memref<2x8000xf32, #tpu.memory_space<vmem>>, vector<16xf32>,
    %get3A_606 = arith.constant 0 : i32
    %get3A_607 = arith.index_cast %get3A_606 : i32 to index
    %get3A_608 = arith.index_cast %mul3A_597 : i32 to index
    %get3A_609 = tpu.vector_load %arg7[%get3A_607, %get3A_608] {strides = array<i32>} : memref<2x8000xi32, #tpu.memory_space<vmem>>, vector<16xi32>,
    %gt3A_610 = arith.cmpf ogt, %get3A_605, %get3A_601 : vector<16xf32>
    %gt3A_611 = arith.constant 0 : i32
    %gt3A_612 = vector.broadcast %gt3A_611 : i32 to vector<16xi32>
    %gt3A_613 = arith.cmpi sgt, %get3A_609, %gt3A_612 : vector<16xi32>
    %eq3A_614 = arith.xori %gt3A_610, %gt3A_613 : vector<16xi1>
    %eq3A_615 = arith.constant dense<true> : vector<16xi1>
    %eq3A_616 = arith.xori %eq3A_614, %eq3A_615 : vector<16xi1>
    %jit3A_617 = arith.constant 1.000000e+00 : f32
    %jit3A_618 = arith.constant 0.000000e+00 : f32
    %broadcast_in_dim3A_619 = vector.broadcast %jit3A_617 : f32 to vector<16xf32>
    %broadcast_in_dim3A_620 = vector.broadcast %jit3A_618 : f32 to vector<16xf32>
    %select_n3A_621 = arith.select %eq3A_616, %broadcast_in_dim3A_619, %broadcast_in_dim3A_620 : vector<16xi1>, vector<16xf32>
    %add3A_622 = arith.addf %add3A_593, %select_n3A_621 : vector<16xf32>
    %scan3A_623 = arith.constant 500 : i32
    %add3A_624 = arith.constant 4 : i32
    %add3A_625 = arith.addi %add3A_4, %add3A_624 : i32
    %mul3A_626 = arith.constant 8000 : i32
    %mul3A_627 = arith.muli %add3A_625, %mul3A_626 : i32
    %dma_start3A_628 = arith.constant 0 : i32
    %dma_start3A_629 = arith.constant 0 : i32
    %dma_start3A_630 = arith.constant 0 : i32
    %dma_start3A_631 = tpu.memref_slice %arg5[%dma_start3A_629, %dma_start3A_630] : memref<2x8000xf32, #tpu.memory_space<vmem>> -> memref<1x8000xf32, #tpu.memory_space<vmem>>
    %dma_start3A_632 = tpu.memref_squeeze %dma_start3A_631 : memref<1x8000xf32, #tpu.memory_space<vmem>> -> memref<8000xf32, #tpu.memory_space<vmem>>
    %dma_start3A_633 = tpu.memref_slice %arg2[%dma_start3A_628, %mul3A_627] : memref<2x2000000xf32, #tpu.memory_space<hbm>> -> memref<1x8000xf32, #tpu.memory_space<hbm>>
    %dma_start3A_634 = tpu.memref_squeeze %dma_start3A_633 : memref<1x8000xf32, #tpu.memory_space<hbm>> -> memref<8000xf32, #tpu.memory_space<hbm>>
    %dma_start3A_635 = arith.constant 0 : i32
    %dma_start3A_636 = tpu.memref_slice %arg5[%dma_start3A_629, %dma_start3A_635] : memref<2x8000xf32, #tpu.memory_space<vmem>> -> memref<1x8000xf32, #tpu.memory_space<vmem>>
    %dma_start3A_637 = tpu.memref_squeeze %dma_start3A_636 : memref<1x8000xf32, #tpu.memory_space<vmem>> -> memref<8000xf32, #tpu.memory_space<vmem>>
    %dma_start3A_638 = tpu.memref_slice %arg2[%dma_start3A_628, %mul3A_627] : memref<2x2000000xf32, #tpu.memory_space<hbm>> -> memref<1x8000xf32, #tpu.memory_space<hbm>>
    %dma_start3A_639 = tpu.memref_squeeze %dma_start3A_638 : memref<1x8000xf32, #tpu.memory_space<hbm>> -> memref<8000xf32, #tpu.memory_space<hbm>>
    tpu.enqueue_dma source(%dma_start3A_639 : memref<8000xf32, #tpu.memory_space<hbm>>) target(%dma_start3A_637 : memref<8000xf32, #tpu.memory_space<vmem>>) target_semaphore(%arg9 : memref<!tpu.dma_semaphore, #tpu.memory_space<semaphore_mem>>)
    %dma_start3A_640 = arith.constant 1 : i32
    %dma_start3A_641 = arith.constant 0 : i32
    %dma_start3A_642 = arith.constant 0 : i32
    %dma_start3A_643 = tpu.memref_slice %arg6[%dma_start3A_641, %dma_start3A_642] : memref<2x8000xf32, #tpu.memory_space<vmem>> -> memref<1x8000xf32, #tpu.memory_space<vmem>>
    %dma_start3A_644 = tpu.memref_squeeze %dma_start3A_643 : memref<1x8000xf32, #tpu.memory_space<vmem>> -> memref<8000xf32, #tpu.memory_space<vmem>>
    %dma_start3A_645 = tpu.memref_slice %arg2[%dma_start3A_640, %mul3A_627] : memref<2x2000000xf32, #tpu.memory_space<hbm>> -> memref<1x8000xf32, #tpu.memory_space<hbm>>
    %dma_start3A_646 = tpu.memref_squeeze %dma_start3A_645 : memref<1x8000xf32, #tpu.memory_space<hbm>> -> memref<8000xf32, #tpu.memory_space<hbm>>
    %dma_start3A_647 = arith.constant 0 : i32
    %dma_start3A_648 = tpu.memref_slice %arg6[%dma_start3A_641, %dma_start3A_647] : memref<2x8000xf32, #tpu.memory_space<vmem>> -> memref<1x8000xf32, #tpu.memory_space<vmem>>
    %dma_start3A_649 = tpu.memref_squeeze %dma_start3A_648 : memref<1x8000xf32, #tpu.memory_space<vmem>> -> memref<8000xf32, #tpu.memory_space<vmem>>
    %dma_start3A_650 = tpu.memref_slice %arg2[%dma_start3A_640, %mul3A_627] : memref<2x2000000xf32, #tpu.memory_space<hbm>> -> memref<1x8000xf32, #tpu.memory_space<hbm>>
    %dma_start3A_651 = tpu.memref_squeeze %dma_start3A_650 : memref<1x8000xf32, #tpu.memory_space<hbm>> -> memref<8000xf32, #tpu.memory_space<hbm>>
    tpu.enqueue_dma source(%dma_start3A_651 : memref<8000xf32, #tpu.memory_space<hbm>>) target(%dma_start3A_649 : memref<8000xf32, #tpu.memory_space<vmem>>) target_semaphore(%arg9 : memref<!tpu.dma_semaphore, #tpu.memory_space<semaphore_mem>>)
    %dma_start3A_652 = arith.constant 0 : i32
    %dma_start3A_653 = arith.constant 0 : i32
    %dma_start3A_654 = tpu.memref_slice %arg7[%dma_start3A_652, %dma_start3A_653] : memref<2x8000xi32, #tpu.memory_space<vmem>> -> memref<1x8000xi32, #tpu.memory_space<vmem>>
    %dma_start3A_655 = tpu.memref_squeeze %dma_start3A_654 : memref<1x8000xi32, #tpu.memory_space<vmem>> -> memref<8000xi32, #tpu.memory_space<vmem>>
    %dma_start3A_656 = tpu.memref_slice %arg3[%mul3A_627] : memref<2000000xi32, #tpu.memory_space<hbm>> -> memref<8000xi32, #tpu.memory_space<hbm>>
    %dma_start3A_657 = arith.constant 0 : i32
    %dma_start3A_658 = tpu.memref_slice %arg7[%dma_start3A_652, %dma_start3A_657] : memref<2x8000xi32, #tpu.memory_space<vmem>> -> memref<1x8000xi32, #tpu.memory_space<vmem>>
    %dma_start3A_659 = tpu.memref_squeeze %dma_start3A_658 : memref<1x8000xi32, #tpu.memory_space<vmem>> -> memref<8000xi32, #tpu.memory_space<vmem>>
    %dma_start3A_660 = tpu.memref_slice %arg3[%mul3A_627] : memref<2000000xi32, #tpu.memory_space<hbm>> -> memref<8000xi32, #tpu.memory_space<hbm>>
    tpu.enqueue_dma source(%dma_start3A_660 : memref<8000xi32, #tpu.memory_space<hbm>>) target(%dma_start3A_659 : memref<8000xi32, #tpu.memory_space<vmem>>) target_semaphore(%arg9 : memref<!tpu.dma_semaphore, #tpu.memory_space<semaphore_mem>>)
    %add3A_661 = arith.constant 3 : i32
    %add3A_662 = arith.addi %add3A_4, %add3A_661 : i32
    %mul3A_663 = arith.constant 8000 : i32
    %mul3A_664 = arith.muli %add3A_662, %mul3A_663 : i32
    %dma_wait3A_665 = arith.constant 0 : i32
    %dma_wait3A_666 = arith.constant 1 : i32
    %dma_wait3A_667 = arith.constant 0 : i32
    %dma_wait3A_668 = tpu.memref_slice %arg5[%dma_wait3A_666, %dma_wait3A_667] : memref<2x8000xf32, #tpu.memory_space<vmem>> -> memref<1x8000xf32, #tpu.memory_space<vmem>>
    %dma_wait3A_669 = tpu.memref_squeeze %dma_wait3A_668 : memref<1x8000xf32, #tpu.memory_space<vmem>> -> memref<8000xf32, #tpu.memory_space<vmem>>
    %dma_wait3A_670 = tpu.memref_slice %arg2[%dma_wait3A_665, %mul3A_664] : memref<2x2000000xf32, #tpu.memory_space<hbm>> -> memref<1x8000xf32, #tpu.memory_space<hbm>>
    %dma_wait3A_671 = tpu.memref_squeeze %dma_wait3A_670 : memref<1x8000xf32, #tpu.memory_space<hbm>> -> memref<8000xf32, #tpu.memory_space<hbm>>
    %dma_wait3A_672 = arith.constant 0 : i32
    %dma_wait3A_673 = tpu.memref_slice %arg5[%dma_wait3A_666, %dma_wait3A_672] : memref<2x8000xf32, #tpu.memory_space<vmem>> -> memref<1x8000xf32, #tpu.memory_space<vmem>>
    %dma_wait3A_674 = tpu.memref_squeeze %dma_wait3A_673 : memref<1x8000xf32, #tpu.memory_space<vmem>> -> memref<8000xf32, #tpu.memory_space<vmem>>
    %dma_wait3A_675 = tpu.memref_slice %arg2[%dma_wait3A_665, %mul3A_664] : memref<2x2000000xf32, #tpu.memory_space<hbm>> -> memref<1x8000xf32, #tpu.memory_space<hbm>>
    %dma_wait3A_676 = tpu.memref_squeeze %dma_wait3A_675 : memref<1x8000xf32, #tpu.memory_space<hbm>> -> memref<8000xf32, #tpu.memory_space<hbm>>
    tpu.wait_dma2 semaphore(%arg10 : memref<!tpu.dma_semaphore, #tpu.memory_space<semaphore_mem>>) src(%dma_wait3A_676 : memref<8000xf32, #tpu.memory_space<hbm>>) dst(%dma_wait3A_674 : memref<8000xf32, #tpu.memory_space<vmem>>)
    %dma_wait3A_677 = arith.constant 1 : i32
    %dma_wait3A_678 = arith.constant 1 : i32
    %dma_wait3A_679 = arith.constant 0 : i32
    %dma_wait3A_680 = tpu.memref_slice %arg6[%dma_wait3A_678, %dma_wait3A_679] : memref<2x8000xf32, #tpu.memory_space<vmem>> -> memref<1x8000xf32, #tpu.memory_space<vmem>>
    %dma_wait3A_681 = tpu.memref_squeeze %dma_wait3A_680 : memref<1x8000xf32, #tpu.memory_space<vmem>> -> memref<8000xf32, #tpu.memory_space<vmem>>
    %dma_wait3A_682 = tpu.memref_slice %arg2[%dma_wait3A_677, %mul3A_664] : memref<2x2000000xf32, #tpu.memory_space<hbm>> -> memref<1x8000xf32, #tpu.memory_space<hbm>>
    %dma_wait3A_683 = tpu.memref_squeeze %dma_wait3A_682 : memref<1x8000xf32, #tpu.memory_space<hbm>> -> memref<8000xf32, #tpu.memory_space<hbm>>
    %dma_wait3A_684 = arith.constant 0 : i32
    %dma_wait3A_685 = tpu.memref_slice %arg6[%dma_wait3A_678, %dma_wait3A_684] : memref<2x8000xf32, #tpu.memory_space<vmem>> -> memref<1x8000xf32, #tpu.memory_space<vmem>>
    %dma_wait3A_686 = tpu.memref_squeeze %dma_wait3A_685 : memref<1x8000xf32, #tpu.memory_space<vmem>> -> memref<8000xf32, #tpu.memory_space<vmem>>
    %dma_wait3A_687 = tpu.memref_slice %arg2[%dma_wait3A_677, %mul3A_664] : memref<2x2000000xf32, #tpu.memory_space<hbm>> -> memref<1x8000xf32, #tpu.memory_space<hbm>>
    %dma_wait3A_688 = tpu.memref_squeeze %dma_wait3A_687 : memref<1x8000xf32, #tpu.memory_space<hbm>> -> memref<8000xf32, #tpu.memory_space<hbm>>
    tpu.wait_dma2 semaphore(%arg10 : memref<!tpu.dma_semaphore, #tpu.memory_space<semaphore_mem>>) src(%dma_wait3A_688 : memref<8000xf32, #tpu.memory_space<hbm>>) dst(%dma_wait3A_686 : memref<8000xf32, #tpu.memory_space<vmem>>)
    %dma_wait3A_689 = arith.constant 1 : i32
    %dma_wait3A_690 = arith.constant 0 : i32
    %dma_wait3A_691 = tpu.memref_slice %arg7[%dma_wait3A_689, %dma_wait3A_690] : memref<2x8000xi32, #tpu.memory_space<vmem>> -> memref<1x8000xi32, #tpu.memory_space<vmem>>
    %dma_wait3A_692 = tpu.memref_squeeze %dma_wait3A_691 : memref<1x8000xi32, #tpu.memory_space<vmem>> -> memref<8000xi32, #tpu.memory_space<vmem>>
    %dma_wait3A_693 = tpu.memref_slice %arg3[%mul3A_664] : memref<2000000xi32, #tpu.memory_space<hbm>> -> memref<8000xi32, #tpu.memory_space<hbm>>
    %dma_wait3A_694 = arith.constant 0 : i32
    %dma_wait3A_695 = tpu.memref_slice %arg7[%dma_wait3A_689, %dma_wait3A_694] : memref<2x8000xi32, #tpu.memory_space<vmem>> -> memref<1x8000xi32, #tpu.memory_space<vmem>>
    %dma_wait3A_696 = tpu.memref_squeeze %dma_wait3A_695 : memref<1x8000xi32, #tpu.memory_space<vmem>> -> memref<8000xi32, #tpu.memory_space<vmem>>
    %dma_wait3A_697 = tpu.memref_slice %arg3[%mul3A_664] : memref<2000000xi32, #tpu.memory_space<hbm>> -> memref<8000xi32, #tpu.memory_space<hbm>>
    tpu.wait_dma2 semaphore(%arg10 : memref<!tpu.dma_semaphore, #tpu.memory_space<semaphore_mem>>) src(%dma_wait3A_697 : memref<8000xi32, #tpu.memory_space<hbm>>) dst(%dma_wait3A_696 : memref<8000xi32, #tpu.memory_space<vmem>>)
    %scan3A_698 = arith.constant 0 : i32
    %scan3A_699 = arith.constant 496 : i32
    %scan3A_700 = arith.addi %scan3A_698, %scan3A_699 : i32
    %scan3A_701 = arith.constant 8 : i32
    %scan3A_702 = scf.for %scan3A_1499 = %scan3A_698 to %scan3A_700 step %scan3A_701 iter_args(%scan3A_1500 = %add3A_622) -> (vector<16xf32>)  : i32 {
      %mul3A_1501 = arith.constant 16 : i32
      %mul3A_1502 = arith.muli %scan3A_1499, %mul3A_1501 : i32
      %get3A_1503 = arith.constant 1 : i32
      %get3A_1504 = arith.index_cast %get3A_1503 : i32 to index
      %get3A_1505 = arith.index_cast %mul3A_1502 : i32 to index
      %get3A_1506 = tpu.vector_load %arg5[%get3A_1504, %get3A_1505] {strides = array<i32>} : memref<2x8000xf32, #tpu.memory_space<vmem>>, vector<16xf32>,
      %get3A_1507 = arith.constant 1 : i32
      %get3A_1508 = arith.index_cast %get3A_1507 : i32 to index
      %get3A_1509 = arith.index_cast %mul3A_1502 : i32 to index
      %get3A_1510 = tpu.vector_load %arg6[%get3A_1508, %get3A_1509] {strides = array<i32>} : memref<2x8000xf32, #tpu.memory_space<vmem>>, vector<16xf32>,
      %get3A_1511 = arith.constant 1 : i32
      %get3A_1512 = arith.index_cast %get3A_1511 : i32 to index
      %get3A_1513 = arith.index_cast %mul3A_1502 : i32 to index
      %get3A_1514 = tpu.vector_load %arg7[%get3A_1512, %get3A_1513] {strides = array<i32>} : memref<2x8000xi32, #tpu.memory_space<vmem>>, vector<16xi32>,
      %gt3A_1515 = arith.cmpf ogt, %get3A_1510, %get3A_1506 : vector<16xf32>
      %gt3A_1516 = arith.constant 0 : i32
      %gt3A_1517 = vector.broadcast %gt3A_1516 : i32 to vector<16xi32>
      %gt3A_1518 = arith.cmpi sgt, %get3A_1514, %gt3A_1517 : vector<16xi32>
      %eq3A_1519 = arith.xori %gt3A_1515, %gt3A_1518 : vector<16xi1>
      %eq3A_1520 = arith.constant dense<true> : vector<16xi1>
      %eq3A_1521 = arith.xori %eq3A_1519, %eq3A_1520 : vector<16xi1>
      %jit3A_1522 = arith.constant 1.000000e+00 : f32
      %jit3A_1523 = arith.constant 0.000000e+00 : f32
      %broadcast_in_dim3A_1524 = vector.broadcast %jit3A_1522 : f32 to vector<16xf32>
      %broadcast_in_dim3A_1525 = vector.broadcast %jit3A_1523 : f32 to vector<16xf32>
      %select_n3A_1526 = arith.select %eq3A_1521, %broadcast_in_dim3A_1524, %broadcast_in_dim3A_1525 : vector<16xi1>, vector<16xf32>
      %add3A_1527 = arith.addf %scan3A_1500, %select_n3A_1526 : vector<16xf32>
      %scan3A_1528 = arith.constant 1 : i32
      %scan3A_1529 = arith.addi %scan3A_1499, %scan3A_1528 : i32
      %mul3A_1530 = arith.constant 16 : i32
      %mul3A_1531 = arith.muli %scan3A_1529, %mul3A_1530 : i32
      %get3A_1532 = arith.constant 1 : i32
      %get3A_1533 = arith.index_cast %get3A_1532 : i32 to index
      %get3A_1534 = arith.index_cast %mul3A_1531 : i32 to index
      %get3A_1535 = tpu.vector_load %arg5[%get3A_1533, %get3A_1534] {strides = array<i32>} : memref<2x8000xf32, #tpu.memory_space<vmem>>, vector<16xf32>,
      %get3A_1536 = arith.constant 1 : i32
      %get3A_1537 = arith.index_cast %get3A_1536 : i32 to index
      %get3A_1538 = arith.index_cast %mul3A_1531 : i32 to index
      %get3A_1539 = tpu.vector_load %arg6[%get3A_1537, %get3A_1538] {strides = array<i32>} : memref<2x8000xf32, #tpu.memory_space<vmem>>, vector<16xf32>,
      %get3A_1540 = arith.constant 1 : i32
      %get3A_1541 = arith.index_cast %get3A_1540 : i32 to index
      %get3A_1542 = arith.index_cast %mul3A_1531 : i32 to index
      %get3A_1543 = tpu.vector_load %arg7[%get3A_1541, %get3A_1542] {strides = array<i32>} : memref<2x8000xi32, #tpu.memory_space<vmem>>, vector<16xi32>,
      %gt3A_1544 = arith.cmpf ogt, %get3A_1539, %get3A_1535 : vector<16xf32>
      %gt3A_1545 = arith.constant 0 : i32
      %gt3A_1546 = vector.broadcast %gt3A_1545 : i32 to vector<16xi32>
      %gt3A_1547 = arith.cmpi sgt, %get3A_1543, %gt3A_1546 : vector<16xi32>
      %eq3A_1548 = arith.xori %gt3A_1544, %gt3A_1547 : vector<16xi1>
      %eq3A_1549 = arith.constant dense<true> : vector<16xi1>
      %eq3A_1550 = arith.xori %eq3A_1548, %eq3A_1549 : vector<16xi1>
      %jit3A_1551 = arith.constant 1.000000e+00 : f32
      %jit3A_1552 = arith.constant 0.000000e+00 : f32
      %broadcast_in_dim3A_1553 = vector.broadcast %jit3A_1551 : f32 to vector<16xf32>
      %broadcast_in_dim3A_1554 = vector.broadcast %jit3A_1552 : f32 to vector<16xf32>
      %select_n3A_1555 = arith.select %eq3A_1550, %broadcast_in_dim3A_1553, %broadcast_in_dim3A_1554 : vector<16xi1>, vector<16xf32>
      %add3A_1556 = arith.addf %add3A_1527, %select_n3A_1555 : vector<16xf32>
      %scan3A_1557 = arith.constant 2 : i32
      %scan3A_1558 = arith.addi %scan3A_1499, %scan3A_1557 : i32
      %mul3A_1559 = arith.constant 16 : i32
      %mul3A_1560 = arith.muli %scan3A_1558, %mul3A_1559 : i32
      %get3A_1561 = arith.constant 1 : i32
      %get3A_1562 = arith.index_cast %get3A_1561 : i32 to index
      %get3A_1563 = arith.index_cast %mul3A_1560 : i32 to index
      %get3A_1564 = tpu.vector_load %arg5[%get3A_1562, %get3A_1563] {strides = array<i32>} : memref<2x8000xf32, #tpu.memory_space<vmem>>, vector<16xf32>,
      %get3A_1565 = arith.constant 1 : i32
      %get3A_1566 = arith.index_cast %get3A_1565 : i32 to index
      %get3A_1567 = arith.index_cast %mul3A_1560 : i32 to index
      %get3A_1568 = tpu.vector_load %arg6[%get3A_1566, %get3A_1567] {strides = array<i32>} : memref<2x8000xf32, #tpu.memory_space<vmem>>, vector<16xf32>,
      %get3A_1569 = arith.constant 1 : i32
      %get3A_1570 = arith.index_cast %get3A_1569 : i32 to index
      %get3A_1571 = arith.index_cast %mul3A_1560 : i32 to index
      %get3A_1572 = tpu.vector_load %arg7[%get3A_1570, %get3A_1571] {strides = array<i32>} : memref<2x8000xi32, #tpu.memory_space<vmem>>, vector<16xi32>,
      %gt3A_1573 = arith.cmpf ogt, %get3A_1568, %get3A_1564 : vector<16xf32>
      %gt3A_1574 = arith.constant 0 : i32
      %gt3A_1575 = vector.broadcast %gt3A_1574 : i32 to vector<16xi32>
      %gt3A_1576 = arith.cmpi sgt, %get3A_1572, %gt3A_1575 : vector<16xi32>
      %eq3A_1577 = arith.xori %gt3A_1573, %gt3A_1576 : vector<16xi1>
      %eq3A_1578 = arith.constant dense<true> : vector<16xi1>
      %eq3A_1579 = arith.xori %eq3A_1577, %eq3A_1578 : vector<16xi1>
      %jit3A_1580 = arith.constant 1.000000e+00 : f32
      %jit3A_1581 = arith.constant 0.000000e+00 : f32
      %broadcast_in_dim3A_1582 = vector.broadcast %jit3A_1580 : f32 to vector<16xf32>
      %broadcast_in_dim3A_1583 = vector.broadcast %jit3A_1581 : f32 to vector<16xf32>
      %select_n3A_1584 = arith.select %eq3A_1579, %broadcast_in_dim3A_1582, %broadcast_in_dim3A_1583 : vector<16xi1>, vector<16xf32>
      %add3A_1585 = arith.addf %add3A_1556, %select_n3A_1584 : vector<16xf32>
      %scan3A_1586 = arith.constant 3 : i32
      %scan3A_1587 = arith.addi %scan3A_1499, %scan3A_1586 : i32
      %mul3A_1588 = arith.constant 16 : i32
      %mul3A_1589 = arith.muli %scan3A_1587, %mul3A_1588 : i32
      %get3A_1590 = arith.constant 1 : i32
      %get3A_1591 = arith.index_cast %get3A_1590 : i32 to index
      %get3A_1592 = arith.index_cast %mul3A_1589 : i32 to index
      %get3A_1593 = tpu.vector_load %arg5[%get3A_1591, %get3A_1592] {strides = array<i32>} : memref<2x8000xf32, #tpu.memory_space<vmem>>, vector<16xf32>,
      %get3A_1594 = arith.constant 1 : i32
      %get3A_1595 = arith.index_cast %get3A_1594 : i32 to index
      %get3A_1596 = arith.index_cast %mul3A_1589 : i32 to index
      %get3A_1597 = tpu.vector_load %arg6[%get3A_1595, %get3A_1596] {strides = array<i32>} : memref<2x8000xf32, #tpu.memory_space<vmem>>, vector<16xf32>,
      %get3A_1598 = arith.constant 1 : i32
      %get3A_1599 = arith.index_cast %get3A_1598 : i32 to index
      %get3A_1600 = arith.index_cast %mul3A_1589 : i32 to index
      %get3A_1601 = tpu.vector_load %arg7[%get3A_1599, %get3A_1600] {strides = array<i32>} : memref<2x8000xi32, #tpu.memory_space<vmem>>, vector<16xi32>,
      %gt3A_1602 = arith.cmpf ogt, %get3A_1597, %get3A_1593 : vector<16xf32>
      %gt3A_1603 = arith.constant 0 : i32
      %gt3A_1604 = vector.broadcast %gt3A_1603 : i32 to vector<16xi32>
      %gt3A_1605 = arith.cmpi sgt, %get3A_1601, %gt3A_1604 : vector<16xi32>
      %eq3A_1606 = arith.xori %gt3A_1602, %gt3A_1605 : vector<16xi1>
      %eq3A_1607 = arith.constant dense<true> : vector<16xi1>
      %eq3A_1608 = arith.xori %eq3A_1606, %eq3A_1607 : vector<16xi1>
      %jit3A_1609 = arith.constant 1.000000e+00 : f32
      %jit3A_1610 = arith.constant 0.000000e+00 : f32
      %broadcast_in_dim3A_1611 = vector.broadcast %jit3A_1609 : f32 to vector<16xf32>
      %broadcast_in_dim3A_1612 = vector.broadcast %jit3A_1610 : f32 to vector<16xf32>
      %select_n3A_1613 = arith.select %eq3A_1608, %broadcast_in_dim3A_1611, %broadcast_in_dim3A_1612 : vector<16xi1>, vector<16xf32>
      %add3A_1614 = arith.addf %add3A_1585, %select_n3A_1613 : vector<16xf32>
      %scan3A_1615 = arith.constant 4 : i32
      %scan3A_1616 = arith.addi %scan3A_1499, %scan3A_1615 : i32
      %mul3A_1617 = arith.constant 16 : i32
      %mul3A_1618 = arith.muli %scan3A_1616, %mul3A_1617 : i32
      %get3A_1619 = arith.constant 1 : i32
      %get3A_1620 = arith.index_cast %get3A_1619 : i32 to index
      %get3A_1621 = arith.index_cast %mul3A_1618 : i32 to index
      %get3A_1622 = tpu.vector_load %arg5[%get3A_1620, %get3A_1621] {strides = array<i32>} : memref<2x8000xf32, #tpu.memory_space<vmem>>, vector<16xf32>,
      %get3A_1623 = arith.constant 1 : i32
      %get3A_1624 = arith.index_cast %get3A_1623 : i32 to index
      %get3A_1625 = arith.index_cast %mul3A_1618 : i32 to index
      %get3A_1626 = tpu.vector_load %arg6[%get3A_1624, %get3A_1625] {strides = array<i32>} : memref<2x8000xf32, #tpu.memory_space<vmem>>, vector<16xf32>,
      %get3A_1627 = arith.constant 1 : i32
      %get3A_1628 = arith.index_cast %get3A_1627 : i32 to index
      %get3A_1629 = arith.index_cast %mul3A_1618 : i32 to index
      %get3A_1630 = tpu.vector_load %arg7[%get3A_1628, %get3A_1629] {strides = array<i32>} : memref<2x8000xi32, #tpu.memory_space<vmem>>, vector<16xi32>,
      %gt3A_1631 = arith.cmpf ogt, %get3A_1626, %get3A_1622 : vector<16xf32>
      %gt3A_1632 = arith.constant 0 : i32
      %gt3A_1633 = vector.broadcast %gt3A_1632 : i32 to vector<16xi32>
      %gt3A_1634 = arith.cmpi sgt, %get3A_1630, %gt3A_1633 : vector<16xi32>
      %eq3A_1635 = arith.xori %gt3A_1631, %gt3A_1634 : vector<16xi1>
      %eq3A_1636 = arith.constant dense<true> : vector<16xi1>
      %eq3A_1637 = arith.xori %eq3A_1635, %eq3A_1636 : vector<16xi1>
      %jit3A_1638 = arith.constant 1.000000e+00 : f32
      %jit3A_1639 = arith.constant 0.000000e+00 : f32
      %broadcast_in_dim3A_1640 = vector.broadcast %jit3A_1638 : f32 to vector<16xf32>
      %broadcast_in_dim3A_1641 = vector.broadcast %jit3A_1639 : f32 to vector<16xf32>
      %select_n3A_1642 = arith.select %eq3A_1637, %broadcast_in_dim3A_1640, %broadcast_in_dim3A_1641 : vector<16xi1>, vector<16xf32>
      %add3A_1643 = arith.addf %add3A_1614, %select_n3A_1642 : vector<16xf32>
      %scan3A_1644 = arith.constant 5 : i32
      %scan3A_1645 = arith.addi %scan3A_1499, %scan3A_1644 : i32
      %mul3A_1646 = arith.constant 16 : i32
      %mul3A_1647 = arith.muli %scan3A_1645, %mul3A_1646 : i32
      %get3A_1648 = arith.constant 1 : i32
      %get3A_1649 = arith.index_cast %get3A_1648 : i32 to index
      %get3A_1650 = arith.index_cast %mul3A_1647 : i32 to index
      %get3A_1651 = tpu.vector_load %arg5[%get3A_1649, %get3A_1650] {strides = array<i32>} : memref<2x8000xf32, #tpu.memory_space<vmem>>, vector<16xf32>,
      %get3A_1652 = arith.constant 1 : i32
      %get3A_1653 = arith.index_cast %get3A_1652 : i32 to index
      %get3A_1654 = arith.index_cast %mul3A_1647 : i32 to index
      %get3A_1655 = tpu.vector_load %arg6[%get3A_1653, %get3A_1654] {strides = array<i32>} : memref<2x8000xf32, #tpu.memory_space<vmem>>, vector<16xf32>,
      %get3A_1656 = arith.constant 1 : i32
      %get3A_1657 = arith.index_cast %get3A_1656 : i32 to index
      %get3A_1658 = arith.index_cast %mul3A_1647 : i32 to index
      %get3A_1659 = tpu.vector_load %arg7[%get3A_1657, %get3A_1658] {strides = array<i32>} : memref<2x8000xi32, #tpu.memory_space<vmem>>, vector<16xi32>,
      %gt3A_1660 = arith.cmpf ogt, %get3A_1655, %get3A_1651 : vector<16xf32>
      %gt3A_1661 = arith.constant 0 : i32
      %gt3A_1662 = vector.broadcast %gt3A_1661 : i32 to vector<16xi32>
      %gt3A_1663 = arith.cmpi sgt, %get3A_1659, %gt3A_1662 : vector<16xi32>
      %eq3A_1664 = arith.xori %gt3A_1660, %gt3A_1663 : vector<16xi1>
      %eq3A_1665 = arith.constant dense<true> : vector<16xi1>
      %eq3A_1666 = arith.xori %eq3A_1664, %eq3A_1665 : vector<16xi1>
      %jit3A_1667 = arith.constant 1.000000e+00 : f32
      %jit3A_1668 = arith.constant 0.000000e+00 : f32
      %broadcast_in_dim3A_1669 = vector.broadcast %jit3A_1667 : f32 to vector<16xf32>
      %broadcast_in_dim3A_1670 = vector.broadcast %jit3A_1668 : f32 to vector<16xf32>
      %select_n3A_1671 = arith.select %eq3A_1666, %broadcast_in_dim3A_1669, %broadcast_in_dim3A_1670 : vector<16xi1>, vector<16xf32>
      %add3A_1672 = arith.addf %add3A_1643, %select_n3A_1671 : vector<16xf32>
      %scan3A_1673 = arith.constant 6 : i32
      %scan3A_1674 = arith.addi %scan3A_1499, %scan3A_1673 : i32
      %mul3A_1675 = arith.constant 16 : i32
      %mul3A_1676 = arith.muli %scan3A_1674, %mul3A_1675 : i32
      %get3A_1677 = arith.constant 1 : i32
      %get3A_1678 = arith.index_cast %get3A_1677 : i32 to index
      %get3A_1679 = arith.index_cast %mul3A_1676 : i32 to index
      %get3A_1680 = tpu.vector_load %arg5[%get3A_1678, %get3A_1679] {strides = array<i32>} : memref<2x8000xf32, #tpu.memory_space<vmem>>, vector<16xf32>,
      %get3A_1681 = arith.constant 1 : i32
      %get3A_1682 = arith.index_cast %get3A_1681 : i32 to index
      %get3A_1683 = arith.index_cast %mul3A_1676 : i32 to index
      %get3A_1684 = tpu.vector_load %arg6[%get3A_1682, %get3A_1683] {strides = array<i32>} : memref<2x8000xf32, #tpu.memory_space<vmem>>, vector<16xf32>,
      %get3A_1685 = arith.constant 1 : i32
      %get3A_1686 = arith.index_cast %get3A_1685 : i32 to index
      %get3A_1687 = arith.index_cast %mul3A_1676 : i32 to index
      %get3A_1688 = tpu.vector_load %arg7[%get3A_1686, %get3A_1687] {strides = array<i32>} : memref<2x8000xi32, #tpu.memory_space<vmem>>, vector<16xi32>,
      %gt3A_1689 = arith.cmpf ogt, %get3A_1684, %get3A_1680 : vector<16xf32>
      %gt3A_1690 = arith.constant 0 : i32
      %gt3A_1691 = vector.broadcast %gt3A_1690 : i32 to vector<16xi32>
      %gt3A_1692 = arith.cmpi sgt, %get3A_1688, %gt3A_1691 : vector<16xi32>
      %eq3A_1693 = arith.xori %gt3A_1689, %gt3A_1692 : vector<16xi1>
      %eq3A_1694 = arith.constant dense<true> : vector<16xi1>
      %eq3A_1695 = arith.xori %eq3A_1693, %eq3A_1694 : vector<16xi1>
      %jit3A_1696 = arith.constant 1.000000e+00 : f32
      %jit3A_1697 = arith.constant 0.000000e+00 : f32
      %broadcast_in_dim3A_1698 = vector.broadcast %jit3A_1696 : f32 to vector<16xf32>
      %broadcast_in_dim3A_1699 = vector.broadcast %jit3A_1697 : f32 to vector<16xf32>
      %select_n3A_1700 = arith.select %eq3A_1695, %broadcast_in_dim3A_1698, %broadcast_in_dim3A_1699 : vector<16xi1>, vector<16xf32>
      %add3A_1701 = arith.addf %add3A_1672, %select_n3A_1700 : vector<16xf32>
      %scan3A_1702 = arith.constant 7 : i32
      %scan3A_1703 = arith.addi %scan3A_1499, %scan3A_1702 : i32
      %mul3A_1704 = arith.constant 16 : i32
      %mul3A_1705 = arith.muli %scan3A_1703, %mul3A_1704 : i32
      %get3A_1706 = arith.constant 1 : i32
      %get3A_1707 = arith.index_cast %get3A_1706 : i32 to index
      %get3A_1708 = arith.index_cast %mul3A_1705 : i32 to index
      %get3A_1709 = tpu.vector_load %arg5[%get3A_1707, %get3A_1708] {strides = array<i32>} : memref<2x8000xf32, #tpu.memory_space<vmem>>, vector<16xf32>,
      %get3A_1710 = arith.constant 1 : i32
      %get3A_1711 = arith.index_cast %get3A_1710 : i32 to index
      %get3A_1712 = arith.index_cast %mul3A_1705 : i32 to index
      %get3A_1713 = tpu.vector_load %arg6[%get3A_1711, %get3A_1712] {strides = array<i32>} : memref<2x8000xf32, #tpu.memory_space<vmem>>, vector<16xf32>,
      %get3A_1714 = arith.constant 1 : i32
      %get3A_1715 = arith.index_cast %get3A_1714 : i32 to index
      %get3A_1716 = arith.index_cast %mul3A_1705 : i32 to index
      %get3A_1717 = tpu.vector_load %arg7[%get3A_1715, %get3A_1716] {strides = array<i32>} : memref<2x8000xi32, #tpu.memory_space<vmem>>, vector<16xi32>,
      %gt3A_1718 = arith.cmpf ogt, %get3A_1713, %get3A_1709 : vector<16xf32>
      %gt3A_1719 = arith.constant 0 : i32
      %gt3A_1720 = vector.broadcast %gt3A_1719 : i32 to vector<16xi32>
      %gt3A_1721 = arith.cmpi sgt, %get3A_1717, %gt3A_1720 : vector<16xi32>
      %eq3A_1722 = arith.xori %gt3A_1718, %gt3A_1721 : vector<16xi1>
      %eq3A_1723 = arith.constant dense<true> : vector<16xi1>
      %eq3A_1724 = arith.xori %eq3A_1722, %eq3A_1723 : vector<16xi1>
      %jit3A_1725 = arith.constant 1.000000e+00 : f32
      %jit3A_1726 = arith.constant 0.000000e+00 : f32
      %broadcast_in_dim3A_1727 = vector.broadcast %jit3A_1725 : f32 to vector<16xf32>
      %broadcast_in_dim3A_1728 = vector.broadcast %jit3A_1726 : f32 to vector<16xf32>
      %select_n3A_1729 = arith.select %eq3A_1724, %broadcast_in_dim3A_1727, %broadcast_in_dim3A_1728 : vector<16xi1>, vector<16xf32>
      %add3A_1730 = arith.addf %add3A_1701, %select_n3A_1729 : vector<16xf32>
      scf.yield %add3A_1730 : vector<16xf32>
    }
    %scan3A_703 = arith.constant 496 : i32
    %scan3A_704 = arith.addi %scan3A_698, %scan3A_703 : i32
    %mul3A_705 = arith.constant 16 : i32
    %mul3A_706 = arith.muli %scan3A_704, %mul3A_705 : i32
    %get3A_707 = arith.constant 1 : i32
    %get3A_708 = arith.index_cast %get3A_707 : i32 to index
    %get3A_709 = arith.index_cast %mul3A_706 : i32 to index
    %get3A_710 = tpu.vector_load %arg5[%get3A_708, %get3A_709] {strides = array<i32>} : memref<2x8000xf32, #tpu.memory_space<vmem>>, vector<16xf32>,
    %get3A_711 = arith.constant 1 : i32
    %get3A_712 = arith.index_cast %get3A_711 : i32 to index
    %get3A_713 = arith.index_cast %mul3A_706 : i32 to index
    %get3A_714 = tpu.vector_load %arg6[%get3A_712, %get3A_713] {strides = array<i32>} : memref<2x8000xf32, #tpu.memory_space<vmem>>, vector<16xf32>,
    %get3A_715 = arith.constant 1 : i32
    %get3A_716 = arith.index_cast %get3A_715 : i32 to index
    %get3A_717 = arith.index_cast %mul3A_706 : i32 to index
    %get3A_718 = tpu.vector_load %arg7[%get3A_716, %get3A_717] {strides = array<i32>} : memref<2x8000xi32, #tpu.memory_space<vmem>>, vector<16xi32>,
    %gt3A_719 = arith.cmpf ogt, %get3A_714, %get3A_710 : vector<16xf32>
    %gt3A_720 = arith.constant 0 : i32
    %gt3A_721 = vector.broadcast %gt3A_720 : i32 to vector<16xi32>
    %gt3A_722 = arith.cmpi sgt, %get3A_718, %gt3A_721 : vector<16xi32>
    %eq3A_723 = arith.xori %gt3A_719, %gt3A_722 : vector<16xi1>
    %eq3A_724 = arith.constant dense<true> : vector<16xi1>
    %eq3A_725 = arith.xori %eq3A_723, %eq3A_724 : vector<16xi1>
    %jit3A_726 = arith.constant 1.000000e+00 : f32
    %jit3A_727 = arith.constant 0.000000e+00 : f32
    %broadcast_in_dim3A_728 = vector.broadcast %jit3A_726 : f32 to vector<16xf32>
    %broadcast_in_dim3A_729 = vector.broadcast %jit3A_727 : f32 to vector<16xf32>
    %select_n3A_730 = arith.select %eq3A_725, %broadcast_in_dim3A_728, %broadcast_in_dim3A_729 : vector<16xi1>, vector<16xf32>
    %add3A_731 = arith.addf %scan3A_702, %select_n3A_730 : vector<16xf32>
    %scan3A_732 = arith.constant 497 : i32
    %scan3A_733 = arith.addi %scan3A_698, %scan3A_732 : i32
    %mul3A_734 = arith.constant 16 : i32
    %mul3A_735 = arith.muli %scan3A_733, %mul3A_734 : i32
    %get3A_736 = arith.constant 1 : i32
    %get3A_737 = arith.index_cast %get3A_736 : i32 to index
    %get3A_738 = arith.index_cast %mul3A_735 : i32 to index
    %get3A_739 = tpu.vector_load %arg5[%get3A_737, %get3A_738] {strides = array<i32>} : memref<2x8000xf32, #tpu.memory_space<vmem>>, vector<16xf32>,
    %get3A_740 = arith.constant 1 : i32
    %get3A_741 = arith.index_cast %get3A_740 : i32 to index
    %get3A_742 = arith.index_cast %mul3A_735 : i32 to index
    %get3A_743 = tpu.vector_load %arg6[%get3A_741, %get3A_742] {strides = array<i32>} : memref<2x8000xf32, #tpu.memory_space<vmem>>, vector<16xf32>,
    %get3A_744 = arith.constant 1 : i32
    %get3A_745 = arith.index_cast %get3A_744 : i32 to index
    %get3A_746 = arith.index_cast %mul3A_735 : i32 to index
    %get3A_747 = tpu.vector_load %arg7[%get3A_745, %get3A_746] {strides = array<i32>} : memref<2x8000xi32, #tpu.memory_space<vmem>>, vector<16xi32>,
    %gt3A_748 = arith.cmpf ogt, %get3A_743, %get3A_739 : vector<16xf32>
    %gt3A_749 = arith.constant 0 : i32
    %gt3A_750 = vector.broadcast %gt3A_749 : i32 to vector<16xi32>
    %gt3A_751 = arith.cmpi sgt, %get3A_747, %gt3A_750 : vector<16xi32>
    %eq3A_752 = arith.xori %gt3A_748, %gt3A_751 : vector<16xi1>
    %eq3A_753 = arith.constant dense<true> : vector<16xi1>
    %eq3A_754 = arith.xori %eq3A_752, %eq3A_753 : vector<16xi1>
    %jit3A_755 = arith.constant 1.000000e+00 : f32
    %jit3A_756 = arith.constant 0.000000e+00 : f32
    %broadcast_in_dim3A_757 = vector.broadcast %jit3A_755 : f32 to vector<16xf32>
    %broadcast_in_dim3A_758 = vector.broadcast %jit3A_756 : f32 to vector<16xf32>
    %select_n3A_759 = arith.select %eq3A_754, %broadcast_in_dim3A_757, %broadcast_in_dim3A_758 : vector<16xi1>, vector<16xf32>
    %add3A_760 = arith.addf %add3A_731, %select_n3A_759 : vector<16xf32>
    %scan3A_761 = arith.constant 498 : i32
    %scan3A_762 = arith.addi %scan3A_698, %scan3A_761 : i32
    %mul3A_763 = arith.constant 16 : i32
    %mul3A_764 = arith.muli %scan3A_762, %mul3A_763 : i32
    %get3A_765 = arith.constant 1 : i32
    %get3A_766 = arith.index_cast %get3A_765 : i32 to index
    %get3A_767 = arith.index_cast %mul3A_764 : i32 to index
    %get3A_768 = tpu.vector_load %arg5[%get3A_766, %get3A_767] {strides = array<i32>} : memref<2x8000xf32, #tpu.memory_space<vmem>>, vector<16xf32>,
    %get3A_769 = arith.constant 1 : i32
    %get3A_770 = arith.index_cast %get3A_769 : i32 to index
    %get3A_771 = arith.index_cast %mul3A_764 : i32 to index
    %get3A_772 = tpu.vector_load %arg6[%get3A_770, %get3A_771] {strides = array<i32>} : memref<2x8000xf32, #tpu.memory_space<vmem>>, vector<16xf32>,
    %get3A_773 = arith.constant 1 : i32
    %get3A_774 = arith.index_cast %get3A_773 : i32 to index
    %get3A_775 = arith.index_cast %mul3A_764 : i32 to index
    %get3A_776 = tpu.vector_load %arg7[%get3A_774, %get3A_775] {strides = array<i32>} : memref<2x8000xi32, #tpu.memory_space<vmem>>, vector<16xi32>,
    %gt3A_777 = arith.cmpf ogt, %get3A_772, %get3A_768 : vector<16xf32>
    %gt3A_778 = arith.constant 0 : i32
    %gt3A_779 = vector.broadcast %gt3A_778 : i32 to vector<16xi32>
    %gt3A_780 = arith.cmpi sgt, %get3A_776, %gt3A_779 : vector<16xi32>
    %eq3A_781 = arith.xori %gt3A_777, %gt3A_780 : vector<16xi1>
    %eq3A_782 = arith.constant dense<true> : vector<16xi1>
    %eq3A_783 = arith.xori %eq3A_781, %eq3A_782 : vector<16xi1>
    %jit3A_784 = arith.constant 1.000000e+00 : f32
    %jit3A_785 = arith.constant 0.000000e+00 : f32
    %broadcast_in_dim3A_786 = vector.broadcast %jit3A_784 : f32 to vector<16xf32>
    %broadcast_in_dim3A_787 = vector.broadcast %jit3A_785 : f32 to vector<16xf32>
    %select_n3A_788 = arith.select %eq3A_783, %broadcast_in_dim3A_786, %broadcast_in_dim3A_787 : vector<16xi1>, vector<16xf32>
    %add3A_789 = arith.addf %add3A_760, %select_n3A_788 : vector<16xf32>
    %scan3A_790 = arith.constant 499 : i32
    %scan3A_791 = arith.addi %scan3A_698, %scan3A_790 : i32
    %mul3A_792 = arith.constant 16 : i32
    %mul3A_793 = arith.muli %scan3A_791, %mul3A_792 : i32
    %get3A_794 = arith.constant 1 : i32
    %get3A_795 = arith.index_cast %get3A_794 : i32 to index
    %get3A_796 = arith.index_cast %mul3A_793 : i32 to index
    %get3A_797 = tpu.vector_load %arg5[%get3A_795, %get3A_796] {strides = array<i32>} : memref<2x8000xf32, #tpu.memory_space<vmem>>, vector<16xf32>,
    %get3A_798 = arith.constant 1 : i32
    %get3A_799 = arith.index_cast %get3A_798 : i32 to index
    %get3A_800 = arith.index_cast %mul3A_793 : i32 to index
    %get3A_801 = tpu.vector_load %arg6[%get3A_799, %get3A_800] {strides = array<i32>} : memref<2x8000xf32, #tpu.memory_space<vmem>>, vector<16xf32>,
    %get3A_802 = arith.constant 1 : i32
    %get3A_803 = arith.index_cast %get3A_802 : i32 to index
    %get3A_804 = arith.index_cast %mul3A_793 : i32 to index
    %get3A_805 = tpu.vector_load %arg7[%get3A_803, %get3A_804] {strides = array<i32>} : memref<2x8000xi32, #tpu.memory_space<vmem>>, vector<16xi32>,
    %gt3A_806 = arith.cmpf ogt, %get3A_801, %get3A_797 : vector<16xf32>
    %gt3A_807 = arith.constant 0 : i32
    %gt3A_808 = vector.broadcast %gt3A_807 : i32 to vector<16xi32>
    %gt3A_809 = arith.cmpi sgt, %get3A_805, %gt3A_808 : vector<16xi32>
    %eq3A_810 = arith.xori %gt3A_806, %gt3A_809 : vector<16xi1>
    %eq3A_811 = arith.constant dense<true> : vector<16xi1>
    %eq3A_812 = arith.xori %eq3A_810, %eq3A_811 : vector<16xi1>
    %jit3A_813 = arith.constant 1.000000e+00 : f32
    %jit3A_814 = arith.constant 0.000000e+00 : f32
    %broadcast_in_dim3A_815 = vector.broadcast %jit3A_813 : f32 to vector<16xf32>
    %broadcast_in_dim3A_816 = vector.broadcast %jit3A_814 : f32 to vector<16xf32>
    %select_n3A_817 = arith.select %eq3A_812, %broadcast_in_dim3A_815, %broadcast_in_dim3A_816 : vector<16xi1>, vector<16xf32>
    %add3A_818 = arith.addf %add3A_789, %select_n3A_817 : vector<16xf32>
    %scan3A_819 = arith.constant 500 : i32
    %add3A_820 = arith.constant 5 : i32
    %add3A_821 = arith.addi %add3A_4, %add3A_820 : i32
    %mul3A_822 = arith.constant 8000 : i32
    %mul3A_823 = arith.muli %add3A_821, %mul3A_822 : i32
    %dma_start3A_824 = arith.constant 0 : i32
    %dma_start3A_825 = arith.constant 1 : i32
    %dma_start3A_826 = arith.constant 0 : i32
    %dma_start3A_827 = tpu.memref_slice %arg5[%dma_start3A_825, %dma_start3A_826] : memref<2x8000xf32, #tpu.memory_space<vmem>> -> memref<1x8000xf32, #tpu.memory_space<vmem>>
    %dma_start3A_828 = tpu.memref_squeeze %dma_start3A_827 : memref<1x8000xf32, #tpu.memory_space<vmem>> -> memref<8000xf32, #tpu.memory_space<vmem>>
    %dma_start3A_829 = tpu.memref_slice %arg2[%dma_start3A_824, %mul3A_823] : memref<2x2000000xf32, #tpu.memory_space<hbm>> -> memref<1x8000xf32, #tpu.memory_space<hbm>>
    %dma_start3A_830 = tpu.memref_squeeze %dma_start3A_829 : memref<1x8000xf32, #tpu.memory_space<hbm>> -> memref<8000xf32, #tpu.memory_space<hbm>>
    %dma_start3A_831 = arith.constant 0 : i32
    %dma_start3A_832 = tpu.memref_slice %arg5[%dma_start3A_825, %dma_start3A_831] : memref<2x8000xf32, #tpu.memory_space<vmem>> -> memref<1x8000xf32, #tpu.memory_space<vmem>>
    %dma_start3A_833 = tpu.memref_squeeze %dma_start3A_832 : memref<1x8000xf32, #tpu.memory_space<vmem>> -> memref<8000xf32, #tpu.memory_space<vmem>>
    %dma_start3A_834 = tpu.memref_slice %arg2[%dma_start3A_824, %mul3A_823] : memref<2x2000000xf32, #tpu.memory_space<hbm>> -> memref<1x8000xf32, #tpu.memory_space<hbm>>
    %dma_start3A_835 = tpu.memref_squeeze %dma_start3A_834 : memref<1x8000xf32, #tpu.memory_space<hbm>> -> memref<8000xf32, #tpu.memory_space<hbm>>
    tpu.enqueue_dma source(%dma_start3A_835 : memref<8000xf32, #tpu.memory_space<hbm>>) target(%dma_start3A_833 : memref<8000xf32, #tpu.memory_space<vmem>>) target_semaphore(%arg10 : memref<!tpu.dma_semaphore, #tpu.memory_space<semaphore_mem>>)
    %dma_start3A_836 = arith.constant 1 : i32
    %dma_start3A_837 = arith.constant 1 : i32
    %dma_start3A_838 = arith.constant 0 : i32
    %dma_start3A_839 = tpu.memref_slice %arg6[%dma_start3A_837, %dma_start3A_838] : memref<2x8000xf32, #tpu.memory_space<vmem>> -> memref<1x8000xf32, #tpu.memory_space<vmem>>
    %dma_start3A_840 = tpu.memref_squeeze %dma_start3A_839 : memref<1x8000xf32, #tpu.memory_space<vmem>> -> memref<8000xf32, #tpu.memory_space<vmem>>
    %dma_start3A_841 = tpu.memref_slice %arg2[%dma_start3A_836, %mul3A_823] : memref<2x2000000xf32, #tpu.memory_space<hbm>> -> memref<1x8000xf32, #tpu.memory_space<hbm>>
    %dma_start3A_842 = tpu.memref_squeeze %dma_start3A_841 : memref<1x8000xf32, #tpu.memory_space<hbm>> -> memref<8000xf32, #tpu.memory_space<hbm>>
    %dma_start3A_843 = arith.constant 0 : i32
    %dma_start3A_844 = tpu.memref_slice %arg6[%dma_start3A_837, %dma_start3A_843] : memref<2x8000xf32, #tpu.memory_space<vmem>> -> memref<1x8000xf32, #tpu.memory_space<vmem>>
    %dma_start3A_845 = tpu.memref_squeeze %dma_start3A_844 : memref<1x8000xf32, #tpu.memory_space<vmem>> -> memref<8000xf32, #tpu.memory_space<vmem>>
    %dma_start3A_846 = tpu.memref_slice %arg2[%dma_start3A_836, %mul3A_823] : memref<2x2000000xf32, #tpu.memory_space<hbm>> -> memref<1x8000xf32, #tpu.memory_space<hbm>>
    %dma_start3A_847 = tpu.memref_squeeze %dma_start3A_846 : memref<1x8000xf32, #tpu.memory_space<hbm>> -> memref<8000xf32, #tpu.memory_space<hbm>>
    tpu.enqueue_dma source(%dma_start3A_847 : memref<8000xf32, #tpu.memory_space<hbm>>) target(%dma_start3A_845 : memref<8000xf32, #tpu.memory_space<vmem>>) target_semaphore(%arg10 : memref<!tpu.dma_semaphore, #tpu.memory_space<semaphore_mem>>)
    %dma_start3A_848 = arith.constant 1 : i32
    %dma_start3A_849 = arith.constant 0 : i32
    %dma_start3A_850 = tpu.memref_slice %arg7[%dma_start3A_848, %dma_start3A_849] : memref<2x8000xi32, #tpu.memory_space<vmem>> -> memref<1x8000xi32, #tpu.memory_space<vmem>>
    %dma_start3A_851 = tpu.memref_squeeze %dma_start3A_850 : memref<1x8000xi32, #tpu.memory_space<vmem>> -> memref<8000xi32, #tpu.memory_space<vmem>>
    %dma_start3A_852 = tpu.memref_slice %arg3[%mul3A_823] : memref<2000000xi32, #tpu.memory_space<hbm>> -> memref<8000xi32, #tpu.memory_space<hbm>>
    %dma_start3A_853 = arith.constant 0 : i32
    %dma_start3A_854 = tpu.memref_slice %arg7[%dma_start3A_848, %dma_start3A_853] : memref<2x8000xi32, #tpu.memory_space<vmem>> -> memref<1x8000xi32, #tpu.memory_space<vmem>>
    %dma_start3A_855 = tpu.memref_squeeze %dma_start3A_854 : memref<1x8000xi32, #tpu.memory_space<vmem>> -> memref<8000xi32, #tpu.memory_space<vmem>>
    %dma_start3A_856 = tpu.memref_slice %arg3[%mul3A_823] : memref<2000000xi32, #tpu.memory_space<hbm>> -> memref<8000xi32, #tpu.memory_space<hbm>>
    tpu.enqueue_dma source(%dma_start3A_856 : memref<8000xi32, #tpu.memory_space<hbm>>) target(%dma_start3A_855 : memref<8000xi32, #tpu.memory_space<vmem>>) target_semaphore(%arg10 : memref<!tpu.dma_semaphore, #tpu.memory_space<semaphore_mem>>)
    %add3A_857 = arith.constant 4 : i32
    %add3A_858 = arith.addi %add3A_4, %add3A_857 : i32
    %mul3A_859 = arith.constant 8000 : i32
    %mul3A_860 = arith.muli %add3A_858, %mul3A_859 : i32
    %dma_wait3A_861 = arith.constant 0 : i32
    %dma_wait3A_862 = arith.constant 0 : i32
    %dma_wait3A_863 = arith.constant 0 : i32
    %dma_wait3A_864 = tpu.memref_slice %arg5[%dma_wait3A_862, %dma_wait3A_863] : memref<2x8000xf32, #tpu.memory_space<vmem>> -> memref<1x8000xf32, #tpu.memory_space<vmem>>
    %dma_wait3A_865 = tpu.memref_squeeze %dma_wait3A_864 : memref<1x8000xf32, #tpu.memory_space<vmem>> -> memref<8000xf32, #tpu.memory_space<vmem>>
    %dma_wait3A_866 = tpu.memref_slice %arg2[%dma_wait3A_861, %mul3A_860] : memref<2x2000000xf32, #tpu.memory_space<hbm>> -> memref<1x8000xf32, #tpu.memory_space<hbm>>
    %dma_wait3A_867 = tpu.memref_squeeze %dma_wait3A_866 : memref<1x8000xf32, #tpu.memory_space<hbm>> -> memref<8000xf32, #tpu.memory_space<hbm>>
    %dma_wait3A_868 = arith.constant 0 : i32
    %dma_wait3A_869 = tpu.memref_slice %arg5[%dma_wait3A_862, %dma_wait3A_868] : memref<2x8000xf32, #tpu.memory_space<vmem>> -> memref<1x8000xf32, #tpu.memory_space<vmem>>
    %dma_wait3A_870 = tpu.memref_squeeze %dma_wait3A_869 : memref<1x8000xf32, #tpu.memory_space<vmem>> -> memref<8000xf32, #tpu.memory_space<vmem>>
    %dma_wait3A_871 = tpu.memref_slice %arg2[%dma_wait3A_861, %mul3A_860] : memref<2x2000000xf32, #tpu.memory_space<hbm>> -> memref<1x8000xf32, #tpu.memory_space<hbm>>
    %dma_wait3A_872 = tpu.memref_squeeze %dma_wait3A_871 : memref<1x8000xf32, #tpu.memory_space<hbm>> -> memref<8000xf32, #tpu.memory_space<hbm>>
    tpu.wait_dma2 semaphore(%arg9 : memref<!tpu.dma_semaphore, #tpu.memory_space<semaphore_mem>>) src(%dma_wait3A_872 : memref<8000xf32, #tpu.memory_space<hbm>>) dst(%dma_wait3A_870 : memref<8000xf32, #tpu.memory_space<vmem>>)
    %dma_wait3A_873 = arith.constant 1 : i32
    %dma_wait3A_874 = arith.constant 0 : i32
    %dma_wait3A_875 = arith.constant 0 : i32
    %dma_wait3A_876 = tpu.memref_slice %arg6[%dma_wait3A_874, %dma_wait3A_875] : memref<2x8000xf32, #tpu.memory_space<vmem>> -> memref<1x8000xf32, #tpu.memory_space<vmem>>
    %dma_wait3A_877 = tpu.memref_squeeze %dma_wait3A_876 : memref<1x8000xf32, #tpu.memory_space<vmem>> -> memref<8000xf32, #tpu.memory_space<vmem>>
    %dma_wait3A_878 = tpu.memref_slice %arg2[%dma_wait3A_873, %mul3A_860] : memref<2x2000000xf32, #tpu.memory_space<hbm>> -> memref<1x8000xf32, #tpu.memory_space<hbm>>
    %dma_wait3A_879 = tpu.memref_squeeze %dma_wait3A_878 : memref<1x8000xf32, #tpu.memory_space<hbm>> -> memref<8000xf32, #tpu.memory_space<hbm>>
    %dma_wait3A_880 = arith.constant 0 : i32
    %dma_wait3A_881 = tpu.memref_slice %arg6[%dma_wait3A_874, %dma_wait3A_880] : memref<2x8000xf32, #tpu.memory_space<vmem>> -> memref<1x8000xf32, #tpu.memory_space<vmem>>
    %dma_wait3A_882 = tpu.memref_squeeze %dma_wait3A_881 : memref<1x8000xf32, #tpu.memory_space<vmem>> -> memref<8000xf32, #tpu.memory_space<vmem>>
    %dma_wait3A_883 = tpu.memref_slice %arg2[%dma_wait3A_873, %mul3A_860] : memref<2x2000000xf32, #tpu.memory_space<hbm>> -> memref<1x8000xf32, #tpu.memory_space<hbm>>
    %dma_wait3A_884 = tpu.memref_squeeze %dma_wait3A_883 : memref<1x8000xf32, #tpu.memory_space<hbm>> -> memref<8000xf32, #tpu.memory_space<hbm>>
    tpu.wait_dma2 semaphore(%arg9 : memref<!tpu.dma_semaphore, #tpu.memory_space<semaphore_mem>>) src(%dma_wait3A_884 : memref<8000xf32, #tpu.memory_space<hbm>>) dst(%dma_wait3A_882 : memref<8000xf32, #tpu.memory_space<vmem>>)
    %dma_wait3A_885 = arith.constant 0 : i32
    %dma_wait3A_886 = arith.constant 0 : i32
    %dma_wait3A_887 = tpu.memref_slice %arg7[%dma_wait3A_885, %dma_wait3A_886] : memref<2x8000xi32, #tpu.memory_space<vmem>> -> memref<1x8000xi32, #tpu.memory_space<vmem>>
    %dma_wait3A_888 = tpu.memref_squeeze %dma_wait3A_887 : memref<1x8000xi32, #tpu.memory_space<vmem>> -> memref<8000xi32, #tpu.memory_space<vmem>>
    %dma_wait3A_889 = tpu.memref_slice %arg3[%mul3A_860] : memref<2000000xi32, #tpu.memory_space<hbm>> -> memref<8000xi32, #tpu.memory_space<hbm>>
    %dma_wait3A_890 = arith.constant 0 : i32
    %dma_wait3A_891 = tpu.memref_slice %arg7[%dma_wait3A_885, %dma_wait3A_890] : memref<2x8000xi32, #tpu.memory_space<vmem>> -> memref<1x8000xi32, #tpu.memory_space<vmem>>
    %dma_wait3A_892 = tpu.memref_squeeze %dma_wait3A_891 : memref<1x8000xi32, #tpu.memory_space<vmem>> -> memref<8000xi32, #tpu.memory_space<vmem>>
    %dma_wait3A_893 = tpu.memref_slice %arg3[%mul3A_860] : memref<2000000xi32, #tpu.memory_space<hbm>> -> memref<8000xi32, #tpu.memory_space<hbm>>
    tpu.wait_dma2 semaphore(%arg9 : memref<!tpu.dma_semaphore, #tpu.memory_space<semaphore_mem>>) src(%dma_wait3A_893 : memref<8000xi32, #tpu.memory_space<hbm>>) dst(%dma_wait3A_892 : memref<8000xi32, #tpu.memory_space<vmem>>)
    %scan3A_894 = arith.constant 0 : i32
    %scan3A_895 = arith.constant 496 : i32
    %scan3A_896 = arith.addi %scan3A_894, %scan3A_895 : i32
    %scan3A_897 = arith.constant 8 : i32
    %scan3A_898 = scf.for %scan3A_1499 = %scan3A_894 to %scan3A_896 step %scan3A_897 iter_args(%scan3A_1500 = %add3A_818) -> (vector<16xf32>)  : i32 {
      %mul3A_1501 = arith.constant 16 : i32
      %mul3A_1502 = arith.muli %scan3A_1499, %mul3A_1501 : i32
      %get3A_1503 = arith.constant 0 : i32
      %get3A_1504 = arith.index_cast %get3A_1503 : i32 to index
      %get3A_1505 = arith.index_cast %mul3A_1502 : i32 to index
      %get3A_1506 = tpu.vector_load %arg5[%get3A_1504, %get3A_1505] {strides = array<i32>} : memref<2x8000xf32, #tpu.memory_space<vmem>>, vector<16xf32>,
      %get3A_1507 = arith.constant 0 : i32
      %get3A_1508 = arith.index_cast %get3A_1507 : i32 to index
      %get3A_1509 = arith.index_cast %mul3A_1502 : i32 to index
      %get3A_1510 = tpu.vector_load %arg6[%get3A_1508, %get3A_1509] {strides = array<i32>} : memref<2x8000xf32, #tpu.memory_space<vmem>>, vector<16xf32>,
      %get3A_1511 = arith.constant 0 : i32
      %get3A_1512 = arith.index_cast %get3A_1511 : i32 to index
      %get3A_1513 = arith.index_cast %mul3A_1502 : i32 to index
      %get3A_1514 = tpu.vector_load %arg7[%get3A_1512, %get3A_1513] {strides = array<i32>} : memref<2x8000xi32, #tpu.memory_space<vmem>>, vector<16xi32>,
      %gt3A_1515 = arith.cmpf ogt, %get3A_1510, %get3A_1506 : vector<16xf32>
      %gt3A_1516 = arith.constant 0 : i32
      %gt3A_1517 = vector.broadcast %gt3A_1516 : i32 to vector<16xi32>
      %gt3A_1518 = arith.cmpi sgt, %get3A_1514, %gt3A_1517 : vector<16xi32>
      %eq3A_1519 = arith.xori %gt3A_1515, %gt3A_1518 : vector<16xi1>
      %eq3A_1520 = arith.constant dense<true> : vector<16xi1>
      %eq3A_1521 = arith.xori %eq3A_1519, %eq3A_1520 : vector<16xi1>
      %jit3A_1522 = arith.constant 1.000000e+00 : f32
      %jit3A_1523 = arith.constant 0.000000e+00 : f32
      %broadcast_in_dim3A_1524 = vector.broadcast %jit3A_1522 : f32 to vector<16xf32>
      %broadcast_in_dim3A_1525 = vector.broadcast %jit3A_1523 : f32 to vector<16xf32>
      %select_n3A_1526 = arith.select %eq3A_1521, %broadcast_in_dim3A_1524, %broadcast_in_dim3A_1525 : vector<16xi1>, vector<16xf32>
      %add3A_1527 = arith.addf %scan3A_1500, %select_n3A_1526 : vector<16xf32>
      %scan3A_1528 = arith.constant 1 : i32
      %scan3A_1529 = arith.addi %scan3A_1499, %scan3A_1528 : i32
      %mul3A_1530 = arith.constant 16 : i32
      %mul3A_1531 = arith.muli %scan3A_1529, %mul3A_1530 : i32
      %get3A_1532 = arith.constant 0 : i32
      %get3A_1533 = arith.index_cast %get3A_1532 : i32 to index
      %get3A_1534 = arith.index_cast %mul3A_1531 : i32 to index
      %get3A_1535 = tpu.vector_load %arg5[%get3A_1533, %get3A_1534] {strides = array<i32>} : memref<2x8000xf32, #tpu.memory_space<vmem>>, vector<16xf32>,
      %get3A_1536 = arith.constant 0 : i32
      %get3A_1537 = arith.index_cast %get3A_1536 : i32 to index
      %get3A_1538 = arith.index_cast %mul3A_1531 : i32 to index
      %get3A_1539 = tpu.vector_load %arg6[%get3A_1537, %get3A_1538] {strides = array<i32>} : memref<2x8000xf32, #tpu.memory_space<vmem>>, vector<16xf32>,
      %get3A_1540 = arith.constant 0 : i32
      %get3A_1541 = arith.index_cast %get3A_1540 : i32 to index
      %get3A_1542 = arith.index_cast %mul3A_1531 : i32 to index
      %get3A_1543 = tpu.vector_load %arg7[%get3A_1541, %get3A_1542] {strides = array<i32>} : memref<2x8000xi32, #tpu.memory_space<vmem>>, vector<16xi32>,
      %gt3A_1544 = arith.cmpf ogt, %get3A_1539, %get3A_1535 : vector<16xf32>
      %gt3A_1545 = arith.constant 0 : i32
      %gt3A_1546 = vector.broadcast %gt3A_1545 : i32 to vector<16xi32>
      %gt3A_1547 = arith.cmpi sgt, %get3A_1543, %gt3A_1546 : vector<16xi32>
      %eq3A_1548 = arith.xori %gt3A_1544, %gt3A_1547 : vector<16xi1>
      %eq3A_1549 = arith.constant dense<true> : vector<16xi1>
      %eq3A_1550 = arith.xori %eq3A_1548, %eq3A_1549 : vector<16xi1>
      %jit3A_1551 = arith.constant 1.000000e+00 : f32
      %jit3A_1552 = arith.constant 0.000000e+00 : f32
      %broadcast_in_dim3A_1553 = vector.broadcast %jit3A_1551 : f32 to vector<16xf32>
      %broadcast_in_dim3A_1554 = vector.broadcast %jit3A_1552 : f32 to vector<16xf32>
      %select_n3A_1555 = arith.select %eq3A_1550, %broadcast_in_dim3A_1553, %broadcast_in_dim3A_1554 : vector<16xi1>, vector<16xf32>
      %add3A_1556 = arith.addf %add3A_1527, %select_n3A_1555 : vector<16xf32>
      %scan3A_1557 = arith.constant 2 : i32
      %scan3A_1558 = arith.addi %scan3A_1499, %scan3A_1557 : i32
      %mul3A_1559 = arith.constant 16 : i32
      %mul3A_1560 = arith.muli %scan3A_1558, %mul3A_1559 : i32
      %get3A_1561 = arith.constant 0 : i32
      %get3A_1562 = arith.index_cast %get3A_1561 : i32 to index
      %get3A_1563 = arith.index_cast %mul3A_1560 : i32 to index
      %get3A_1564 = tpu.vector_load %arg5[%get3A_1562, %get3A_1563] {strides = array<i32>} : memref<2x8000xf32, #tpu.memory_space<vmem>>, vector<16xf32>,
      %get3A_1565 = arith.constant 0 : i32
      %get3A_1566 = arith.index_cast %get3A_1565 : i32 to index
      %get3A_1567 = arith.index_cast %mul3A_1560 : i32 to index
      %get3A_1568 = tpu.vector_load %arg6[%get3A_1566, %get3A_1567] {strides = array<i32>} : memref<2x8000xf32, #tpu.memory_space<vmem>>, vector<16xf32>,
      %get3A_1569 = arith.constant 0 : i32
      %get3A_1570 = arith.index_cast %get3A_1569 : i32 to index
      %get3A_1571 = arith.index_cast %mul3A_1560 : i32 to index
      %get3A_1572 = tpu.vector_load %arg7[%get3A_1570, %get3A_1571] {strides = array<i32>} : memref<2x8000xi32, #tpu.memory_space<vmem>>, vector<16xi32>,
      %gt3A_1573 = arith.cmpf ogt, %get3A_1568, %get3A_1564 : vector<16xf32>
      %gt3A_1574 = arith.constant 0 : i32
      %gt3A_1575 = vector.broadcast %gt3A_1574 : i32 to vector<16xi32>
      %gt3A_1576 = arith.cmpi sgt, %get3A_1572, %gt3A_1575 : vector<16xi32>
      %eq3A_1577 = arith.xori %gt3A_1573, %gt3A_1576 : vector<16xi1>
      %eq3A_1578 = arith.constant dense<true> : vector<16xi1>
      %eq3A_1579 = arith.xori %eq3A_1577, %eq3A_1578 : vector<16xi1>
      %jit3A_1580 = arith.constant 1.000000e+00 : f32
      %jit3A_1581 = arith.constant 0.000000e+00 : f32
      %broadcast_in_dim3A_1582 = vector.broadcast %jit3A_1580 : f32 to vector<16xf32>
      %broadcast_in_dim3A_1583 = vector.broadcast %jit3A_1581 : f32 to vector<16xf32>
      %select_n3A_1584 = arith.select %eq3A_1579, %broadcast_in_dim3A_1582, %broadcast_in_dim3A_1583 : vector<16xi1>, vector<16xf32>
      %add3A_1585 = arith.addf %add3A_1556, %select_n3A_1584 : vector<16xf32>
      %scan3A_1586 = arith.constant 3 : i32
      %scan3A_1587 = arith.addi %scan3A_1499, %scan3A_1586 : i32
      %mul3A_1588 = arith.constant 16 : i32
      %mul3A_1589 = arith.muli %scan3A_1587, %mul3A_1588 : i32
      %get3A_1590 = arith.constant 0 : i32
      %get3A_1591 = arith.index_cast %get3A_1590 : i32 to index
      %get3A_1592 = arith.index_cast %mul3A_1589 : i32 to index
      %get3A_1593 = tpu.vector_load %arg5[%get3A_1591, %get3A_1592] {strides = array<i32>} : memref<2x8000xf32, #tpu.memory_space<vmem>>, vector<16xf32>,
      %get3A_1594 = arith.constant 0 : i32
      %get3A_1595 = arith.index_cast %get3A_1594 : i32 to index
      %get3A_1596 = arith.index_cast %mul3A_1589 : i32 to index
      %get3A_1597 = tpu.vector_load %arg6[%get3A_1595, %get3A_1596] {strides = array<i32>} : memref<2x8000xf32, #tpu.memory_space<vmem>>, vector<16xf32>,
      %get3A_1598 = arith.constant 0 : i32
      %get3A_1599 = arith.index_cast %get3A_1598 : i32 to index
      %get3A_1600 = arith.index_cast %mul3A_1589 : i32 to index
      %get3A_1601 = tpu.vector_load %arg7[%get3A_1599, %get3A_1600] {strides = array<i32>} : memref<2x8000xi32, #tpu.memory_space<vmem>>, vector<16xi32>,
      %gt3A_1602 = arith.cmpf ogt, %get3A_1597, %get3A_1593 : vector<16xf32>
      %gt3A_1603 = arith.constant 0 : i32
      %gt3A_1604 = vector.broadcast %gt3A_1603 : i32 to vector<16xi32>
      %gt3A_1605 = arith.cmpi sgt, %get3A_1601, %gt3A_1604 : vector<16xi32>
      %eq3A_1606 = arith.xori %gt3A_1602, %gt3A_1605 : vector<16xi1>
      %eq3A_1607 = arith.constant dense<true> : vector<16xi1>
      %eq3A_1608 = arith.xori %eq3A_1606, %eq3A_1607 : vector<16xi1>
      %jit3A_1609 = arith.constant 1.000000e+00 : f32
      %jit3A_1610 = arith.constant 0.000000e+00 : f32
      %broadcast_in_dim3A_1611 = vector.broadcast %jit3A_1609 : f32 to vector<16xf32>
      %broadcast_in_dim3A_1612 = vector.broadcast %jit3A_1610 : f32 to vector<16xf32>
      %select_n3A_1613 = arith.select %eq3A_1608, %broadcast_in_dim3A_1611, %broadcast_in_dim3A_1612 : vector<16xi1>, vector<16xf32>
      %add3A_1614 = arith.addf %add3A_1585, %select_n3A_1613 : vector<16xf32>
      %scan3A_1615 = arith.constant 4 : i32
      %scan3A_1616 = arith.addi %scan3A_1499, %scan3A_1615 : i32
      %mul3A_1617 = arith.constant 16 : i32
      %mul3A_1618 = arith.muli %scan3A_1616, %mul3A_1617 : i32
      %get3A_1619 = arith.constant 0 : i32
      %get3A_1620 = arith.index_cast %get3A_1619 : i32 to index
      %get3A_1621 = arith.index_cast %mul3A_1618 : i32 to index
      %get3A_1622 = tpu.vector_load %arg5[%get3A_1620, %get3A_1621] {strides = array<i32>} : memref<2x8000xf32, #tpu.memory_space<vmem>>, vector<16xf32>,
      %get3A_1623 = arith.constant 0 : i32
      %get3A_1624 = arith.index_cast %get3A_1623 : i32 to index
      %get3A_1625 = arith.index_cast %mul3A_1618 : i32 to index
      %get3A_1626 = tpu.vector_load %arg6[%get3A_1624, %get3A_1625] {strides = array<i32>} : memref<2x8000xf32, #tpu.memory_space<vmem>>, vector<16xf32>,
      %get3A_1627 = arith.constant 0 : i32
      %get3A_1628 = arith.index_cast %get3A_1627 : i32 to index
      %get3A_1629 = arith.index_cast %mul3A_1618 : i32 to index
      %get3A_1630 = tpu.vector_load %arg7[%get3A_1628, %get3A_1629] {strides = array<i32>} : memref<2x8000xi32, #tpu.memory_space<vmem>>, vector<16xi32>,
      %gt3A_1631 = arith.cmpf ogt, %get3A_1626, %get3A_1622 : vector<16xf32>
      %gt3A_1632 = arith.constant 0 : i32
      %gt3A_1633 = vector.broadcast %gt3A_1632 : i32 to vector<16xi32>
      %gt3A_1634 = arith.cmpi sgt, %get3A_1630, %gt3A_1633 : vector<16xi32>
      %eq3A_1635 = arith.xori %gt3A_1631, %gt3A_1634 : vector<16xi1>
      %eq3A_1636 = arith.constant dense<true> : vector<16xi1>
      %eq3A_1637 = arith.xori %eq3A_1635, %eq3A_1636 : vector<16xi1>
      %jit3A_1638 = arith.constant 1.000000e+00 : f32
      %jit3A_1639 = arith.constant 0.000000e+00 : f32
      %broadcast_in_dim3A_1640 = vector.broadcast %jit3A_1638 : f32 to vector<16xf32>
      %broadcast_in_dim3A_1641 = vector.broadcast %jit3A_1639 : f32 to vector<16xf32>
      %select_n3A_1642 = arith.select %eq3A_1637, %broadcast_in_dim3A_1640, %broadcast_in_dim3A_1641 : vector<16xi1>, vector<16xf32>
      %add3A_1643 = arith.addf %add3A_1614, %select_n3A_1642 : vector<16xf32>
      %scan3A_1644 = arith.constant 5 : i32
      %scan3A_1645 = arith.addi %scan3A_1499, %scan3A_1644 : i32
      %mul3A_1646 = arith.constant 16 : i32
      %mul3A_1647 = arith.muli %scan3A_1645, %mul3A_1646 : i32
      %get3A_1648 = arith.constant 0 : i32
      %get3A_1649 = arith.index_cast %get3A_1648 : i32 to index
      %get3A_1650 = arith.index_cast %mul3A_1647 : i32 to index
      %get3A_1651 = tpu.vector_load %arg5[%get3A_1649, %get3A_1650] {strides = array<i32>} : memref<2x8000xf32, #tpu.memory_space<vmem>>, vector<16xf32>,
      %get3A_1652 = arith.constant 0 : i32
      %get3A_1653 = arith.index_cast %get3A_1652 : i32 to index
      %get3A_1654 = arith.index_cast %mul3A_1647 : i32 to index
      %get3A_1655 = tpu.vector_load %arg6[%get3A_1653, %get3A_1654] {strides = array<i32>} : memref<2x8000xf32, #tpu.memory_space<vmem>>, vector<16xf32>,
      %get3A_1656 = arith.constant 0 : i32
      %get3A_1657 = arith.index_cast %get3A_1656 : i32 to index
      %get3A_1658 = arith.index_cast %mul3A_1647 : i32 to index
      %get3A_1659 = tpu.vector_load %arg7[%get3A_1657, %get3A_1658] {strides = array<i32>} : memref<2x8000xi32, #tpu.memory_space<vmem>>, vector<16xi32>,
      %gt3A_1660 = arith.cmpf ogt, %get3A_1655, %get3A_1651 : vector<16xf32>
      %gt3A_1661 = arith.constant 0 : i32
      %gt3A_1662 = vector.broadcast %gt3A_1661 : i32 to vector<16xi32>
      %gt3A_1663 = arith.cmpi sgt, %get3A_1659, %gt3A_1662 : vector<16xi32>
      %eq3A_1664 = arith.xori %gt3A_1660, %gt3A_1663 : vector<16xi1>
      %eq3A_1665 = arith.constant dense<true> : vector<16xi1>
      %eq3A_1666 = arith.xori %eq3A_1664, %eq3A_1665 : vector<16xi1>
      %jit3A_1667 = arith.constant 1.000000e+00 : f32
      %jit3A_1668 = arith.constant 0.000000e+00 : f32
      %broadcast_in_dim3A_1669 = vector.broadcast %jit3A_1667 : f32 to vector<16xf32>
      %broadcast_in_dim3A_1670 = vector.broadcast %jit3A_1668 : f32 to vector<16xf32>
      %select_n3A_1671 = arith.select %eq3A_1666, %broadcast_in_dim3A_1669, %broadcast_in_dim3A_1670 : vector<16xi1>, vector<16xf32>
      %add3A_1672 = arith.addf %add3A_1643, %select_n3A_1671 : vector<16xf32>
      %scan3A_1673 = arith.constant 6 : i32
      %scan3A_1674 = arith.addi %scan3A_1499, %scan3A_1673 : i32
      %mul3A_1675 = arith.constant 16 : i32
      %mul3A_1676 = arith.muli %scan3A_1674, %mul3A_1675 : i32
      %get3A_1677 = arith.constant 0 : i32
      %get3A_1678 = arith.index_cast %get3A_1677 : i32 to index
      %get3A_1679 = arith.index_cast %mul3A_1676 : i32 to index
      %get3A_1680 = tpu.vector_load %arg5[%get3A_1678, %get3A_1679] {strides = array<i32>} : memref<2x8000xf32, #tpu.memory_space<vmem>>, vector<16xf32>,
      %get3A_1681 = arith.constant 0 : i32
      %get3A_1682 = arith.index_cast %get3A_1681 : i32 to index
      %get3A_1683 = arith.index_cast %mul3A_1676 : i32 to index
      %get3A_1684 = tpu.vector_load %arg6[%get3A_1682, %get3A_1683] {strides = array<i32>} : memref<2x8000xf32, #tpu.memory_space<vmem>>, vector<16xf32>,
      %get3A_1685 = arith.constant 0 : i32
      %get3A_1686 = arith.index_cast %get3A_1685 : i32 to index
      %get3A_1687 = arith.index_cast %mul3A_1676 : i32 to index
      %get3A_1688 = tpu.vector_load %arg7[%get3A_1686, %get3A_1687] {strides = array<i32>} : memref<2x8000xi32, #tpu.memory_space<vmem>>, vector<16xi32>,
      %gt3A_1689 = arith.cmpf ogt, %get3A_1684, %get3A_1680 : vector<16xf32>
      %gt3A_1690 = arith.constant 0 : i32
      %gt3A_1691 = vector.broadcast %gt3A_1690 : i32 to vector<16xi32>
      %gt3A_1692 = arith.cmpi sgt, %get3A_1688, %gt3A_1691 : vector<16xi32>
      %eq3A_1693 = arith.xori %gt3A_1689, %gt3A_1692 : vector<16xi1>
      %eq3A_1694 = arith.constant dense<true> : vector<16xi1>
      %eq3A_1695 = arith.xori %eq3A_1693, %eq3A_1694 : vector<16xi1>
      %jit3A_1696 = arith.constant 1.000000e+00 : f32
      %jit3A_1697 = arith.constant 0.000000e+00 : f32
      %broadcast_in_dim3A_1698 = vector.broadcast %jit3A_1696 : f32 to vector<16xf32>
      %broadcast_in_dim3A_1699 = vector.broadcast %jit3A_1697 : f32 to vector<16xf32>
      %select_n3A_1700 = arith.select %eq3A_1695, %broadcast_in_dim3A_1698, %broadcast_in_dim3A_1699 : vector<16xi1>, vector<16xf32>
      %add3A_1701 = arith.addf %add3A_1672, %select_n3A_1700 : vector<16xf32>
      %scan3A_1702 = arith.constant 7 : i32
      %scan3A_1703 = arith.addi %scan3A_1499, %scan3A_1702 : i32
      %mul3A_1704 = arith.constant 16 : i32
      %mul3A_1705 = arith.muli %scan3A_1703, %mul3A_1704 : i32
      %get3A_1706 = arith.constant 0 : i32
      %get3A_1707 = arith.index_cast %get3A_1706 : i32 to index
      %get3A_1708 = arith.index_cast %mul3A_1705 : i32 to index
      %get3A_1709 = tpu.vector_load %arg5[%get3A_1707, %get3A_1708] {strides = array<i32>} : memref<2x8000xf32, #tpu.memory_space<vmem>>, vector<16xf32>,
      %get3A_1710 = arith.constant 0 : i32
      %get3A_1711 = arith.index_cast %get3A_1710 : i32 to index
      %get3A_1712 = arith.index_cast %mul3A_1705 : i32 to index
      %get3A_1713 = tpu.vector_load %arg6[%get3A_1711, %get3A_1712] {strides = array<i32>} : memref<2x8000xf32, #tpu.memory_space<vmem>>, vector<16xf32>,
      %get3A_1714 = arith.constant 0 : i32
      %get3A_1715 = arith.index_cast %get3A_1714 : i32 to index
      %get3A_1716 = arith.index_cast %mul3A_1705 : i32 to index
      %get3A_1717 = tpu.vector_load %arg7[%get3A_1715, %get3A_1716] {strides = array<i32>} : memref<2x8000xi32, #tpu.memory_space<vmem>>, vector<16xi32>,
      %gt3A_1718 = arith.cmpf ogt, %get3A_1713, %get3A_1709 : vector<16xf32>
      %gt3A_1719 = arith.constant 0 : i32
      %gt3A_1720 = vector.broadcast %gt3A_1719 : i32 to vector<16xi32>
      %gt3A_1721 = arith.cmpi sgt, %get3A_1717, %gt3A_1720 : vector<16xi32>
      %eq3A_1722 = arith.xori %gt3A_1718, %gt3A_1721 : vector<16xi1>
      %eq3A_1723 = arith.constant dense<true> : vector<16xi1>
      %eq3A_1724 = arith.xori %eq3A_1722, %eq3A_1723 : vector<16xi1>
      %jit3A_1725 = arith.constant 1.000000e+00 : f32
      %jit3A_1726 = arith.constant 0.000000e+00 : f32
      %broadcast_in_dim3A_1727 = vector.broadcast %jit3A_1725 : f32 to vector<16xf32>
      %broadcast_in_dim3A_1728 = vector.broadcast %jit3A_1726 : f32 to vector<16xf32>
      %select_n3A_1729 = arith.select %eq3A_1724, %broadcast_in_dim3A_1727, %broadcast_in_dim3A_1728 : vector<16xi1>, vector<16xf32>
      %add3A_1730 = arith.addf %add3A_1701, %select_n3A_1729 : vector<16xf32>
      scf.yield %add3A_1730 : vector<16xf32>
    }
    %scan3A_899 = arith.constant 496 : i32
    %scan3A_900 = arith.addi %scan3A_894, %scan3A_899 : i32
    %mul3A_901 = arith.constant 16 : i32
    %mul3A_902 = arith.muli %scan3A_900, %mul3A_901 : i32
    %get3A_903 = arith.constant 0 : i32
    %get3A_904 = arith.index_cast %get3A_903 : i32 to index
    %get3A_905 = arith.index_cast %mul3A_902 : i32 to index
    %get3A_906 = tpu.vector_load %arg5[%get3A_904, %get3A_905] {strides = array<i32>} : memref<2x8000xf32, #tpu.memory_space<vmem>>, vector<16xf32>,
    %get3A_907 = arith.constant 0 : i32
    %get3A_908 = arith.index_cast %get3A_907 : i32 to index
    %get3A_909 = arith.index_cast %mul3A_902 : i32 to index
    %get3A_910 = tpu.vector_load %arg6[%get3A_908, %get3A_909] {strides = array<i32>} : memref<2x8000xf32, #tpu.memory_space<vmem>>, vector<16xf32>,
    %get3A_911 = arith.constant 0 : i32
    %get3A_912 = arith.index_cast %get3A_911 : i32 to index
    %get3A_913 = arith.index_cast %mul3A_902 : i32 to index
    %get3A_914 = tpu.vector_load %arg7[%get3A_912, %get3A_913] {strides = array<i32>} : memref<2x8000xi32, #tpu.memory_space<vmem>>, vector<16xi32>,
    %gt3A_915 = arith.cmpf ogt, %get3A_910, %get3A_906 : vector<16xf32>
    %gt3A_916 = arith.constant 0 : i32
    %gt3A_917 = vector.broadcast %gt3A_916 : i32 to vector<16xi32>
    %gt3A_918 = arith.cmpi sgt, %get3A_914, %gt3A_917 : vector<16xi32>
    %eq3A_919 = arith.xori %gt3A_915, %gt3A_918 : vector<16xi1>
    %eq3A_920 = arith.constant dense<true> : vector<16xi1>
    %eq3A_921 = arith.xori %eq3A_919, %eq3A_920 : vector<16xi1>
    %jit3A_922 = arith.constant 1.000000e+00 : f32
    %jit3A_923 = arith.constant 0.000000e+00 : f32
    %broadcast_in_dim3A_924 = vector.broadcast %jit3A_922 : f32 to vector<16xf32>
    %broadcast_in_dim3A_925 = vector.broadcast %jit3A_923 : f32 to vector<16xf32>
    %select_n3A_926 = arith.select %eq3A_921, %broadcast_in_dim3A_924, %broadcast_in_dim3A_925 : vector<16xi1>, vector<16xf32>
    %add3A_927 = arith.addf %scan3A_898, %select_n3A_926 : vector<16xf32>
    %scan3A_928 = arith.constant 497 : i32
    %scan3A_929 = arith.addi %scan3A_894, %scan3A_928 : i32
    %mul3A_930 = arith.constant 16 : i32
    %mul3A_931 = arith.muli %scan3A_929, %mul3A_930 : i32
    %get3A_932 = arith.constant 0 : i32
    %get3A_933 = arith.index_cast %get3A_932 : i32 to index
    %get3A_934 = arith.index_cast %mul3A_931 : i32 to index
    %get3A_935 = tpu.vector_load %arg5[%get3A_933, %get3A_934] {strides = array<i32>} : memref<2x8000xf32, #tpu.memory_space<vmem>>, vector<16xf32>,
    %get3A_936 = arith.constant 0 : i32
    %get3A_937 = arith.index_cast %get3A_936 : i32 to index
    %get3A_938 = arith.index_cast %mul3A_931 : i32 to index
    %get3A_939 = tpu.vector_load %arg6[%get3A_937, %get3A_938] {strides = array<i32>} : memref<2x8000xf32, #tpu.memory_space<vmem>>, vector<16xf32>,
    %get3A_940 = arith.constant 0 : i32
    %get3A_941 = arith.index_cast %get3A_940 : i32 to index
    %get3A_942 = arith.index_cast %mul3A_931 : i32 to index
    %get3A_943 = tpu.vector_load %arg7[%get3A_941, %get3A_942] {strides = array<i32>} : memref<2x8000xi32, #tpu.memory_space<vmem>>, vector<16xi32>,
    %gt3A_944 = arith.cmpf ogt, %get3A_939, %get3A_935 : vector<16xf32>
    %gt3A_945 = arith.constant 0 : i32
    %gt3A_946 = vector.broadcast %gt3A_945 : i32 to vector<16xi32>
    %gt3A_947 = arith.cmpi sgt, %get3A_943, %gt3A_946 : vector<16xi32>
    %eq3A_948 = arith.xori %gt3A_944, %gt3A_947 : vector<16xi1>
    %eq3A_949 = arith.constant dense<true> : vector<16xi1>
    %eq3A_950 = arith.xori %eq3A_948, %eq3A_949 : vector<16xi1>
    %jit3A_951 = arith.constant 1.000000e+00 : f32
    %jit3A_952 = arith.constant 0.000000e+00 : f32
    %broadcast_in_dim3A_953 = vector.broadcast %jit3A_951 : f32 to vector<16xf32>
    %broadcast_in_dim3A_954 = vector.broadcast %jit3A_952 : f32 to vector<16xf32>
    %select_n3A_955 = arith.select %eq3A_950, %broadcast_in_dim3A_953, %broadcast_in_dim3A_954 : vector<16xi1>, vector<16xf32>
    %add3A_956 = arith.addf %add3A_927, %select_n3A_955 : vector<16xf32>
    %scan3A_957 = arith.constant 498 : i32
    %scan3A_958 = arith.addi %scan3A_894, %scan3A_957 : i32
    %mul3A_959 = arith.constant 16 : i32
    %mul3A_960 = arith.muli %scan3A_958, %mul3A_959 : i32
    %get3A_961 = arith.constant 0 : i32
    %get3A_962 = arith.index_cast %get3A_961 : i32 to index
    %get3A_963 = arith.index_cast %mul3A_960 : i32 to index
    %get3A_964 = tpu.vector_load %arg5[%get3A_962, %get3A_963] {strides = array<i32>} : memref<2x8000xf32, #tpu.memory_space<vmem>>, vector<16xf32>,
    %get3A_965 = arith.constant 0 : i32
    %get3A_966 = arith.index_cast %get3A_965 : i32 to index
    %get3A_967 = arith.index_cast %mul3A_960 : i32 to index
    %get3A_968 = tpu.vector_load %arg6[%get3A_966, %get3A_967] {strides = array<i32>} : memref<2x8000xf32, #tpu.memory_space<vmem>>, vector<16xf32>,
    %get3A_969 = arith.constant 0 : i32
    %get3A_970 = arith.index_cast %get3A_969 : i32 to index
    %get3A_971 = arith.index_cast %mul3A_960 : i32 to index
    %get3A_972 = tpu.vector_load %arg7[%get3A_970, %get3A_971] {strides = array<i32>} : memref<2x8000xi32, #tpu.memory_space<vmem>>, vector<16xi32>,
    %gt3A_973 = arith.cmpf ogt, %get3A_968, %get3A_964 : vector<16xf32>
    %gt3A_974 = arith.constant 0 : i32
    %gt3A_975 = vector.broadcast %gt3A_974 : i32 to vector<16xi32>
    %gt3A_976 = arith.cmpi sgt, %get3A_972, %gt3A_975 : vector<16xi32>
    %eq3A_977 = arith.xori %gt3A_973, %gt3A_976 : vector<16xi1>
    %eq3A_978 = arith.constant dense<true> : vector<16xi1>
    %eq3A_979 = arith.xori %eq3A_977, %eq3A_978 : vector<16xi1>
    %jit3A_980 = arith.constant 1.000000e+00 : f32
    %jit3A_981 = arith.constant 0.000000e+00 : f32
    %broadcast_in_dim3A_982 = vector.broadcast %jit3A_980 : f32 to vector<16xf32>
    %broadcast_in_dim3A_983 = vector.broadcast %jit3A_981 : f32 to vector<16xf32>
    %select_n3A_984 = arith.select %eq3A_979, %broadcast_in_dim3A_982, %broadcast_in_dim3A_983 : vector<16xi1>, vector<16xf32>
    %add3A_985 = arith.addf %add3A_956, %select_n3A_984 : vector<16xf32>
    %scan3A_986 = arith.constant 499 : i32
    %scan3A_987 = arith.addi %scan3A_894, %scan3A_986 : i32
    %mul3A_988 = arith.constant 16 : i32
    %mul3A_989 = arith.muli %scan3A_987, %mul3A_988 : i32
    %get3A_990 = arith.constant 0 : i32
    %get3A_991 = arith.index_cast %get3A_990 : i32 to index
    %get3A_992 = arith.index_cast %mul3A_989 : i32 to index
    %get3A_993 = tpu.vector_load %arg5[%get3A_991, %get3A_992] {strides = array<i32>} : memref<2x8000xf32, #tpu.memory_space<vmem>>, vector<16xf32>,
    %get3A_994 = arith.constant 0 : i32
    %get3A_995 = arith.index_cast %get3A_994 : i32 to index
    %get3A_996 = arith.index_cast %mul3A_989 : i32 to index
    %get3A_997 = tpu.vector_load %arg6[%get3A_995, %get3A_996] {strides = array<i32>} : memref<2x8000xf32, #tpu.memory_space<vmem>>, vector<16xf32>,
    %get3A_998 = arith.constant 0 : i32
    %get3A_999 = arith.index_cast %get3A_998 : i32 to index
    %get3A_1000 = arith.index_cast %mul3A_989 : i32 to index
    %get3A_1001 = tpu.vector_load %arg7[%get3A_999, %get3A_1000] {strides = array<i32>} : memref<2x8000xi32, #tpu.memory_space<vmem>>, vector<16xi32>,
    %gt3A_1002 = arith.cmpf ogt, %get3A_997, %get3A_993 : vector<16xf32>
    %gt3A_1003 = arith.constant 0 : i32
    %gt3A_1004 = vector.broadcast %gt3A_1003 : i32 to vector<16xi32>
    %gt3A_1005 = arith.cmpi sgt, %get3A_1001, %gt3A_1004 : vector<16xi32>
    %eq3A_1006 = arith.xori %gt3A_1002, %gt3A_1005 : vector<16xi1>
    %eq3A_1007 = arith.constant dense<true> : vector<16xi1>
    %eq3A_1008 = arith.xori %eq3A_1006, %eq3A_1007 : vector<16xi1>
    %jit3A_1009 = arith.constant 1.000000e+00 : f32
    %jit3A_1010 = arith.constant 0.000000e+00 : f32
    %broadcast_in_dim3A_1011 = vector.broadcast %jit3A_1009 : f32 to vector<16xf32>
    %broadcast_in_dim3A_1012 = vector.broadcast %jit3A_1010 : f32 to vector<16xf32>
    %select_n3A_1013 = arith.select %eq3A_1008, %broadcast_in_dim3A_1011, %broadcast_in_dim3A_1012 : vector<16xi1>, vector<16xf32>
    %add3A_1014 = arith.addf %add3A_985, %select_n3A_1013 : vector<16xf32>
    %scan3A_1015 = arith.constant 500 : i32
    %add3A_1016 = arith.constant 6 : i32
    %add3A_1017 = arith.addi %add3A_4, %add3A_1016 : i32
    %mul3A_1018 = arith.constant 8000 : i32
    %mul3A_1019 = arith.muli %add3A_1017, %mul3A_1018 : i32
    %dma_start3A_1020 = arith.constant 0 : i32
    %dma_start3A_1021 = arith.constant 0 : i32
    %dma_start3A_1022 = arith.constant 0 : i32
    %dma_start3A_1023 = tpu.memref_slice %arg5[%dma_start3A_1021, %dma_start3A_1022] : memref<2x8000xf32, #tpu.memory_space<vmem>> -> memref<1x8000xf32, #tpu.memory_space<vmem>>
    %dma_start3A_1024 = tpu.memref_squeeze %dma_start3A_1023 : memref<1x8000xf32, #tpu.memory_space<vmem>> -> memref<8000xf32, #tpu.memory_space<vmem>>
    %dma_start3A_1025 = tpu.memref_slice %arg2[%dma_start3A_1020, %mul3A_1019] : memref<2x2000000xf32, #tpu.memory_space<hbm>> -> memref<1x8000xf32, #tpu.memory_space<hbm>>
    %dma_start3A_1026 = tpu.memref_squeeze %dma_start3A_1025 : memref<1x8000xf32, #tpu.memory_space<hbm>> -> memref<8000xf32, #tpu.memory_space<hbm>>
    %dma_start3A_1027 = arith.constant 0 : i32
    %dma_start3A_1028 = tpu.memref_slice %arg5[%dma_start3A_1021, %dma_start3A_1027] : memref<2x8000xf32, #tpu.memory_space<vmem>> -> memref<1x8000xf32, #tpu.memory_space<vmem>>
    %dma_start3A_1029 = tpu.memref_squeeze %dma_start3A_1028 : memref<1x8000xf32, #tpu.memory_space<vmem>> -> memref<8000xf32, #tpu.memory_space<vmem>>
    %dma_start3A_1030 = tpu.memref_slice %arg2[%dma_start3A_1020, %mul3A_1019] : memref<2x2000000xf32, #tpu.memory_space<hbm>> -> memref<1x8000xf32, #tpu.memory_space<hbm>>
    %dma_start3A_1031 = tpu.memref_squeeze %dma_start3A_1030 : memref<1x8000xf32, #tpu.memory_space<hbm>> -> memref<8000xf32, #tpu.memory_space<hbm>>
    tpu.enqueue_dma source(%dma_start3A_1031 : memref<8000xf32, #tpu.memory_space<hbm>>) target(%dma_start3A_1029 : memref<8000xf32, #tpu.memory_space<vmem>>) target_semaphore(%arg9 : memref<!tpu.dma_semaphore, #tpu.memory_space<semaphore_mem>>)
    %dma_start3A_1032 = arith.constant 1 : i32
    %dma_start3A_1033 = arith.constant 0 : i32
    %dma_start3A_1034 = arith.constant 0 : i32
    %dma_start3A_1035 = tpu.memref_slice %arg6[%dma_start3A_1033, %dma_start3A_1034] : memref<2x8000xf32, #tpu.memory_space<vmem>> -> memref<1x8000xf32, #tpu.memory_space<vmem>>
    %dma_start3A_1036 = tpu.memref_squeeze %dma_start3A_1035 : memref<1x8000xf32, #tpu.memory_space<vmem>> -> memref<8000xf32, #tpu.memory_space<vmem>>
    %dma_start3A_1037 = tpu.memref_slice %arg2[%dma_start3A_1032, %mul3A_1019] : memref<2x2000000xf32, #tpu.memory_space<hbm>> -> memref<1x8000xf32, #tpu.memory_space<hbm>>
    %dma_start3A_1038 = tpu.memref_squeeze %dma_start3A_1037 : memref<1x8000xf32, #tpu.memory_space<hbm>> -> memref<8000xf32, #tpu.memory_space<hbm>>
    %dma_start3A_1039 = arith.constant 0 : i32
    %dma_start3A_1040 = tpu.memref_slice %arg6[%dma_start3A_1033, %dma_start3A_1039] : memref<2x8000xf32, #tpu.memory_space<vmem>> -> memref<1x8000xf32, #tpu.memory_space<vmem>>
    %dma_start3A_1041 = tpu.memref_squeeze %dma_start3A_1040 : memref<1x8000xf32, #tpu.memory_space<vmem>> -> memref<8000xf32, #tpu.memory_space<vmem>>
    %dma_start3A_1042 = tpu.memref_slice %arg2[%dma_start3A_1032, %mul3A_1019] : memref<2x2000000xf32, #tpu.memory_space<hbm>> -> memref<1x8000xf32, #tpu.memory_space<hbm>>
    %dma_start3A_1043 = tpu.memref_squeeze %dma_start3A_1042 : memref<1x8000xf32, #tpu.memory_space<hbm>> -> memref<8000xf32, #tpu.memory_space<hbm>>
    tpu.enqueue_dma source(%dma_start3A_1043 : memref<8000xf32, #tpu.memory_space<hbm>>) target(%dma_start3A_1041 : memref<8000xf32, #tpu.memory_space<vmem>>) target_semaphore(%arg9 : memref<!tpu.dma_semaphore, #tpu.memory_space<semaphore_mem>>)
    %dma_start3A_1044 = arith.constant 0 : i32
    %dma_start3A_1045 = arith.constant 0 : i32
    %dma_start3A_1046 = tpu.memref_slice %arg7[%dma_start3A_1044, %dma_start3A_1045] : memref<2x8000xi32, #tpu.memory_space<vmem>> -> memref<1x8000xi32, #tpu.memory_space<vmem>>
    %dma_start3A_1047 = tpu.memref_squeeze %dma_start3A_1046 : memref<1x8000xi32, #tpu.memory_space<vmem>> -> memref<8000xi32, #tpu.memory_space<vmem>>
    %dma_start3A_1048 = tpu.memref_slice %arg3[%mul3A_1019] : memref<2000000xi32, #tpu.memory_space<hbm>> -> memref<8000xi32, #tpu.memory_space<hbm>>
    %dma_start3A_1049 = arith.constant 0 : i32
    %dma_start3A_1050 = tpu.memref_slice %arg7[%dma_start3A_1044, %dma_start3A_1049] : memref<2x8000xi32, #tpu.memory_space<vmem>> -> memref<1x8000xi32, #tpu.memory_space<vmem>>
    %dma_start3A_1051 = tpu.memref_squeeze %dma_start3A_1050 : memref<1x8000xi32, #tpu.memory_space<vmem>> -> memref<8000xi32, #tpu.memory_space<vmem>>
    %dma_start3A_1052 = tpu.memref_slice %arg3[%mul3A_1019] : memref<2000000xi32, #tpu.memory_space<hbm>> -> memref<8000xi32, #tpu.memory_space<hbm>>
    tpu.enqueue_dma source(%dma_start3A_1052 : memref<8000xi32, #tpu.memory_space<hbm>>) target(%dma_start3A_1051 : memref<8000xi32, #tpu.memory_space<vmem>>) target_semaphore(%arg9 : memref<!tpu.dma_semaphore, #tpu.memory_space<semaphore_mem>>)
    %add3A_1053 = arith.constant 5 : i32
    %add3A_1054 = arith.addi %add3A_4, %add3A_1053 : i32
    %mul3A_1055 = arith.constant 8000 : i32
    %mul3A_1056 = arith.muli %add3A_1054, %mul3A_1055 : i32
    %dma_wait3A_1057 = arith.constant 0 : i32
    %dma_wait3A_1058 = arith.constant 1 : i32
    %dma_wait3A_1059 = arith.constant 0 : i32
    %dma_wait3A_1060 = tpu.memref_slice %arg5[%dma_wait3A_1058, %dma_wait3A_1059] : memref<2x8000xf32, #tpu.memory_space<vmem>> -> memref<1x8000xf32, #tpu.memory_space<vmem>>
    %dma_wait3A_1061 = tpu.memref_squeeze %dma_wait3A_1060 : memref<1x8000xf32, #tpu.memory_space<vmem>> -> memref<8000xf32, #tpu.memory_space<vmem>>
    %dma_wait3A_1062 = tpu.memref_slice %arg2[%dma_wait3A_1057, %mul3A_1056] : memref<2x2000000xf32, #tpu.memory_space<hbm>> -> memref<1x8000xf32, #tpu.memory_space<hbm>>
    %dma_wait3A_1063 = tpu.memref_squeeze %dma_wait3A_1062 : memref<1x8000xf32, #tpu.memory_space<hbm>> -> memref<8000xf32, #tpu.memory_space<hbm>>
    %dma_wait3A_1064 = arith.constant 0 : i32
    %dma_wait3A_1065 = tpu.memref_slice %arg5[%dma_wait3A_1058, %dma_wait3A_1064] : memref<2x8000xf32, #tpu.memory_space<vmem>> -> memref<1x8000xf32, #tpu.memory_space<vmem>>
    %dma_wait3A_1066 = tpu.memref_squeeze %dma_wait3A_1065 : memref<1x8000xf32, #tpu.memory_space<vmem>> -> memref<8000xf32, #tpu.memory_space<vmem>>
    %dma_wait3A_1067 = tpu.memref_slice %arg2[%dma_wait3A_1057, %mul3A_1056] : memref<2x2000000xf32, #tpu.memory_space<hbm>> -> memref<1x8000xf32, #tpu.memory_space<hbm>>
    %dma_wait3A_1068 = tpu.memref_squeeze %dma_wait3A_1067 : memref<1x8000xf32, #tpu.memory_space<hbm>> -> memref<8000xf32, #tpu.memory_space<hbm>>
    tpu.wait_dma2 semaphore(%arg10 : memref<!tpu.dma_semaphore, #tpu.memory_space<semaphore_mem>>) src(%dma_wait3A_1068 : memref<8000xf32, #tpu.memory_space<hbm>>) dst(%dma_wait3A_1066 : memref<8000xf32, #tpu.memory_space<vmem>>)
    %dma_wait3A_1069 = arith.constant 1 : i32
    %dma_wait3A_1070 = arith.constant 1 : i32
    %dma_wait3A_1071 = arith.constant 0 : i32
    %dma_wait3A_1072 = tpu.memref_slice %arg6[%dma_wait3A_1070, %dma_wait3A_1071] : memref<2x8000xf32, #tpu.memory_space<vmem>> -> memref<1x8000xf32, #tpu.memory_space<vmem>>
    %dma_wait3A_1073 = tpu.memref_squeeze %dma_wait3A_1072 : memref<1x8000xf32, #tpu.memory_space<vmem>> -> memref<8000xf32, #tpu.memory_space<vmem>>
    %dma_wait3A_1074 = tpu.memref_slice %arg2[%dma_wait3A_1069, %mul3A_1056] : memref<2x2000000xf32, #tpu.memory_space<hbm>> -> memref<1x8000xf32, #tpu.memory_space<hbm>>
    %dma_wait3A_1075 = tpu.memref_squeeze %dma_wait3A_1074 : memref<1x8000xf32, #tpu.memory_space<hbm>> -> memref<8000xf32, #tpu.memory_space<hbm>>
    %dma_wait3A_1076 = arith.constant 0 : i32
    %dma_wait3A_1077 = tpu.memref_slice %arg6[%dma_wait3A_1070, %dma_wait3A_1076] : memref<2x8000xf32, #tpu.memory_space<vmem>> -> memref<1x8000xf32, #tpu.memory_space<vmem>>
    %dma_wait3A_1078 = tpu.memref_squeeze %dma_wait3A_1077 : memref<1x8000xf32, #tpu.memory_space<vmem>> -> memref<8000xf32, #tpu.memory_space<vmem>>
    %dma_wait3A_1079 = tpu.memref_slice %arg2[%dma_wait3A_1069, %mul3A_1056] : memref<2x2000000xf32, #tpu.memory_space<hbm>> -> memref<1x8000xf32, #tpu.memory_space<hbm>>
    %dma_wait3A_1080 = tpu.memref_squeeze %dma_wait3A_1079 : memref<1x8000xf32, #tpu.memory_space<hbm>> -> memref<8000xf32, #tpu.memory_space<hbm>>
    tpu.wait_dma2 semaphore(%arg10 : memref<!tpu.dma_semaphore, #tpu.memory_space<semaphore_mem>>) src(%dma_wait3A_1080 : memref<8000xf32, #tpu.memory_space<hbm>>) dst(%dma_wait3A_1078 : memref<8000xf32, #tpu.memory_space<vmem>>)
    %dma_wait3A_1081 = arith.constant 1 : i32
    %dma_wait3A_1082 = arith.constant 0 : i32
    %dma_wait3A_1083 = tpu.memref_slice %arg7[%dma_wait3A_1081, %dma_wait3A_1082] : memref<2x8000xi32, #tpu.memory_space<vmem>> -> memref<1x8000xi32, #tpu.memory_space<vmem>>
    %dma_wait3A_1084 = tpu.memref_squeeze %dma_wait3A_1083 : memref<1x8000xi32, #tpu.memory_space<vmem>> -> memref<8000xi32, #tpu.memory_space<vmem>>
    %dma_wait3A_1085 = tpu.memref_slice %arg3[%mul3A_1056] : memref<2000000xi32, #tpu.memory_space<hbm>> -> memref<8000xi32, #tpu.memory_space<hbm>>
    %dma_wait3A_1086 = arith.constant 0 : i32
    %dma_wait3A_1087 = tpu.memref_slice %arg7[%dma_wait3A_1081, %dma_wait3A_1086] : memref<2x8000xi32, #tpu.memory_space<vmem>> -> memref<1x8000xi32, #tpu.memory_space<vmem>>
    %dma_wait3A_1088 = tpu.memref_squeeze %dma_wait3A_1087 : memref<1x8000xi32, #tpu.memory_space<vmem>> -> memref<8000xi32, #tpu.memory_space<vmem>>
    %dma_wait3A_1089 = tpu.memref_slice %arg3[%mul3A_1056] : memref<2000000xi32, #tpu.memory_space<hbm>> -> memref<8000xi32, #tpu.memory_space<hbm>>
    tpu.wait_dma2 semaphore(%arg10 : memref<!tpu.dma_semaphore, #tpu.memory_space<semaphore_mem>>) src(%dma_wait3A_1089 : memref<8000xi32, #tpu.memory_space<hbm>>) dst(%dma_wait3A_1088 : memref<8000xi32, #tpu.memory_space<vmem>>)
    %scan3A_1090 = arith.constant 0 : i32
    %scan3A_1091 = arith.constant 496 : i32
    %scan3A_1092 = arith.addi %scan3A_1090, %scan3A_1091 : i32
    %scan3A_1093 = arith.constant 8 : i32
    %scan3A_1094 = scf.for %scan3A_1499 = %scan3A_1090 to %scan3A_1092 step %scan3A_1093 iter_args(%scan3A_1500 = %add3A_1014) -> (vector<16xf32>)  : i32 {
      %mul3A_1501 = arith.constant 16 : i32
      %mul3A_1502 = arith.muli %scan3A_1499, %mul3A_1501 : i32
      %get3A_1503 = arith.constant 1 : i32
      %get3A_1504 = arith.index_cast %get3A_1503 : i32 to index
      %get3A_1505 = arith.index_cast %mul3A_1502 : i32 to index
      %get3A_1506 = tpu.vector_load %arg5[%get3A_1504, %get3A_1505] {strides = array<i32>} : memref<2x8000xf32, #tpu.memory_space<vmem>>, vector<16xf32>,
      %get3A_1507 = arith.constant 1 : i32
      %get3A_1508 = arith.index_cast %get3A_1507 : i32 to index
      %get3A_1509 = arith.index_cast %mul3A_1502 : i32 to index
      %get3A_1510 = tpu.vector_load %arg6[%get3A_1508, %get3A_1509] {strides = array<i32>} : memref<2x8000xf32, #tpu.memory_space<vmem>>, vector<16xf32>,
      %get3A_1511 = arith.constant 1 : i32
      %get3A_1512 = arith.index_cast %get3A_1511 : i32 to index
      %get3A_1513 = arith.index_cast %mul3A_1502 : i32 to index
      %get3A_1514 = tpu.vector_load %arg7[%get3A_1512, %get3A_1513] {strides = array<i32>} : memref<2x8000xi32, #tpu.memory_space<vmem>>, vector<16xi32>,
      %gt3A_1515 = arith.cmpf ogt, %get3A_1510, %get3A_1506 : vector<16xf32>
      %gt3A_1516 = arith.constant 0 : i32
      %gt3A_1517 = vector.broadcast %gt3A_1516 : i32 to vector<16xi32>
      %gt3A_1518 = arith.cmpi sgt, %get3A_1514, %gt3A_1517 : vector<16xi32>
      %eq3A_1519 = arith.xori %gt3A_1515, %gt3A_1518 : vector<16xi1>
      %eq3A_1520 = arith.constant dense<true> : vector<16xi1>
      %eq3A_1521 = arith.xori %eq3A_1519, %eq3A_1520 : vector<16xi1>
      %jit3A_1522 = arith.constant 1.000000e+00 : f32
      %jit3A_1523 = arith.constant 0.000000e+00 : f32
      %broadcast_in_dim3A_1524 = vector.broadcast %jit3A_1522 : f32 to vector<16xf32>
      %broadcast_in_dim3A_1525 = vector.broadcast %jit3A_1523 : f32 to vector<16xf32>
      %select_n3A_1526 = arith.select %eq3A_1521, %broadcast_in_dim3A_1524, %broadcast_in_dim3A_1525 : vector<16xi1>, vector<16xf32>
      %add3A_1527 = arith.addf %scan3A_1500, %select_n3A_1526 : vector<16xf32>
      %scan3A_1528 = arith.constant 1 : i32
      %scan3A_1529 = arith.addi %scan3A_1499, %scan3A_1528 : i32
      %mul3A_1530 = arith.constant 16 : i32
      %mul3A_1531 = arith.muli %scan3A_1529, %mul3A_1530 : i32
      %get3A_1532 = arith.constant 1 : i32
      %get3A_1533 = arith.index_cast %get3A_1532 : i32 to index
      %get3A_1534 = arith.index_cast %mul3A_1531 : i32 to index
      %get3A_1535 = tpu.vector_load %arg5[%get3A_1533, %get3A_1534] {strides = array<i32>} : memref<2x8000xf32, #tpu.memory_space<vmem>>, vector<16xf32>,
      %get3A_1536 = arith.constant 1 : i32
      %get3A_1537 = arith.index_cast %get3A_1536 : i32 to index
      %get3A_1538 = arith.index_cast %mul3A_1531 : i32 to index
      %get3A_1539 = tpu.vector_load %arg6[%get3A_1537, %get3A_1538] {strides = array<i32>} : memref<2x8000xf32, #tpu.memory_space<vmem>>, vector<16xf32>,
      %get3A_1540 = arith.constant 1 : i32
      %get3A_1541 = arith.index_cast %get3A_1540 : i32 to index
      %get3A_1542 = arith.index_cast %mul3A_1531 : i32 to index
      %get3A_1543 = tpu.vector_load %arg7[%get3A_1541, %get3A_1542] {strides = array<i32>} : memref<2x8000xi32, #tpu.memory_space<vmem>>, vector<16xi32>,
      %gt3A_1544 = arith.cmpf ogt, %get3A_1539, %get3A_1535 : vector<16xf32>
      %gt3A_1545 = arith.constant 0 : i32
      %gt3A_1546 = vector.broadcast %gt3A_1545 : i32 to vector<16xi32>
      %gt3A_1547 = arith.cmpi sgt, %get3A_1543, %gt3A_1546 : vector<16xi32>
      %eq3A_1548 = arith.xori %gt3A_1544, %gt3A_1547 : vector<16xi1>
      %eq3A_1549 = arith.constant dense<true> : vector<16xi1>
      %eq3A_1550 = arith.xori %eq3A_1548, %eq3A_1549 : vector<16xi1>
      %jit3A_1551 = arith.constant 1.000000e+00 : f32
      %jit3A_1552 = arith.constant 0.000000e+00 : f32
      %broadcast_in_dim3A_1553 = vector.broadcast %jit3A_1551 : f32 to vector<16xf32>
      %broadcast_in_dim3A_1554 = vector.broadcast %jit3A_1552 : f32 to vector<16xf32>
      %select_n3A_1555 = arith.select %eq3A_1550, %broadcast_in_dim3A_1553, %broadcast_in_dim3A_1554 : vector<16xi1>, vector<16xf32>
      %add3A_1556 = arith.addf %add3A_1527, %select_n3A_1555 : vector<16xf32>
      %scan3A_1557 = arith.constant 2 : i32
      %scan3A_1558 = arith.addi %scan3A_1499, %scan3A_1557 : i32
      %mul3A_1559 = arith.constant 16 : i32
      %mul3A_1560 = arith.muli %scan3A_1558, %mul3A_1559 : i32
      %get3A_1561 = arith.constant 1 : i32
      %get3A_1562 = arith.index_cast %get3A_1561 : i32 to index
      %get3A_1563 = arith.index_cast %mul3A_1560 : i32 to index
      %get3A_1564 = tpu.vector_load %arg5[%get3A_1562, %get3A_1563] {strides = array<i32>} : memref<2x8000xf32, #tpu.memory_space<vmem>>, vector<16xf32>,
      %get3A_1565 = arith.constant 1 : i32
      %get3A_1566 = arith.index_cast %get3A_1565 : i32 to index
      %get3A_1567 = arith.index_cast %mul3A_1560 : i32 to index
      %get3A_1568 = tpu.vector_load %arg6[%get3A_1566, %get3A_1567] {strides = array<i32>} : memref<2x8000xf32, #tpu.memory_space<vmem>>, vector<16xf32>,
      %get3A_1569 = arith.constant 1 : i32
      %get3A_1570 = arith.index_cast %get3A_1569 : i32 to index
      %get3A_1571 = arith.index_cast %mul3A_1560 : i32 to index
      %get3A_1572 = tpu.vector_load %arg7[%get3A_1570, %get3A_1571] {strides = array<i32>} : memref<2x8000xi32, #tpu.memory_space<vmem>>, vector<16xi32>,
      %gt3A_1573 = arith.cmpf ogt, %get3A_1568, %get3A_1564 : vector<16xf32>
      %gt3A_1574 = arith.constant 0 : i32
      %gt3A_1575 = vector.broadcast %gt3A_1574 : i32 to vector<16xi32>
      %gt3A_1576 = arith.cmpi sgt, %get3A_1572, %gt3A_1575 : vector<16xi32>
      %eq3A_1577 = arith.xori %gt3A_1573, %gt3A_1576 : vector<16xi1>
      %eq3A_1578 = arith.constant dense<true> : vector<16xi1>
      %eq3A_1579 = arith.xori %eq3A_1577, %eq3A_1578 : vector<16xi1>
      %jit3A_1580 = arith.constant 1.000000e+00 : f32
      %jit3A_1581 = arith.constant 0.000000e+00 : f32
      %broadcast_in_dim3A_1582 = vector.broadcast %jit3A_1580 : f32 to vector<16xf32>
      %broadcast_in_dim3A_1583 = vector.broadcast %jit3A_1581 : f32 to vector<16xf32>
      %select_n3A_1584 = arith.select %eq3A_1579, %broadcast_in_dim3A_1582, %broadcast_in_dim3A_1583 : vector<16xi1>, vector<16xf32>
      %add3A_1585 = arith.addf %add3A_1556, %select_n3A_1584 : vector<16xf32>
      %scan3A_1586 = arith.constant 3 : i32
      %scan3A_1587 = arith.addi %scan3A_1499, %scan3A_1586 : i32
      %mul3A_1588 = arith.constant 16 : i32
      %mul3A_1589 = arith.muli %scan3A_1587, %mul3A_1588 : i32
      %get3A_1590 = arith.constant 1 : i32
      %get3A_1591 = arith.index_cast %get3A_1590 : i32 to index
      %get3A_1592 = arith.index_cast %mul3A_1589 : i32 to index
      %get3A_1593 = tpu.vector_load %arg5[%get3A_1591, %get3A_1592] {strides = array<i32>} : memref<2x8000xf32, #tpu.memory_space<vmem>>, vector<16xf32>,
      %get3A_1594 = arith.constant 1 : i32
      %get3A_1595 = arith.index_cast %get3A_1594 : i32 to index
      %get3A_1596 = arith.index_cast %mul3A_1589 : i32 to index
      %get3A_1597 = tpu.vector_load %arg6[%get3A_1595, %get3A_1596] {strides = array<i32>} : memref<2x8000xf32, #tpu.memory_space<vmem>>, vector<16xf32>,
      %get3A_1598 = arith.constant 1 : i32
      %get3A_1599 = arith.index_cast %get3A_1598 : i32 to index
      %get3A_1600 = arith.index_cast %mul3A_1589 : i32 to index
      %get3A_1601 = tpu.vector_load %arg7[%get3A_1599, %get3A_1600] {strides = array<i32>} : memref<2x8000xi32, #tpu.memory_space<vmem>>, vector<16xi32>,
      %gt3A_1602 = arith.cmpf ogt, %get3A_1597, %get3A_1593 : vector<16xf32>
      %gt3A_1603 = arith.constant 0 : i32
      %gt3A_1604 = vector.broadcast %gt3A_1603 : i32 to vector<16xi32>
      %gt3A_1605 = arith.cmpi sgt, %get3A_1601, %gt3A_1604 : vector<16xi32>
      %eq3A_1606 = arith.xori %gt3A_1602, %gt3A_1605 : vector<16xi1>
      %eq3A_1607 = arith.constant dense<true> : vector<16xi1>
      %eq3A_1608 = arith.xori %eq3A_1606, %eq3A_1607 : vector<16xi1>
      %jit3A_1609 = arith.constant 1.000000e+00 : f32
      %jit3A_1610 = arith.constant 0.000000e+00 : f32
      %broadcast_in_dim3A_1611 = vector.broadcast %jit3A_1609 : f32 to vector<16xf32>
      %broadcast_in_dim3A_1612 = vector.broadcast %jit3A_1610 : f32 to vector<16xf32>
      %select_n3A_1613 = arith.select %eq3A_1608, %broadcast_in_dim3A_1611, %broadcast_in_dim3A_1612 : vector<16xi1>, vector<16xf32>
      %add3A_1614 = arith.addf %add3A_1585, %select_n3A_1613 : vector<16xf32>
      %scan3A_1615 = arith.constant 4 : i32
      %scan3A_1616 = arith.addi %scan3A_1499, %scan3A_1615 : i32
      %mul3A_1617 = arith.constant 16 : i32
      %mul3A_1618 = arith.muli %scan3A_1616, %mul3A_1617 : i32
      %get3A_1619 = arith.constant 1 : i32
      %get3A_1620 = arith.index_cast %get3A_1619 : i32 to index
      %get3A_1621 = arith.index_cast %mul3A_1618 : i32 to index
      %get3A_1622 = tpu.vector_load %arg5[%get3A_1620, %get3A_1621] {strides = array<i32>} : memref<2x8000xf32, #tpu.memory_space<vmem>>, vector<16xf32>,
      %get3A_1623 = arith.constant 1 : i32
      %get3A_1624 = arith.index_cast %get3A_1623 : i32 to index
      %get3A_1625 = arith.index_cast %mul3A_1618 : i32 to index
      %get3A_1626 = tpu.vector_load %arg6[%get3A_1624, %get3A_1625] {strides = array<i32>} : memref<2x8000xf32, #tpu.memory_space<vmem>>, vector<16xf32>,
      %get3A_1627 = arith.constant 1 : i32
      %get3A_1628 = arith.index_cast %get3A_1627 : i32 to index
      %get3A_1629 = arith.index_cast %mul3A_1618 : i32 to index
      %get3A_1630 = tpu.vector_load %arg7[%get3A_1628, %get3A_1629] {strides = array<i32>} : memref<2x8000xi32, #tpu.memory_space<vmem>>, vector<16xi32>,
      %gt3A_1631 = arith.cmpf ogt, %get3A_1626, %get3A_1622 : vector<16xf32>
      %gt3A_1632 = arith.constant 0 : i32
      %gt3A_1633 = vector.broadcast %gt3A_1632 : i32 to vector<16xi32>
      %gt3A_1634 = arith.cmpi sgt, %get3A_1630, %gt3A_1633 : vector<16xi32>
      %eq3A_1635 = arith.xori %gt3A_1631, %gt3A_1634 : vector<16xi1>
      %eq3A_1636 = arith.constant dense<true> : vector<16xi1>
      %eq3A_1637 = arith.xori %eq3A_1635, %eq3A_1636 : vector<16xi1>
      %jit3A_1638 = arith.constant 1.000000e+00 : f32
      %jit3A_1639 = arith.constant 0.000000e+00 : f32
      %broadcast_in_dim3A_1640 = vector.broadcast %jit3A_1638 : f32 to vector<16xf32>
      %broadcast_in_dim3A_1641 = vector.broadcast %jit3A_1639 : f32 to vector<16xf32>
      %select_n3A_1642 = arith.select %eq3A_1637, %broadcast_in_dim3A_1640, %broadcast_in_dim3A_1641 : vector<16xi1>, vector<16xf32>
      %add3A_1643 = arith.addf %add3A_1614, %select_n3A_1642 : vector<16xf32>
      %scan3A_1644 = arith.constant 5 : i32
      %scan3A_1645 = arith.addi %scan3A_1499, %scan3A_1644 : i32
      %mul3A_1646 = arith.constant 16 : i32
      %mul3A_1647 = arith.muli %scan3A_1645, %mul3A_1646 : i32
      %get3A_1648 = arith.constant 1 : i32
      %get3A_1649 = arith.index_cast %get3A_1648 : i32 to index
      %get3A_1650 = arith.index_cast %mul3A_1647 : i32 to index
      %get3A_1651 = tpu.vector_load %arg5[%get3A_1649, %get3A_1650] {strides = array<i32>} : memref<2x8000xf32, #tpu.memory_space<vmem>>, vector<16xf32>,
      %get3A_1652 = arith.constant 1 : i32
      %get3A_1653 = arith.index_cast %get3A_1652 : i32 to index
      %get3A_1654 = arith.index_cast %mul3A_1647 : i32 to index
      %get3A_1655 = tpu.vector_load %arg6[%get3A_1653, %get3A_1654] {strides = array<i32>} : memref<2x8000xf32, #tpu.memory_space<vmem>>, vector<16xf32>,
      %get3A_1656 = arith.constant 1 : i32
      %get3A_1657 = arith.index_cast %get3A_1656 : i32 to index
      %get3A_1658 = arith.index_cast %mul3A_1647 : i32 to index
      %get3A_1659 = tpu.vector_load %arg7[%get3A_1657, %get3A_1658] {strides = array<i32>} : memref<2x8000xi32, #tpu.memory_space<vmem>>, vector<16xi32>,
      %gt3A_1660 = arith.cmpf ogt, %get3A_1655, %get3A_1651 : vector<16xf32>
      %gt3A_1661 = arith.constant 0 : i32
      %gt3A_1662 = vector.broadcast %gt3A_1661 : i32 to vector<16xi32>
      %gt3A_1663 = arith.cmpi sgt, %get3A_1659, %gt3A_1662 : vector<16xi32>
      %eq3A_1664 = arith.xori %gt3A_1660, %gt3A_1663 : vector<16xi1>
      %eq3A_1665 = arith.constant dense<true> : vector<16xi1>
      %eq3A_1666 = arith.xori %eq3A_1664, %eq3A_1665 : vector<16xi1>
      %jit3A_1667 = arith.constant 1.000000e+00 : f32
      %jit3A_1668 = arith.constant 0.000000e+00 : f32
      %broadcast_in_dim3A_1669 = vector.broadcast %jit3A_1667 : f32 to vector<16xf32>
      %broadcast_in_dim3A_1670 = vector.broadcast %jit3A_1668 : f32 to vector<16xf32>
      %select_n3A_1671 = arith.select %eq3A_1666, %broadcast_in_dim3A_1669, %broadcast_in_dim3A_1670 : vector<16xi1>, vector<16xf32>
      %add3A_1672 = arith.addf %add3A_1643, %select_n3A_1671 : vector<16xf32>
      %scan3A_1673 = arith.constant 6 : i32
      %scan3A_1674 = arith.addi %scan3A_1499, %scan3A_1673 : i32
      %mul3A_1675 = arith.constant 16 : i32
      %mul3A_1676 = arith.muli %scan3A_1674, %mul3A_1675 : i32
      %get3A_1677 = arith.constant 1 : i32
      %get3A_1678 = arith.index_cast %get3A_1677 : i32 to index
      %get3A_1679 = arith.index_cast %mul3A_1676 : i32 to index
      %get3A_1680 = tpu.vector_load %arg5[%get3A_1678, %get3A_1679] {strides = array<i32>} : memref<2x8000xf32, #tpu.memory_space<vmem>>, vector<16xf32>,
      %get3A_1681 = arith.constant 1 : i32
      %get3A_1682 = arith.index_cast %get3A_1681 : i32 to index
      %get3A_1683 = arith.index_cast %mul3A_1676 : i32 to index
      %get3A_1684 = tpu.vector_load %arg6[%get3A_1682, %get3A_1683] {strides = array<i32>} : memref<2x8000xf32, #tpu.memory_space<vmem>>, vector<16xf32>,
      %get3A_1685 = arith.constant 1 : i32
      %get3A_1686 = arith.index_cast %get3A_1685 : i32 to index
      %get3A_1687 = arith.index_cast %mul3A_1676 : i32 to index
      %get3A_1688 = tpu.vector_load %arg7[%get3A_1686, %get3A_1687] {strides = array<i32>} : memref<2x8000xi32, #tpu.memory_space<vmem>>, vector<16xi32>,
      %gt3A_1689 = arith.cmpf ogt, %get3A_1684, %get3A_1680 : vector<16xf32>
      %gt3A_1690 = arith.constant 0 : i32
      %gt3A_1691 = vector.broadcast %gt3A_1690 : i32 to vector<16xi32>
      %gt3A_1692 = arith.cmpi sgt, %get3A_1688, %gt3A_1691 : vector<16xi32>
      %eq3A_1693 = arith.xori %gt3A_1689, %gt3A_1692 : vector<16xi1>
      %eq3A_1694 = arith.constant dense<true> : vector<16xi1>
      %eq3A_1695 = arith.xori %eq3A_1693, %eq3A_1694 : vector<16xi1>
      %jit3A_1696 = arith.constant 1.000000e+00 : f32
      %jit3A_1697 = arith.constant 0.000000e+00 : f32
      %broadcast_in_dim3A_1698 = vector.broadcast %jit3A_1696 : f32 to vector<16xf32>
      %broadcast_in_dim3A_1699 = vector.broadcast %jit3A_1697 : f32 to vector<16xf32>
      %select_n3A_1700 = arith.select %eq3A_1695, %broadcast_in_dim3A_1698, %broadcast_in_dim3A_1699 : vector<16xi1>, vector<16xf32>
      %add3A_1701 = arith.addf %add3A_1672, %select_n3A_1700 : vector<16xf32>
      %scan3A_1702 = arith.constant 7 : i32
      %scan3A_1703 = arith.addi %scan3A_1499, %scan3A_1702 : i32
      %mul3A_1704 = arith.constant 16 : i32
      %mul3A_1705 = arith.muli %scan3A_1703, %mul3A_1704 : i32
      %get3A_1706 = arith.constant 1 : i32
      %get3A_1707 = arith.index_cast %get3A_1706 : i32 to index
      %get3A_1708 = arith.index_cast %mul3A_1705 : i32 to index
      %get3A_1709 = tpu.vector_load %arg5[%get3A_1707, %get3A_1708] {strides = array<i32>} : memref<2x8000xf32, #tpu.memory_space<vmem>>, vector<16xf32>,
      %get3A_1710 = arith.constant 1 : i32
      %get3A_1711 = arith.index_cast %get3A_1710 : i32 to index
      %get3A_1712 = arith.index_cast %mul3A_1705 : i32 to index
      %get3A_1713 = tpu.vector_load %arg6[%get3A_1711, %get3A_1712] {strides = array<i32>} : memref<2x8000xf32, #tpu.memory_space<vmem>>, vector<16xf32>,
      %get3A_1714 = arith.constant 1 : i32
      %get3A_1715 = arith.index_cast %get3A_1714 : i32 to index
      %get3A_1716 = arith.index_cast %mul3A_1705 : i32 to index
      %get3A_1717 = tpu.vector_load %arg7[%get3A_1715, %get3A_1716] {strides = array<i32>} : memref<2x8000xi32, #tpu.memory_space<vmem>>, vector<16xi32>,
      %gt3A_1718 = arith.cmpf ogt, %get3A_1713, %get3A_1709 : vector<16xf32>
      %gt3A_1719 = arith.constant 0 : i32
      %gt3A_1720 = vector.broadcast %gt3A_1719 : i32 to vector<16xi32>
      %gt3A_1721 = arith.cmpi sgt, %get3A_1717, %gt3A_1720 : vector<16xi32>
      %eq3A_1722 = arith.xori %gt3A_1718, %gt3A_1721 : vector<16xi1>
      %eq3A_1723 = arith.constant dense<true> : vector<16xi1>
      %eq3A_1724 = arith.xori %eq3A_1722, %eq3A_1723 : vector<16xi1>
      %jit3A_1725 = arith.constant 1.000000e+00 : f32
      %jit3A_1726 = arith.constant 0.000000e+00 : f32
      %broadcast_in_dim3A_1727 = vector.broadcast %jit3A_1725 : f32 to vector<16xf32>
      %broadcast_in_dim3A_1728 = vector.broadcast %jit3A_1726 : f32 to vector<16xf32>
      %select_n3A_1729 = arith.select %eq3A_1724, %broadcast_in_dim3A_1727, %broadcast_in_dim3A_1728 : vector<16xi1>, vector<16xf32>
      %add3A_1730 = arith.addf %add3A_1701, %select_n3A_1729 : vector<16xf32>
      scf.yield %add3A_1730 : vector<16xf32>
    }
    %scan3A_1095 = arith.constant 496 : i32
    %scan3A_1096 = arith.addi %scan3A_1090, %scan3A_1095 : i32
    %mul3A_1097 = arith.constant 16 : i32
    %mul3A_1098 = arith.muli %scan3A_1096, %mul3A_1097 : i32
    %get3A_1099 = arith.constant 1 : i32
    %get3A_1100 = arith.index_cast %get3A_1099 : i32 to index
    %get3A_1101 = arith.index_cast %mul3A_1098 : i32 to index
    %get3A_1102 = tpu.vector_load %arg5[%get3A_1100, %get3A_1101] {strides = array<i32>} : memref<2x8000xf32, #tpu.memory_space<vmem>>, vector<16xf32>,
    %get3A_1103 = arith.constant 1 : i32
    %get3A_1104 = arith.index_cast %get3A_1103 : i32 to index
    %get3A_1105 = arith.index_cast %mul3A_1098 : i32 to index
    %get3A_1106 = tpu.vector_load %arg6[%get3A_1104, %get3A_1105] {strides = array<i32>} : memref<2x8000xf32, #tpu.memory_space<vmem>>, vector<16xf32>,
    %get3A_1107 = arith.constant 1 : i32
    %get3A_1108 = arith.index_cast %get3A_1107 : i32 to index
    %get3A_1109 = arith.index_cast %mul3A_1098 : i32 to index
    %get3A_1110 = tpu.vector_load %arg7[%get3A_1108, %get3A_1109] {strides = array<i32>} : memref<2x8000xi32, #tpu.memory_space<vmem>>, vector<16xi32>,
    %gt3A_1111 = arith.cmpf ogt, %get3A_1106, %get3A_1102 : vector<16xf32>
    %gt3A_1112 = arith.constant 0 : i32
    %gt3A_1113 = vector.broadcast %gt3A_1112 : i32 to vector<16xi32>
    %gt3A_1114 = arith.cmpi sgt, %get3A_1110, %gt3A_1113 : vector<16xi32>
    %eq3A_1115 = arith.xori %gt3A_1111, %gt3A_1114 : vector<16xi1>
    %eq3A_1116 = arith.constant dense<true> : vector<16xi1>
    %eq3A_1117 = arith.xori %eq3A_1115, %eq3A_1116 : vector<16xi1>
    %jit3A_1118 = arith.constant 1.000000e+00 : f32
    %jit3A_1119 = arith.constant 0.000000e+00 : f32
    %broadcast_in_dim3A_1120 = vector.broadcast %jit3A_1118 : f32 to vector<16xf32>
    %broadcast_in_dim3A_1121 = vector.broadcast %jit3A_1119 : f32 to vector<16xf32>
    %select_n3A_1122 = arith.select %eq3A_1117, %broadcast_in_dim3A_1120, %broadcast_in_dim3A_1121 : vector<16xi1>, vector<16xf32>
    %add3A_1123 = arith.addf %scan3A_1094, %select_n3A_1122 : vector<16xf32>
    %scan3A_1124 = arith.constant 497 : i32
    %scan3A_1125 = arith.addi %scan3A_1090, %scan3A_1124 : i32
    %mul3A_1126 = arith.constant 16 : i32
    %mul3A_1127 = arith.muli %scan3A_1125, %mul3A_1126 : i32
    %get3A_1128 = arith.constant 1 : i32
    %get3A_1129 = arith.index_cast %get3A_1128 : i32 to index
    %get3A_1130 = arith.index_cast %mul3A_1127 : i32 to index
    %get3A_1131 = tpu.vector_load %arg5[%get3A_1129, %get3A_1130] {strides = array<i32>} : memref<2x8000xf32, #tpu.memory_space<vmem>>, vector<16xf32>,
    %get3A_1132 = arith.constant 1 : i32
    %get3A_1133 = arith.index_cast %get3A_1132 : i32 to index
    %get3A_1134 = arith.index_cast %mul3A_1127 : i32 to index
    %get3A_1135 = tpu.vector_load %arg6[%get3A_1133, %get3A_1134] {strides = array<i32>} : memref<2x8000xf32, #tpu.memory_space<vmem>>, vector<16xf32>,
    %get3A_1136 = arith.constant 1 : i32
    %get3A_1137 = arith.index_cast %get3A_1136 : i32 to index
    %get3A_1138 = arith.index_cast %mul3A_1127 : i32 to index
    %get3A_1139 = tpu.vector_load %arg7[%get3A_1137, %get3A_1138] {strides = array<i32>} : memref<2x8000xi32, #tpu.memory_space<vmem>>, vector<16xi32>,
    %gt3A_1140 = arith.cmpf ogt, %get3A_1135, %get3A_1131 : vector<16xf32>
    %gt3A_1141 = arith.constant 0 : i32
    %gt3A_1142 = vector.broadcast %gt3A_1141 : i32 to vector<16xi32>
    %gt3A_1143 = arith.cmpi sgt, %get3A_1139, %gt3A_1142 : vector<16xi32>
    %eq3A_1144 = arith.xori %gt3A_1140, %gt3A_1143 : vector<16xi1>
    %eq3A_1145 = arith.constant dense<true> : vector<16xi1>
    %eq3A_1146 = arith.xori %eq3A_1144, %eq3A_1145 : vector<16xi1>
    %jit3A_1147 = arith.constant 1.000000e+00 : f32
    %jit3A_1148 = arith.constant 0.000000e+00 : f32
    %broadcast_in_dim3A_1149 = vector.broadcast %jit3A_1147 : f32 to vector<16xf32>
    %broadcast_in_dim3A_1150 = vector.broadcast %jit3A_1148 : f32 to vector<16xf32>
    %select_n3A_1151 = arith.select %eq3A_1146, %broadcast_in_dim3A_1149, %broadcast_in_dim3A_1150 : vector<16xi1>, vector<16xf32>
    %add3A_1152 = arith.addf %add3A_1123, %select_n3A_1151 : vector<16xf32>
    %scan3A_1153 = arith.constant 498 : i32
    %scan3A_1154 = arith.addi %scan3A_1090, %scan3A_1153 : i32
    %mul3A_1155 = arith.constant 16 : i32
    %mul3A_1156 = arith.muli %scan3A_1154, %mul3A_1155 : i32
    %get3A_1157 = arith.constant 1 : i32
    %get3A_1158 = arith.index_cast %get3A_1157 : i32 to index
    %get3A_1159 = arith.index_cast %mul3A_1156 : i32 to index
    %get3A_1160 = tpu.vector_load %arg5[%get3A_1158, %get3A_1159] {strides = array<i32>} : memref<2x8000xf32, #tpu.memory_space<vmem>>, vector<16xf32>,
    %get3A_1161 = arith.constant 1 : i32
    %get3A_1162 = arith.index_cast %get3A_1161 : i32 to index
    %get3A_1163 = arith.index_cast %mul3A_1156 : i32 to index
    %get3A_1164 = tpu.vector_load %arg6[%get3A_1162, %get3A_1163] {strides = array<i32>} : memref<2x8000xf32, #tpu.memory_space<vmem>>, vector<16xf32>,
    %get3A_1165 = arith.constant 1 : i32
    %get3A_1166 = arith.index_cast %get3A_1165 : i32 to index
    %get3A_1167 = arith.index_cast %mul3A_1156 : i32 to index
    %get3A_1168 = tpu.vector_load %arg7[%get3A_1166, %get3A_1167] {strides = array<i32>} : memref<2x8000xi32, #tpu.memory_space<vmem>>, vector<16xi32>,
    %gt3A_1169 = arith.cmpf ogt, %get3A_1164, %get3A_1160 : vector<16xf32>
    %gt3A_1170 = arith.constant 0 : i32
    %gt3A_1171 = vector.broadcast %gt3A_1170 : i32 to vector<16xi32>
    %gt3A_1172 = arith.cmpi sgt, %get3A_1168, %gt3A_1171 : vector<16xi32>
    %eq3A_1173 = arith.xori %gt3A_1169, %gt3A_1172 : vector<16xi1>
    %eq3A_1174 = arith.constant dense<true> : vector<16xi1>
    %eq3A_1175 = arith.xori %eq3A_1173, %eq3A_1174 : vector<16xi1>
    %jit3A_1176 = arith.constant 1.000000e+00 : f32
    %jit3A_1177 = arith.constant 0.000000e+00 : f32
    %broadcast_in_dim3A_1178 = vector.broadcast %jit3A_1176 : f32 to vector<16xf32>
    %broadcast_in_dim3A_1179 = vector.broadcast %jit3A_1177 : f32 to vector<16xf32>
    %select_n3A_1180 = arith.select %eq3A_1175, %broadcast_in_dim3A_1178, %broadcast_in_dim3A_1179 : vector<16xi1>, vector<16xf32>
    %add3A_1181 = arith.addf %add3A_1152, %select_n3A_1180 : vector<16xf32>
    %scan3A_1182 = arith.constant 499 : i32
    %scan3A_1183 = arith.addi %scan3A_1090, %scan3A_1182 : i32
    %mul3A_1184 = arith.constant 16 : i32
    %mul3A_1185 = arith.muli %scan3A_1183, %mul3A_1184 : i32
    %get3A_1186 = arith.constant 1 : i32
    %get3A_1187 = arith.index_cast %get3A_1186 : i32 to index
    %get3A_1188 = arith.index_cast %mul3A_1185 : i32 to index
    %get3A_1189 = tpu.vector_load %arg5[%get3A_1187, %get3A_1188] {strides = array<i32>} : memref<2x8000xf32, #tpu.memory_space<vmem>>, vector<16xf32>,
    %get3A_1190 = arith.constant 1 : i32
    %get3A_1191 = arith.index_cast %get3A_1190 : i32 to index
    %get3A_1192 = arith.index_cast %mul3A_1185 : i32 to index
    %get3A_1193 = tpu.vector_load %arg6[%get3A_1191, %get3A_1192] {strides = array<i32>} : memref<2x8000xf32, #tpu.memory_space<vmem>>, vector<16xf32>,
    %get3A_1194 = arith.constant 1 : i32
    %get3A_1195 = arith.index_cast %get3A_1194 : i32 to index
    %get3A_1196 = arith.index_cast %mul3A_1185 : i32 to index
    %get3A_1197 = tpu.vector_load %arg7[%get3A_1195, %get3A_1196] {strides = array<i32>} : memref<2x8000xi32, #tpu.memory_space<vmem>>, vector<16xi32>,
    %gt3A_1198 = arith.cmpf ogt, %get3A_1193, %get3A_1189 : vector<16xf32>
    %gt3A_1199 = arith.constant 0 : i32
    %gt3A_1200 = vector.broadcast %gt3A_1199 : i32 to vector<16xi32>
    %gt3A_1201 = arith.cmpi sgt, %get3A_1197, %gt3A_1200 : vector<16xi32>
    %eq3A_1202 = arith.xori %gt3A_1198, %gt3A_1201 : vector<16xi1>
    %eq3A_1203 = arith.constant dense<true> : vector<16xi1>
    %eq3A_1204 = arith.xori %eq3A_1202, %eq3A_1203 : vector<16xi1>
    %jit3A_1205 = arith.constant 1.000000e+00 : f32
    %jit3A_1206 = arith.constant 0.000000e+00 : f32
    %broadcast_in_dim3A_1207 = vector.broadcast %jit3A_1205 : f32 to vector<16xf32>
    %broadcast_in_dim3A_1208 = vector.broadcast %jit3A_1206 : f32 to vector<16xf32>
    %select_n3A_1209 = arith.select %eq3A_1204, %broadcast_in_dim3A_1207, %broadcast_in_dim3A_1208 : vector<16xi1>, vector<16xf32>
    %add3A_1210 = arith.addf %add3A_1181, %select_n3A_1209 : vector<16xf32>
    %scan3A_1211 = arith.constant 500 : i32
    %convert_element_type3A = arith.extui %lt3A_5 : i1 to i32
    %cond3A = arith.constant 0 : i32
    %cond3A_1212 = arith.cmpi ne, %convert_element_type3A, %cond3A : i32
    scf.if %cond3A_1212 {
      %add3A_1499 = arith.constant 7 : i32
      %add3A_1500 = arith.addi %add3A_4, %add3A_1499 : i32
      %mul3A_1501 = arith.constant 8000 : i32
      %mul3A_1502 = arith.muli %add3A_1500, %mul3A_1501 : i32
      %dma_start3A_1503 = arith.constant 0 : i32
      %dma_start3A_1504 = arith.constant 1 : i32
      %dma_start3A_1505 = arith.constant 0 : i32
      %dma_start3A_1506 = tpu.memref_slice %arg5[%dma_start3A_1504, %dma_start3A_1505] : memref<2x8000xf32, #tpu.memory_space<vmem>> -> memref<1x8000xf32, #tpu.memory_space<vmem>>
      %dma_start3A_1507 = tpu.memref_squeeze %dma_start3A_1506 : memref<1x8000xf32, #tpu.memory_space<vmem>> -> memref<8000xf32, #tpu.memory_space<vmem>>
      %dma_start3A_1508 = tpu.memref_slice %arg2[%dma_start3A_1503, %mul3A_1502] : memref<2x2000000xf32, #tpu.memory_space<hbm>> -> memref<1x8000xf32, #tpu.memory_space<hbm>>
      %dma_start3A_1509 = tpu.memref_squeeze %dma_start3A_1508 : memref<1x8000xf32, #tpu.memory_space<hbm>> -> memref<8000xf32, #tpu.memory_space<hbm>>
      %dma_start3A_1510 = arith.constant 0 : i32
      %dma_start3A_1511 = tpu.memref_slice %arg5[%dma_start3A_1504, %dma_start3A_1510] : memref<2x8000xf32, #tpu.memory_space<vmem>> -> memref<1x8000xf32, #tpu.memory_space<vmem>>
      %dma_start3A_1512 = tpu.memref_squeeze %dma_start3A_1511 : memref<1x8000xf32, #tpu.memory_space<vmem>> -> memref<8000xf32, #tpu.memory_space<vmem>>
      %dma_start3A_1513 = tpu.memref_slice %arg2[%dma_start3A_1503, %mul3A_1502] : memref<2x2000000xf32, #tpu.memory_space<hbm>> -> memref<1x8000xf32, #tpu.memory_space<hbm>>
      %dma_start3A_1514 = tpu.memref_squeeze %dma_start3A_1513 : memref<1x8000xf32, #tpu.memory_space<hbm>> -> memref<8000xf32, #tpu.memory_space<hbm>>
      tpu.enqueue_dma source(%dma_start3A_1514 : memref<8000xf32, #tpu.memory_space<hbm>>) target(%dma_start3A_1512 : memref<8000xf32, #tpu.memory_space<vmem>>) target_semaphore(%arg10 : memref<!tpu.dma_semaphore, #tpu.memory_space<semaphore_mem>>)
      %dma_start3A_1515 = arith.constant 1 : i32
      %dma_start3A_1516 = arith.constant 1 : i32
      %dma_start3A_1517 = arith.constant 0 : i32
      %dma_start3A_1518 = tpu.memref_slice %arg6[%dma_start3A_1516, %dma_start3A_1517] : memref<2x8000xf32, #tpu.memory_space<vmem>> -> memref<1x8000xf32, #tpu.memory_space<vmem>>
      %dma_start3A_1519 = tpu.memref_squeeze %dma_start3A_1518 : memref<1x8000xf32, #tpu.memory_space<vmem>> -> memref<8000xf32, #tpu.memory_space<vmem>>
      %dma_start3A_1520 = tpu.memref_slice %arg2[%dma_start3A_1515, %mul3A_1502] : memref<2x2000000xf32, #tpu.memory_space<hbm>> -> memref<1x8000xf32, #tpu.memory_space<hbm>>
      %dma_start3A_1521 = tpu.memref_squeeze %dma_start3A_1520 : memref<1x8000xf32, #tpu.memory_space<hbm>> -> memref<8000xf32, #tpu.memory_space<hbm>>
      %dma_start3A_1522 = arith.constant 0 : i32
      %dma_start3A_1523 = tpu.memref_slice %arg6[%dma_start3A_1516, %dma_start3A_1522] : memref<2x8000xf32, #tpu.memory_space<vmem>> -> memref<1x8000xf32, #tpu.memory_space<vmem>>
      %dma_start3A_1524 = tpu.memref_squeeze %dma_start3A_1523 : memref<1x8000xf32, #tpu.memory_space<vmem>> -> memref<8000xf32, #tpu.memory_space<vmem>>
      %dma_start3A_1525 = tpu.memref_slice %arg2[%dma_start3A_1515, %mul3A_1502] : memref<2x2000000xf32, #tpu.memory_space<hbm>> -> memref<1x8000xf32, #tpu.memory_space<hbm>>
      %dma_start3A_1526 = tpu.memref_squeeze %dma_start3A_1525 : memref<1x8000xf32, #tpu.memory_space<hbm>> -> memref<8000xf32, #tpu.memory_space<hbm>>
      tpu.enqueue_dma source(%dma_start3A_1526 : memref<8000xf32, #tpu.memory_space<hbm>>) target(%dma_start3A_1524 : memref<8000xf32, #tpu.memory_space<vmem>>) target_semaphore(%arg10 : memref<!tpu.dma_semaphore, #tpu.memory_space<semaphore_mem>>)
      %dma_start3A_1527 = arith.constant 1 : i32
      %dma_start3A_1528 = arith.constant 0 : i32
      %dma_start3A_1529 = tpu.memref_slice %arg7[%dma_start3A_1527, %dma_start3A_1528] : memref<2x8000xi32, #tpu.memory_space<vmem>> -> memref<1x8000xi32, #tpu.memory_space<vmem>>
      %dma_start3A_1530 = tpu.memref_squeeze %dma_start3A_1529 : memref<1x8000xi32, #tpu.memory_space<vmem>> -> memref<8000xi32, #tpu.memory_space<vmem>>
      %dma_start3A_1531 = tpu.memref_slice %arg3[%mul3A_1502] : memref<2000000xi32, #tpu.memory_space<hbm>> -> memref<8000xi32, #tpu.memory_space<hbm>>
      %dma_start3A_1532 = arith.constant 0 : i32
      %dma_start3A_1533 = tpu.memref_slice %arg7[%dma_start3A_1527, %dma_start3A_1532] : memref<2x8000xi32, #tpu.memory_space<vmem>> -> memref<1x8000xi32, #tpu.memory_space<vmem>>
      %dma_start3A_1534 = tpu.memref_squeeze %dma_start3A_1533 : memref<1x8000xi32, #tpu.memory_space<vmem>> -> memref<8000xi32, #tpu.memory_space<vmem>>
      %dma_start3A_1535 = tpu.memref_slice %arg3[%mul3A_1502] : memref<2000000xi32, #tpu.memory_space<hbm>> -> memref<8000xi32, #tpu.memory_space<hbm>>
      tpu.enqueue_dma source(%dma_start3A_1535 : memref<8000xi32, #tpu.memory_space<hbm>>) target(%dma_start3A_1534 : memref<8000xi32, #tpu.memory_space<vmem>>) target_semaphore(%arg10 : memref<!tpu.dma_semaphore, #tpu.memory_space<semaphore_mem>>)
    } else {
    }
    %add3A_1213 = arith.constant 6 : i32
    %add3A_1214 = arith.addi %add3A_4, %add3A_1213 : i32
    %mul3A_1215 = arith.constant 8000 : i32
    %mul3A_1216 = arith.muli %add3A_1214, %mul3A_1215 : i32
    %dma_wait3A_1217 = arith.constant 0 : i32
    %dma_wait3A_1218 = arith.constant 0 : i32
    %dma_wait3A_1219 = arith.constant 0 : i32
    %dma_wait3A_1220 = tpu.memref_slice %arg5[%dma_wait3A_1218, %dma_wait3A_1219] : memref<2x8000xf32, #tpu.memory_space<vmem>> -> memref<1x8000xf32, #tpu.memory_space<vmem>>
    %dma_wait3A_1221 = tpu.memref_squeeze %dma_wait3A_1220 : memref<1x8000xf32, #tpu.memory_space<vmem>> -> memref<8000xf32, #tpu.memory_space<vmem>>
    %dma_wait3A_1222 = tpu.memref_slice %arg2[%dma_wait3A_1217, %mul3A_1216] : memref<2x2000000xf32, #tpu.memory_space<hbm>> -> memref<1x8000xf32, #tpu.memory_space<hbm>>
    %dma_wait3A_1223 = tpu.memref_squeeze %dma_wait3A_1222 : memref<1x8000xf32, #tpu.memory_space<hbm>> -> memref<8000xf32, #tpu.memory_space<hbm>>
    %dma_wait3A_1224 = arith.constant 0 : i32
    %dma_wait3A_1225 = tpu.memref_slice %arg5[%dma_wait3A_1218, %dma_wait3A_1224] : memref<2x8000xf32, #tpu.memory_space<vmem>> -> memref<1x8000xf32, #tpu.memory_space<vmem>>
    %dma_wait3A_1226 = tpu.memref_squeeze %dma_wait3A_1225 : memref<1x8000xf32, #tpu.memory_space<vmem>> -> memref<8000xf32, #tpu.memory_space<vmem>>
    %dma_wait3A_1227 = tpu.memref_slice %arg2[%dma_wait3A_1217, %mul3A_1216] : memref<2x2000000xf32, #tpu.memory_space<hbm>> -> memref<1x8000xf32, #tpu.memory_space<hbm>>
    %dma_wait3A_1228 = tpu.memref_squeeze %dma_wait3A_1227 : memref<1x8000xf32, #tpu.memory_space<hbm>> -> memref<8000xf32, #tpu.memory_space<hbm>>
    tpu.wait_dma2 semaphore(%arg9 : memref<!tpu.dma_semaphore, #tpu.memory_space<semaphore_mem>>) src(%dma_wait3A_1228 : memref<8000xf32, #tpu.memory_space<hbm>>) dst(%dma_wait3A_1226 : memref<8000xf32, #tpu.memory_space<vmem>>)
    %dma_wait3A_1229 = arith.constant 1 : i32
    %dma_wait3A_1230 = arith.constant 0 : i32
    %dma_wait3A_1231 = arith.constant 0 : i32
    %dma_wait3A_1232 = tpu.memref_slice %arg6[%dma_wait3A_1230, %dma_wait3A_1231] : memref<2x8000xf32, #tpu.memory_space<vmem>> -> memref<1x8000xf32, #tpu.memory_space<vmem>>
    %dma_wait3A_1233 = tpu.memref_squeeze %dma_wait3A_1232 : memref<1x8000xf32, #tpu.memory_space<vmem>> -> memref<8000xf32, #tpu.memory_space<vmem>>
    %dma_wait3A_1234 = tpu.memref_slice %arg2[%dma_wait3A_1229, %mul3A_1216] : memref<2x2000000xf32, #tpu.memory_space<hbm>> -> memref<1x8000xf32, #tpu.memory_space<hbm>>
    %dma_wait3A_1235 = tpu.memref_squeeze %dma_wait3A_1234 : memref<1x8000xf32, #tpu.memory_space<hbm>> -> memref<8000xf32, #tpu.memory_space<hbm>>
    %dma_wait3A_1236 = arith.constant 0 : i32
    %dma_wait3A_1237 = tpu.memref_slice %arg6[%dma_wait3A_1230, %dma_wait3A_1236] : memref<2x8000xf32, #tpu.memory_space<vmem>> -> memref<1x8000xf32, #tpu.memory_space<vmem>>
    %dma_wait3A_1238 = tpu.memref_squeeze %dma_wait3A_1237 : memref<1x8000xf32, #tpu.memory_space<vmem>> -> memref<8000xf32, #tpu.memory_space<vmem>>
    %dma_wait3A_1239 = tpu.memref_slice %arg2[%dma_wait3A_1229, %mul3A_1216] : memref<2x2000000xf32, #tpu.memory_space<hbm>> -> memref<1x8000xf32, #tpu.memory_space<hbm>>
    %dma_wait3A_1240 = tpu.memref_squeeze %dma_wait3A_1239 : memref<1x8000xf32, #tpu.memory_space<hbm>> -> memref<8000xf32, #tpu.memory_space<hbm>>
    tpu.wait_dma2 semaphore(%arg9 : memref<!tpu.dma_semaphore, #tpu.memory_space<semaphore_mem>>) src(%dma_wait3A_1240 : memref<8000xf32, #tpu.memory_space<hbm>>) dst(%dma_wait3A_1238 : memref<8000xf32, #tpu.memory_space<vmem>>)
    %dma_wait3A_1241 = arith.constant 0 : i32
    %dma_wait3A_1242 = arith.constant 0 : i32
    %dma_wait3A_1243 = tpu.memref_slice %arg7[%dma_wait3A_1241, %dma_wait3A_1242] : memref<2x8000xi32, #tpu.memory_space<vmem>> -> memref<1x8000xi32, #tpu.memory_space<vmem>>
    %dma_wait3A_1244 = tpu.memref_squeeze %dma_wait3A_1243 : memref<1x8000xi32, #tpu.memory_space<vmem>> -> memref<8000xi32, #tpu.memory_space<vmem>>
    %dma_wait3A_1245 = tpu.memref_slice %arg3[%mul3A_1216] : memref<2000000xi32, #tpu.memory_space<hbm>> -> memref<8000xi32, #tpu.memory_space<hbm>>
    %dma_wait3A_1246 = arith.constant 0 : i32
    %dma_wait3A_1247 = tpu.memref_slice %arg7[%dma_wait3A_1241, %dma_wait3A_1246] : memref<2x8000xi32, #tpu.memory_space<vmem>> -> memref<1x8000xi32, #tpu.memory_space<vmem>>
    %dma_wait3A_1248 = tpu.memref_squeeze %dma_wait3A_1247 : memref<1x8000xi32, #tpu.memory_space<vmem>> -> memref<8000xi32, #tpu.memory_space<vmem>>
    %dma_wait3A_1249 = tpu.memref_slice %arg3[%mul3A_1216] : memref<2000000xi32, #tpu.memory_space<hbm>> -> memref<8000xi32, #tpu.memory_space<hbm>>
    tpu.wait_dma2 semaphore(%arg9 : memref<!tpu.dma_semaphore, #tpu.memory_space<semaphore_mem>>) src(%dma_wait3A_1249 : memref<8000xi32, #tpu.memory_space<hbm>>) dst(%dma_wait3A_1248 : memref<8000xi32, #tpu.memory_space<vmem>>)
    %scan3A_1250 = arith.constant 0 : i32
    %scan3A_1251 = arith.constant 496 : i32
    %scan3A_1252 = arith.addi %scan3A_1250, %scan3A_1251 : i32
    %scan3A_1253 = arith.constant 8 : i32
    %scan3A_1254 = scf.for %scan3A_1499 = %scan3A_1250 to %scan3A_1252 step %scan3A_1253 iter_args(%scan3A_1500 = %add3A_1210) -> (vector<16xf32>)  : i32 {
      %mul3A_1501 = arith.constant 16 : i32
      %mul3A_1502 = arith.muli %scan3A_1499, %mul3A_1501 : i32
      %get3A_1503 = arith.constant 0 : i32
      %get3A_1504 = arith.index_cast %get3A_1503 : i32 to index
      %get3A_1505 = arith.index_cast %mul3A_1502 : i32 to index
      %get3A_1506 = tpu.vector_load %arg5[%get3A_1504, %get3A_1505] {strides = array<i32>} : memref<2x8000xf32, #tpu.memory_space<vmem>>, vector<16xf32>,
      %get3A_1507 = arith.constant 0 : i32
      %get3A_1508 = arith.index_cast %get3A_1507 : i32 to index
      %get3A_1509 = arith.index_cast %mul3A_1502 : i32 to index
      %get3A_1510 = tpu.vector_load %arg6[%get3A_1508, %get3A_1509] {strides = array<i32>} : memref<2x8000xf32, #tpu.memory_space<vmem>>, vector<16xf32>,
      %get3A_1511 = arith.constant 0 : i32
      %get3A_1512 = arith.index_cast %get3A_1511 : i32 to index
      %get3A_1513 = arith.index_cast %mul3A_1502 : i32 to index
      %get3A_1514 = tpu.vector_load %arg7[%get3A_1512, %get3A_1513] {strides = array<i32>} : memref<2x8000xi32, #tpu.memory_space<vmem>>, vector<16xi32>,
      %gt3A_1515 = arith.cmpf ogt, %get3A_1510, %get3A_1506 : vector<16xf32>
      %gt3A_1516 = arith.constant 0 : i32
      %gt3A_1517 = vector.broadcast %gt3A_1516 : i32 to vector<16xi32>
      %gt3A_1518 = arith.cmpi sgt, %get3A_1514, %gt3A_1517 : vector<16xi32>
      %eq3A_1519 = arith.xori %gt3A_1515, %gt3A_1518 : vector<16xi1>
      %eq3A_1520 = arith.constant dense<true> : vector<16xi1>
      %eq3A_1521 = arith.xori %eq3A_1519, %eq3A_1520 : vector<16xi1>
      %jit3A_1522 = arith.constant 1.000000e+00 : f32
      %jit3A_1523 = arith.constant 0.000000e+00 : f32
      %broadcast_in_dim3A_1524 = vector.broadcast %jit3A_1522 : f32 to vector<16xf32>
      %broadcast_in_dim3A_1525 = vector.broadcast %jit3A_1523 : f32 to vector<16xf32>
      %select_n3A_1526 = arith.select %eq3A_1521, %broadcast_in_dim3A_1524, %broadcast_in_dim3A_1525 : vector<16xi1>, vector<16xf32>
      %add3A_1527 = arith.addf %scan3A_1500, %select_n3A_1526 : vector<16xf32>
      %scan3A_1528 = arith.constant 1 : i32
      %scan3A_1529 = arith.addi %scan3A_1499, %scan3A_1528 : i32
      %mul3A_1530 = arith.constant 16 : i32
      %mul3A_1531 = arith.muli %scan3A_1529, %mul3A_1530 : i32
      %get3A_1532 = arith.constant 0 : i32
      %get3A_1533 = arith.index_cast %get3A_1532 : i32 to index
      %get3A_1534 = arith.index_cast %mul3A_1531 : i32 to index
      %get3A_1535 = tpu.vector_load %arg5[%get3A_1533, %get3A_1534] {strides = array<i32>} : memref<2x8000xf32, #tpu.memory_space<vmem>>, vector<16xf32>,
      %get3A_1536 = arith.constant 0 : i32
      %get3A_1537 = arith.index_cast %get3A_1536 : i32 to index
      %get3A_1538 = arith.index_cast %mul3A_1531 : i32 to index
      %get3A_1539 = tpu.vector_load %arg6[%get3A_1537, %get3A_1538] {strides = array<i32>} : memref<2x8000xf32, #tpu.memory_space<vmem>>, vector<16xf32>,
      %get3A_1540 = arith.constant 0 : i32
      %get3A_1541 = arith.index_cast %get3A_1540 : i32 to index
      %get3A_1542 = arith.index_cast %mul3A_1531 : i32 to index
      %get3A_1543 = tpu.vector_load %arg7[%get3A_1541, %get3A_1542] {strides = array<i32>} : memref<2x8000xi32, #tpu.memory_space<vmem>>, vector<16xi32>,
      %gt3A_1544 = arith.cmpf ogt, %get3A_1539, %get3A_1535 : vector<16xf32>
      %gt3A_1545 = arith.constant 0 : i32
      %gt3A_1546 = vector.broadcast %gt3A_1545 : i32 to vector<16xi32>
      %gt3A_1547 = arith.cmpi sgt, %get3A_1543, %gt3A_1546 : vector<16xi32>
      %eq3A_1548 = arith.xori %gt3A_1544, %gt3A_1547 : vector<16xi1>
      %eq3A_1549 = arith.constant dense<true> : vector<16xi1>
      %eq3A_1550 = arith.xori %eq3A_1548, %eq3A_1549 : vector<16xi1>
      %jit3A_1551 = arith.constant 1.000000e+00 : f32
      %jit3A_1552 = arith.constant 0.000000e+00 : f32
      %broadcast_in_dim3A_1553 = vector.broadcast %jit3A_1551 : f32 to vector<16xf32>
      %broadcast_in_dim3A_1554 = vector.broadcast %jit3A_1552 : f32 to vector<16xf32>
      %select_n3A_1555 = arith.select %eq3A_1550, %broadcast_in_dim3A_1553, %broadcast_in_dim3A_1554 : vector<16xi1>, vector<16xf32>
      %add3A_1556 = arith.addf %add3A_1527, %select_n3A_1555 : vector<16xf32>
      %scan3A_1557 = arith.constant 2 : i32
      %scan3A_1558 = arith.addi %scan3A_1499, %scan3A_1557 : i32
      %mul3A_1559 = arith.constant 16 : i32
      %mul3A_1560 = arith.muli %scan3A_1558, %mul3A_1559 : i32
      %get3A_1561 = arith.constant 0 : i32
      %get3A_1562 = arith.index_cast %get3A_1561 : i32 to index
      %get3A_1563 = arith.index_cast %mul3A_1560 : i32 to index
      %get3A_1564 = tpu.vector_load %arg5[%get3A_1562, %get3A_1563] {strides = array<i32>} : memref<2x8000xf32, #tpu.memory_space<vmem>>, vector<16xf32>,
      %get3A_1565 = arith.constant 0 : i32
      %get3A_1566 = arith.index_cast %get3A_1565 : i32 to index
      %get3A_1567 = arith.index_cast %mul3A_1560 : i32 to index
      %get3A_1568 = tpu.vector_load %arg6[%get3A_1566, %get3A_1567] {strides = array<i32>} : memref<2x8000xf32, #tpu.memory_space<vmem>>, vector<16xf32>,
      %get3A_1569 = arith.constant 0 : i32
      %get3A_1570 = arith.index_cast %get3A_1569 : i32 to index
      %get3A_1571 = arith.index_cast %mul3A_1560 : i32 to index
      %get3A_1572 = tpu.vector_load %arg7[%get3A_1570, %get3A_1571] {strides = array<i32>} : memref<2x8000xi32, #tpu.memory_space<vmem>>, vector<16xi32>,
      %gt3A_1573 = arith.cmpf ogt, %get3A_1568, %get3A_1564 : vector<16xf32>
      %gt3A_1574 = arith.constant 0 : i32
      %gt3A_1575 = vector.broadcast %gt3A_1574 : i32 to vector<16xi32>
      %gt3A_1576 = arith.cmpi sgt, %get3A_1572, %gt3A_1575 : vector<16xi32>
      %eq3A_1577 = arith.xori %gt3A_1573, %gt3A_1576 : vector<16xi1>
      %eq3A_1578 = arith.constant dense<true> : vector<16xi1>
      %eq3A_1579 = arith.xori %eq3A_1577, %eq3A_1578 : vector<16xi1>
      %jit3A_1580 = arith.constant 1.000000e+00 : f32
      %jit3A_1581 = arith.constant 0.000000e+00 : f32
      %broadcast_in_dim3A_1582 = vector.broadcast %jit3A_1580 : f32 to vector<16xf32>
      %broadcast_in_dim3A_1583 = vector.broadcast %jit3A_1581 : f32 to vector<16xf32>
      %select_n3A_1584 = arith.select %eq3A_1579, %broadcast_in_dim3A_1582, %broadcast_in_dim3A_1583 : vector<16xi1>, vector<16xf32>
      %add3A_1585 = arith.addf %add3A_1556, %select_n3A_1584 : vector<16xf32>
      %scan3A_1586 = arith.constant 3 : i32
      %scan3A_1587 = arith.addi %scan3A_1499, %scan3A_1586 : i32
      %mul3A_1588 = arith.constant 16 : i32
      %mul3A_1589 = arith.muli %scan3A_1587, %mul3A_1588 : i32
      %get3A_1590 = arith.constant 0 : i32
      %get3A_1591 = arith.index_cast %get3A_1590 : i32 to index
      %get3A_1592 = arith.index_cast %mul3A_1589 : i32 to index
      %get3A_1593 = tpu.vector_load %arg5[%get3A_1591, %get3A_1592] {strides = array<i32>} : memref<2x8000xf32, #tpu.memory_space<vmem>>, vector<16xf32>,
      %get3A_1594 = arith.constant 0 : i32
      %get3A_1595 = arith.index_cast %get3A_1594 : i32 to index
      %get3A_1596 = arith.index_cast %mul3A_1589 : i32 to index
      %get3A_1597 = tpu.vector_load %arg6[%get3A_1595, %get3A_1596] {strides = array<i32>} : memref<2x8000xf32, #tpu.memory_space<vmem>>, vector<16xf32>,
      %get3A_1598 = arith.constant 0 : i32
      %get3A_1599 = arith.index_cast %get3A_1598 : i32 to index
      %get3A_1600 = arith.index_cast %mul3A_1589 : i32 to index
      %get3A_1601 = tpu.vector_load %arg7[%get3A_1599, %get3A_1600] {strides = array<i32>} : memref<2x8000xi32, #tpu.memory_space<vmem>>, vector<16xi32>,
      %gt3A_1602 = arith.cmpf ogt, %get3A_1597, %get3A_1593 : vector<16xf32>
      %gt3A_1603 = arith.constant 0 : i32
      %gt3A_1604 = vector.broadcast %gt3A_1603 : i32 to vector<16xi32>
      %gt3A_1605 = arith.cmpi sgt, %get3A_1601, %gt3A_1604 : vector<16xi32>
      %eq3A_1606 = arith.xori %gt3A_1602, %gt3A_1605 : vector<16xi1>
      %eq3A_1607 = arith.constant dense<true> : vector<16xi1>
      %eq3A_1608 = arith.xori %eq3A_1606, %eq3A_1607 : vector<16xi1>
      %jit3A_1609 = arith.constant 1.000000e+00 : f32
      %jit3A_1610 = arith.constant 0.000000e+00 : f32
      %broadcast_in_dim3A_1611 = vector.broadcast %jit3A_1609 : f32 to vector<16xf32>
      %broadcast_in_dim3A_1612 = vector.broadcast %jit3A_1610 : f32 to vector<16xf32>
      %select_n3A_1613 = arith.select %eq3A_1608, %broadcast_in_dim3A_1611, %broadcast_in_dim3A_1612 : vector<16xi1>, vector<16xf32>
      %add3A_1614 = arith.addf %add3A_1585, %select_n3A_1613 : vector<16xf32>
      %scan3A_1615 = arith.constant 4 : i32
      %scan3A_1616 = arith.addi %scan3A_1499, %scan3A_1615 : i32
      %mul3A_1617 = arith.constant 16 : i32
      %mul3A_1618 = arith.muli %scan3A_1616, %mul3A_1617 : i32
      %get3A_1619 = arith.constant 0 : i32
      %get3A_1620 = arith.index_cast %get3A_1619 : i32 to index
      %get3A_1621 = arith.index_cast %mul3A_1618 : i32 to index
      %get3A_1622 = tpu.vector_load %arg5[%get3A_1620, %get3A_1621] {strides = array<i32>} : memref<2x8000xf32, #tpu.memory_space<vmem>>, vector<16xf32>,
      %get3A_1623 = arith.constant 0 : i32
      %get3A_1624 = arith.index_cast %get3A_1623 : i32 to index
      %get3A_1625 = arith.index_cast %mul3A_1618 : i32 to index
      %get3A_1626 = tpu.vector_load %arg6[%get3A_1624, %get3A_1625] {strides = array<i32>} : memref<2x8000xf32, #tpu.memory_space<vmem>>, vector<16xf32>,
      %get3A_1627 = arith.constant 0 : i32
      %get3A_1628 = arith.index_cast %get3A_1627 : i32 to index
      %get3A_1629 = arith.index_cast %mul3A_1618 : i32 to index
      %get3A_1630 = tpu.vector_load %arg7[%get3A_1628, %get3A_1629] {strides = array<i32>} : memref<2x8000xi32, #tpu.memory_space<vmem>>, vector<16xi32>,
      %gt3A_1631 = arith.cmpf ogt, %get3A_1626, %get3A_1622 : vector<16xf32>
      %gt3A_1632 = arith.constant 0 : i32
      %gt3A_1633 = vector.broadcast %gt3A_1632 : i32 to vector<16xi32>
      %gt3A_1634 = arith.cmpi sgt, %get3A_1630, %gt3A_1633 : vector<16xi32>
      %eq3A_1635 = arith.xori %gt3A_1631, %gt3A_1634 : vector<16xi1>
      %eq3A_1636 = arith.constant dense<true> : vector<16xi1>
      %eq3A_1637 = arith.xori %eq3A_1635, %eq3A_1636 : vector<16xi1>
      %jit3A_1638 = arith.constant 1.000000e+00 : f32
      %jit3A_1639 = arith.constant 0.000000e+00 : f32
      %broadcast_in_dim3A_1640 = vector.broadcast %jit3A_1638 : f32 to vector<16xf32>
      %broadcast_in_dim3A_1641 = vector.broadcast %jit3A_1639 : f32 to vector<16xf32>
      %select_n3A_1642 = arith.select %eq3A_1637, %broadcast_in_dim3A_1640, %broadcast_in_dim3A_1641 : vector<16xi1>, vector<16xf32>
      %add3A_1643 = arith.addf %add3A_1614, %select_n3A_1642 : vector<16xf32>
      %scan3A_1644 = arith.constant 5 : i32
      %scan3A_1645 = arith.addi %scan3A_1499, %scan3A_1644 : i32
      %mul3A_1646 = arith.constant 16 : i32
      %mul3A_1647 = arith.muli %scan3A_1645, %mul3A_1646 : i32
      %get3A_1648 = arith.constant 0 : i32
      %get3A_1649 = arith.index_cast %get3A_1648 : i32 to index
      %get3A_1650 = arith.index_cast %mul3A_1647 : i32 to index
      %get3A_1651 = tpu.vector_load %arg5[%get3A_1649, %get3A_1650] {strides = array<i32>} : memref<2x8000xf32, #tpu.memory_space<vmem>>, vector<16xf32>,
      %get3A_1652 = arith.constant 0 : i32
      %get3A_1653 = arith.index_cast %get3A_1652 : i32 to index
      %get3A_1654 = arith.index_cast %mul3A_1647 : i32 to index
      %get3A_1655 = tpu.vector_load %arg6[%get3A_1653, %get3A_1654] {strides = array<i32>} : memref<2x8000xf32, #tpu.memory_space<vmem>>, vector<16xf32>,
      %get3A_1656 = arith.constant 0 : i32
      %get3A_1657 = arith.index_cast %get3A_1656 : i32 to index
      %get3A_1658 = arith.index_cast %mul3A_1647 : i32 to index
      %get3A_1659 = tpu.vector_load %arg7[%get3A_1657, %get3A_1658] {strides = array<i32>} : memref<2x8000xi32, #tpu.memory_space<vmem>>, vector<16xi32>,
      %gt3A_1660 = arith.cmpf ogt, %get3A_1655, %get3A_1651 : vector<16xf32>
      %gt3A_1661 = arith.constant 0 : i32
      %gt3A_1662 = vector.broadcast %gt3A_1661 : i32 to vector<16xi32>
      %gt3A_1663 = arith.cmpi sgt, %get3A_1659, %gt3A_1662 : vector<16xi32>
      %eq3A_1664 = arith.xori %gt3A_1660, %gt3A_1663 : vector<16xi1>
      %eq3A_1665 = arith.constant dense<true> : vector<16xi1>
      %eq3A_1666 = arith.xori %eq3A_1664, %eq3A_1665 : vector<16xi1>
      %jit3A_1667 = arith.constant 1.000000e+00 : f32
      %jit3A_1668 = arith.constant 0.000000e+00 : f32
      %broadcast_in_dim3A_1669 = vector.broadcast %jit3A_1667 : f32 to vector<16xf32>
      %broadcast_in_dim3A_1670 = vector.broadcast %jit3A_1668 : f32 to vector<16xf32>
      %select_n3A_1671 = arith.select %eq3A_1666, %broadcast_in_dim3A_1669, %broadcast_in_dim3A_1670 : vector<16xi1>, vector<16xf32>
      %add3A_1672 = arith.addf %add3A_1643, %select_n3A_1671 : vector<16xf32>
      %scan3A_1673 = arith.constant 6 : i32
      %scan3A_1674 = arith.addi %scan3A_1499, %scan3A_1673 : i32
      %mul3A_1675 = arith.constant 16 : i32
      %mul3A_1676 = arith.muli %scan3A_1674, %mul3A_1675 : i32
      %get3A_1677 = arith.constant 0 : i32
      %get3A_1678 = arith.index_cast %get3A_1677 : i32 to index
      %get3A_1679 = arith.index_cast %mul3A_1676 : i32 to index
      %get3A_1680 = tpu.vector_load %arg5[%get3A_1678, %get3A_1679] {strides = array<i32>} : memref<2x8000xf32, #tpu.memory_space<vmem>>, vector<16xf32>,
      %get3A_1681 = arith.constant 0 : i32
      %get3A_1682 = arith.index_cast %get3A_1681 : i32 to index
      %get3A_1683 = arith.index_cast %mul3A_1676 : i32 to index
      %get3A_1684 = tpu.vector_load %arg6[%get3A_1682, %get3A_1683] {strides = array<i32>} : memref<2x8000xf32, #tpu.memory_space<vmem>>, vector<16xf32>,
      %get3A_1685 = arith.constant 0 : i32
      %get3A_1686 = arith.index_cast %get3A_1685 : i32 to index
      %get3A_1687 = arith.index_cast %mul3A_1676 : i32 to index
      %get3A_1688 = tpu.vector_load %arg7[%get3A_1686, %get3A_1687] {strides = array<i32>} : memref<2x8000xi32, #tpu.memory_space<vmem>>, vector<16xi32>,
      %gt3A_1689 = arith.cmpf ogt, %get3A_1684, %get3A_1680 : vector<16xf32>
      %gt3A_1690 = arith.constant 0 : i32
      %gt3A_1691 = vector.broadcast %gt3A_1690 : i32 to vector<16xi32>
      %gt3A_1692 = arith.cmpi sgt, %get3A_1688, %gt3A_1691 : vector<16xi32>
      %eq3A_1693 = arith.xori %gt3A_1689, %gt3A_1692 : vector<16xi1>
      %eq3A_1694 = arith.constant dense<true> : vector<16xi1>
      %eq3A_1695 = arith.xori %eq3A_1693, %eq3A_1694 : vector<16xi1>
      %jit3A_1696 = arith.constant 1.000000e+00 : f32
      %jit3A_1697 = arith.constant 0.000000e+00 : f32
      %broadcast_in_dim3A_1698 = vector.broadcast %jit3A_1696 : f32 to vector<16xf32>
      %broadcast_in_dim3A_1699 = vector.broadcast %jit3A_1697 : f32 to vector<16xf32>
      %select_n3A_1700 = arith.select %eq3A_1695, %broadcast_in_dim3A_1698, %broadcast_in_dim3A_1699 : vector<16xi1>, vector<16xf32>
      %add3A_1701 = arith.addf %add3A_1672, %select_n3A_1700 : vector<16xf32>
      %scan3A_1702 = arith.constant 7 : i32
      %scan3A_1703 = arith.addi %scan3A_1499, %scan3A_1702 : i32
      %mul3A_1704 = arith.constant 16 : i32
      %mul3A_1705 = arith.muli %scan3A_1703, %mul3A_1704 : i32
      %get3A_1706 = arith.constant 0 : i32
      %get3A_1707 = arith.index_cast %get3A_1706 : i32 to index
      %get3A_1708 = arith.index_cast %mul3A_1705 : i32 to index
      %get3A_1709 = tpu.vector_load %arg5[%get3A_1707, %get3A_1708] {strides = array<i32>} : memref<2x8000xf32, #tpu.memory_space<vmem>>, vector<16xf32>,
      %get3A_1710 = arith.constant 0 : i32
      %get3A_1711 = arith.index_cast %get3A_1710 : i32 to index
      %get3A_1712 = arith.index_cast %mul3A_1705 : i32 to index
      %get3A_1713 = tpu.vector_load %arg6[%get3A_1711, %get3A_1712] {strides = array<i32>} : memref<2x8000xf32, #tpu.memory_space<vmem>>, vector<16xf32>,
      %get3A_1714 = arith.constant 0 : i32
      %get3A_1715 = arith.index_cast %get3A_1714 : i32 to index
      %get3A_1716 = arith.index_cast %mul3A_1705 : i32 to index
      %get3A_1717 = tpu.vector_load %arg7[%get3A_1715, %get3A_1716] {strides = array<i32>} : memref<2x8000xi32, #tpu.memory_space<vmem>>, vector<16xi32>,
      %gt3A_1718 = arith.cmpf ogt, %get3A_1713, %get3A_1709 : vector<16xf32>
      %gt3A_1719 = arith.constant 0 : i32
      %gt3A_1720 = vector.broadcast %gt3A_1719 : i32 to vector<16xi32>
      %gt3A_1721 = arith.cmpi sgt, %get3A_1717, %gt3A_1720 : vector<16xi32>
      %eq3A_1722 = arith.xori %gt3A_1718, %gt3A_1721 : vector<16xi1>
      %eq3A_1723 = arith.constant dense<true> : vector<16xi1>
      %eq3A_1724 = arith.xori %eq3A_1722, %eq3A_1723 : vector<16xi1>
      %jit3A_1725 = arith.constant 1.000000e+00 : f32
      %jit3A_1726 = arith.constant 0.000000e+00 : f32
      %broadcast_in_dim3A_1727 = vector.broadcast %jit3A_1725 : f32 to vector<16xf32>
      %broadcast_in_dim3A_1728 = vector.broadcast %jit3A_1726 : f32 to vector<16xf32>
      %select_n3A_1729 = arith.select %eq3A_1724, %broadcast_in_dim3A_1727, %broadcast_in_dim3A_1728 : vector<16xi1>, vector<16xf32>
      %add3A_1730 = arith.addf %add3A_1701, %select_n3A_1729 : vector<16xf32>
      scf.yield %add3A_1730 : vector<16xf32>
    }
    %scan3A_1255 = arith.constant 496 : i32
    %scan3A_1256 = arith.addi %scan3A_1250, %scan3A_1255 : i32
    %mul3A_1257 = arith.constant 16 : i32
    %mul3A_1258 = arith.muli %scan3A_1256, %mul3A_1257 : i32
    %get3A_1259 = arith.constant 0 : i32
    %get3A_1260 = arith.index_cast %get3A_1259 : i32 to index
    %get3A_1261 = arith.index_cast %mul3A_1258 : i32 to index
    %get3A_1262 = tpu.vector_load %arg5[%get3A_1260, %get3A_1261] {strides = array<i32>} : memref<2x8000xf32, #tpu.memory_space<vmem>>, vector<16xf32>,
    %get3A_1263 = arith.constant 0 : i32
    %get3A_1264 = arith.index_cast %get3A_1263 : i32 to index
    %get3A_1265 = arith.index_cast %mul3A_1258 : i32 to index
    %get3A_1266 = tpu.vector_load %arg6[%get3A_1264, %get3A_1265] {strides = array<i32>} : memref<2x8000xf32, #tpu.memory_space<vmem>>, vector<16xf32>,
    %get3A_1267 = arith.constant 0 : i32
    %get3A_1268 = arith.index_cast %get3A_1267 : i32 to index
    %get3A_1269 = arith.index_cast %mul3A_1258 : i32 to index
    %get3A_1270 = tpu.vector_load %arg7[%get3A_1268, %get3A_1269] {strides = array<i32>} : memref<2x8000xi32, #tpu.memory_space<vmem>>, vector<16xi32>,
    %gt3A_1271 = arith.cmpf ogt, %get3A_1266, %get3A_1262 : vector<16xf32>
    %gt3A_1272 = arith.constant 0 : i32
    %gt3A_1273 = vector.broadcast %gt3A_1272 : i32 to vector<16xi32>
    %gt3A_1274 = arith.cmpi sgt, %get3A_1270, %gt3A_1273 : vector<16xi32>
    %eq3A_1275 = arith.xori %gt3A_1271, %gt3A_1274 : vector<16xi1>
    %eq3A_1276 = arith.constant dense<true> : vector<16xi1>
    %eq3A_1277 = arith.xori %eq3A_1275, %eq3A_1276 : vector<16xi1>
    %jit3A_1278 = arith.constant 1.000000e+00 : f32
    %jit3A_1279 = arith.constant 0.000000e+00 : f32
    %broadcast_in_dim3A_1280 = vector.broadcast %jit3A_1278 : f32 to vector<16xf32>
    %broadcast_in_dim3A_1281 = vector.broadcast %jit3A_1279 : f32 to vector<16xf32>
    %select_n3A_1282 = arith.select %eq3A_1277, %broadcast_in_dim3A_1280, %broadcast_in_dim3A_1281 : vector<16xi1>, vector<16xf32>
    %add3A_1283 = arith.addf %scan3A_1254, %select_n3A_1282 : vector<16xf32>
    %scan3A_1284 = arith.constant 497 : i32
    %scan3A_1285 = arith.addi %scan3A_1250, %scan3A_1284 : i32
    %mul3A_1286 = arith.constant 16 : i32
    %mul3A_1287 = arith.muli %scan3A_1285, %mul3A_1286 : i32
    %get3A_1288 = arith.constant 0 : i32
    %get3A_1289 = arith.index_cast %get3A_1288 : i32 to index
    %get3A_1290 = arith.index_cast %mul3A_1287 : i32 to index
    %get3A_1291 = tpu.vector_load %arg5[%get3A_1289, %get3A_1290] {strides = array<i32>} : memref<2x8000xf32, #tpu.memory_space<vmem>>, vector<16xf32>,
    %get3A_1292 = arith.constant 0 : i32
    %get3A_1293 = arith.index_cast %get3A_1292 : i32 to index
    %get3A_1294 = arith.index_cast %mul3A_1287 : i32 to index
    %get3A_1295 = tpu.vector_load %arg6[%get3A_1293, %get3A_1294] {strides = array<i32>} : memref<2x8000xf32, #tpu.memory_space<vmem>>, vector<16xf32>,
    %get3A_1296 = arith.constant 0 : i32
    %get3A_1297 = arith.index_cast %get3A_1296 : i32 to index
    %get3A_1298 = arith.index_cast %mul3A_1287 : i32 to index
    %get3A_1299 = tpu.vector_load %arg7[%get3A_1297, %get3A_1298] {strides = array<i32>} : memref<2x8000xi32, #tpu.memory_space<vmem>>, vector<16xi32>,
    %gt3A_1300 = arith.cmpf ogt, %get3A_1295, %get3A_1291 : vector<16xf32>
    %gt3A_1301 = arith.constant 0 : i32
    %gt3A_1302 = vector.broadcast %gt3A_1301 : i32 to vector<16xi32>
    %gt3A_1303 = arith.cmpi sgt, %get3A_1299, %gt3A_1302 : vector<16xi32>
    %eq3A_1304 = arith.xori %gt3A_1300, %gt3A_1303 : vector<16xi1>
    %eq3A_1305 = arith.constant dense<true> : vector<16xi1>
    %eq3A_1306 = arith.xori %eq3A_1304, %eq3A_1305 : vector<16xi1>
    %jit3A_1307 = arith.constant 1.000000e+00 : f32
    %jit3A_1308 = arith.constant 0.000000e+00 : f32
    %broadcast_in_dim3A_1309 = vector.broadcast %jit3A_1307 : f32 to vector<16xf32>
    %broadcast_in_dim3A_1310 = vector.broadcast %jit3A_1308 : f32 to vector<16xf32>
    %select_n3A_1311 = arith.select %eq3A_1306, %broadcast_in_dim3A_1309, %broadcast_in_dim3A_1310 : vector<16xi1>, vector<16xf32>
    %add3A_1312 = arith.addf %add3A_1283, %select_n3A_1311 : vector<16xf32>
    %scan3A_1313 = arith.constant 498 : i32
    %scan3A_1314 = arith.addi %scan3A_1250, %scan3A_1313 : i32
    %mul3A_1315 = arith.constant 16 : i32
    %mul3A_1316 = arith.muli %scan3A_1314, %mul3A_1315 : i32
    %get3A_1317 = arith.constant 0 : i32
    %get3A_1318 = arith.index_cast %get3A_1317 : i32 to index
    %get3A_1319 = arith.index_cast %mul3A_1316 : i32 to index
    %get3A_1320 = tpu.vector_load %arg5[%get3A_1318, %get3A_1319] {strides = array<i32>} : memref<2x8000xf32, #tpu.memory_space<vmem>>, vector<16xf32>,
    %get3A_1321 = arith.constant 0 : i32
    %get3A_1322 = arith.index_cast %get3A_1321 : i32 to index
    %get3A_1323 = arith.index_cast %mul3A_1316 : i32 to index
    %get3A_1324 = tpu.vector_load %arg6[%get3A_1322, %get3A_1323] {strides = array<i32>} : memref<2x8000xf32, #tpu.memory_space<vmem>>, vector<16xf32>,
    %get3A_1325 = arith.constant 0 : i32
    %get3A_1326 = arith.index_cast %get3A_1325 : i32 to index
    %get3A_1327 = arith.index_cast %mul3A_1316 : i32 to index
    %get3A_1328 = tpu.vector_load %arg7[%get3A_1326, %get3A_1327] {strides = array<i32>} : memref<2x8000xi32, #tpu.memory_space<vmem>>, vector<16xi32>,
    %gt3A_1329 = arith.cmpf ogt, %get3A_1324, %get3A_1320 : vector<16xf32>
    %gt3A_1330 = arith.constant 0 : i32
    %gt3A_1331 = vector.broadcast %gt3A_1330 : i32 to vector<16xi32>
    %gt3A_1332 = arith.cmpi sgt, %get3A_1328, %gt3A_1331 : vector<16xi32>
    %eq3A_1333 = arith.xori %gt3A_1329, %gt3A_1332 : vector<16xi1>
    %eq3A_1334 = arith.constant dense<true> : vector<16xi1>
    %eq3A_1335 = arith.xori %eq3A_1333, %eq3A_1334 : vector<16xi1>
    %jit3A_1336 = arith.constant 1.000000e+00 : f32
    %jit3A_1337 = arith.constant 0.000000e+00 : f32
    %broadcast_in_dim3A_1338 = vector.broadcast %jit3A_1336 : f32 to vector<16xf32>
    %broadcast_in_dim3A_1339 = vector.broadcast %jit3A_1337 : f32 to vector<16xf32>
    %select_n3A_1340 = arith.select %eq3A_1335, %broadcast_in_dim3A_1338, %broadcast_in_dim3A_1339 : vector<16xi1>, vector<16xf32>
    %add3A_1341 = arith.addf %add3A_1312, %select_n3A_1340 : vector<16xf32>
    %scan3A_1342 = arith.constant 499 : i32
    %scan3A_1343 = arith.addi %scan3A_1250, %scan3A_1342 : i32
    %mul3A_1344 = arith.constant 16 : i32
    %mul3A_1345 = arith.muli %scan3A_1343, %mul3A_1344 : i32
    %get3A_1346 = arith.constant 0 : i32
    %get3A_1347 = arith.index_cast %get3A_1346 : i32 to index
    %get3A_1348 = arith.index_cast %mul3A_1345 : i32 to index
    %get3A_1349 = tpu.vector_load %arg5[%get3A_1347, %get3A_1348] {strides = array<i32>} : memref<2x8000xf32, #tpu.memory_space<vmem>>, vector<16xf32>,
    %get3A_1350 = arith.constant 0 : i32
    %get3A_1351 = arith.index_cast %get3A_1350 : i32 to index
    %get3A_1352 = arith.index_cast %mul3A_1345 : i32 to index
    %get3A_1353 = tpu.vector_load %arg6[%get3A_1351, %get3A_1352] {strides = array<i32>} : memref<2x8000xf32, #tpu.memory_space<vmem>>, vector<16xf32>,
    %get3A_1354 = arith.constant 0 : i32
    %get3A_1355 = arith.index_cast %get3A_1354 : i32 to index
    %get3A_1356 = arith.index_cast %mul3A_1345 : i32 to index
    %get3A_1357 = tpu.vector_load %arg7[%get3A_1355, %get3A_1356] {strides = array<i32>} : memref<2x8000xi32, #tpu.memory_space<vmem>>, vector<16xi32>,
    %gt3A_1358 = arith.cmpf ogt, %get3A_1353, %get3A_1349 : vector<16xf32>
    %gt3A_1359 = arith.constant 0 : i32
    %gt3A_1360 = vector.broadcast %gt3A_1359 : i32 to vector<16xi32>
    %gt3A_1361 = arith.cmpi sgt, %get3A_1357, %gt3A_1360 : vector<16xi32>
    %eq3A_1362 = arith.xori %gt3A_1358, %gt3A_1361 : vector<16xi1>
    %eq3A_1363 = arith.constant dense<true> : vector<16xi1>
    %eq3A_1364 = arith.xori %eq3A_1362, %eq3A_1363 : vector<16xi1>
    %jit3A_1365 = arith.constant 1.000000e+00 : f32
    %jit3A_1366 = arith.constant 0.000000e+00 : f32
    %broadcast_in_dim3A_1367 = vector.broadcast %jit3A_1365 : f32 to vector<16xf32>
    %broadcast_in_dim3A_1368 = vector.broadcast %jit3A_1366 : f32 to vector<16xf32>
    %select_n3A_1369 = arith.select %eq3A_1364, %broadcast_in_dim3A_1367, %broadcast_in_dim3A_1368 : vector<16xi1>, vector<16xf32>
    %add3A_1370 = arith.addf %add3A_1341, %select_n3A_1369 : vector<16xf32>
    %scan3A_1371 = arith.constant 500 : i32
    %convert_element_type3A_1372 = arith.extui %lt3A_5 : i1 to i32
    %cond3A_1373 = arith.constant 0 : i32
    %cond3A_1374 = arith.cmpi ne, %convert_element_type3A_1372, %cond3A_1373 : i32
    scf.if %cond3A_1374 {
      %add3A_1499 = arith.constant 7 : i32
      %add3A_1500 = arith.addi %add3A_4, %add3A_1499 : i32
      %mul3A_1501 = arith.constant 8000 : i32
      %mul3A_1502 = arith.muli %add3A_1500, %mul3A_1501 : i32
      %dma_wait3A_1503 = arith.constant 0 : i32
      %dma_wait3A_1504 = arith.constant 1 : i32
      %dma_wait3A_1505 = arith.constant 0 : i32
      %dma_wait3A_1506 = tpu.memref_slice %arg5[%dma_wait3A_1504, %dma_wait3A_1505] : memref<2x8000xf32, #tpu.memory_space<vmem>> -> memref<1x8000xf32, #tpu.memory_space<vmem>>
      %dma_wait3A_1507 = tpu.memref_squeeze %dma_wait3A_1506 : memref<1x8000xf32, #tpu.memory_space<vmem>> -> memref<8000xf32, #tpu.memory_space<vmem>>
      %dma_wait3A_1508 = tpu.memref_slice %arg2[%dma_wait3A_1503, %mul3A_1502] : memref<2x2000000xf32, #tpu.memory_space<hbm>> -> memref<1x8000xf32, #tpu.memory_space<hbm>>
      %dma_wait3A_1509 = tpu.memref_squeeze %dma_wait3A_1508 : memref<1x8000xf32, #tpu.memory_space<hbm>> -> memref<8000xf32, #tpu.memory_space<hbm>>
      %dma_wait3A_1510 = arith.constant 0 : i32
      %dma_wait3A_1511 = tpu.memref_slice %arg5[%dma_wait3A_1504, %dma_wait3A_1510] : memref<2x8000xf32, #tpu.memory_space<vmem>> -> memref<1x8000xf32, #tpu.memory_space<vmem>>
      %dma_wait3A_1512 = tpu.memref_squeeze %dma_wait3A_1511 : memref<1x8000xf32, #tpu.memory_space<vmem>> -> memref<8000xf32, #tpu.memory_space<vmem>>
      %dma_wait3A_1513 = tpu.memref_slice %arg2[%dma_wait3A_1503, %mul3A_1502] : memref<2x2000000xf32, #tpu.memory_space<hbm>> -> memref<1x8000xf32, #tpu.memory_space<hbm>>
      %dma_wait3A_1514 = tpu.memref_squeeze %dma_wait3A_1513 : memref<1x8000xf32, #tpu.memory_space<hbm>> -> memref<8000xf32, #tpu.memory_space<hbm>>
      tpu.wait_dma2 semaphore(%arg10 : memref<!tpu.dma_semaphore, #tpu.memory_space<semaphore_mem>>) src(%dma_wait3A_1514 : memref<8000xf32, #tpu.memory_space<hbm>>) dst(%dma_wait3A_1512 : memref<8000xf32, #tpu.memory_space<vmem>>)
      %dma_wait3A_1515 = arith.constant 1 : i32
      %dma_wait3A_1516 = arith.constant 1 : i32
      %dma_wait3A_1517 = arith.constant 0 : i32
      %dma_wait3A_1518 = tpu.memref_slice %arg6[%dma_wait3A_1516, %dma_wait3A_1517] : memref<2x8000xf32, #tpu.memory_space<vmem>> -> memref<1x8000xf32, #tpu.memory_space<vmem>>
      %dma_wait3A_1519 = tpu.memref_squeeze %dma_wait3A_1518 : memref<1x8000xf32, #tpu.memory_space<vmem>> -> memref<8000xf32, #tpu.memory_space<vmem>>
      %dma_wait3A_1520 = tpu.memref_slice %arg2[%dma_wait3A_1515, %mul3A_1502] : memref<2x2000000xf32, #tpu.memory_space<hbm>> -> memref<1x8000xf32, #tpu.memory_space<hbm>>
      %dma_wait3A_1521 = tpu.memref_squeeze %dma_wait3A_1520 : memref<1x8000xf32, #tpu.memory_space<hbm>> -> memref<8000xf32, #tpu.memory_space<hbm>>
      %dma_wait3A_1522 = arith.constant 0 : i32
      %dma_wait3A_1523 = tpu.memref_slice %arg6[%dma_wait3A_1516, %dma_wait3A_1522] : memref<2x8000xf32, #tpu.memory_space<vmem>> -> memref<1x8000xf32, #tpu.memory_space<vmem>>
      %dma_wait3A_1524 = tpu.memref_squeeze %dma_wait3A_1523 : memref<1x8000xf32, #tpu.memory_space<vmem>> -> memref<8000xf32, #tpu.memory_space<vmem>>
      %dma_wait3A_1525 = tpu.memref_slice %arg2[%dma_wait3A_1515, %mul3A_1502] : memref<2x2000000xf32, #tpu.memory_space<hbm>> -> memref<1x8000xf32, #tpu.memory_space<hbm>>
      %dma_wait3A_1526 = tpu.memref_squeeze %dma_wait3A_1525 : memref<1x8000xf32, #tpu.memory_space<hbm>> -> memref<8000xf32, #tpu.memory_space<hbm>>
      tpu.wait_dma2 semaphore(%arg10 : memref<!tpu.dma_semaphore, #tpu.memory_space<semaphore_mem>>) src(%dma_wait3A_1526 : memref<8000xf32, #tpu.memory_space<hbm>>) dst(%dma_wait3A_1524 : memref<8000xf32, #tpu.memory_space<vmem>>)
      %dma_wait3A_1527 = arith.constant 1 : i32
      %dma_wait3A_1528 = arith.constant 0 : i32
      %dma_wait3A_1529 = tpu.memref_slice %arg7[%dma_wait3A_1527, %dma_wait3A_1528] : memref<2x8000xi32, #tpu.memory_space<vmem>> -> memref<1x8000xi32, #tpu.memory_space<vmem>>
      %dma_wait3A_1530 = tpu.memref_squeeze %dma_wait3A_1529 : memref<1x8000xi32, #tpu.memory_space<vmem>> -> memref<8000xi32, #tpu.memory_space<vmem>>
      %dma_wait3A_1531 = tpu.memref_slice %arg3[%mul3A_1502] : memref<2000000xi32, #tpu.memory_space<hbm>> -> memref<8000xi32, #tpu.memory_space<hbm>>
      %dma_wait3A_1532 = arith.constant 0 : i32
      %dma_wait3A_1533 = tpu.memref_slice %arg7[%dma_wait3A_1527, %dma_wait3A_1532] : memref<2x8000xi32, #tpu.memory_space<vmem>> -> memref<1x8000xi32, #tpu.memory_space<vmem>>
      %dma_wait3A_1534 = tpu.memref_squeeze %dma_wait3A_1533 : memref<1x8000xi32, #tpu.memory_space<vmem>> -> memref<8000xi32, #tpu.memory_space<vmem>>
      %dma_wait3A_1535 = tpu.memref_slice %arg3[%mul3A_1502] : memref<2000000xi32, #tpu.memory_space<hbm>> -> memref<8000xi32, #tpu.memory_space<hbm>>
      tpu.wait_dma2 semaphore(%arg10 : memref<!tpu.dma_semaphore, #tpu.memory_space<semaphore_mem>>) src(%dma_wait3A_1535 : memref<8000xi32, #tpu.memory_space<hbm>>) dst(%dma_wait3A_1534 : memref<8000xi32, #tpu.memory_space<vmem>>)
    } else {
    }
    %scan3A_1375 = arith.constant 0 : i32
    %scan3A_1376 = arith.constant 496 : i32
    %scan3A_1377 = arith.addi %scan3A_1375, %scan3A_1376 : i32
    %scan3A_1378 = arith.constant 8 : i32
    %scan3A_1379 = scf.for %scan3A_1499 = %scan3A_1375 to %scan3A_1377 step %scan3A_1378 iter_args(%scan3A_1500 = %add3A_1370) -> (vector<16xf32>)  : i32 {
      %mul3A_1501 = arith.constant 16 : i32
      %mul3A_1502 = arith.muli %scan3A_1499, %mul3A_1501 : i32
      %get3A_1503 = arith.constant 1 : i32
      %get3A_1504 = arith.index_cast %get3A_1503 : i32 to index
      %get3A_1505 = arith.index_cast %mul3A_1502 : i32 to index
      %get3A_1506 = tpu.vector_load %arg5[%get3A_1504, %get3A_1505] {strides = array<i32>} : memref<2x8000xf32, #tpu.memory_space<vmem>>, vector<16xf32>,
      %get3A_1507 = arith.constant 1 : i32
      %get3A_1508 = arith.index_cast %get3A_1507 : i32 to index
      %get3A_1509 = arith.index_cast %mul3A_1502 : i32 to index
      %get3A_1510 = tpu.vector_load %arg6[%get3A_1508, %get3A_1509] {strides = array<i32>} : memref<2x8000xf32, #tpu.memory_space<vmem>>, vector<16xf32>,
      %get3A_1511 = arith.constant 1 : i32
      %get3A_1512 = arith.index_cast %get3A_1511 : i32 to index
      %get3A_1513 = arith.index_cast %mul3A_1502 : i32 to index
      %get3A_1514 = tpu.vector_load %arg7[%get3A_1512, %get3A_1513] {strides = array<i32>} : memref<2x8000xi32, #tpu.memory_space<vmem>>, vector<16xi32>,
      %gt3A_1515 = arith.cmpf ogt, %get3A_1510, %get3A_1506 : vector<16xf32>
      %gt3A_1516 = arith.constant 0 : i32
      %gt3A_1517 = vector.broadcast %gt3A_1516 : i32 to vector<16xi32>
      %gt3A_1518 = arith.cmpi sgt, %get3A_1514, %gt3A_1517 : vector<16xi32>
      %eq3A_1519 = arith.xori %gt3A_1515, %gt3A_1518 : vector<16xi1>
      %eq3A_1520 = arith.constant dense<true> : vector<16xi1>
      %eq3A_1521 = arith.xori %eq3A_1519, %eq3A_1520 : vector<16xi1>
      %jit3A_1522 = arith.constant 1.000000e+00 : f32
      %jit3A_1523 = arith.constant 0.000000e+00 : f32
      %broadcast_in_dim3A_1524 = vector.broadcast %jit3A_1522 : f32 to vector<16xf32>
      %broadcast_in_dim3A_1525 = vector.broadcast %jit3A_1523 : f32 to vector<16xf32>
      %select_n3A_1526 = arith.select %eq3A_1521, %broadcast_in_dim3A_1524, %broadcast_in_dim3A_1525 : vector<16xi1>, vector<16xf32>
      %add3A_1527 = arith.addf %scan3A_1500, %select_n3A_1526 : vector<16xf32>
      %scan3A_1528 = arith.constant 1 : i32
      %scan3A_1529 = arith.addi %scan3A_1499, %scan3A_1528 : i32
      %mul3A_1530 = arith.constant 16 : i32
      %mul3A_1531 = arith.muli %scan3A_1529, %mul3A_1530 : i32
      %get3A_1532 = arith.constant 1 : i32
      %get3A_1533 = arith.index_cast %get3A_1532 : i32 to index
      %get3A_1534 = arith.index_cast %mul3A_1531 : i32 to index
      %get3A_1535 = tpu.vector_load %arg5[%get3A_1533, %get3A_1534] {strides = array<i32>} : memref<2x8000xf32, #tpu.memory_space<vmem>>, vector<16xf32>,
      %get3A_1536 = arith.constant 1 : i32
      %get3A_1537 = arith.index_cast %get3A_1536 : i32 to index
      %get3A_1538 = arith.index_cast %mul3A_1531 : i32 to index
      %get3A_1539 = tpu.vector_load %arg6[%get3A_1537, %get3A_1538] {strides = array<i32>} : memref<2x8000xf32, #tpu.memory_space<vmem>>, vector<16xf32>,
      %get3A_1540 = arith.constant 1 : i32
      %get3A_1541 = arith.index_cast %get3A_1540 : i32 to index
      %get3A_1542 = arith.index_cast %mul3A_1531 : i32 to index
      %get3A_1543 = tpu.vector_load %arg7[%get3A_1541, %get3A_1542] {strides = array<i32>} : memref<2x8000xi32, #tpu.memory_space<vmem>>, vector<16xi32>,
      %gt3A_1544 = arith.cmpf ogt, %get3A_1539, %get3A_1535 : vector<16xf32>
      %gt3A_1545 = arith.constant 0 : i32
      %gt3A_1546 = vector.broadcast %gt3A_1545 : i32 to vector<16xi32>
      %gt3A_1547 = arith.cmpi sgt, %get3A_1543, %gt3A_1546 : vector<16xi32>
      %eq3A_1548 = arith.xori %gt3A_1544, %gt3A_1547 : vector<16xi1>
      %eq3A_1549 = arith.constant dense<true> : vector<16xi1>
      %eq3A_1550 = arith.xori %eq3A_1548, %eq3A_1549 : vector<16xi1>
      %jit3A_1551 = arith.constant 1.000000e+00 : f32
      %jit3A_1552 = arith.constant 0.000000e+00 : f32
      %broadcast_in_dim3A_1553 = vector.broadcast %jit3A_1551 : f32 to vector<16xf32>
      %broadcast_in_dim3A_1554 = vector.broadcast %jit3A_1552 : f32 to vector<16xf32>
      %select_n3A_1555 = arith.select %eq3A_1550, %broadcast_in_dim3A_1553, %broadcast_in_dim3A_1554 : vector<16xi1>, vector<16xf32>
      %add3A_1556 = arith.addf %add3A_1527, %select_n3A_1555 : vector<16xf32>
      %scan3A_1557 = arith.constant 2 : i32
      %scan3A_1558 = arith.addi %scan3A_1499, %scan3A_1557 : i32
      %mul3A_1559 = arith.constant 16 : i32
      %mul3A_1560 = arith.muli %scan3A_1558, %mul3A_1559 : i32
      %get3A_1561 = arith.constant 1 : i32
      %get3A_1562 = arith.index_cast %get3A_1561 : i32 to index
      %get3A_1563 = arith.index_cast %mul3A_1560 : i32 to index
      %get3A_1564 = tpu.vector_load %arg5[%get3A_1562, %get3A_1563] {strides = array<i32>} : memref<2x8000xf32, #tpu.memory_space<vmem>>, vector<16xf32>,
      %get3A_1565 = arith.constant 1 : i32
      %get3A_1566 = arith.index_cast %get3A_1565 : i32 to index
      %get3A_1567 = arith.index_cast %mul3A_1560 : i32 to index
      %get3A_1568 = tpu.vector_load %arg6[%get3A_1566, %get3A_1567] {strides = array<i32>} : memref<2x8000xf32, #tpu.memory_space<vmem>>, vector<16xf32>,
      %get3A_1569 = arith.constant 1 : i32
      %get3A_1570 = arith.index_cast %get3A_1569 : i32 to index
      %get3A_1571 = arith.index_cast %mul3A_1560 : i32 to index
      %get3A_1572 = tpu.vector_load %arg7[%get3A_1570, %get3A_1571] {strides = array<i32>} : memref<2x8000xi32, #tpu.memory_space<vmem>>, vector<16xi32>,
      %gt3A_1573 = arith.cmpf ogt, %get3A_1568, %get3A_1564 : vector<16xf32>
      %gt3A_1574 = arith.constant 0 : i32
      %gt3A_1575 = vector.broadcast %gt3A_1574 : i32 to vector<16xi32>
      %gt3A_1576 = arith.cmpi sgt, %get3A_1572, %gt3A_1575 : vector<16xi32>
      %eq3A_1577 = arith.xori %gt3A_1573, %gt3A_1576 : vector<16xi1>
      %eq3A_1578 = arith.constant dense<true> : vector<16xi1>
      %eq3A_1579 = arith.xori %eq3A_1577, %eq3A_1578 : vector<16xi1>
      %jit3A_1580 = arith.constant 1.000000e+00 : f32
      %jit3A_1581 = arith.constant 0.000000e+00 : f32
      %broadcast_in_dim3A_1582 = vector.broadcast %jit3A_1580 : f32 to vector<16xf32>
      %broadcast_in_dim3A_1583 = vector.broadcast %jit3A_1581 : f32 to vector<16xf32>
      %select_n3A_1584 = arith.select %eq3A_1579, %broadcast_in_dim3A_1582, %broadcast_in_dim3A_1583 : vector<16xi1>, vector<16xf32>
      %add3A_1585 = arith.addf %add3A_1556, %select_n3A_1584 : vector<16xf32>
      %scan3A_1586 = arith.constant 3 : i32
      %scan3A_1587 = arith.addi %scan3A_1499, %scan3A_1586 : i32
      %mul3A_1588 = arith.constant 16 : i32
      %mul3A_1589 = arith.muli %scan3A_1587, %mul3A_1588 : i32
      %get3A_1590 = arith.constant 1 : i32
      %get3A_1591 = arith.index_cast %get3A_1590 : i32 to index
      %get3A_1592 = arith.index_cast %mul3A_1589 : i32 to index
      %get3A_1593 = tpu.vector_load %arg5[%get3A_1591, %get3A_1592] {strides = array<i32>} : memref<2x8000xf32, #tpu.memory_space<vmem>>, vector<16xf32>,
      %get3A_1594 = arith.constant 1 : i32
      %get3A_1595 = arith.index_cast %get3A_1594 : i32 to index
      %get3A_1596 = arith.index_cast %mul3A_1589 : i32 to index
      %get3A_1597 = tpu.vector_load %arg6[%get3A_1595, %get3A_1596] {strides = array<i32>} : memref<2x8000xf32, #tpu.memory_space<vmem>>, vector<16xf32>,
      %get3A_1598 = arith.constant 1 : i32
      %get3A_1599 = arith.index_cast %get3A_1598 : i32 to index
      %get3A_1600 = arith.index_cast %mul3A_1589 : i32 to index
      %get3A_1601 = tpu.vector_load %arg7[%get3A_1599, %get3A_1600] {strides = array<i32>} : memref<2x8000xi32, #tpu.memory_space<vmem>>, vector<16xi32>,
      %gt3A_1602 = arith.cmpf ogt, %get3A_1597, %get3A_1593 : vector<16xf32>
      %gt3A_1603 = arith.constant 0 : i32
      %gt3A_1604 = vector.broadcast %gt3A_1603 : i32 to vector<16xi32>
      %gt3A_1605 = arith.cmpi sgt, %get3A_1601, %gt3A_1604 : vector<16xi32>
      %eq3A_1606 = arith.xori %gt3A_1602, %gt3A_1605 : vector<16xi1>
      %eq3A_1607 = arith.constant dense<true> : vector<16xi1>
      %eq3A_1608 = arith.xori %eq3A_1606, %eq3A_1607 : vector<16xi1>
      %jit3A_1609 = arith.constant 1.000000e+00 : f32
      %jit3A_1610 = arith.constant 0.000000e+00 : f32
      %broadcast_in_dim3A_1611 = vector.broadcast %jit3A_1609 : f32 to vector<16xf32>
      %broadcast_in_dim3A_1612 = vector.broadcast %jit3A_1610 : f32 to vector<16xf32>
      %select_n3A_1613 = arith.select %eq3A_1608, %broadcast_in_dim3A_1611, %broadcast_in_dim3A_1612 : vector<16xi1>, vector<16xf32>
      %add3A_1614 = arith.addf %add3A_1585, %select_n3A_1613 : vector<16xf32>
      %scan3A_1615 = arith.constant 4 : i32
      %scan3A_1616 = arith.addi %scan3A_1499, %scan3A_1615 : i32
      %mul3A_1617 = arith.constant 16 : i32
      %mul3A_1618 = arith.muli %scan3A_1616, %mul3A_1617 : i32
      %get3A_1619 = arith.constant 1 : i32
      %get3A_1620 = arith.index_cast %get3A_1619 : i32 to index
      %get3A_1621 = arith.index_cast %mul3A_1618 : i32 to index
      %get3A_1622 = tpu.vector_load %arg5[%get3A_1620, %get3A_1621] {strides = array<i32>} : memref<2x8000xf32, #tpu.memory_space<vmem>>, vector<16xf32>,
      %get3A_1623 = arith.constant 1 : i32
      %get3A_1624 = arith.index_cast %get3A_1623 : i32 to index
      %get3A_1625 = arith.index_cast %mul3A_1618 : i32 to index
      %get3A_1626 = tpu.vector_load %arg6[%get3A_1624, %get3A_1625] {strides = array<i32>} : memref<2x8000xf32, #tpu.memory_space<vmem>>, vector<16xf32>,
      %get3A_1627 = arith.constant 1 : i32
      %get3A_1628 = arith.index_cast %get3A_1627 : i32 to index
      %get3A_1629 = arith.index_cast %mul3A_1618 : i32 to index
      %get3A_1630 = tpu.vector_load %arg7[%get3A_1628, %get3A_1629] {strides = array<i32>} : memref<2x8000xi32, #tpu.memory_space<vmem>>, vector<16xi32>,
      %gt3A_1631 = arith.cmpf ogt, %get3A_1626, %get3A_1622 : vector<16xf32>
      %gt3A_1632 = arith.constant 0 : i32
      %gt3A_1633 = vector.broadcast %gt3A_1632 : i32 to vector<16xi32>
      %gt3A_1634 = arith.cmpi sgt, %get3A_1630, %gt3A_1633 : vector<16xi32>
      %eq3A_1635 = arith.xori %gt3A_1631, %gt3A_1634 : vector<16xi1>
      %eq3A_1636 = arith.constant dense<true> : vector<16xi1>
      %eq3A_1637 = arith.xori %eq3A_1635, %eq3A_1636 : vector<16xi1>
      %jit3A_1638 = arith.constant 1.000000e+00 : f32
      %jit3A_1639 = arith.constant 0.000000e+00 : f32
      %broadcast_in_dim3A_1640 = vector.broadcast %jit3A_1638 : f32 to vector<16xf32>
      %broadcast_in_dim3A_1641 = vector.broadcast %jit3A_1639 : f32 to vector<16xf32>
      %select_n3A_1642 = arith.select %eq3A_1637, %broadcast_in_dim3A_1640, %broadcast_in_dim3A_1641 : vector<16xi1>, vector<16xf32>
      %add3A_1643 = arith.addf %add3A_1614, %select_n3A_1642 : vector<16xf32>
      %scan3A_1644 = arith.constant 5 : i32
      %scan3A_1645 = arith.addi %scan3A_1499, %scan3A_1644 : i32
      %mul3A_1646 = arith.constant 16 : i32
      %mul3A_1647 = arith.muli %scan3A_1645, %mul3A_1646 : i32
      %get3A_1648 = arith.constant 1 : i32
      %get3A_1649 = arith.index_cast %get3A_1648 : i32 to index
      %get3A_1650 = arith.index_cast %mul3A_1647 : i32 to index
      %get3A_1651 = tpu.vector_load %arg5[%get3A_1649, %get3A_1650] {strides = array<i32>} : memref<2x8000xf32, #tpu.memory_space<vmem>>, vector<16xf32>,
      %get3A_1652 = arith.constant 1 : i32
      %get3A_1653 = arith.index_cast %get3A_1652 : i32 to index
      %get3A_1654 = arith.index_cast %mul3A_1647 : i32 to index
      %get3A_1655 = tpu.vector_load %arg6[%get3A_1653, %get3A_1654] {strides = array<i32>} : memref<2x8000xf32, #tpu.memory_space<vmem>>, vector<16xf32>,
      %get3A_1656 = arith.constant 1 : i32
      %get3A_1657 = arith.index_cast %get3A_1656 : i32 to index
      %get3A_1658 = arith.index_cast %mul3A_1647 : i32 to index
      %get3A_1659 = tpu.vector_load %arg7[%get3A_1657, %get3A_1658] {strides = array<i32>} : memref<2x8000xi32, #tpu.memory_space<vmem>>, vector<16xi32>,
      %gt3A_1660 = arith.cmpf ogt, %get3A_1655, %get3A_1651 : vector<16xf32>
      %gt3A_1661 = arith.constant 0 : i32
      %gt3A_1662 = vector.broadcast %gt3A_1661 : i32 to vector<16xi32>
      %gt3A_1663 = arith.cmpi sgt, %get3A_1659, %gt3A_1662 : vector<16xi32>
      %eq3A_1664 = arith.xori %gt3A_1660, %gt3A_1663 : vector<16xi1>
      %eq3A_1665 = arith.constant dense<true> : vector<16xi1>
      %eq3A_1666 = arith.xori %eq3A_1664, %eq3A_1665 : vector<16xi1>
      %jit3A_1667 = arith.constant 1.000000e+00 : f32
      %jit3A_1668 = arith.constant 0.000000e+00 : f32
      %broadcast_in_dim3A_1669 = vector.broadcast %jit3A_1667 : f32 to vector<16xf32>
      %broadcast_in_dim3A_1670 = vector.broadcast %jit3A_1668 : f32 to vector<16xf32>
      %select_n3A_1671 = arith.select %eq3A_1666, %broadcast_in_dim3A_1669, %broadcast_in_dim3A_1670 : vector<16xi1>, vector<16xf32>
      %add3A_1672 = arith.addf %add3A_1643, %select_n3A_1671 : vector<16xf32>
      %scan3A_1673 = arith.constant 6 : i32
      %scan3A_1674 = arith.addi %scan3A_1499, %scan3A_1673 : i32
      %mul3A_1675 = arith.constant 16 : i32
      %mul3A_1676 = arith.muli %scan3A_1674, %mul3A_1675 : i32
      %get3A_1677 = arith.constant 1 : i32
      %get3A_1678 = arith.index_cast %get3A_1677 : i32 to index
      %get3A_1679 = arith.index_cast %mul3A_1676 : i32 to index
      %get3A_1680 = tpu.vector_load %arg5[%get3A_1678, %get3A_1679] {strides = array<i32>} : memref<2x8000xf32, #tpu.memory_space<vmem>>, vector<16xf32>,
      %get3A_1681 = arith.constant 1 : i32
      %get3A_1682 = arith.index_cast %get3A_1681 : i32 to index
      %get3A_1683 = arith.index_cast %mul3A_1676 : i32 to index
      %get3A_1684 = tpu.vector_load %arg6[%get3A_1682, %get3A_1683] {strides = array<i32>} : memref<2x8000xf32, #tpu.memory_space<vmem>>, vector<16xf32>,
      %get3A_1685 = arith.constant 1 : i32
      %get3A_1686 = arith.index_cast %get3A_1685 : i32 to index
      %get3A_1687 = arith.index_cast %mul3A_1676 : i32 to index
      %get3A_1688 = tpu.vector_load %arg7[%get3A_1686, %get3A_1687] {strides = array<i32>} : memref<2x8000xi32, #tpu.memory_space<vmem>>, vector<16xi32>,
      %gt3A_1689 = arith.cmpf ogt, %get3A_1684, %get3A_1680 : vector<16xf32>
      %gt3A_1690 = arith.constant 0 : i32
      %gt3A_1691 = vector.broadcast %gt3A_1690 : i32 to vector<16xi32>
      %gt3A_1692 = arith.cmpi sgt, %get3A_1688, %gt3A_1691 : vector<16xi32>
      %eq3A_1693 = arith.xori %gt3A_1689, %gt3A_1692 : vector<16xi1>
      %eq3A_1694 = arith.constant dense<true> : vector<16xi1>
      %eq3A_1695 = arith.xori %eq3A_1693, %eq3A_1694 : vector<16xi1>
      %jit3A_1696 = arith.constant 1.000000e+00 : f32
      %jit3A_1697 = arith.constant 0.000000e+00 : f32
      %broadcast_in_dim3A_1698 = vector.broadcast %jit3A_1696 : f32 to vector<16xf32>
      %broadcast_in_dim3A_1699 = vector.broadcast %jit3A_1697 : f32 to vector<16xf32>
      %select_n3A_1700 = arith.select %eq3A_1695, %broadcast_in_dim3A_1698, %broadcast_in_dim3A_1699 : vector<16xi1>, vector<16xf32>
      %add3A_1701 = arith.addf %add3A_1672, %select_n3A_1700 : vector<16xf32>
      %scan3A_1702 = arith.constant 7 : i32
      %scan3A_1703 = arith.addi %scan3A_1499, %scan3A_1702 : i32
      %mul3A_1704 = arith.constant 16 : i32
      %mul3A_1705 = arith.muli %scan3A_1703, %mul3A_1704 : i32
      %get3A_1706 = arith.constant 1 : i32
      %get3A_1707 = arith.index_cast %get3A_1706 : i32 to index
      %get3A_1708 = arith.index_cast %mul3A_1705 : i32 to index
      %get3A_1709 = tpu.vector_load %arg5[%get3A_1707, %get3A_1708] {strides = array<i32>} : memref<2x8000xf32, #tpu.memory_space<vmem>>, vector<16xf32>,
      %get3A_1710 = arith.constant 1 : i32
      %get3A_1711 = arith.index_cast %get3A_1710 : i32 to index
      %get3A_1712 = arith.index_cast %mul3A_1705 : i32 to index
      %get3A_1713 = tpu.vector_load %arg6[%get3A_1711, %get3A_1712] {strides = array<i32>} : memref<2x8000xf32, #tpu.memory_space<vmem>>, vector<16xf32>,
      %get3A_1714 = arith.constant 1 : i32
      %get3A_1715 = arith.index_cast %get3A_1714 : i32 to index
      %get3A_1716 = arith.index_cast %mul3A_1705 : i32 to index
      %get3A_1717 = tpu.vector_load %arg7[%get3A_1715, %get3A_1716] {strides = array<i32>} : memref<2x8000xi32, #tpu.memory_space<vmem>>, vector<16xi32>,
      %gt3A_1718 = arith.cmpf ogt, %get3A_1713, %get3A_1709 : vector<16xf32>
      %gt3A_1719 = arith.constant 0 : i32
      %gt3A_1720 = vector.broadcast %gt3A_1719 : i32 to vector<16xi32>
      %gt3A_1721 = arith.cmpi sgt, %get3A_1717, %gt3A_1720 : vector<16xi32>
      %eq3A_1722 = arith.xori %gt3A_1718, %gt3A_1721 : vector<16xi1>
      %eq3A_1723 = arith.constant dense<true> : vector<16xi1>
      %eq3A_1724 = arith.xori %eq3A_1722, %eq3A_1723 : vector<16xi1>
      %jit3A_1725 = arith.constant 1.000000e+00 : f32
      %jit3A_1726 = arith.constant 0.000000e+00 : f32
      %broadcast_in_dim3A_1727 = vector.broadcast %jit3A_1725 : f32 to vector<16xf32>
      %broadcast_in_dim3A_1728 = vector.broadcast %jit3A_1726 : f32 to vector<16xf32>
      %select_n3A_1729 = arith.select %eq3A_1724, %broadcast_in_dim3A_1727, %broadcast_in_dim3A_1728 : vector<16xi1>, vector<16xf32>
      %add3A_1730 = arith.addf %add3A_1701, %select_n3A_1729 : vector<16xf32>
      scf.yield %add3A_1730 : vector<16xf32>
    }
    %scan3A_1380 = arith.constant 496 : i32
    %scan3A_1381 = arith.addi %scan3A_1375, %scan3A_1380 : i32
    %mul3A_1382 = arith.constant 16 : i32
    %mul3A_1383 = arith.muli %scan3A_1381, %mul3A_1382 : i32
    %get3A_1384 = arith.constant 1 : i32
    %get3A_1385 = arith.index_cast %get3A_1384 : i32 to index
    %get3A_1386 = arith.index_cast %mul3A_1383 : i32 to index
    %get3A_1387 = tpu.vector_load %arg5[%get3A_1385, %get3A_1386] {strides = array<i32>} : memref<2x8000xf32, #tpu.memory_space<vmem>>, vector<16xf32>,
    %get3A_1388 = arith.constant 1 : i32
    %get3A_1389 = arith.index_cast %get3A_1388 : i32 to index
    %get3A_1390 = arith.index_cast %mul3A_1383 : i32 to index
    %get3A_1391 = tpu.vector_load %arg6[%get3A_1389, %get3A_1390] {strides = array<i32>} : memref<2x8000xf32, #tpu.memory_space<vmem>>, vector<16xf32>,
    %get3A_1392 = arith.constant 1 : i32
    %get3A_1393 = arith.index_cast %get3A_1392 : i32 to index
    %get3A_1394 = arith.index_cast %mul3A_1383 : i32 to index
    %get3A_1395 = tpu.vector_load %arg7[%get3A_1393, %get3A_1394] {strides = array<i32>} : memref<2x8000xi32, #tpu.memory_space<vmem>>, vector<16xi32>,
    %gt3A_1396 = arith.cmpf ogt, %get3A_1391, %get3A_1387 : vector<16xf32>
    %gt3A_1397 = arith.constant 0 : i32
    %gt3A_1398 = vector.broadcast %gt3A_1397 : i32 to vector<16xi32>
    %gt3A_1399 = arith.cmpi sgt, %get3A_1395, %gt3A_1398 : vector<16xi32>
    %eq3A_1400 = arith.xori %gt3A_1396, %gt3A_1399 : vector<16xi1>
    %eq3A_1401 = arith.constant dense<true> : vector<16xi1>
    %eq3A_1402 = arith.xori %eq3A_1400, %eq3A_1401 : vector<16xi1>
    %jit3A_1403 = arith.constant 1.000000e+00 : f32
    %jit3A_1404 = arith.constant 0.000000e+00 : f32
    %broadcast_in_dim3A_1405 = vector.broadcast %jit3A_1403 : f32 to vector<16xf32>
    %broadcast_in_dim3A_1406 = vector.broadcast %jit3A_1404 : f32 to vector<16xf32>
    %select_n3A_1407 = arith.select %eq3A_1402, %broadcast_in_dim3A_1405, %broadcast_in_dim3A_1406 : vector<16xi1>, vector<16xf32>
    %add3A_1408 = arith.addf %scan3A_1379, %select_n3A_1407 : vector<16xf32>
    %scan3A_1409 = arith.constant 497 : i32
    %scan3A_1410 = arith.addi %scan3A_1375, %scan3A_1409 : i32
    %mul3A_1411 = arith.constant 16 : i32
    %mul3A_1412 = arith.muli %scan3A_1410, %mul3A_1411 : i32
    %get3A_1413 = arith.constant 1 : i32
    %get3A_1414 = arith.index_cast %get3A_1413 : i32 to index
    %get3A_1415 = arith.index_cast %mul3A_1412 : i32 to index
    %get3A_1416 = tpu.vector_load %arg5[%get3A_1414, %get3A_1415] {strides = array<i32>} : memref<2x8000xf32, #tpu.memory_space<vmem>>, vector<16xf32>,
    %get3A_1417 = arith.constant 1 : i32
    %get3A_1418 = arith.index_cast %get3A_1417 : i32 to index
    %get3A_1419 = arith.index_cast %mul3A_1412 : i32 to index
    %get3A_1420 = tpu.vector_load %arg6[%get3A_1418, %get3A_1419] {strides = array<i32>} : memref<2x8000xf32, #tpu.memory_space<vmem>>, vector<16xf32>,
    %get3A_1421 = arith.constant 1 : i32
    %get3A_1422 = arith.index_cast %get3A_1421 : i32 to index
    %get3A_1423 = arith.index_cast %mul3A_1412 : i32 to index
    %get3A_1424 = tpu.vector_load %arg7[%get3A_1422, %get3A_1423] {strides = array<i32>} : memref<2x8000xi32, #tpu.memory_space<vmem>>, vector<16xi32>,
    %gt3A_1425 = arith.cmpf ogt, %get3A_1420, %get3A_1416 : vector<16xf32>
    %gt3A_1426 = arith.constant 0 : i32
    %gt3A_1427 = vector.broadcast %gt3A_1426 : i32 to vector<16xi32>
    %gt3A_1428 = arith.cmpi sgt, %get3A_1424, %gt3A_1427 : vector<16xi32>
    %eq3A_1429 = arith.xori %gt3A_1425, %gt3A_1428 : vector<16xi1>
    %eq3A_1430 = arith.constant dense<true> : vector<16xi1>
    %eq3A_1431 = arith.xori %eq3A_1429, %eq3A_1430 : vector<16xi1>
    %jit3A_1432 = arith.constant 1.000000e+00 : f32
    %jit3A_1433 = arith.constant 0.000000e+00 : f32
    %broadcast_in_dim3A_1434 = vector.broadcast %jit3A_1432 : f32 to vector<16xf32>
    %broadcast_in_dim3A_1435 = vector.broadcast %jit3A_1433 : f32 to vector<16xf32>
    %select_n3A_1436 = arith.select %eq3A_1431, %broadcast_in_dim3A_1434, %broadcast_in_dim3A_1435 : vector<16xi1>, vector<16xf32>
    %add3A_1437 = arith.addf %add3A_1408, %select_n3A_1436 : vector<16xf32>
    %scan3A_1438 = arith.constant 498 : i32
    %scan3A_1439 = arith.addi %scan3A_1375, %scan3A_1438 : i32
    %mul3A_1440 = arith.constant 16 : i32
    %mul3A_1441 = arith.muli %scan3A_1439, %mul3A_1440 : i32
    %get3A_1442 = arith.constant 1 : i32
    %get3A_1443 = arith.index_cast %get3A_1442 : i32 to index
    %get3A_1444 = arith.index_cast %mul3A_1441 : i32 to index
    %get3A_1445 = tpu.vector_load %arg5[%get3A_1443, %get3A_1444] {strides = array<i32>} : memref<2x8000xf32, #tpu.memory_space<vmem>>, vector<16xf32>,
    %get3A_1446 = arith.constant 1 : i32
    %get3A_1447 = arith.index_cast %get3A_1446 : i32 to index
    %get3A_1448 = arith.index_cast %mul3A_1441 : i32 to index
    %get3A_1449 = tpu.vector_load %arg6[%get3A_1447, %get3A_1448] {strides = array<i32>} : memref<2x8000xf32, #tpu.memory_space<vmem>>, vector<16xf32>,
    %get3A_1450 = arith.constant 1 : i32
    %get3A_1451 = arith.index_cast %get3A_1450 : i32 to index
    %get3A_1452 = arith.index_cast %mul3A_1441 : i32 to index
    %get3A_1453 = tpu.vector_load %arg7[%get3A_1451, %get3A_1452] {strides = array<i32>} : memref<2x8000xi32, #tpu.memory_space<vmem>>, vector<16xi32>,
    %gt3A_1454 = arith.cmpf ogt, %get3A_1449, %get3A_1445 : vector<16xf32>
    %gt3A_1455 = arith.constant 0 : i32
    %gt3A_1456 = vector.broadcast %gt3A_1455 : i32 to vector<16xi32>
    %gt3A_1457 = arith.cmpi sgt, %get3A_1453, %gt3A_1456 : vector<16xi32>
    %eq3A_1458 = arith.xori %gt3A_1454, %gt3A_1457 : vector<16xi1>
    %eq3A_1459 = arith.constant dense<true> : vector<16xi1>
    %eq3A_1460 = arith.xori %eq3A_1458, %eq3A_1459 : vector<16xi1>
    %jit3A_1461 = arith.constant 1.000000e+00 : f32
    %jit3A_1462 = arith.constant 0.000000e+00 : f32
    %broadcast_in_dim3A_1463 = vector.broadcast %jit3A_1461 : f32 to vector<16xf32>
    %broadcast_in_dim3A_1464 = vector.broadcast %jit3A_1462 : f32 to vector<16xf32>
    %select_n3A_1465 = arith.select %eq3A_1460, %broadcast_in_dim3A_1463, %broadcast_in_dim3A_1464 : vector<16xi1>, vector<16xf32>
    %add3A_1466 = arith.addf %add3A_1437, %select_n3A_1465 : vector<16xf32>
    %scan3A_1467 = arith.constant 499 : i32
    %scan3A_1468 = arith.addi %scan3A_1375, %scan3A_1467 : i32
    %mul3A_1469 = arith.constant 16 : i32
    %mul3A_1470 = arith.muli %scan3A_1468, %mul3A_1469 : i32
    %get3A_1471 = arith.constant 1 : i32
    %get3A_1472 = arith.index_cast %get3A_1471 : i32 to index
    %get3A_1473 = arith.index_cast %mul3A_1470 : i32 to index
    %get3A_1474 = tpu.vector_load %arg5[%get3A_1472, %get3A_1473] {strides = array<i32>} : memref<2x8000xf32, #tpu.memory_space<vmem>>, vector<16xf32>,
    %get3A_1475 = arith.constant 1 : i32
    %get3A_1476 = arith.index_cast %get3A_1475 : i32 to index
    %get3A_1477 = arith.index_cast %mul3A_1470 : i32 to index
    %get3A_1478 = tpu.vector_load %arg6[%get3A_1476, %get3A_1477] {strides = array<i32>} : memref<2x8000xf32, #tpu.memory_space<vmem>>, vector<16xf32>,
    %get3A_1479 = arith.constant 1 : i32
    %get3A_1480 = arith.index_cast %get3A_1479 : i32 to index
    %get3A_1481 = arith.index_cast %mul3A_1470 : i32 to index
    %get3A_1482 = tpu.vector_load %arg7[%get3A_1480, %get3A_1481] {strides = array<i32>} : memref<2x8000xi32, #tpu.memory_space<vmem>>, vector<16xi32>,
    %gt3A_1483 = arith.cmpf ogt, %get3A_1478, %get3A_1474 : vector<16xf32>
    %gt3A_1484 = arith.constant 0 : i32
    %gt3A_1485 = vector.broadcast %gt3A_1484 : i32 to vector<16xi32>
    %gt3A_1486 = arith.cmpi sgt, %get3A_1482, %gt3A_1485 : vector<16xi32>
    %eq3A_1487 = arith.xori %gt3A_1483, %gt3A_1486 : vector<16xi1>
    %eq3A_1488 = arith.constant dense<true> : vector<16xi1>
    %eq3A_1489 = arith.xori %eq3A_1487, %eq3A_1488 : vector<16xi1>
    %jit3A_1490 = arith.constant 1.000000e+00 : f32
    %jit3A_1491 = arith.constant 0.000000e+00 : f32
    %broadcast_in_dim3A_1492 = vector.broadcast %jit3A_1490 : f32 to vector<16xf32>
    %broadcast_in_dim3A_1493 = vector.broadcast %jit3A_1491 : f32 to vector<16xf32>
    %select_n3A_1494 = arith.select %eq3A_1489, %broadcast_in_dim3A_1492, %broadcast_in_dim3A_1493 : vector<16xi1>, vector<16xf32>
    %add3A_1495 = arith.addf %add3A_1466, %select_n3A_1494 : vector<16xf32>
    %scan3A_1496 = arith.constant 500 : i32
    %select_n3A_1497 = arith.select %lt3A_5, %add3A_1495, %add3A_1370 : vector<16xf32>
    %swap3A = arith.constant 0 : index
    %swap3A_1498 = tpu.vector_load %arg8[%swap3A] {strides = array<i32>} : memref<16xf32, #tpu.memory_space<vmem>>, vector<16xf32>,
    tpu.vector_store %arg8[%swap3A], %select_n3A_1497 {strides = array<i32>} : memref<16xf32, #tpu.memory_space<vmem>>, vector<16xf32>,
    "tpu.region"() ({
      %run_scoped3A = tpu.sem_alloc : memref<!tpu.dma_semaphore, #tpu.memory_space<semaphore_mem>>
      %dma_start3A_1499 = arith.constant 0 : i32
      %dma_start3A_1500 = tpu.memref_slice %arg4[%add3A, %dma_start3A_1499] : memref<32x16xf32, #tpu.memory_space<hbm>> -> memref<1x16xf32, #tpu.memory_space<hbm>>
      %dma_start3A_1501 = tpu.memref_squeeze %dma_start3A_1500 : memref<1x16xf32, #tpu.memory_space<hbm>> -> memref<16xf32, #tpu.memory_space<hbm>>
      %dma_start3A_1502 = arith.constant 0 : i32
      %dma_start3A_1503 = tpu.memref_slice %arg4[%add3A, %dma_start3A_1502] : memref<32x16xf32, #tpu.memory_space<hbm>> -> memref<1x16xf32, #tpu.memory_space<hbm>>
      %dma_start3A_1504 = tpu.memref_squeeze %dma_start3A_1503 : memref<1x16xf32, #tpu.memory_space<hbm>> -> memref<16xf32, #tpu.memory_space<hbm>>
      tpu.enqueue_dma source(%arg8 : memref<16xf32, #tpu.memory_space<vmem>>) target(%dma_start3A_1504 : memref<16xf32, #tpu.memory_space<hbm>>) target_semaphore(%run_scoped3A : memref<!tpu.dma_semaphore, #tpu.memory_space<semaphore_mem>>)
      %dma_wait3A_1505 = arith.constant 0 : i32
      %dma_wait3A_1506 = tpu.memref_slice %arg4[%add3A, %dma_wait3A_1505] : memref<32x16xf32, #tpu.memory_space<hbm>> -> memref<1x16xf32, #tpu.memory_space<hbm>>
      %dma_wait3A_1507 = tpu.memref_squeeze %dma_wait3A_1506 : memref<1x16xf32, #tpu.memory_space<hbm>> -> memref<16xf32, #tpu.memory_space<hbm>>
      %dma_wait3A_1508 = arith.constant 0 : i32
      %dma_wait3A_1509 = tpu.memref_slice %arg4[%add3A, %dma_wait3A_1508] : memref<32x16xf32, #tpu.memory_space<hbm>> -> memref<1x16xf32, #tpu.memory_space<hbm>>
      %dma_wait3A_1510 = tpu.memref_squeeze %dma_wait3A_1509 : memref<1x16xf32, #tpu.memory_space<hbm>> -> memref<16xf32, #tpu.memory_space<hbm>>
      tpu.wait_dma2 semaphore(%run_scoped3A : memref<!tpu.dma_semaphore, #tpu.memory_space<semaphore_mem>>) src(%arg8 : memref<16xf32, #tpu.memory_space<vmem>>) dst(%dma_wait3A_1510 : memref<16xf32, #tpu.memory_space<hbm>>)
      tpu.yield
    }) : () -> ()
    return
  }
}

</mosaic_0001>

<sc_bundles>
// kernel: kernel.3.cloned.1.call-start
scs
__scs_entry_jumppad:
0x0: {  	(pc) =	sbr.rel $0x88, $3  }
0x1: {  	(tag) =	ssettag $0x0;
	lr =	simm.s32 $0x1  }
0x2: {  	[smem:$0x3F9F] =	sst lr;
	_ =	strace $0xD0000000  }
0x3: {  	_ = 	snop  }
0x4: {  	_ = 	snop  }
0x5: {  	_ = 	snop  }
0x6: {  	_ = 	snop  }
0x7: {  	_ = 	snop  }
__scs_overlays_trampoline_lowered:
0x8: {  	[smem:$0x3FAE] =	sst s0  }
0x9: {  	[smem:$0x3FAF] =	sst s1  }
0xa: {  	[smem:$0x3FB0] =	sst s2  }
0xb: {  	[smem:$0x3FB1] =	sst s3  }
0xc: {  	[smem:$0x3FB2] =	sst s4  }
0xd: {  	[smem:$0x3FB3] =	sst s5  }
0xe: {  	[smem:$0x3FB4] =	sst s6  }
0xf: {  	[smem:$0x3FB5] =	sst s7  }
0x10: {  	[smem:$0x3FB6] =	sst s8  }
0x11: {  	[smem:$0x3FB7] =	sst s9;
	s0 =	simm.s32 @!p0 $0x0  }
0x12: {  	s1 =	sld [smem:$0x3F9D];
	s0 =	simm.s32 @p0 $0x1  }
0x13: {  	[smem:$0x3FB8] =	sst s0;
	s0 =	simm.s32 @!p1 $0x0  }
0x14: {  	s2 =	sld [smem:$0x3F9C];
	s0 =	simm.s32 @p1 $0x1  }
0x15: {  	[smem:$0x3FB9] =	sst s0;
	s0 =	simm.s32 @!p2 $0x0  }
0x16: {  	s3 =	sld [smem:$0x3FDB];
	s0 =	simm.s32 @p2 $0x1  }
0x17: {  	s4 =	simm.s32 $0x1BF5;
	[smem:$0x3FBB] =	sst s0  }
0x18: {  	s0 =	sld [smem:$0x3F9E];
	_ =	swait.ge [sflag:s4], $0x0  }
0x19: {  	s7 =	sld [smem:$0x3F9F]  }
0x1a: {  	s8 =	sadd.s32 $0xFFFFE003, lr  }
0x1b: {  	s9 =	sadd.s32 $0xFFFFFEF7, lr;
	s5 =	simm.s32 $0xFFFFFFFF;
	p2 =	slt.u32 s8, $0xFFFFF086  }
0x1c: {  	p1 =	slt.u32 s9, $0xF7A;
	s5 =	simm.s32 @!p2 $0x0  }
0x1d: {  	s5 =	simm.s32 @p1 $0x1;
	p0 =	seq.s32 s7, s2  }
0x1e: {  	s7 =	smul.u32 @!p0 $0xF7A, s2;
	p2 =	seq.s32 @!p0 s5, $0x0  }
0x1f: {  	s9 =	smul.u32 $0xF7A, s1;
	s8 =	simm.s32 @!p0 $0x1BF5;
	p2 =	por !p2, p0  }
0x20: {  	[sflag:s8] =	ssyncset.s32 @!p0 $0xFFFFF086;
	s6 =	sadd.s32 @!p0 s3, s7;
	s7 =	simm.s32 @!p0 $0x108  }
0x21: {  	s3 =	sadd.s32 s3, s9;
	s6 =	sadd.s32 @!p0 $0x88, s6;
	s7 =	simm.s32 @p2 $0x1082  }
0x22: {  	[simem:s7], [sflag:s8] =	dma.local @!p0 [hbm:s6], $0xF7A  }
0x23: {  	s9 =	sor.u32 $0xD0000000, s2;
	s6 =	simm.s32 $0x108;
	_ =	swait.ge @!p0 [sflag:s8], $0x0  }
0x24: {  	s3 =	sadd.s32 $0x88, s3;
	s6 =	simm.s32 @!p1 $0x1082;
	[sflag:s4] =	ssyncset.s32 $0xFFFFF086  }
0x25: {  	[simem:s6], [sflag:s4] =	dma.local [hbm:s3], $0xF7A  }
0x26: {  	[smem:$0x3F9F] =	sst s1;
	(tag) =	ssettag s2;
	_ =	strace s9  }
0x27: {  	s1 =	sld [smem:$0x3FAF]  }
0x28: {  	s2 =	sld [smem:$0x3FB0]  }
0x29: {  	s4 =	sld [smem:$0x3FB2]  }
0x2a: {  	p0 =	seq.s32 s5, $0x0;
	s5 =	sld [smem:$0x3FB3]  }
0x2b: {  	s6 =	sld [smem:$0x3FB4]  }
0x2c: {  	s7 =	sld [smem:$0x3FB5]  }
0x2d: {  	s3 =	simm.s32 $0x108;
	s8 =	sld [smem:$0x3FB6]  }
0x2e: {  	s3 =	simm.s32 @!p0 $0x1082;
	s9 =	sld [smem:$0x3FB7]  }
0x2f: {  	lr =	sadd.s32 s0, s3;
	s0 =	sld [smem:$0x3FAE]  }
0x30: {  	s3 =	sld [smem:$0x3FB1]  }
0x31: {  	[smem:$0x3FBA] =	sst s10  }
0x32: {  	s10 =	sld [smem:$0x3FB8];
	_ =	sdelay $0x3  }
0x33: {  	p0 =	seq.s32 s10, $0x1;
	s10 =	sld [smem:$0x3FBA];
	_ =	sdelay $0x3  }
0x34: {  	[smem:$0x3FBA] =	sst s10  }
0x35: {  	s10 =	sld [smem:$0x3FB9];
	_ =	sdelay $0x3  }
0x36: {  	p1 =	seq.s32 s10, $0x1;
	s10 =	sld [smem:$0x3FBA];
	_ =	sdelay $0x3  }
0x37: {  	[smem:$0x3FBA] =	sst s10  }
0x38: {  	s10 =	sld [smem:$0x3FBB]  }
0x39: {  	_ = 	snop;
	(pc) =	sbr.ind lr, $3  }
0x3a: {  	_ = 	snop  }
0x3b: {  	_ = 	snop  }
0x3c: {  	p2 =	seq.s32 s10, $0x1;
	s10 =	sld [smem:$0x3FBA]  }
0x3d: {  	_ =	shalt  }
0x3e: {  	_ =	shalt  }
0x3f: {  	_ =	shalt  }
0x40: {  	_ =	shalt  }
0x41: {  	_ =	shalt  }
0x42: {  	_ =	shalt  }
0x43: {  	_ =	shalt  }
0x44: {  	_ =	shalt  }
0x45: {  	_ =	shalt  }
0x46: {  	_ =	shalt  }
0x47: {  	_ =	shalt  }
0x48: {  	_ =	shalt  }
0x49: {  	_ =	shalt  }
0x4a: {  	_ =	shalt  }
0x4b: {  	_ =	shalt  }
0x4c: {  	_ =	shalt  }
0x4d: {  	_ =	shalt  }
0x4e: {  	_ =	shalt  }
0x4f: {  	_ =	shalt  }
0x50: {  	_ =	shalt  }
0x51: {  	_ =	shalt  }
0x52: {  	_ =	shalt  }
0x53: {  	_ =	shalt  }
0x54: {  	_ =	shalt  }
0x55: {  	_ =	shalt  }
0x56: {  	_ =	shalt  }
0x57: {  	_ =	shalt  }
0x58: {  	_ =	shalt  }
0x59: {  	_ =	shalt  }
0x5a: {  	_ =	shalt  }
0x5b: {  	_ =	shalt  }
0x5c: {  	_ =	shalt  }
0x5d: {  	_ =	shalt  }
0x5e: {  	_ =	shalt  }
0x5f: {  	_ =	shalt  }
0x60: {  	_ =	shalt  }
0x61: {  	_ =	shalt  }
0x62: {  	_ =	shalt  }
0x63: {  	_ =	shalt  }
0x64: {  	_ =	shalt  }
0x65: {  	_ =	shalt  }
0x66: {  	_ =	shalt  }
0x67: {  	_ =	shalt  }
0x68: {  	_ =	shalt  }
0x69: {  	_ =	shalt  }
0x6a: {  	_ =	shalt  }
0x6b: {  	_ =	shalt  }
0x6c: {  	_ =	shalt  }
0x6d: {  	_ =	shalt  }
0x6e: {  	_ =	shalt  }
0x6f: {  	_ =	shalt  }
0x70: {  	_ =	shalt  }
0x71: {  	_ =	shalt  }
0x72: {  	_ =	shalt  }
0x73: {  	_ =	shalt  }
0x74: {  	_ =	shalt  }
0x75: {  	_ =	shalt  }
0x76: {  	_ =	shalt  }
0x77: {  	_ =	shalt  }
0x78: {  	_ =	shalt  }
0x79: {  	_ =	shalt  }
0x7a: {  	_ =	shalt  }
0x7b: {  	_ =	shalt  }
0x7c: {  	_ =	shalt  }
0x7d: {  	_ =	shalt  }
0x7e: {  	_ =	shalt  }
0x7f: {  	_ =	shalt  }
0x80: {  	_ =	shalt  }
0x81: {  	_ =	shalt  }
0x82: {  	_ =	shalt  }
0x83: {  	_ =	shalt  }
0x84: {  	_ =	shalt  }
0x85: {  	_ =	shalt  }
0x86: {  	_ =	shalt  }
0x87: {  	_ =	shalt  }
.Lfunc_end0:
.L_simem_size_0:
called_computation_lowered:
.L_overlay_start_0:
0x88: {  	s2 =	sld [smem:$0x3FD9]  }
0x89: {  	s3 =	sld [smem:$0x3FFE];
	_ =	sdelay $0x1  }
0x8a: {  	s1 =	srdreg.scid  }
0x8b: {  	s0 =	sand.u32 $0x1, s1  }
0x8c: {  	s17 =	sshll.u32 s0, $0xA;
	s2 =	sadd.s32 s3, s2  }
0x8d: {  	s2 =	sadd.s32 s2, s17  }
0x8e: {  	[smem:$0x3FC6] =	sst s2  }
0x8f: {  	_ = 	snop  }
0x90: {  	s2 =	sld [smem:$0x3FC8];
	(tm) =	ssettm $0x1  }
0x91: {  	s18 =	sld [smem:$0x3FFB];
	_ =	sdelay $0x3  }
0x92: {  	_ =	strace s18  }
0x93: {  	s3 =	sld [smem:$0x3FFC];
	_ =	sdelay $0x3  }
0x94: {  	_ =	strace s3  }
0x95: {  	s3 =	sld [smem:$0x3FFD];
	_ =	sdelay $0x3  }
0x96: {  	_ =	strace s3  }
0x97: {  	_ =	strace $0x8FFFFFFF  }
0x98: {  	s19 =	sld [smem:$0x3FDB];
	_ =	sdelay $0x1  }
0x99: {  	s4 =	simm.s32 $_scs_section_size  }
0x9a: {  	s5 =	simm.s32 $_size__tile_overlayer_lowered;
	s6 =	simm.s32 $_tile_overlayer_lowered  }
0x9b: {  	s22 =	simm.s32 $0x1BFF;
	s21 =	sshll.u32 s6, $0x1;
	s3 =	sadd.s32 s4, s19  }
0x9c: {  	s7 =	simm.s32 $0x0;
	s20 =	sshll.u32 s5, $0x1;
	s5 =	sadd.s32 s21, s3  }
0x9d: {  	[timem:s7], [sflag:s22] =	dma.local [hbm:s5], s20  }
0x9e: {  	_ =	swait.ge [sflag:s22], s20  }
0x9f: {  	s4 =	ssub.s32 $0x0, s20;
	[sflag:s22] =	ssyncset.done $0x0  }
0xa0: {  	[sflag:s22] =	ssyncadd.s32 s4;
	_ =	sdelay $0x1  }
0xa1: {  	s23 =	simm.s32 $0x1B8B  }
0xa2: {  	_ =	swait.ge [sflag:s23], $0x1  }
0xa3: {  	[sflag:s23] =	ssyncset.done $0x0  }
0xa4: {  	s25 =	simm.s32 $0x1B8E;
	s24 =	sld [smem:$0x3FFE];
	[sflag:s23] =	ssyncadd.s32 $0xFFFFFFFF  }
0xa5: {  	s26 =	simm.s32 $execute0_lowered;
	[smem:$0x3FD2] =	sst s25  }
0xa6: {  	s5 =	sshll.u32 s26, $0x1;
	_ =	strace $0x80000046;
	[dreg:$0x1] =	wrdreg $0xFFFFFFFF  }
0xa7: {  	s28 =	simm.s32 $_size_execute0_lowered;
	s3 =	sadd.s32 s3, s5;
	[dreg:$0x0] =	wrdreg $0x0  }
0xa8: {  	s5 =	sshll.u32 s28, $0x1;
	[dreg:$0x2] =	wrdreg s3  }
0xa9: {  	[dreg:$0x3] =	wrdreg s5  }
0xaa: {  	[dreg:$0x4] =	wrdreg $0xC0  }
0xab: {  	_ =	task [dreg:s7], $0x5FFFF  }
0xac: {  	[dreg:$0x1] =	wrdreg $0xFFFFFFFF  }
0xad: {  	[dreg:$0x0] =	wrdreg $0x60  }
0xae: {  	[dreg:$0x2] =	wrdreg s24  }
0xaf: {  	[dreg:$0x3] =	wrdreg s2  }
0xb0: {  	[dreg:$0x4] =	wrdreg $0x9  }
0xb1: {  	_ =	task.clear_ibuf [dreg:s7], $0x5FFFF;
	_ =	strace $0x90000046  }
0xb2: {  	s29 =	simm.s32 $0x9;
	_ =	strace $0x80000048  }
0xb3: {  	_ =	swait.ge [sflag:s29], $0x1  }
0xb4: {  	[sflag:s29] =	ssyncadd.s32 $0xFFFFFFFF  }
0xb5: {  	_ =	strace $0x90000048  }
0xb6: {  	_ =	sfence  }
0xb7: {  	s30 =	sld [smem:$0x0];
	_ =	sdelay $0x2  }
0xb8: {  	s31 =	sshll.u32 s1, $0xD;
	s1 =	sshrl.u32 s1, $0x2  }
0xb9: {  	s3 =	sand.u32 $0x4000, s31;
	s1 =	sadd.s32 s1, s30  }
0xba: {  	s0 =	sor.u32 s3, s0;
	s1 =	sshll.u32 s1, $0x11  }
0xbb: {  	s0 =	sor.u32 s1, s0  }
0xbc: {  	s0 =	sadd.s32 $0x8F2B, s0  }
0xbd: {  	[sflag:s0] =	ssyncadd.remote.s32 $0x1  }
0xbe: {  	_ =	sfence.sel $0xFFFF  }
0xbf: {  	[dreg:$0x0] =	wrdreg $0xFFFFFFFF;
	(pc) =	sbr.abs _section_cstart, $3  }
0xc0: {  	[dreg:$0x1] =	wrdreg $0xFFFFFFFF  }
0xc1: {  	_ =	task.clear_ibuf [dreg:s7], $0x2FFFF;
	_ =	strace $0x9FFFFFFF  }
0xc2: {  	(tm) =	ssettm $0x7FFFFFFF  }
0xc3: {  	_ =	shalt  }
tec
execute0_lowered:
.L_overlay_start_1:
0x0: {  	(tag) =	ssettag $0x1  }
0x1: {  	s0 =	srdreg.scid;
	s9 =	stileid.u32  }
0x2: {  	s0 =	sand.u32 $0x1, s0;
	s1 =	sshll.u32 s9, $0x1  }
0x3: {  	s1 =	sor.u32 s0, s1  }
0x4: {  	s4 =	rddreg [dreg:$0x0];
	s3 =	smul.u32 $0x7, s1  }
0x5: {  	s5 =	rddreg [dreg:$0x1];
	s2 =	simm.s32 $0x0;
	s6 =	smin.u32 s1, $0x1A  }
0x6: {  	s30 =	simm.s32 $0x3E80;
	s31 =	simm.s32 $0x7D00;
	s3 =	sadd.s32 s6, s3  }
0x7: {  	[smem:$0x7FF] =	sst s2;
	p0 =	sgt.u32 s9, $0xC;
	s3 =	smul.u32 $0x1F40, s3  }
0x8: {  	p1 =	slt.u32 s9, $0xD;
	_ =	strace $0x80000047;
	s0 =	ssub.s32 $0x2, s0  }
0x9: {  	s1 =	sshll.u32 s1, $0x1;
	s7 =	sshrl.u32 s0, $0x1;
	s12 =	sshrl.u32 s3, $0x3  }
0xa: {  	s1 =	sadd.s32 s1, s4;
	s0 =	ssub.s32 s0, s7;
	s3 =	sadd.s32 s4, s12  }
0xb: {  	s16 =	sadd.s32 $0x3E8, s12;
	s8 =	sadd.s32 s5, s12;
	s18 =	sadd.s32 $0x7D0, s12  }
0xc: {  	s22 =	sadd.s32 $0xBB8, s12;
	s24 =	sadd.s32 $0xFA0, s12;
	s25 =	sadd.s32 $0x1388, s12  }
0xd: {  	s26 =	sadd.s32 $0x1770, s12;
	s15 =	sadd.s32 $0x3D090, s3;
	[dreg:$0x4] =	wrdreg s8  }
0xe: {  	s6 =	sadd.s32 $0x1B58, s12;
	s17 =	sadd.s32 s4, s16;
	[dreg:$0x3] =	wrdreg s15  }
0xf: {  	s10 =	sadd.s32 $0x3D478, s3;
	s7 =	sadd.s32 s5, s16;
	[dreg:$0x5] =	wrdreg s17  }
0x10: {  	s19 =	sadd.s32 s4, s18;
	s20 =	sadd.s32 $0x3D860, s3;
	[dreg:$0x6] =	wrdreg s10  }
0x11: {  	s21 =	sadd.s32 s5, s18;
	s23 =	sadd.s32 s4, s22;
	[dreg:$0x7] =	wrdreg s7  }
0x12: {  	s13 =	sadd.s32 $0x3DC48, s3;
	s14 =	sadd.s32 s5, s22;
	[dreg:$0x8] =	wrdreg s19  }
0x13: {  	s16 =	sadd.s32 s5, s24;
	s18 =	sadd.s32 s5, s25;
	[dreg:$0x9] =	wrdreg s20  }
0x14: {  	s22 =	sadd.s32 s5, s6;
	s28 =	sadd.s32 $0x3E800, s3;
	[dreg:$0xa] =	wrdreg s21  }
0x15: {  	s29 =	sadd.s32 $0x3EBE8, s3;
	s8 =	simm.s32 $0x0;
	[dreg:$0xb] =	wrdreg s23  }
0x16: {  	s15 =	sadd.s32 s4, s24;
	s17 =	sadd.s32 s4, s25;
	s19 =	sadd.s32 s4, s26  }
0x17: {  	s20 =	sadd.s32 s5, s26;
	s21 =	sadd.s32 s4, s6;
	s23 =	sadd.s32 $0x3E030, s3  }
0x18: {  	s24 =	sadd.s32 $0x7A200, s1;
	s25 =	smax.u32 s0, $0x1;
	s26 =	sadd.s32 $0x3E418, s3  }
0x19: {  	s1 =	simm.s32 $0x1F40;
	s0 =	simm.s32 $0x5DC0;
	s4 =	simm.s32 $0x9C40  }
0x1a: {  	v0 =	vimm.f32 $0.0e+00;
	s5 =	simm.s32 $0x1;
	s6 =	simm.s32 $0x2;
	s7 =	simm.s32 $0x3  }
.LBB2_1:
0x1b: {  	[tilespmem:s2], [sflag:$0x1] =	stream.linear.gather [hbm4b:s3+s2], $0x1F40, $0x38;
	[tilespmem:$0xBB90] =	vst v63  }
0x1c: {  	s9 =	rddreg [dreg:$0x3]  }
0x1d: {  	[tilespmem:s30], [sflag:$0x1] =	stream.linear.gather [hbm4b:s9+s2], $0x1F40, $0x38;
	[tilespmem:$0xBB90] =	vst v63  }
0x1e: {  	s12 =	rddreg [dreg:$0x4]  }
0x1f: {  	[tilespmem:s31], [sflag:$0x1] =	stream.linear.gather [hbm4b:s12+s2], $0x1F40, $0x38;
	[tilespmem:$0xBB90] =	vst v63  }
0x20: {  	s10 =	rddreg [dreg:$0x5]  }
0x21: {  	[tilespmem:s1], [sflag:$0x2] =	stream.linear.gather [hbm4b:s10+s2], $0x1F40, $0x38;
	[tilespmem:$0xBB90] =	vst v63  }
0x22: {  	s11 =	rddreg [dreg:$0x6]  }
0x23: {  	[tilespmem:s0], [sflag:$0x2] =	stream.linear.gather [hbm4b:s11+s2], $0x1F40, $0x38;
	[tilespmem:$0xBB90] =	vst v63  }
0x24: {  	s12 =	rddreg [dreg:$0x7]  }
0x25: {  	[tilespmem:s4], [sflag:$0x2] =	stream.linear.gather [hbm4b:s12+s2], $0x1F40, $0x38;
	[tilespmem:$0xBB90] =	vst v63  }
0x26: {  	_ =	swait.ge [sflag:s5], $0x1F40  }
0x27: {  	[sflag:s5] =	ssyncset.done $0x0  }
0x28: {  	[sflag:s5] =	ssyncadd.s32 $0xFFFFE0C0  }
0x29: {  	_ =	swait.ge [sflag:s5], $0x1F40  }
0x2a: {  	[sflag:s5] =	ssyncset.done $0x0  }
0x2b: {  	[sflag:s5] =	ssyncadd.s32 $0xFFFFE0C0  }
0x2c: {  	_ =	swait.ge [sflag:s5], $0x1F40  }
0x2d: {  	[sflag:s5] =	ssyncset.done $0x0  }
0x2e: {  	s10 =	simm.s32 $0x40;
	[sflag:s5] =	ssyncadd.s32 $0xFFFFE0C0  }
0x2f: {  	v4 =	vld [tilespmem:s10+$0x30]  }
0x30: {  	v2 =	vld [tilespmem:s10+$0x20]  }
0x31: {  	v1 =	vld [tilespmem:s10+$0x10]  }
0x32: {  	v6 =	vld [tilespmem:s10+$0x0]  }
0x33: {  	v5 =	vld [tilespmem:s10+$0xFFFFFFF0]  }
0x34: {  	v3 =	vld [tilespmem:s10+$0xFFFFFFE0]  }
0x35: {  	v7 =	vld [tilespmem:s10+$0xFFFFFFD0]  }
0x36: {  	s9 =	simm.s32 $0x3EC0;
	v8 =	vld [tilespmem:s10+$0xFFFFFFC0]  }
0x37: {  	s10 =	simm.s32 $0x7D40;
	v9 =	vld [tilespmem:s9+$0xFFFFFFC0]  }
0x38: {  	v10 =	vld [tilespmem:s10+$0xFFFFFFC0]  }
0x39: {  	v11 =	vld [tilespmem:s9+$0xFFFFFFD0]  }
0x3a: {  	v12 =	vld [tilespmem:s10+$0xFFFFFFD0]  }
0x3b: {  	v13 =	vld [tilespmem:s9+$0xFFFFFFE0]  }
0x3c: {  	v14 =	vld [tilespmem:s10+$0xFFFFFFE0]  }
0x3d: {  	vm0 =	vgt.f32 v9, v8;
	v8 =	vld [tilespmem:s9+$0xFFFFFFF0];
	vm1 =	vlt.s32 v10, $0x1  }
0x3e: {  	v9 =	vld [tilespmem:s10+$0xFFFFFFF0];
	vm0 =	vmxor vm0, vm1  }
0x3f: {  	vm1 =	vlt.s32 v12, $0x1;
	v10 =	vsel vm0, $0x3F800000, v0;
	vm0 =	vgt.f32 v11, v7;
	v11 =	vld [tilespmem:s9+$0x0]  }
0x40: {  	v7 =	vadd.f32 v10, v0;
	vm0 =	vmxor vm0, vm1;
	v10 =	vld [tilespmem:s10+$0x0]  }
0x41: {  	vm1 =	vlt.s32 v14, $0x1;
	v61 =	vsel vm0, $0x3F800000, v0;
	vm0 =	vgt.f32 v13, v3;
	v3 =	vld [tilespmem:s9+$0x10]  }
0x42: {  	v12 =	vadd.f32 v61, v7;
	vm0 =	vmxor vm0, vm1;
	v7 =	vld [tilespmem:s10+$0x10]  }
0x43: {  	vm1 =	vlt.s32 v9, $0x1;
	v62 =	vsel vm0, $0x3F800000, v0;
	vm0 =	vgt.f32 v8, v5;
	v5 =	vld [tilespmem:s9+$0x20]  }
0x44: {  	v8 =	vld [tilespmem:s10+$0x20];
	v9 =	vadd.f32 v62, v12;
	vm0 =	vmxor vm0, vm1  }
0x45: {  	v63 =	vsel vm0, $0x3F800000, v0;
	vm0 =	vgt.f32 v11, v6;
	vm1 =	vlt.s32 v10, $0x1;
	v6 =	vld [tilespmem:s9+$0x30]  }
0x46: {  	s11 =	simm.s32 $0x0;
	s12 =	simm.s32 $0xC0;
	v10 =	vadd.f32 v63, v9;
	vm0 =	vmxor vm0, vm1;
	v9 =	vld [tilespmem:s10+$0x30]  }
.LBB2_2:
0x47: {  	v11 =	vld [tilespmem:s12+$0x30];
	v12 =	vsel vm0, $0x3F800000, v0;
	vm0 =	vgt.f32 v3, v1;
	vm1 =	vlt.s32 v7, $0x1  }
0x48: {  	v3 =	vld [tilespmem:s12+$0x20];
	v7 =	vadd.f32 v12, v10;
	vm0 =	vmxor vm0, vm1  }
0x49: {  	v1 =	vld [tilespmem:s12+$0x10];
	v10 =	vsel vm0, $0x3F800000, v0;
	vm0 =	vgt.f32 v5, v2;
	vm1 =	vlt.s32 v8, $0x1  }
0x4a: {  	v12 =	vld [tilespmem:s12+$0x0];
	v10 =	vadd.f32 v10, v7;
	vm0 =	vmxor vm0, vm1  }
0x4b: {  	v5 =	vld [tilespmem:s12+$0xFFFFFFF0];
	v7 =	vsel vm0, $0x3F800000, v0;
	vm0 =	vgt.f32 v6, v4;
	vm1 =	vlt.s32 v9, $0x1  }
0x4c: {  	v6 =	vld [tilespmem:s12+$0xFFFFFFE0];
	v7 =	vadd.f32 v7, v10;
	vm0 =	vmxor vm0, vm1;
	v4 =	vmov v11  }
0x4d: {  	v8 =	vld [tilespmem:s12+$0xFFFFFFD0];
	v9 =	vsel vm0, $0x3F800000, v0;
	v2 =	vmov v3  }
0x4e: {  	s9 =	sadd.s32 $0x80, s9;
	v3 =	vld [tilespmem:s12+$0xFFFFFFC0];
	v7 =	vadd.f32 v9, v7  }
0x4f: {  	s10 =	sadd.s32 $0x80, s10;
	v9 =	vld [tilespmem:s9+$0xFFFFFFC0]  }
0x50: {  	s11 =	sadd.s32 $0x8, s11;
	v10 =	vld [tilespmem:s10+$0xFFFFFFC0]  }
0x51: {  	p2 =	slt.u32 s11, $0x1E8;
	v11 =	vld [tilespmem:s9+$0xFFFFFFD0]  }
0x52: {  	v13 =	vld [tilespmem:s10+$0xFFFFFFD0]  }
0x53: {  	v14 =	vld [tilespmem:s9+$0xFFFFFFE0]  }
0x54: {  	v15 =	vld [tilespmem:s10+$0xFFFFFFE0]  }
0x55: {  	vm0 =	vgt.f32 v9, v3;
	vm1 =	vlt.s32 v10, $0x1;
	v9 =	vld [tilespmem:s9+$0xFFFFFFF0]  }
0x56: {  	vm0 =	vmxor vm0, vm1;
	v10 =	vld [tilespmem:s10+$0xFFFFFFF0]  }
0x57: {  	v3 =	vsel vm0, $0x3F800000, v0;
	vm0 =	vgt.f32 v11, v8;
	vm1 =	vlt.s32 v13, $0x1;
	v11 =	vld [tilespmem:s9+$0x0]  }
0x58: {  	v7 =	vadd.f32 v3, v7;
	vm0 =	vmxor vm0, vm1;
	v13 =	vld [tilespmem:s10+$0x0]  }
0x59: {  	v8 =	vsel vm0, $0x3F800000, v0;
	vm0 =	vgt.f32 v14, v6;
	vm1 =	vlt.s32 v15, $0x1;
	v3 =	vld [tilespmem:s9+$0x10]  }
.Ltmp0:
0x5a: {  	v6 =	vadd.f32 v8, v7;
	vm0 =	vmxor vm0, vm1;
	v7 =	vld [tilespmem:s10+$0x10];
	(pc) =	sbr.rel @p2 .LBB2_2-.Ltmp0, $4  }
0x5b: {  	v8 =	vsel vm0, $0x3F800000, v0;
	vm0 =	vgt.f32 v9, v5;
	vm1 =	vlt.s32 v10, $0x1;
	v5 =	vld [tilespmem:s9+$0x20]  }
0x5c: {  	v9 =	vadd.f32 v8, v6;
	vm0 =	vmxor vm0, vm1;
	v8 =	vld [tilespmem:s10+$0x20]  }
0x5d: {  	v10 =	vsel vm0, $0x3F800000, v0;
	vm0 =	vgt.f32 v11, v12;
	vm1 =	vlt.s32 v13, $0x1;
	v6 =	vld [tilespmem:s9+$0x30]  }
0x5e: {  	s12 =	sadd.s32 $0x80, s12;
	v10 =	vadd.f32 v10, v9;
	vm0 =	vmxor vm0, vm1;
	v9 =	vld [tilespmem:s10+$0x30]  }
0x5f: {  	v11 =	vld [tilespmem:$0x1F00]  }
0x60: {  	v12 =	vld [tilespmem:$0x5D80]  }
0x61: {  	v13 =	vld [tilespmem:$0x9C00]  }
0x62: {  	v14 =	vld [tilespmem:$0x1F10]  }
0x63: {  	v15 =	vld [tilespmem:$0x5D90]  }
0x64: {  	v16 =	vld [tilespmem:$0x9C10]  }
0x65: {  	v17 =	vld [tilespmem:$0x1F20]  }
0x66: {  	v18 =	vld [tilespmem:$0x5DA0]  }
0x67: {  	v19 =	vld [tilespmem:$0x9C20]  }
0x68: {  	v20 =	vld [tilespmem:$0x1F30]  }
0x69: {  	v21 =	vld [tilespmem:$0x5DB0];
	s9 =	rddreg [dreg:$0x8]  }
0x6a: {  	v22 =	vld [tilespmem:$0x9C30];
	[tilespmem:s2], [sflag:$0x1] =	stream.linear.gather [hbm4b:s9+s2], $0x1F40, $0x38  }
0x6b: {  	s11 =	rddreg [dreg:$0x9]  }
0x6c: {  	[tilespmem:s30], [sflag:$0x1] =	stream.linear.gather [hbm4b:s11+s2], $0x1F40, $0x38;
	[tilespmem:$0xBB90] =	vst v63  }
0x6d: {  	s12 =	rddreg [dreg:$0xa]  }
0x6e: {  	[tilespmem:s31], [sflag:$0x1] =	stream.linear.gather [hbm4b:s12+s2], $0x1F40, $0x38;
	[tilespmem:$0xBB90] =	vst v63  }
0x6f: {  	_ =	swait.ge [sflag:s6], $0x1F40  }
0x70: {  	[sflag:s6] =	ssyncset.done $0x0  }
0x71: {  	[sflag:s6] =	ssyncadd.s32 $0xFFFFE0C0  }
0x72: {  	_ =	swait.ge [sflag:s6], $0x1F40  }
0x73: {  	[sflag:s6] =	ssyncset.done $0x0  }
0x74: {  	[sflag:s6] =	ssyncadd.s32 $0xFFFFE0C0  }
0x75: {  	_ =	swait.ge [sflag:s6], $0x1F40  }
0x76: {  	[sflag:s6] =	ssyncset.done $0x0  }
0x77: {  	s10 =	simm.s32 $0x1FB0;
	[sflag:s6] =	ssyncadd.s32 $0xFFFFE0C0  }
0x78: {  	vm1 =	vgt.f32 v3, v1;
	v3 =	vsel vm0, $0x3F800000, v0;
	vm0 =	vlt.s32 v7, $0x1;
	v1 =	vld [tilespmem:s10+$0x0]  }
0x79: {  	v7 =	vadd.f32 v3, v10;
	vm0 =	vmxor vm1, vm0;
	v3 =	vld [tilespmem:s10+$0xFFFFFFF0]  }
0x7a: {  	vm1 =	vgt.f32 v5, v2;
	v5 =	vsel vm0, $0x3F800000, v0;
	vm0 =	vlt.s32 v8, $0x1;
	v2 =	vld [tilespmem:s10+$0xFFFFFFE0]  }
0x7b: {  	v5 =	vadd.f32 v5, v7;
	vm0 =	vmxor vm1, vm0;
	v10 =	vld [tilespmem:s10+$0xFFFFFFD0]  }
0x7c: {  	vm1 =	vgt.f32 v6, v4;
	v4 =	vsel vm0, $0x3F800000, v0;
	vm0 =	vlt.s32 v9, $0x1;
	v6 =	vld [tilespmem:s10+$0xFFFFFFC0]  }
0x7d: {  	v4 =	vadd.f32 v4, v5;
	vm0 =	vmxor vm1, vm0;
	v5 =	vld [tilespmem:s10+$0xFFFFFFB0]  }
0x7e: {  	vm1 =	vgt.f32 v12, v11;
	v7 =	vsel vm0, $0x3F800000, v0;
	vm0 =	vlt.s32 v13, $0x1;
	v8 =	vld [tilespmem:s10+$0xFFFFFFA0]  }
0x7f: {  	s9 =	simm.s32 $0x5E30;
	v4 =	vadd.f32 v7, v4;
	vm0 =	vmxor vm1, vm0;
	v7 =	vld [tilespmem:s10+$0xFFFFFF90]  }
0x80: {  	vm1 =	vgt.f32 v15, v14;
	v9 =	vsel vm0, $0x3F800000, v0;
	vm0 =	vlt.s32 v16, $0x1;
	s10 =	simm.s32 $0x9CB0;
	v11 =	vld [tilespmem:s9+$0xFFFFFF90]  }
0x81: {  	v4 =	vadd.f32 v9, v4;
	vm0 =	vmxor vm1, vm0;
	v9 =	vld [tilespmem:s10+$0xFFFFFF90]  }
0x82: {  	vm1 =	vgt.f32 v18, v17;
	v55 =	vsel vm0, $0x3F800000, v0;
	vm0 =	vlt.s32 v19, $0x1;
	v56 =	vld [tilespmem:s9+$0xFFFFFFA0]  }
0x83: {  	v4 =	vadd.f32 v55, v4;
	vm0 =	vmxor vm1, vm0;
	v57 =	vld [tilespmem:s10+$0xFFFFFFA0]  }
0x84: {  	vm1 =	vgt.f32 v21, v20;
	v58 =	vsel vm0, $0x3F800000, v0;
	vm0 =	vlt.s32 v22, $0x1;
	v59 =	vld [tilespmem:s9+$0xFFFFFFB0]  }
0x85: {  	v4 =	vadd.f32 v58, v4;
	vm0 =	vmxor vm1, vm0;
	v60 =	vld [tilespmem:s10+$0xFFFFFFB0]  }
0x86: {  	vm1 =	vgt.f32 v11, v7;
	v7 =	vsel vm0, $0x3F800000, v0;
	v11 =	vld [tilespmem:s10+$0xFFFFFFC0];
	vm0 =	vlt.s32 v9, $0x1  }
0x87: {  	v9 =	vld [tilespmem:s9+$0xFFFFFFC0];
	v4 =	vadd.f32 v7, v4;
	vm0 =	vmxor vm1, vm0  }
0x88: {  	v61 =	vld [tilespmem:s9+$0xFFFFFFD0];
	vm1 =	vlt.s32 v57, $0x1;
	v7 =	vsel vm0, $0x3F800000, v0;
	vm0 =	vgt.f32 v56, v8  }
0x89: {  	v62 =	vld [tilespmem:s10+$0xFFFFFFD0];
	v7 =	vadd.f32 v7, v4;
	vm0 =	vmxor vm0, vm1  }
0x8a: {  	vm1 =	vlt.s32 v60, $0x1;
	v4 =	vld [tilespmem:s9+$0xFFFFFFE0];
	v8 =	vsel vm0, $0x3F800000, v0;
	vm0 =	vgt.f32 v59, v5  }
0x8b: {  	v8 =	vadd.f32 v8, v7;
	vm0 =	vmxor vm0, vm1;
	v7 =	vld [tilespmem:s10+$0xFFFFFFE0]  }
0x8c: {  	v5 =	vld [tilespmem:s9+$0xFFFFFFF0];
	vm1 =	vlt.s32 v11, $0x1;
	v63 =	vsel vm0, $0x3F800000, v0;
	vm0 =	vgt.f32 v9, v6  }
0x8d: {  	v9 =	vadd.f32 v63, v8;
	vm0 =	vmxor vm0, vm1;
	v8 =	vld [tilespmem:s10+$0xFFFFFFF0]  }
0x8e: {  	v6 =	vld [tilespmem:s9+$0x0];
	vm1 =	vlt.s32 v62, $0x1;
	v11 =	vsel vm0, $0x3F800000, v0;
	vm0 =	vgt.f32 v61, v10  }
0x8f: {  	s11 =	simm.s32 $0x0;
	s12 =	simm.s32 $0x2030;
	v10 =	vadd.f32 v11, v9;
	vm0 =	vmxor vm0, vm1;
	v9 =	vld [tilespmem:s10+$0x0]  }
.LBB2_4:
0x90: {  	v11 =	vld [tilespmem:s12+$0x0];
	v12 =	vsel vm0, $0x3F800000, v0;
	vm0 =	vgt.f32 v4, v2;
	vm1 =	vlt.s32 v7, $0x1  }
0x91: {  	v4 =	vld [tilespmem:s12+$0xFFFFFFF0];
	v7 =	vadd.f32 v12, v10;
	vm0 =	vmxor vm0, vm1  }
0x92: {  	v2 =	vld [tilespmem:s12+$0xFFFFFFE0];
	v10 =	vsel vm0, $0x3F800000, v0;
	vm0 =	vgt.f32 v5, v3;
	vm1 =	vlt.s32 v8, $0x1  }
0x93: {  	v12 =	vld [tilespmem:s12+$0xFFFFFFD0];
	v10 =	vadd.f32 v10, v7;
	vm0 =	vmxor vm0, vm1  }
0x94: {  	v5 =	vld [tilespmem:s12+$0xFFFFFFC0];
	v7 =	vsel vm0, $0x3F800000, v0;
	vm0 =	vgt.f32 v6, v1;
	vm1 =	vlt.s32 v9, $0x1  }
0x95: {  	v6 =	vld [tilespmem:s12+$0xFFFFFFB0];
	v7 =	vadd.f32 v7, v10;
	vm0 =	vmxor vm0, vm1;
	v1 =	vmov v11  }
0x96: {  	v8 =	vld [tilespmem:s12+$0xFFFFFFA0];
	v9 =	vsel vm0, $0x3F800000, v0;
	v3 =	vmov v4  }
0x97: {  	s9 =	sadd.s32 $0x80, s9;
	v4 =	vld [tilespmem:s12+$0xFFFFFF90];
	v7 =	vadd.f32 v9, v7  }
0x98: {  	s10 =	sadd.s32 $0x80, s10;
	v9 =	vld [tilespmem:s9+$0xFFFFFF90]  }
0x99: {  	s11 =	sadd.s32 $0x8, s11;
	v10 =	vld [tilespmem:s10+$0xFFFFFF90]  }
0x9a: {  	p2 =	slt.u32 s11, $0x1E8;
	v11 =	vld [tilespmem:s9+$0xFFFFFFA0]  }
0x9b: {  	v13 =	vld [tilespmem:s10+$0xFFFFFFA0]  }
0x9c: {  	v14 =	vld [tilespmem:s9+$0xFFFFFFB0]  }
0x9d: {  	v15 =	vld [tilespmem:s10+$0xFFFFFFB0]  }
0x9e: {  	vm0 =	vgt.f32 v9, v4;
	vm1 =	vlt.s32 v10, $0x1;
	v9 =	vld [tilespmem:s9+$0xFFFFFFC0]  }
0x9f: {  	vm0 =	vmxor vm0, vm1;
	v10 =	vld [tilespmem:s10+$0xFFFFFFC0]  }
0xa0: {  	v4 =	vsel vm0, $0x3F800000, v0;
	vm0 =	vgt.f32 v11, v8;
	vm1 =	vlt.s32 v13, $0x1;
	v11 =	vld [tilespmem:s9+$0xFFFFFFD0]  }
0xa1: {  	v7 =	vadd.f32 v4, v7;
	vm0 =	vmxor vm0, vm1;
	v13 =	vld [tilespmem:s10+$0xFFFFFFD0]  }
0xa2: {  	v8 =	vsel vm0, $0x3F800000, v0;
	vm0 =	vgt.f32 v14, v6;
	vm1 =	vlt.s32 v15, $0x1;
	v4 =	vld [tilespmem:s9+$0xFFFFFFE0]  }
.Ltmp1:
0xa3: {  	v6 =	vadd.f32 v8, v7;
	vm0 =	vmxor vm0, vm1;
	v7 =	vld [tilespmem:s10+$0xFFFFFFE0];
	(pc) =	sbr.rel @p2 .LBB2_4-.Ltmp1, $4  }
0xa4: {  	v8 =	vsel vm0, $0x3F800000, v0;
	vm0 =	vgt.f32 v9, v5;
	vm1 =	vlt.s32 v10, $0x1;
	v5 =	vld [tilespmem:s9+$0xFFFFFFF0]  }
0xa5: {  	v9 =	vadd.f32 v8, v6;
	vm0 =	vmxor vm0, vm1;
	v8 =	vld [tilespmem:s10+$0xFFFFFFF0]  }
0xa6: {  	v10 =	vsel vm0, $0x3F800000, v0;
	vm0 =	vgt.f32 v11, v12;
	vm1 =	vlt.s32 v13, $0x1;
	v6 =	vld [tilespmem:s9+$0x0]  }
0xa7: {  	s12 =	sadd.s32 $0x80, s12;
	v10 =	vadd.f32 v10, v9;
	vm0 =	vmxor vm0, vm1;
	v9 =	vld [tilespmem:s10+$0x0]  }
0xa8: {  	v11 =	vld [tilespmem:$0x3E40]  }
0xa9: {  	v12 =	vld [tilespmem:$0x7CC0]  }
0xaa: {  	v13 =	vld [tilespmem:$0xBB40]  }
0xab: {  	v14 =	vld [tilespmem:$0x3E50]  }
0xac: {  	v15 =	vld [tilespmem:$0x7CD0]  }
0xad: {  	v16 =	vld [tilespmem:$0xBB50]  }
0xae: {  	v17 =	vld [tilespmem:$0x3E60]  }
0xaf: {  	v18 =	vld [tilespmem:$0x7CE0]  }
0xb0: {  	v19 =	vld [tilespmem:$0xBB60]  }
0xb1: {  	v20 =	vld [tilespmem:$0x3E70]  }
0xb2: {  	v21 =	vld [tilespmem:$0x7CF0];
	s9 =	rddreg [dreg:$0xb]  }
0xb3: {  	v22 =	vld [tilespmem:$0xBB70];
	[tilespmem:s1], [sflag:$0x2] =	stream.linear.gather [hbm4b:s9+s2], $0x1F40, $0x38  }
0xb4: {  	_ = 	snop  }
0xb5: {  	[tilespmem:s0], [sflag:$0x2] =	stream.linear.gather [hbm4b:s13+s2], $0x1F40, $0x38;
	[tilespmem:$0xBB90] =	vst v63  }
0xb6: {  	_ = 	snop  }
0xb7: {  	[tilespmem:s4], [sflag:$0x2] =	stream.linear.gather [hbm4b:s14+s2], $0x1F40, $0x38;
	[tilespmem:$0xBB90] =	vst v63  }
0xb8: {  	_ =	swait.ge [sflag:s5], $0x1F40  }
0xb9: {  	[sflag:s5] =	ssyncset.done $0x0  }
0xba: {  	[sflag:s5] =	ssyncadd.s32 $0xFFFFE0C0  }
0xbb: {  	_ =	swait.ge [sflag:s5], $0x1F40  }
0xbc: {  	[sflag:s5] =	ssyncset.done $0x0  }
0xbd: {  	[sflag:s5] =	ssyncadd.s32 $0xFFFFE0C0  }
0xbe: {  	_ =	swait.ge [sflag:s5], $0x1F40  }
0xbf: {  	[sflag:s5] =	ssyncset.done $0x0  }
0xc0: {  	s10 =	simm.s32 $0x40;
	[sflag:s5] =	ssyncadd.s32 $0xFFFFE0C0  }
0xc1: {  	vm1 =	vgt.f32 v4, v2;
	v4 =	vsel vm0, $0x3F800000, v0;
	vm0 =	vlt.s32 v7, $0x1;
	v2 =	vld [tilespmem:s10+$0x30]  }
0xc2: {  	v7 =	vadd.f32 v4, v10;
	vm0 =	vmxor vm1, vm0;
	v4 =	vld [tilespmem:s10+$0x20]  }
0xc3: {  	vm1 =	vgt.f32 v5, v3;
	v5 =	vsel vm0, $0x3F800000, v0;
	vm0 =	vlt.s32 v8, $0x1;
	v3 =	vld [tilespmem:s10+$0x10]  }
0xc4: {  	v5 =	vadd.f32 v5, v7;
	vm0 =	vmxor vm1, vm0;
	v7 =	vld [tilespmem:s10+$0x0]  }
0xc5: {  	vm1 =	vgt.f32 v6, v1;
	v1 =	vsel vm0, $0x3F800000, v0;
	vm0 =	vlt.s32 v9, $0x1;
	v6 =	vld [tilespmem:s10+$0xFFFFFFF0]  }
0xc6: {  	v1 =	vadd.f32 v1, v5;
	vm0 =	vmxor vm1, vm0;
	v5 =	vld [tilespmem:s10+$0xFFFFFFE0]  }
0xc7: {  	vm1 =	vgt.f32 v12, v11;
	v8 =	vsel vm0, $0x3F800000, v0;
	vm0 =	vlt.s32 v13, $0x1;
	v9 =	vld [tilespmem:s10+$0xFFFFFFD0]  }
0xc8: {  	s9 =	simm.s32 $0x3EC0;
	v1 =	vadd.f32 v8, v1;
	vm0 =	vmxor vm1, vm0;
	v8 =	vld [tilespmem:s10+$0xFFFFFFC0]  }
0xc9: {  	vm1 =	vgt.f32 v15, v14;
	v10 =	vsel vm0, $0x3F800000, v0;
	vm0 =	vlt.s32 v16, $0x1;
	s10 =	simm.s32 $0x7D40;
	v11 =	vld [tilespmem:s9+$0xFFFFFFC0]  }
0xca: {  	v1 =	vadd.f32 v10, v1;
	vm0 =	vmxor vm1, vm0;
	v10 =	vld [tilespmem:s10+$0xFFFFFFC0]  }
0xcb: {  	vm1 =	vgt.f32 v18, v17;
	v55 =	vsel vm0, $0x3F800000, v0;
	vm0 =	vlt.s32 v19, $0x1;
	v56 =	vld [tilespmem:s9+$0xFFFFFFD0]  }
0xcc: {  	v1 =	vadd.f32 v55, v1;
	vm0 =	vmxor vm1, vm0;
	v57 =	vld [tilespmem:s10+$0xFFFFFFD0]  }
0xcd: {  	vm1 =	vgt.f32 v21, v20;
	v58 =	vsel vm0, $0x3F800000, v0;
	vm0 =	vlt.s32 v22, $0x1;
	v59 =	vld [tilespmem:s9+$0xFFFFFFE0]  }
0xce: {  	v1 =	vadd.f32 v58, v1;
	vm0 =	vmxor vm1, vm0;
	v60 =	vld [tilespmem:s10+$0xFFFFFFE0]  }
0xcf: {  	vm1 =	vgt.f32 v11, v8;
	v8 =	vsel vm0, $0x3F800000, v0;
	vm0 =	vlt.s32 v10, $0x1;
	v10 =	vld [tilespmem:s9+$0xFFFFFFF0]  }
0xd0: {  	v1 =	vadd.f32 v8, v1;
	v8 =	vld [tilespmem:s10+$0xFFFFFFF0];
	vm0 =	vmxor vm1, vm0  }
0xd1: {  	v61 =	vld [tilespmem:s10+$0x0];
	vm1 =	vlt.s32 v57, $0x1;
	v11 =	vsel vm0, $0x3F800000, v0;
	vm0 =	vgt.f32 v56, v9  }
0xd2: {  	v9 =	vld [tilespmem:s9+$0x0];
	v11 =	vadd.f32 v11, v1;
	vm0 =	vmxor vm0, vm1  }
0xd3: {  	vm1 =	vlt.s32 v60, $0x1;
	v1 =	vld [tilespmem:s9+$0x10];
	v62 =	vsel vm0, $0x3F800000, v0;
	vm0 =	vgt.f32 v59, v5  }
0xd4: {  	v5 =	vld [tilespmem:s10+$0x10];
	v11 =	vadd.f32 v62, v11;
	vm0 =	vmxor vm0, vm1  }
0xd5: {  	vm1 =	vlt.s32 v8, $0x1;
	v8 =	vld [tilespmem:s10+$0x20];
	v63 =	vsel vm0, $0x3F800000, v0;
	vm0 =	vgt.f32 v10, v6  }
0xd6: {  	v6 =	vld [tilespmem:s9+$0x20];
	v10 =	vadd.f32 v63, v11;
	vm0 =	vmxor vm0, vm1  }
0xd7: {  	vm1 =	vlt.s32 v61, $0x1;
	v11 =	vsel vm0, $0x3F800000, v0;
	vm0 =	vgt.f32 v9, v7;
	v7 =	vld [tilespmem:s9+$0x30]  }
0xd8: {  	s11 =	simm.s32 $0x0;
	s12 =	simm.s32 $0xC0;
	v9 =	vld [tilespmem:s10+$0x30];
	v10 =	vadd.f32 v11, v10;
	vm0 =	vmxor vm0, vm1  }
.LBB2_6:
0xd9: {  	v11 =	vld [tilespmem:s12+$0x30];
	v12 =	vsel vm0, $0x3F800000, v0;
	vm0 =	vgt.f32 v1, v3;
	vm1 =	vlt.s32 v5, $0x1  }
0xda: {  	v1 =	vld [tilespmem:s12+$0x20];
	v5 =	vadd.f32 v12, v10;
	vm0 =	vmxor vm0, vm1  }
0xdb: {  	v3 =	vld [tilespmem:s12+$0x10];
	v10 =	vsel vm0, $0x3F800000, v0;
	vm0 =	vgt.f32 v6, v4;
	vm1 =	vlt.s32 v8, $0x1  }
0xdc: {  	v12 =	vld [tilespmem:s12+$0x0];
	v10 =	vadd.f32 v10, v5;
	vm0 =	vmxor vm0, vm1  }
0xdd: {  	v6 =	vld [tilespmem:s12+$0xFFFFFFF0];
	v5 =	vsel vm0, $0x3F800000, v0;
	vm0 =	vgt.f32 v7, v2;
	vm1 =	vlt.s32 v9, $0x1  }
0xde: {  	v7 =	vld [tilespmem:s12+$0xFFFFFFE0];
	v5 =	vadd.f32 v5, v10;
	vm0 =	vmxor vm0, vm1;
	v2 =	vmov v11  }
0xdf: {  	v8 =	vld [tilespmem:s12+$0xFFFFFFD0];
	v9 =	vsel vm0, $0x3F800000, v0;
	v4 =	vmov v1  }
0xe0: {  	s9 =	sadd.s32 $0x80, s9;
	v1 =	vld [tilespmem:s12+$0xFFFFFFC0];
	v5 =	vadd.f32 v9, v5  }
0xe1: {  	s10 =	sadd.s32 $0x80, s10;
	v9 =	vld [tilespmem:s9+$0xFFFFFFC0]  }
0xe2: {  	s11 =	sadd.s32 $0x8, s11;
	v10 =	vld [tilespmem:s10+$0xFFFFFFC0]  }
0xe3: {  	p2 =	slt.u32 s11, $0x1E8;
	v11 =	vld [tilespmem:s9+$0xFFFFFFD0]  }
0xe4: {  	v13 =	vld [tilespmem:s10+$0xFFFFFFD0]  }
0xe5: {  	v14 =	vld [tilespmem:s9+$0xFFFFFFE0]  }
0xe6: {  	v15 =	vld [tilespmem:s10+$0xFFFFFFE0]  }
0xe7: {  	vm0 =	vgt.f32 v9, v1;
	vm1 =	vlt.s32 v10, $0x1;
	v9 =	vld [tilespmem:s9+$0xFFFFFFF0]  }
0xe8: {  	vm0 =	vmxor vm0, vm1;
	v10 =	vld [tilespmem:s10+$0xFFFFFFF0]  }
0xe9: {  	v1 =	vsel vm0, $0x3F800000, v0;
	vm0 =	vgt.f32 v11, v8;
	vm1 =	vlt.s32 v13, $0x1;
	v11 =	vld [tilespmem:s9+$0x0]  }
0xea: {  	v5 =	vadd.f32 v1, v5;
	vm0 =	vmxor vm0, vm1;
	v13 =	vld [tilespmem:s10+$0x0]  }
0xeb: {  	v8 =	vsel vm0, $0x3F800000, v0;
	vm0 =	vgt.f32 v14, v7;
	vm1 =	vlt.s32 v15, $0x1;
	v1 =	vld [tilespmem:s9+$0x10]  }
.Ltmp2:
0xec: {  	v7 =	vadd.f32 v8, v5;
	vm0 =	vmxor vm0, vm1;
	v5 =	vld [tilespmem:s10+$0x10];
	(pc) =	sbr.rel @p2 .LBB2_6-.Ltmp2, $4  }
0xed: {  	v8 =	vsel vm0, $0x3F800000, v0;
	vm0 =	vgt.f32 v9, v6;
	vm1 =	vlt.s32 v10, $0x1;
	v6 =	vld [tilespmem:s9+$0x20]  }
0xee: {  	v9 =	vadd.f32 v8, v7;
	vm0 =	vmxor vm0, vm1;
	v8 =	vld [tilespmem:s10+$0x20]  }
0xef: {  	v10 =	vsel vm0, $0x3F800000, v0;
	vm0 =	vgt.f32 v11, v12;
	vm1 =	vlt.s32 v13, $0x1;
	v7 =	vld [tilespmem:s9+$0x30]  }
0xf0: {  	s12 =	sadd.s32 $0x80, s12;
	v10 =	vadd.f32 v10, v9;
	vm0 =	vmxor vm0, vm1;
	v9 =	vld [tilespmem:s10+$0x30]  }
0xf1: {  	v11 =	vld [tilespmem:$0x1F00]  }
0xf2: {  	v12 =	vld [tilespmem:$0x5D80]  }
0xf3: {  	v13 =	vld [tilespmem:$0x9C00]  }
0xf4: {  	v14 =	vld [tilespmem:$0x1F10]  }
0xf5: {  	v15 =	vld [tilespmem:$0x5D90]  }
0xf6: {  	v16 =	vld [tilespmem:$0x9C10]  }
0xf7: {  	v17 =	vld [tilespmem:$0x1F20]  }
0xf8: {  	v18 =	vld [tilespmem:$0x5DA0]  }
0xf9: {  	v19 =	vld [tilespmem:$0x9C20]  }
0xfa: {  	v20 =	vld [tilespmem:$0x1F30]  }
0xfb: {  	v21 =	vld [tilespmem:$0x5DB0]  }
0xfc: {  	v22 =	vld [tilespmem:$0x9C30];
	[tilespmem:s2], [sflag:$0x1] =	stream.linear.gather [hbm4b:s15+s2], $0x1F40, $0x38  }
0xfd: {  	_ = 	snop  }
0xfe: {  	[tilespmem:s30], [sflag:$0x1] =	stream.linear.gather [hbm4b:s23+s2], $0x1F40, $0x38;
	[tilespmem:$0xBB90] =	vst v63  }
0xff: {  	_ = 	snop  }
0x100: {  	[tilespmem:s31], [sflag:$0x1] =	stream.linear.gather [hbm4b:s16+s2], $0x1F40, $0x38;
	[tilespmem:$0xBB90] =	vst v63  }
0x101: {  	_ =	swait.ge [sflag:s6], $0x1F40  }
0x102: {  	[sflag:s6] =	ssyncset.done $0x0  }
0x103: {  	[sflag:s6] =	ssyncadd.s32 $0xFFFFE0C0  }
0x104: {  	_ =	swait.ge [sflag:s6], $0x1F40  }
0x105: {  	[sflag:s6] =	ssyncset.done $0x0  }
0x106: {  	[sflag:s6] =	ssyncadd.s32 $0xFFFFE0C0  }
0x107: {  	_ =	swait.ge [sflag:s6], $0x1F40  }
0x108: {  	[sflag:s6] =	ssyncset.done $0x0  }
0x109: {  	s10 =	simm.s32 $0x1FB0;
	[sflag:s6] =	ssyncadd.s32 $0xFFFFE0C0  }
0x10a: {  	vm1 =	vgt.f32 v1, v3;
	v3 =	vsel vm0, $0x3F800000, v0;
	vm0 =	vlt.s32 v5, $0x1;
	v1 =	vld [tilespmem:s10+$0x0]  }
0x10b: {  	v10 =	vadd.f32 v3, v10;
	vm0 =	vmxor vm1, vm0;
	v5 =	vld [tilespmem:s10+$0xFFFFFFF0]  }
0x10c: {  	vm1 =	vgt.f32 v6, v4;
	v4 =	vsel vm0, $0x3F800000, v0;
	vm0 =	vlt.s32 v8, $0x1;
	v3 =	vld [tilespmem:s10+$0xFFFFFFE0]  }
0x10d: {  	v4 =	vadd.f32 v4, v10;
	vm0 =	vmxor vm1, vm0;
	v10 =	vld [tilespmem:s10+$0xFFFFFFD0]  }
0x10e: {  	vm1 =	vgt.f32 v7, v2;
	v2 =	vsel vm0, $0x3F800000, v0;
	vm0 =	vlt.s32 v9, $0x1;
	v7 =	vld [tilespmem:s10+$0xFFFFFFC0]  }
0x10f: {  	v2 =	vadd.f32 v2, v4;
	vm0 =	vmxor vm1, vm0;
	v4 =	vld [tilespmem:s10+$0xFFFFFFB0]  }
0x110: {  	vm1 =	vgt.f32 v12, v11;
	v6 =	vsel vm0, $0x3F800000, v0;
	vm0 =	vlt.s32 v13, $0x1;
	v8 =	vld [tilespmem:s10+$0xFFFFFFA0]  }
0x111: {  	s9 =	simm.s32 $0x5E30;
	v2 =	vadd.f32 v6, v2;
	vm0 =	vmxor vm1, vm0;
	v6 =	vld [tilespmem:s10+$0xFFFFFF90]  }
0x112: {  	vm1 =	vgt.f32 v15, v14;
	v9 =	vsel vm0, $0x3F800000, v0;
	vm0 =	vlt.s32 v16, $0x1;
	s10 =	simm.s32 $0x9CB0;
	v11 =	vld [tilespmem:s9+$0xFFFFFF90]  }
0x113: {  	v2 =	vadd.f32 v9, v2;
	vm0 =	vmxor vm1, vm0;
	v9 =	vld [tilespmem:s10+$0xFFFFFF90]  }
0x114: {  	vm1 =	vgt.f32 v18, v17;
	v55 =	vsel vm0, $0x3F800000, v0;
	vm0 =	vlt.s32 v19, $0x1;
	v56 =	vld [tilespmem:s9+$0xFFFFFFA0]  }
0x115: {  	v2 =	vadd.f32 v55, v2;
	vm0 =	vmxor vm1, vm0;
	v57 =	vld [tilespmem:s10+$0xFFFFFFA0]  }
0x116: {  	vm1 =	vgt.f32 v21, v20;
	v58 =	vsel vm0, $0x3F800000, v0;
	vm0 =	vlt.s32 v22, $0x1;
	v59 =	vld [tilespmem:s9+$0xFFFFFFB0]  }
0x117: {  	v2 =	vadd.f32 v58, v2;
	vm0 =	vmxor vm1, vm0;
	v60 =	vld [tilespmem:s10+$0xFFFFFFB0]  }
0x118: {  	vm1 =	vgt.f32 v11, v6;
	v6 =	vsel vm0, $0x3F800000, v0;
	v11 =	vld [tilespmem:s10+$0xFFFFFFC0];
	vm0 =	vlt.s32 v9, $0x1  }
0x119: {  	v9 =	vld [tilespmem:s9+$0xFFFFFFC0];
	v2 =	vadd.f32 v6, v2;
	vm0 =	vmxor vm1, vm0  }
0x11a: {  	v61 =	vld [tilespmem:s9+$0xFFFFFFD0];
	vm1 =	vlt.s32 v57, $0x1;
	v6 =	vsel vm0, $0x3F800000, v0;
	vm0 =	vgt.f32 v56, v8  }
0x11b: {  	v62 =	vld [tilespmem:s10+$0xFFFFFFD0];
	v6 =	vadd.f32 v6, v2;
	vm0 =	vmxor vm0, vm1  }
0x11c: {  	vm1 =	vlt.s32 v60, $0x1;
	v2 =	vld [tilespmem:s9+$0xFFFFFFE0];
	v8 =	vsel vm0, $0x3F800000, v0;
	vm0 =	vgt.f32 v59, v4  }
0x11d: {  	v8 =	vadd.f32 v8, v6;
	vm0 =	vmxor vm0, vm1;
	v6 =	vld [tilespmem:s10+$0xFFFFFFE0]  }
0x11e: {  	v4 =	vld [tilespmem:s9+$0xFFFFFFF0];
	vm1 =	vlt.s32 v11, $0x1;
	v63 =	vsel vm0, $0x3F800000, v0;
	vm0 =	vgt.f32 v9, v7  }
0x11f: {  	v9 =	vadd.f32 v63, v8;
	vm0 =	vmxor vm0, vm1;
	v8 =	vld [tilespmem:s10+$0xFFFFFFF0]  }
0x120: {  	v7 =	vld [tilespmem:s9+$0x0];
	vm1 =	vlt.s32 v62, $0x1;
	v11 =	vsel vm0, $0x3F800000, v0;
	vm0 =	vgt.f32 v61, v10  }
0x121: {  	s11 =	simm.s32 $0x0;
	s12 =	simm.s32 $0x2030;
	v10 =	vadd.f32 v11, v9;
	vm0 =	vmxor vm0, vm1;
	v9 =	vld [tilespmem:s10+$0x0]  }
.LBB2_8:
0x122: {  	v11 =	vld [tilespmem:s12+$0x0];
	v12 =	vsel vm0, $0x3F800000, v0;
	vm0 =	vgt.f32 v2, v3;
	vm1 =	vlt.s32 v6, $0x1  }
0x123: {  	v2 =	vld [tilespmem:s12+$0xFFFFFFF0];
	v6 =	vadd.f32 v12, v10;
	vm0 =	vmxor vm0, vm1  }
0x124: {  	v3 =	vld [tilespmem:s12+$0xFFFFFFE0];
	v10 =	vsel vm0, $0x3F800000, v0;
	vm0 =	vgt.f32 v4, v5;
	vm1 =	vlt.s32 v8, $0x1  }
0x125: {  	v12 =	vld [tilespmem:s12+$0xFFFFFFD0];
	v4 =	vadd.f32 v10, v6;
	vm0 =	vmxor vm0, vm1  }
0x126: {  	v8 =	vld [tilespmem:s12+$0xFFFFFFC0];
	v10 =	vsel vm0, $0x3F800000, v0;
	vm0 =	vgt.f32 v7, v1;
	vm1 =	vlt.s32 v9, $0x1  }
0x127: {  	v6 =	vld [tilespmem:s12+$0xFFFFFFB0];
	v4 =	vadd.f32 v10, v4;
	vm0 =	vmxor vm0, vm1;
	v1 =	vmov v11  }
0x128: {  	v7 =	vld [tilespmem:s12+$0xFFFFFFA0];
	v9 =	vsel vm0, $0x3F800000, v0;
	v5 =	vmov v2  }
0x129: {  	s9 =	sadd.s32 $0x80, s9;
	v2 =	vld [tilespmem:s12+$0xFFFFFF90];
	v4 =	vadd.f32 v9, v4  }
0x12a: {  	s10 =	sadd.s32 $0x80, s10;
	v9 =	vld [tilespmem:s9+$0xFFFFFF90]  }
0x12b: {  	s11 =	sadd.s32 $0x8, s11;
	v10 =	vld [tilespmem:s10+$0xFFFFFF90]  }
0x12c: {  	p2 =	slt.u32 s11, $0x1E8;
	v11 =	vld [tilespmem:s9+$0xFFFFFFA0]  }
0x12d: {  	v13 =	vld [tilespmem:s10+$0xFFFFFFA0]  }
0x12e: {  	v14 =	vld [tilespmem:s9+$0xFFFFFFB0]  }
0x12f: {  	v15 =	vld [tilespmem:s10+$0xFFFFFFB0]  }
0x130: {  	vm0 =	vgt.f32 v9, v2;
	vm1 =	vlt.s32 v10, $0x1;
	v9 =	vld [tilespmem:s9+$0xFFFFFFC0]  }
0x131: {  	vm0 =	vmxor vm0, vm1;
	v10 =	vld [tilespmem:s10+$0xFFFFFFC0]  }
0x132: {  	v2 =	vsel vm0, $0x3F800000, v0;
	vm0 =	vgt.f32 v11, v7;
	vm1 =	vlt.s32 v13, $0x1;
	v7 =	vld [tilespmem:s9+$0xFFFFFFD0]  }
0x133: {  	v4 =	vadd.f32 v2, v4;
	vm0 =	vmxor vm0, vm1;
	v11 =	vld [tilespmem:s10+$0xFFFFFFD0]  }
0x134: {  	v13 =	vsel vm0, $0x3F800000, v0;
	vm0 =	vgt.f32 v14, v6;
	vm1 =	vlt.s32 v15, $0x1;
	v2 =	vld [tilespmem:s9+$0xFFFFFFE0]  }
.Ltmp3:
0x135: {  	v13 =	vadd.f32 v13, v4;
	vm0 =	vmxor vm0, vm1;
	v6 =	vld [tilespmem:s10+$0xFFFFFFE0];
	(pc) =	sbr.rel @p2 .LBB2_8-.Ltmp3, $4  }
0x136: {  	v14 =	vsel vm0, $0x3F800000, v0;
	vm0 =	vgt.f32 v9, v8;
	vm1 =	vlt.s32 v10, $0x1;
	v4 =	vld [tilespmem:s9+$0xFFFFFFF0]  }
0x137: {  	v9 =	vadd.f32 v14, v13;
	vm0 =	vmxor vm0, vm1;
	v8 =	vld [tilespmem:s10+$0xFFFFFFF0]  }
0x138: {  	v10 =	vsel vm0, $0x3F800000, v0;
	vm0 =	vgt.f32 v7, v12;
	vm1 =	vlt.s32 v11, $0x1;
	v7 =	vld [tilespmem:s9+$0x0]  }
0x139: {  	s12 =	sadd.s32 $0x80, s12;
	v10 =	vadd.f32 v10, v9;
	vm0 =	vmxor vm0, vm1;
	v9 =	vld [tilespmem:s10+$0x0]  }
0x13a: {  	v11 =	vld [tilespmem:$0x3E40]  }
0x13b: {  	v12 =	vld [tilespmem:$0x7CC0]  }
0x13c: {  	v13 =	vld [tilespmem:$0xBB40]  }
0x13d: {  	v14 =	vld [tilespmem:$0x3E50]  }
0x13e: {  	v15 =	vld [tilespmem:$0x7CD0]  }
0x13f: {  	v16 =	vld [tilespmem:$0xBB50]  }
0x140: {  	v17 =	vld [tilespmem:$0x3E60]  }
0x141: {  	v18 =	vld [tilespmem:$0x7CE0]  }
0x142: {  	v19 =	vld [tilespmem:$0xBB60]  }
0x143: {  	v20 =	vld [tilespmem:$0x3E70]  }
0x144: {  	v21 =	vld [tilespmem:$0x7CF0]  }
0x145: {  	v22 =	vld [tilespmem:$0xBB70];
	[tilespmem:s1], [sflag:$0x2] =	stream.linear.gather [hbm4b:s17+s2], $0x1F40, $0x38  }
0x146: {  	_ = 	snop  }
0x147: {  	[tilespmem:s0], [sflag:$0x2] =	stream.linear.gather [hbm4b:s26+s2], $0x1F40, $0x38;
	[tilespmem:$0xBB90] =	vst v63  }
0x148: {  	_ = 	snop  }
0x149: {  	[tilespmem:s4], [sflag:$0x2] =	stream.linear.gather [hbm4b:s18+s2], $0x1F40, $0x38;
	[tilespmem:$0xBB90] =	vst v63  }
0x14a: {  	_ =	swait.ge [sflag:s5], $0x1F40  }
0x14b: {  	[sflag:s5] =	ssyncset.done $0x0  }
0x14c: {  	[sflag:s5] =	ssyncadd.s32 $0xFFFFE0C0  }
0x14d: {  	_ =	swait.ge [sflag:s5], $0x1F40  }
0x14e: {  	[sflag:s5] =	ssyncset.done $0x0  }
0x14f: {  	[sflag:s5] =	ssyncadd.s32 $0xFFFFE0C0  }
0x150: {  	_ =	swait.ge [sflag:s5], $0x1F40  }
0x151: {  	[sflag:s5] =	ssyncset.done $0x0  }
0x152: {  	s10 =	simm.s32 $0x40;
	[sflag:s5] =	ssyncadd.s32 $0xFFFFE0C0  }
0x153: {  	vm1 =	vgt.f32 v2, v3;
	v3 =	vsel vm0, $0x3F800000, v0;
	vm0 =	vlt.s32 v6, $0x1;
	v2 =	vld [tilespmem:s10+$0x30]  }
0x154: {  	v10 =	vadd.f32 v3, v10;
	vm0 =	vmxor vm1, vm0;
	v6 =	vld [tilespmem:s10+$0x20]  }
0x155: {  	vm1 =	vgt.f32 v4, v5;
	v4 =	vsel vm0, $0x3F800000, v0;
	vm0 =	vlt.s32 v8, $0x1;
	v3 =	vld [tilespmem:s10+$0x10]  }
0x156: {  	v4 =	vadd.f32 v4, v10;
	vm0 =	vmxor vm1, vm0;
	v10 =	vld [tilespmem:s10+$0x0]  }
0x157: {  	vm1 =	vgt.f32 v7, v1;
	v1 =	vsel vm0, $0x3F800000, v0;
	vm0 =	vlt.s32 v9, $0x1;
	v5 =	vld [tilespmem:s10+$0xFFFFFFF0]  }
0x158: {  	v1 =	vadd.f32 v1, v4;
	vm0 =	vmxor vm1, vm0;
	v4 =	vld [tilespmem:s10+$0xFFFFFFE0]  }
0x159: {  	vm1 =	vgt.f32 v12, v11;
	v7 =	vsel vm0, $0x3F800000, v0;
	vm0 =	vlt.s32 v13, $0x1;
	v8 =	vld [tilespmem:s10+$0xFFFFFFD0]  }
0x15a: {  	s9 =	simm.s32 $0x3EC0;
	v1 =	vadd.f32 v7, v1;
	vm0 =	vmxor vm1, vm0;
	v7 =	vld [tilespmem:s10+$0xFFFFFFC0]  }
0x15b: {  	vm1 =	vgt.f32 v15, v14;
	v9 =	vsel vm0, $0x3F800000, v0;
	vm0 =	vlt.s32 v16, $0x1;
	s10 =	simm.s32 $0x7D40;
	v11 =	vld [tilespmem:s9+$0xFFFFFFC0]  }
0x15c: {  	v1 =	vadd.f32 v9, v1;
	vm0 =	vmxor vm1, vm0;
	v9 =	vld [tilespmem:s10+$0xFFFFFFC0]  }
0x15d: {  	vm1 =	vgt.f32 v18, v17;
	v54 =	vsel vm0, $0x3F800000, v0;
	vm0 =	vlt.s32 v19, $0x1;
	v55 =	vld [tilespmem:s9+$0xFFFFFFD0]  }
0x15e: {  	v1 =	vadd.f32 v54, v1;
	vm0 =	vmxor vm1, vm0;
	v56 =	vld [tilespmem:s10+$0xFFFFFFD0]  }
0x15f: {  	vm1 =	vgt.f32 v21, v20;
	v57 =	vsel vm0, $0x3F800000, v0;
	vm0 =	vlt.s32 v22, $0x1;
	v58 =	vld [tilespmem:s9+$0xFFFFFFE0]  }
0x160: {  	v1 =	vadd.f32 v57, v1;
	vm0 =	vmxor vm1, vm0;
	v59 =	vld [tilespmem:s10+$0xFFFFFFE0]  }
0x161: {  	vm1 =	vgt.f32 v11, v7;
	v7 =	vsel vm0, $0x3F800000, v0;
	vm0 =	vlt.s32 v9, $0x1;
	v9 =	vld [tilespmem:s9+$0xFFFFFFF0]  }
0x162: {  	v1 =	vadd.f32 v7, v1;
	v7 =	vld [tilespmem:s10+$0xFFFFFFF0];
	vm0 =	vmxor vm1, vm0  }
0x163: {  	v60 =	vld [tilespmem:s9+$0x0];
	vm1 =	vlt.s32 v56, $0x1;
	v11 =	vsel vm0, $0x3F800000, v0;
	vm0 =	vgt.f32 v55, v8  }
0x164: {  	v8 =	vadd.f32 v11, v1;
	vm0 =	vmxor vm0, vm1;
	v11 =	vld [tilespmem:s10+$0x0]  }
0x165: {  	vm1 =	vlt.s32 v59, $0x1;
	v1 =	vld [tilespmem:s9+$0x10];
	v61 =	vsel vm0, $0x3F800000, v0;
	vm0 =	vgt.f32 v58, v4  }
0x166: {  	v4 =	vld [tilespmem:s10+$0x10];
	v8 =	vadd.f32 v61, v8;
	vm0 =	vmxor vm0, vm1  }
0x167: {  	vm1 =	vlt.s32 v7, $0x1;
	v62 =	vsel vm0, $0x3F800000, v0;
	vm0 =	vgt.f32 v9, v5;
	v5 =	vld [tilespmem:s9+$0x20]  }
0x168: {  	v9 =	vadd.f32 v62, v8;
	vm0 =	vmxor vm0, vm1;
	v8 =	vld [tilespmem:s10+$0x20]  }
0x169: {  	v7 =	vld [tilespmem:s9+$0x30];
	v63 =	vsel vm0, $0x3F800000, v0;
	vm0 =	vgt.f32 v60, v10;
	vm1 =	vlt.s32 v11, $0x1  }
0x16a: {  	s11 =	simm.s32 $0x0;
	s12 =	simm.s32 $0xC0;
	v10 =	vadd.f32 v63, v9;
	vm0 =	vmxor vm0, vm1;
	v9 =	vld [tilespmem:s10+$0x30]  }
.LBB2_10:
0x16b: {  	v11 =	vld [tilespmem:s12+$0x30];
	v12 =	vsel vm0, $0x3F800000, v0;
	vm0 =	vgt.f32 v1, v3;
	vm1 =	vlt.s32 v4, $0x1  }
0x16c: {  	v1 =	vld [tilespmem:s12+$0x20];
	v4 =	vadd.f32 v12, v10;
	vm0 =	vmxor vm0, vm1  }
0x16d: {  	v3 =	vld [tilespmem:s12+$0x10];
	v10 =	vsel vm0, $0x3F800000, v0;
	vm0 =	vgt.f32 v5, v6;
	vm1 =	vlt.s32 v8, $0x1  }
0x16e: {  	v12 =	vld [tilespmem:s12+$0x0];
	v4 =	vadd.f32 v10, v4;
	vm0 =	vmxor vm0, vm1  }
0x16f: {  	v5 =	vld [tilespmem:s12+$0xFFFFFFF0];
	v10 =	vsel vm0, $0x3F800000, v0;
	vm0 =	vgt.f32 v7, v2;
	vm1 =	vlt.s32 v9, $0x1  }
0x170: {  	v7 =	vld [tilespmem:s12+$0xFFFFFFE0];
	v4 =	vadd.f32 v10, v4;
	vm0 =	vmxor vm0, vm1;
	v2 =	vmov v11  }
0x171: {  	v8 =	vld [tilespmem:s12+$0xFFFFFFD0];
	v9 =	vsel vm0, $0x3F800000, v0;
	v6 =	vmov v1  }
0x172: {  	s9 =	sadd.s32 $0x80, s9;
	v1 =	vld [tilespmem:s12+$0xFFFFFFC0];
	v4 =	vadd.f32 v9, v4  }
0x173: {  	s10 =	sadd.s32 $0x80, s10;
	v9 =	vld [tilespmem:s9+$0xFFFFFFC0]  }
0x174: {  	s11 =	sadd.s32 $0x8, s11;
	v10 =	vld [tilespmem:s10+$0xFFFFFFC0]  }
0x175: {  	p2 =	slt.u32 s11, $0x1E8;
	v11 =	vld [tilespmem:s9+$0xFFFFFFD0]  }
0x176: {  	v13 =	vld [tilespmem:s10+$0xFFFFFFD0]  }
0x177: {  	v14 =	vld [tilespmem:s9+$0xFFFFFFE0]  }
0x178: {  	v15 =	vld [tilespmem:s10+$0xFFFFFFE0]  }
0x179: {  	vm0 =	vgt.f32 v9, v1;
	vm1 =	vlt.s32 v10, $0x1;
	v9 =	vld [tilespmem:s9+$0xFFFFFFF0]  }
0x17a: {  	vm0 =	vmxor vm0, vm1;
	v10 =	vld [tilespmem:s10+$0xFFFFFFF0]  }
0x17b: {  	v1 =	vsel vm0, $0x3F800000, v0;
	vm0 =	vgt.f32 v11, v8;
	vm1 =	vlt.s32 v13, $0x1;
	v11 =	vld [tilespmem:s9+$0x0]  }
0x17c: {  	v4 =	vadd.f32 v1, v4;
	vm0 =	vmxor vm0, vm1;
	v13 =	vld [tilespmem:s10+$0x0]  }
0x17d: {  	v8 =	vsel vm0, $0x3F800000, v0;
	vm0 =	vgt.f32 v14, v7;
	vm1 =	vlt.s32 v15, $0x1;
	v1 =	vld [tilespmem:s9+$0x10]  }
.Ltmp4:
0x17e: {  	v7 =	vadd.f32 v8, v4;
	vm0 =	vmxor vm0, vm1;
	v4 =	vld [tilespmem:s10+$0x10];
	(pc) =	sbr.rel @p2 .LBB2_10-.Ltmp4, $4  }
0x17f: {  	v8 =	vsel vm0, $0x3F800000, v0;
	vm0 =	vgt.f32 v9, v5;
	vm1 =	vlt.s32 v10, $0x1;
	v5 =	vld [tilespmem:s9+$0x20]  }
0x180: {  	v9 =	vadd.f32 v8, v7;
	vm0 =	vmxor vm0, vm1;
	v8 =	vld [tilespmem:s10+$0x20]  }
0x181: {  	v10 =	vsel vm0, $0x3F800000, v0;
	vm0 =	vgt.f32 v11, v12;
	vm1 =	vlt.s32 v13, $0x1;
	v7 =	vld [tilespmem:s9+$0x30]  }
0x182: {  	s12 =	sadd.s32 $0x80, s12;
	v10 =	vadd.f32 v10, v9;
	vm0 =	vmxor vm0, vm1;
	v9 =	vld [tilespmem:s10+$0x30]  }
0x183: {  	v11 =	vld [tilespmem:$0x1F00]  }
0x184: {  	v12 =	vld [tilespmem:$0x5D80]  }
0x185: {  	v13 =	vld [tilespmem:$0x9C00]  }
0x186: {  	v14 =	vld [tilespmem:$0x1F10]  }
0x187: {  	v15 =	vld [tilespmem:$0x5D90]  }
0x188: {  	v16 =	vld [tilespmem:$0x9C10]  }
0x189: {  	v17 =	vld [tilespmem:$0x1F20]  }
0x18a: {  	v18 =	vld [tilespmem:$0x5DA0]  }
0x18b: {  	v19 =	vld [tilespmem:$0x9C20]  }
0x18c: {  	v20 =	vld [tilespmem:$0x1F30]  }
0x18d: {  	v21 =	vld [tilespmem:$0x5DB0]  }
0x18e: {  	v22 =	vld [tilespmem:$0x9C30];
	[tilespmem:s2], [sflag:$0x1] =	stream.linear.gather [hbm4b:s19+s2], $0x1F40, $0x38  }
0x18f: {  	_ = 	snop  }
0x190: {  	[tilespmem:s30], [sflag:$0x1] =	stream.linear.gather [hbm4b:s28+s2], $0x1F40, $0x38;
	[tilespmem:$0xBB90] =	vst v63  }
0x191: {  	_ = 	snop  }
0x192: {  	[tilespmem:s31], [sflag:$0x1] =	stream.linear.gather [hbm4b:s20+s2], $0x1F40, $0x38;
	[tilespmem:$0xBB90] =	vst v63  }
0x193: {  	_ =	swait.ge [sflag:s6], $0x1F40  }
0x194: {  	[sflag:s6] =	ssyncset.done $0x0  }
0x195: {  	[sflag:s6] =	ssyncadd.s32 $0xFFFFE0C0  }
0x196: {  	_ =	swait.ge [sflag:s6], $0x1F40  }
0x197: {  	[sflag:s6] =	ssyncset.done $0x0  }
0x198: {  	[sflag:s6] =	ssyncadd.s32 $0xFFFFE0C0  }
0x199: {  	_ =	swait.ge [sflag:s6], $0x1F40  }
0x19a: {  	[sflag:s6] =	ssyncset.done $0x0  }
0x19b: {  	s10 =	simm.s32 $0x1FB0;
	[sflag:s6] =	ssyncadd.s32 $0xFFFFE0C0  }
0x19c: {  	vm1 =	vgt.f32 v1, v3;
	v3 =	vsel vm0, $0x3F800000, v0;
	vm0 =	vlt.s32 v4, $0x1;
	v1 =	vld [tilespmem:s10+$0x0]  }
0x19d: {  	v10 =	vadd.f32 v3, v10;
	vm0 =	vmxor vm1, vm0;
	v4 =	vld [tilespmem:s10+$0xFFFFFFF0]  }
0x19e: {  	vm1 =	vgt.f32 v5, v6;
	v5 =	vsel vm0, $0x3F800000, v0;
	vm0 =	vlt.s32 v8, $0x1;
	v3 =	vld [tilespmem:s10+$0xFFFFFFE0]  }
0x19f: {  	v5 =	vadd.f32 v5, v10;
	vm0 =	vmxor vm1, vm0;
	v10 =	vld [tilespmem:s10+$0xFFFFFFD0]  }
0x1a0: {  	vm1 =	vgt.f32 v7, v2;
	v2 =	vsel vm0, $0x3F800000, v0;
	vm0 =	vlt.s32 v9, $0x1;
	v6 =	vld [tilespmem:s10+$0xFFFFFFC0]  }
0x1a1: {  	v2 =	vadd.f32 v2, v5;
	vm0 =	vmxor vm1, vm0;
	v5 =	vld [tilespmem:s10+$0xFFFFFFB0]  }
0x1a2: {  	vm1 =	vgt.f32 v12, v11;
	v7 =	vsel vm0, $0x3F800000, v0;
	vm0 =	vlt.s32 v13, $0x1;
	v8 =	vld [tilespmem:s10+$0xFFFFFFA0]  }
0x1a3: {  	s9 =	simm.s32 $0x5E30;
	v2 =	vadd.f32 v7, v2;
	vm0 =	vmxor vm1, vm0;
	v7 =	vld [tilespmem:s10+$0xFFFFFF90]  }
0x1a4: {  	vm1 =	vgt.f32 v15, v14;
	v9 =	vsel vm0, $0x3F800000, v0;
	vm0 =	vlt.s32 v16, $0x1;
	s10 =	simm.s32 $0x9CB0;
	v11 =	vld [tilespmem:s9+$0xFFFFFF90]  }
0x1a5: {  	v2 =	vadd.f32 v9, v2;
	vm0 =	vmxor vm1, vm0;
	v9 =	vld [tilespmem:s10+$0xFFFFFF90]  }
0x1a6: {  	vm1 =	vgt.f32 v18, v17;
	v54 =	vsel vm0, $0x3F800000, v0;
	vm0 =	vlt.s32 v19, $0x1;
	v55 =	vld [tilespmem:s9+$0xFFFFFFA0]  }
0x1a7: {  	v2 =	vadd.f32 v54, v2;
	vm0 =	vmxor vm1, vm0;
	v56 =	vld [tilespmem:s10+$0xFFFFFFA0]  }
0x1a8: {  	vm1 =	vgt.f32 v21, v20;
	v57 =	vsel vm0, $0x3F800000, v0;
	vm0 =	vlt.s32 v22, $0x1;
	v58 =	vld [tilespmem:s9+$0xFFFFFFB0]  }
0x1a9: {  	v2 =	vadd.f32 v57, v2;
	vm0 =	vmxor vm1, vm0;
	v59 =	vld [tilespmem:s10+$0xFFFFFFB0]  }
0x1aa: {  	vm1 =	vgt.f32 v11, v7;
	v7 =	vsel vm0, $0x3F800000, v0;
	vm0 =	vlt.s32 v9, $0x1;
	v9 =	vld [tilespmem:s9+$0xFFFFFFC0]  }
0x1ab: {  	v2 =	vadd.f32 v7, v2;
	v7 =	vld [tilespmem:s10+$0xFFFFFFC0];
	vm0 =	vmxor vm1, vm0  }
0x1ac: {  	v60 =	vld [tilespmem:s9+$0xFFFFFFD0];
	vm1 =	vlt.s32 v56, $0x1;
	v11 =	vsel vm0, $0x3F800000, v0;
	vm0 =	vgt.f32 v55, v8  }
0x1ad: {  	v8 =	vadd.f32 v11, v2;
	vm0 =	vmxor vm0, vm1;
	v11 =	vld [tilespmem:s10+$0xFFFFFFD0]  }
0x1ae: {  	vm1 =	vlt.s32 v59, $0x1;
	v2 =	vld [tilespmem:s9+$0xFFFFFFE0];
	v61 =	vsel vm0, $0x3F800000, v0;
	vm0 =	vgt.f32 v58, v5  }
0x1af: {  	v5 =	vld [tilespmem:s10+$0xFFFFFFE0];
	v8 =	vadd.f32 v61, v8;
	vm0 =	vmxor vm0, vm1  }
0x1b0: {  	vm1 =	vlt.s32 v7, $0x1;
	v62 =	vsel vm0, $0x3F800000, v0;
	vm0 =	vgt.f32 v9, v6;
	v6 =	vld [tilespmem:s9+$0xFFFFFFF0]  }
0x1b1: {  	v9 =	vadd.f32 v62, v8;
	vm0 =	vmxor vm0, vm1;
	v8 =	vld [tilespmem:s10+$0xFFFFFFF0]  }
0x1b2: {  	v7 =	vld [tilespmem:s9+$0x0];
	v63 =	vsel vm0, $0x3F800000, v0;
	vm0 =	vgt.f32 v60, v10;
	vm1 =	vlt.s32 v11, $0x1  }
0x1b3: {  	s11 =	simm.s32 $0x0;
	s12 =	simm.s32 $0x2030;
	v10 =	vadd.f32 v63, v9;
	vm0 =	vmxor vm0, vm1;
	v9 =	vld [tilespmem:s10+$0x0]  }
.LBB2_12:
0x1b4: {  	v11 =	vld [tilespmem:s12+$0x0];
	v12 =	vsel vm0, $0x3F800000, v0;
	vm0 =	vgt.f32 v2, v3;
	vm1 =	vlt.s32 v5, $0x1  }
0x1b5: {  	v2 =	vld [tilespmem:s12+$0xFFFFFFF0];
	v5 =	vadd.f32 v12, v10;
	vm0 =	vmxor vm0, vm1  }
0x1b6: {  	v3 =	vld [tilespmem:s12+$0xFFFFFFE0];
	v10 =	vsel vm0, $0x3F800000, v0;
	vm0 =	vgt.f32 v6, v4;
	vm1 =	vlt.s32 v8, $0x1  }
0x1b7: {  	v12 =	vld [tilespmem:s12+$0xFFFFFFD0];
	v10 =	vadd.f32 v10, v5;
	vm0 =	vmxor vm0, vm1  }
0x1b8: {  	v6 =	vld [tilespmem:s12+$0xFFFFFFC0];
	v5 =	vsel vm0, $0x3F800000, v0;
	vm0 =	vgt.f32 v7, v1;
	vm1 =	vlt.s32 v9, $0x1  }
0x1b9: {  	v7 =	vld [tilespmem:s12+$0xFFFFFFB0];
	v5 =	vadd.f32 v5, v10;
	vm0 =	vmxor vm0, vm1;
	v1 =	vmov v11  }
0x1ba: {  	v8 =	vld [tilespmem:s12+$0xFFFFFFA0];
	v9 =	vsel vm0, $0x3F800000, v0;
	v4 =	vmov v2  }
0x1bb: {  	s9 =	sadd.s32 $0x80, s9;
	v2 =	vld [tilespmem:s12+$0xFFFFFF90];
	v5 =	vadd.f32 v9, v5  }
0x1bc: {  	s10 =	sadd.s32 $0x80, s10;
	v9 =	vld [tilespmem:s9+$0xFFFFFF90]  }
0x1bd: {  	s11 =	sadd.s32 $0x8, s11;
	v10 =	vld [tilespmem:s10+$0xFFFFFF90]  }
0x1be: {  	p2 =	slt.u32 s11, $0x1E8;
	v11 =	vld [tilespmem:s9+$0xFFFFFFA0]  }
0x1bf: {  	v13 =	vld [tilespmem:s10+$0xFFFFFFA0]  }
0x1c0: {  	v14 =	vld [tilespmem:s9+$0xFFFFFFB0]  }
0x1c1: {  	v15 =	vld [tilespmem:s10+$0xFFFFFFB0]  }
0x1c2: {  	vm0 =	vgt.f32 v9, v2;
	vm1 =	vlt.s32 v10, $0x1;
	v9 =	vld [tilespmem:s9+$0xFFFFFFC0]  }
0x1c3: {  	vm0 =	vmxor vm0, vm1;
	v10 =	vld [tilespmem:s10+$0xFFFFFFC0]  }
0x1c4: {  	v2 =	vsel vm0, $0x3F800000, v0;
	vm0 =	vgt.f32 v11, v8;
	vm1 =	vlt.s32 v13, $0x1;
	v11 =	vld [tilespmem:s9+$0xFFFFFFD0]  }
0x1c5: {  	v5 =	vadd.f32 v2, v5;
	vm0 =	vmxor vm0, vm1;
	v13 =	vld [tilespmem:s10+$0xFFFFFFD0]  }
0x1c6: {  	v8 =	vsel vm0, $0x3F800000, v0;
	vm0 =	vgt.f32 v14, v7;
	vm1 =	vlt.s32 v15, $0x1;
	v2 =	vld [tilespmem:s9+$0xFFFFFFE0]  }
.Ltmp5:
0x1c7: {  	v7 =	vadd.f32 v8, v5;
	vm0 =	vmxor vm0, vm1;
	v5 =	vld [tilespmem:s10+$0xFFFFFFE0];
	(pc) =	sbr.rel @p2 .LBB2_12-.Ltmp5, $4  }
0x1c8: {  	v8 =	vsel vm0, $0x3F800000, v0;
	vm0 =	vgt.f32 v9, v6;
	vm1 =	vlt.s32 v10, $0x1;
	v6 =	vld [tilespmem:s9+$0xFFFFFFF0]  }
0x1c9: {  	v9 =	vadd.f32 v8, v7;
	vm0 =	vmxor vm0, vm1;
	v8 =	vld [tilespmem:s10+$0xFFFFFFF0]  }
0x1ca: {  	v10 =	vsel vm0, $0x3F800000, v0;
	vm0 =	vgt.f32 v11, v12;
	vm1 =	vlt.s32 v13, $0x1;
	v7 =	vld [tilespmem:s9+$0x0]  }
0x1cb: {  	s12 =	sadd.s32 $0x80, s12;
	v10 =	vadd.f32 v10, v9;
	vm0 =	vmxor vm0, vm1;
	v9 =	vld [tilespmem:s10+$0x0]  }
0x1cc: {  	v11 =	vld [tilespmem:$0x3E40]  }
0x1cd: {  	v12 =	vld [tilespmem:$0x7CC0]  }
0x1ce: {  	v13 =	vld [tilespmem:$0xBB40]  }
0x1cf: {  	v14 =	vld [tilespmem:$0x3E50]  }
0x1d0: {  	v15 =	vld [tilespmem:$0x7CD0]  }
0x1d1: {  	v16 =	vld [tilespmem:$0xBB50]  }
0x1d2: {  	v17 =	vld [tilespmem:$0x3E60]  }
0x1d3: {  	v18 =	vld [tilespmem:$0x7CE0]  }
0x1d4: {  	v19 =	vld [tilespmem:$0xBB60]  }
0x1d5: {  	v20 =	vld [tilespmem:$0x3E70]  }
0x1d6: {  	v21 =	vld [tilespmem:$0x7CF0];
	s9 =	simm.s32 @!p0 $0x0;
	s10 =	simm.s32 @!p0 $0x1F40  }
0x1d7: {  	v22 =	vld [tilespmem:$0xBB70];
	[tilespmem:s10], [sflag:$0x2] =	stream.linear.gather @!p0 [hbm4b:s21+s9], $0x1F40, $0x38  }
0x1d8: {  	s10 =	simm.s32 @!p0 $0x5DC0  }
0x1d9: {  	[tilespmem:s10], [sflag:$0x2] =	stream.linear.gather @!p0 [hbm4b:s29+s9], $0x1F40, $0x38;
	[tilespmem:$0xBB90] =	vst v63  }
0x1da: {  	s10 =	simm.s32 @!p0 $0x9C40  }
0x1db: {  	[tilespmem:s10], [sflag:$0x2] =	stream.linear.gather @!p0 [hbm4b:s22+s9], $0x1F40, $0x38;
	[tilespmem:$0xBB90] =	vst v63  }
0x1dc: {  	_ =	swait.ge [sflag:s5], $0x1F40  }
0x1dd: {  	[sflag:s5] =	ssyncset.done $0x0  }
0x1de: {  	[sflag:s5] =	ssyncadd.s32 $0xFFFFE0C0  }
0x1df: {  	_ =	swait.ge [sflag:s5], $0x1F40  }
0x1e0: {  	[sflag:s5] =	ssyncset.done $0x0  }
0x1e1: {  	[sflag:s5] =	ssyncadd.s32 $0xFFFFE0C0  }
0x1e2: {  	_ =	swait.ge [sflag:s5], $0x1F40  }
0x1e3: {  	[sflag:s5] =	ssyncset.done $0x0  }
0x1e4: {  	s12 =	simm.s32 $0x40;
	[sflag:s5] =	ssyncadd.s32 $0xFFFFE0C0  }
0x1e5: {  	vm1 =	vgt.f32 v2, v3;
	v3 =	vsel vm0, $0x3F800000, v0;
	vm0 =	vlt.s32 v5, $0x1;
	v2 =	vld [tilespmem:s12+$0x30]  }
0x1e6: {  	v10 =	vadd.f32 v3, v10;
	vm0 =	vmxor vm1, vm0;
	v5 =	vld [tilespmem:s12+$0x20]  }
0x1e7: {  	vm1 =	vgt.f32 v6, v4;
	v4 =	vsel vm0, $0x3F800000, v0;
	vm0 =	vlt.s32 v8, $0x1;
	v3 =	vld [tilespmem:s12+$0x10]  }
0x1e8: {  	v4 =	vadd.f32 v4, v10;
	vm0 =	vmxor vm1, vm0;
	v10 =	vld [tilespmem:s12+$0x0]  }
0x1e9: {  	vm1 =	vgt.f32 v7, v1;
	v1 =	vsel vm0, $0x3F800000, v0;
	vm0 =	vlt.s32 v9, $0x1;
	v6 =	vld [tilespmem:s12+$0xFFFFFFF0]  }
0x1ea: {  	v1 =	vadd.f32 v1, v4;
	vm0 =	vmxor vm1, vm0;
	v4 =	vld [tilespmem:s12+$0xFFFFFFE0]  }
0x1eb: {  	vm1 =	vgt.f32 v12, v11;
	v7 =	vsel vm0, $0x3F800000, v0;
	vm0 =	vlt.s32 v13, $0x1;
	v8 =	vld [tilespmem:s12+$0xFFFFFFD0]  }
0x1ec: {  	s9 =	simm.s32 $0x3EC0;
	v1 =	vadd.f32 v7, v1;
	vm0 =	vmxor vm1, vm0;
	v7 =	vld [tilespmem:s12+$0xFFFFFFC0]  }
0x1ed: {  	s10 =	simm.s32 $0x7D40;
	vm1 =	vgt.f32 v15, v14;
	v9 =	vsel vm0, $0x3F800000, v0;
	vm0 =	vlt.s32 v16, $0x1;
	v11 =	vld [tilespmem:s9+$0xFFFFFFC0]  }
0x1ee: {  	v1 =	vadd.f32 v9, v1;
	vm0 =	vmxor vm1, vm0;
	v9 =	vld [tilespmem:s10+$0xFFFFFFC0]  }
0x1ef: {  	vm1 =	vgt.f32 v18, v17;
	v54 =	vsel vm0, $0x3F800000, v0;
	vm0 =	vlt.s32 v19, $0x1;
	v55 =	vld [tilespmem:s9+$0xFFFFFFD0]  }
0x1f0: {  	v1 =	vadd.f32 v54, v1;
	vm0 =	vmxor vm1, vm0;
	v56 =	vld [tilespmem:s10+$0xFFFFFFD0]  }
0x1f1: {  	vm1 =	vgt.f32 v21, v20;
	v57 =	vsel vm0, $0x3F800000, v0;
	vm0 =	vlt.s32 v22, $0x1;
	v58 =	vld [tilespmem:s9+$0xFFFFFFE0]  }
0x1f2: {  	v1 =	vadd.f32 v57, v1;
	vm0 =	vmxor vm1, vm0;
	v59 =	vld [tilespmem:s10+$0xFFFFFFE0]  }
0x1f3: {  	vm1 =	vgt.f32 v11, v7;
	v7 =	vsel vm0, $0x3F800000, v0;
	vm0 =	vlt.s32 v9, $0x1;
	v9 =	vld [tilespmem:s9+$0xFFFFFFF0]  }
0x1f4: {  	v1 =	vadd.f32 v7, v1;
	vm0 =	vmxor vm1, vm0;
	v7 =	vld [tilespmem:s10+$0xFFFFFFF0]  }
0x1f5: {  	v60 =	vld [tilespmem:s9+$0x0];
	vm1 =	vlt.s32 v56, $0x1;
	v11 =	vsel vm0, $0x3F800000, v0;
	vm0 =	vgt.f32 v55, v8  }
0x1f6: {  	v8 =	vadd.f32 v11, v1;
	vm0 =	vmxor vm0, vm1;
	v11 =	vld [tilespmem:s10+$0x0]  }
0x1f7: {  	vm1 =	vlt.s32 v59, $0x1;
	v1 =	vld [tilespmem:s9+$0x10];
	v61 =	vsel vm0, $0x3F800000, v0;
	vm0 =	vgt.f32 v58, v4  }
0x1f8: {  	v4 =	vld [tilespmem:s10+$0x10];
	v8 =	vadd.f32 v61, v8;
	vm0 =	vmxor vm0, vm1  }
0x1f9: {  	v62 =	vsel vm0, $0x3F800000, v0;
	vm0 =	vgt.f32 v9, v6;
	vm1 =	vlt.s32 v7, $0x1;
	v6 =	vld [tilespmem:s9+$0x20]  }
0x1fa: {  	v9 =	vadd.f32 v62, v8;
	vm0 =	vmxor vm0, vm1;
	v8 =	vld [tilespmem:s10+$0x20]  }
0x1fb: {  	v7 =	vld [tilespmem:s9+$0x30];
	v63 =	vsel vm0, $0x3F800000, v0;
	vm0 =	vgt.f32 v60, v10;
	vm1 =	vlt.s32 v11, $0x1  }
0x1fc: {  	s11 =	simm.s32 $0x0;
	s12 =	simm.s32 $0xC0;
	v10 =	vadd.f32 v63, v9;
	vm0 =	vmxor vm0, vm1;
	v9 =	vld [tilespmem:s10+$0x30]  }
.LBB2_14:
0x1fd: {  	v11 =	vld [tilespmem:s12+$0x30];
	v12 =	vsel vm0, $0x3F800000, v0;
	vm0 =	vgt.f32 v1, v3;
	vm1 =	vlt.s32 v4, $0x1  }
0x1fe: {  	v1 =	vld [tilespmem:s12+$0x20];
	v4 =	vadd.f32 v12, v10;
	vm0 =	vmxor vm0, vm1  }
0x1ff: {  	v3 =	vld [tilespmem:s12+$0x10];
	v10 =	vsel vm0, $0x3F800000, v0;
	vm0 =	vgt.f32 v6, v5;
	vm1 =	vlt.s32 v8, $0x1  }
0x200: {  	v12 =	vld [tilespmem:s12+$0x0];
	v4 =	vadd.f32 v10, v4;
	vm0 =	vmxor vm0, vm1  }
0x201: {  	v6 =	vld [tilespmem:s12+$0xFFFFFFF0];
	v10 =	vsel vm0, $0x3F800000, v0;
	vm0 =	vgt.f32 v7, v2;
	vm1 =	vlt.s32 v9, $0x1  }
0x202: {  	v7 =	vld [tilespmem:s12+$0xFFFFFFE0];
	v4 =	vadd.f32 v10, v4;
	vm0 =	vmxor vm0, vm1;
	v2 =	vmov v11  }
0x203: {  	v8 =	vld [tilespmem:s12+$0xFFFFFFD0];
	v9 =	vsel vm0, $0x3F800000, v0;
	v5 =	vmov v1  }
0x204: {  	s9 =	sadd.s32 $0x80, s9;
	v1 =	vld [tilespmem:s12+$0xFFFFFFC0];
	v4 =	vadd.f32 v9, v4  }
0x205: {  	s10 =	sadd.s32 $0x80, s10;
	v9 =	vld [tilespmem:s9+$0xFFFFFFC0]  }
0x206: {  	s11 =	sadd.s32 $0x8, s11;
	v10 =	vld [tilespmem:s10+$0xFFFFFFC0]  }
0x207: {  	p2 =	slt.u32 s11, $0x1E8;
	v11 =	vld [tilespmem:s9+$0xFFFFFFD0]  }
0x208: {  	v13 =	vld [tilespmem:s10+$0xFFFFFFD0]  }
0x209: {  	v14 =	vld [tilespmem:s9+$0xFFFFFFE0]  }
0x20a: {  	v15 =	vld [tilespmem:s10+$0xFFFFFFE0]  }
0x20b: {  	vm0 =	vgt.f32 v9, v1;
	vm1 =	vlt.s32 v10, $0x1;
	v9 =	vld [tilespmem:s9+$0xFFFFFFF0]  }
0x20c: {  	vm0 =	vmxor vm0, vm1;
	v10 =	vld [tilespmem:s10+$0xFFFFFFF0]  }
0x20d: {  	v1 =	vsel vm0, $0x3F800000, v0;
	vm0 =	vgt.f32 v11, v8;
	vm1 =	vlt.s32 v13, $0x1;
	v11 =	vld [tilespmem:s9+$0x0]  }
0x20e: {  	v4 =	vadd.f32 v1, v4;
	vm0 =	vmxor vm0, vm1;
	v13 =	vld [tilespmem:s10+$0x0]  }
0x20f: {  	v8 =	vsel vm0, $0x3F800000, v0;
	vm0 =	vgt.f32 v14, v7;
	vm1 =	vlt.s32 v15, $0x1;
	v1 =	vld [tilespmem:s9+$0x10]  }
.Ltmp6:
0x210: {  	v7 =	vadd.f32 v8, v4;
	vm0 =	vmxor vm0, vm1;
	v4 =	vld [tilespmem:s10+$0x10];
	(pc) =	sbr.rel @p2 .LBB2_14-.Ltmp6, $4  }
0x211: {  	v8 =	vsel vm0, $0x3F800000, v0;
	vm0 =	vgt.f32 v9, v6;
	vm1 =	vlt.s32 v10, $0x1;
	v6 =	vld [tilespmem:s9+$0x20]  }
0x212: {  	v9 =	vadd.f32 v8, v7;
	vm0 =	vmxor vm0, vm1;
	v8 =	vld [tilespmem:s10+$0x20]  }
0x213: {  	v10 =	vsel vm0, $0x3F800000, v0;
	vm0 =	vgt.f32 v11, v12;
	vm1 =	vlt.s32 v13, $0x1;
	v7 =	vld [tilespmem:s9+$0x30]  }
0x214: {  	s12 =	sadd.s32 $0x80, s12;
	v10 =	vadd.f32 v10, v9;
	vm0 =	vmxor vm0, vm1;
	v9 =	vld [tilespmem:s10+$0x30]  }
0x215: {  	v11 =	vld [tilespmem:$0x1F00]  }
0x216: {  	v12 =	vld [tilespmem:$0x5D80]  }
0x217: {  	v13 =	vld [tilespmem:$0x9C00]  }
0x218: {  	v14 =	vld [tilespmem:$0x1F10]  }
0x219: {  	v15 =	vld [tilespmem:$0x5D90]  }
0x21a: {  	v16 =	vld [tilespmem:$0x9C10]  }
0x21b: {  	v17 =	vld [tilespmem:$0x1F20]  }
0x21c: {  	v18 =	vld [tilespmem:$0x5DA0]  }
0x21d: {  	v19 =	vld [tilespmem:$0x9C20]  }
0x21e: {  	v20 =	vld [tilespmem:$0x1F30]  }
0x21f: {  	v21 =	vld [tilespmem:$0x5DB0];
	s9 =	simm.s32 @!p0 $0x2  }
0x220: {  	v22 =	vld [tilespmem:$0x9C30];
	_ =	swait.ge @!p0 [sflag:s9], $0x1F40  }
0x221: {  	[sflag:s9] =	ssyncset.done @!p0 $0x0  }
0x222: {  	[sflag:s9] =	ssyncadd.s32 @!p0 $0xFFFFE0C0  }
0x223: {  	_ =	swait.ge @!p0 [sflag:s9], $0x1F40  }
0x224: {  	[sflag:s9] =	ssyncset.done @!p0 $0x0  }
0x225: {  	[sflag:s9] =	ssyncadd.s32 @!p0 $0xFFFFE0C0  }
0x226: {  	_ =	swait.ge @!p0 [sflag:s9], $0x1F40  }
0x227: {  	[sflag:s9] =	ssyncset.done @!p0 $0x0  }
0x228: {  	s10 =	simm.s32 $0x1FB0;
	[sflag:s9] =	ssyncadd.s32 @!p0 $0xFFFFE0C0  }
0x229: {  	vm1 =	vgt.f32 v1, v3;
	v3 =	vsel vm0, $0x3F800000, v0;
	vm0 =	vlt.s32 v4, $0x1;
	v1 =	vld [tilespmem:s10+$0x0]  }
0x22a: {  	v10 =	vadd.f32 v3, v10;
	vm0 =	vmxor vm1, vm0;
	v4 =	vld [tilespmem:s10+$0xFFFFFFF0]  }
0x22b: {  	vm1 =	vgt.f32 v6, v5;
	v5 =	vsel vm0, $0x3F800000, v0;
	vm0 =	vlt.s32 v8, $0x1;
	v3 =	vld [tilespmem:s10+$0xFFFFFFE0]  }
0x22c: {  	v5 =	vadd.f32 v5, v10;
	vm0 =	vmxor vm1, vm0;
	v10 =	vld [tilespmem:s10+$0xFFFFFFD0]  }
0x22d: {  	vm1 =	vgt.f32 v7, v2;
	v2 =	vsel vm0, $0x3F800000, v0;
	vm0 =	vlt.s32 v9, $0x1;
	v6 =	vld [tilespmem:s10+$0xFFFFFFC0]  }
0x22e: {  	v2 =	vadd.f32 v2, v5;
	vm0 =	vmxor vm1, vm0;
	v5 =	vld [tilespmem:s10+$0xFFFFFFB0]  }
0x22f: {  	vm1 =	vgt.f32 v12, v11;
	v7 =	vsel vm0, $0x3F800000, v0;
	vm0 =	vlt.s32 v13, $0x1;
	v8 =	vld [tilespmem:s10+$0xFFFFFFA0]  }
0x230: {  	v2 =	vadd.f32 v7, v2;
	vm0 =	vmxor vm1, vm0;
	s9 =	simm.s32 $0x5E30;
	v7 =	vld [tilespmem:s10+$0xFFFFFF90]  }
0x231: {  	vm1 =	vgt.f32 v15, v14;
	v9 =	vsel vm0, $0x3F800000, v0;
	vm0 =	vlt.s32 v16, $0x1;
	s10 =	simm.s32 $0x9CB0;
	v11 =	vld [tilespmem:s9+$0xFFFFFF90]  }
0x232: {  	v2 =	vadd.f32 v9, v2;
	vm0 =	vmxor vm1, vm0;
	v9 =	vld [tilespmem:s10+$0xFFFFFF90]  }
0x233: {  	vm1 =	vgt.f32 v18, v17;
	v54 =	vsel vm0, $0x3F800000, v0;
	vm0 =	vlt.s32 v19, $0x1;
	v55 =	vld [tilespmem:s9+$0xFFFFFFA0]  }
0x234: {  	v2 =	vadd.f32 v54, v2;
	vm0 =	vmxor vm1, vm0;
	v56 =	vld [tilespmem:s10+$0xFFFFFFA0]  }
0x235: {  	v58 =	vld [tilespmem:s9+$0xFFFFFFB0];
	vm1 =	vgt.f32 v21, v20;
	v57 =	vsel vm0, $0x3F800000, v0;
	vm0 =	vlt.s32 v22, $0x1  }
0x236: {  	v59 =	vld [tilespmem:s10+$0xFFFFFFB0];
	v2 =	vadd.f32 v57, v2;
	vm0 =	vmxor vm1, vm0  }
0x237: {  	vm1 =	vgt.f32 v11, v7;
	v7 =	vsel vm0, $0x3F800000, v0;
	vm0 =	vlt.s32 v9, $0x1;
	v9 =	vld [tilespmem:s9+$0xFFFFFFC0]  }
0x238: {  	v2 =	vadd.f32 v7, v2;
	v7 =	vld [tilespmem:s10+$0xFFFFFFC0];
	vm0 =	vmxor vm1, vm0  }
0x239: {  	v60 =	vld [tilespmem:s9+$0xFFFFFFD0];
	vm1 =	vlt.s32 v56, $0x1;
	v11 =	vsel vm0, $0x3F800000, v0;
	vm0 =	vgt.f32 v55, v8  }
0x23a: {  	v8 =	vadd.f32 v11, v2;
	vm0 =	vmxor vm0, vm1;
	v11 =	vld [tilespmem:s10+$0xFFFFFFD0]  }
0x23b: {  	vm1 =	vlt.s32 v59, $0x1;
	v61 =	vsel vm0, $0x3F800000, v0;
	vm0 =	vgt.f32 v58, v5;
	v5 =	vld [tilespmem:s9+$0xFFFFFFE0]  }
0x23c: {  	v13 =	vadd.f32 v61, v8;
	vm0 =	vmxor vm0, vm1;
	v8 =	vld [tilespmem:s10+$0xFFFFFFE0]  }
0x23d: {  	vm1 =	vlt.s32 v7, $0x1;
	v62 =	vsel vm0, $0x3F800000, v0;
	vm0 =	vgt.f32 v9, v6;
	v6 =	vld [tilespmem:s9+$0xFFFFFFF0]  }
0x23e: {  	v9 =	vld [tilespmem:s10+$0xFFFFFFF0];
	v13 =	vadd.f32 v62, v13;
	vm0 =	vmxor vm0, vm1  }
0x23f: {  	v7 =	vld [tilespmem:s9+$0x0];
	v63 =	vsel vm0, $0x3F800000, v0;
	vm0 =	vgt.f32 v60, v10;
	vm1 =	vlt.s32 v11, $0x1  }
0x240: {  	s11 =	simm.s32 $0x0;
	s12 =	simm.s32 $0x2030;
	v10 =	vld [tilespmem:s10+$0x0];
	v11 =	vadd.f32 v63, v13;
	vm0 =	vmxor vm0, vm1  }
.LBB2_16:
0x241: {  	v12 =	vld [tilespmem:s12+$0x0];
	v13 =	vsel vm0, $0x3F800000, v0;
	vm0 =	vgt.f32 v5, v3;
	vm1 =	vlt.s32 v8, $0x1  }
0x242: {  	v5 =	vld [tilespmem:s12+$0xFFFFFFF0];
	v8 =	vadd.f32 v13, v11;
	vm0 =	vmxor vm0, vm1  }
0x243: {  	v3 =	vld [tilespmem:s12+$0xFFFFFFE0];
	v11 =	vsel vm0, $0x3F800000, v0;
	vm0 =	vgt.f32 v6, v4;
	vm1 =	vlt.s32 v9, $0x1  }
0x244: {  	v13 =	vld [tilespmem:s12+$0xFFFFFFD0];
	v11 =	vadd.f32 v11, v8;
	vm0 =	vmxor vm0, vm1  }
0x245: {  	v6 =	vld [tilespmem:s12+$0xFFFFFFC0];
	v8 =	vsel vm0, $0x3F800000, v0;
	vm0 =	vgt.f32 v7, v1;
	vm1 =	vlt.s32 v10, $0x1  }
0x246: {  	v7 =	vld [tilespmem:s12+$0xFFFFFFB0];
	v8 =	vadd.f32 v8, v11;
	vm0 =	vmxor vm0, vm1;
	v1 =	vmov v12  }
0x247: {  	v9 =	vld [tilespmem:s12+$0xFFFFFFA0];
	v10 =	vsel vm0, $0x3F800000, v0;
	v4 =	vmov v5  }
0x248: {  	s9 =	sadd.s32 $0x80, s9;
	v5 =	vld [tilespmem:s12+$0xFFFFFF90];
	v8 =	vadd.f32 v10, v8  }
0x249: {  	s10 =	sadd.s32 $0x80, s10;
	v10 =	vld [tilespmem:s9+$0xFFFFFF90]  }
0x24a: {  	s11 =	sadd.s32 $0x8, s11;
	v11 =	vld [tilespmem:s10+$0xFFFFFF90]  }
0x24b: {  	p2 =	slt.u32 s11, $0x1E8;
	v12 =	vld [tilespmem:s9+$0xFFFFFFA0]  }
0x24c: {  	v14 =	vld [tilespmem:s10+$0xFFFFFFA0]  }
0x24d: {  	v15 =	vld [tilespmem:s9+$0xFFFFFFB0]  }
0x24e: {  	v16 =	vld [tilespmem:s10+$0xFFFFFFB0]  }
0x24f: {  	vm0 =	vgt.f32 v10, v5;
	vm1 =	vlt.s32 v11, $0x1;
	v10 =	vld [tilespmem:s9+$0xFFFFFFC0]  }
0x250: {  	vm0 =	vmxor vm0, vm1;
	v11 =	vld [tilespmem:s10+$0xFFFFFFC0]  }
0x251: {  	v5 =	vsel vm0, $0x3F800000, v0;
	vm0 =	vgt.f32 v12, v9;
	vm1 =	vlt.s32 v14, $0x1;
	v12 =	vld [tilespmem:s9+$0xFFFFFFD0]  }
0x252: {  	v8 =	vadd.f32 v5, v8;
	vm0 =	vmxor vm0, vm1;
	v14 =	vld [tilespmem:s10+$0xFFFFFFD0]  }
0x253: {  	v9 =	vsel vm0, $0x3F800000, v0;
	vm0 =	vgt.f32 v15, v7;
	vm1 =	vlt.s32 v16, $0x1;
	v5 =	vld [tilespmem:s9+$0xFFFFFFE0]  }
.Ltmp7:
0x254: {  	v7 =	vadd.f32 v9, v8;
	vm0 =	vmxor vm0, vm1;
	v8 =	vld [tilespmem:s10+$0xFFFFFFE0];
	(pc) =	sbr.rel @p2 .LBB2_16-.Ltmp7, $4  }
0x255: {  	v9 =	vsel vm0, $0x3F800000, v0;
	vm0 =	vgt.f32 v10, v6;
	vm1 =	vlt.s32 v11, $0x1;
	v6 =	vld [tilespmem:s9+$0xFFFFFFF0]  }
0x256: {  	v10 =	vadd.f32 v9, v7;
	vm0 =	vmxor vm0, vm1;
	v9 =	vld [tilespmem:s10+$0xFFFFFFF0]  }
0x257: {  	v11 =	vsel vm0, $0x3F800000, v0;
	vm0 =	vgt.f32 v12, v13;
	vm1 =	vlt.s32 v14, $0x1;
	v7 =	vld [tilespmem:s9+$0x0]  }
0x258: {  	s12 =	sadd.s32 $0x80, s12;
	v11 =	vadd.f32 v11, v10;
	vm0 =	vmxor vm0, vm1;
	v10 =	vld [tilespmem:s10+$0x0]  }
0x259: {  	v12 =	vld [tilespmem:$0x3E40]  }
0x25a: {  	v13 =	vld [tilespmem:$0x7CC0]  }
0x25b: {  	v14 =	vld [tilespmem:$0xBB40]  }
0x25c: {  	v15 =	vld [tilespmem:$0x3E50]  }
0x25d: {  	vm1 =	vgt.f32 v5, v3;
	v3 =	vsel vm0, $0x3F800000, v0;
	vm15 =	vlt.s32 v8, $0x1;
	v52 =	vld [tilespmem:$0x7CD0]  }
0x25e: {  	v53 =	vld [tilespmem:$0xBB50];
	v3 =	vadd.f32 v3, v11;
	vm0 =	vmxor vm1, vm15  }
0x25f: {  	v55 =	vld [tilespmem:$0x3E60];
	vm4 =	vgt.f32 v6, v4;
	v54 =	vsel vm0, $0x3F800000, v0;
	vm5 =	vlt.s32 v9, $0x1  }
0x260: {  	v56 =	vld [tilespmem:$0x7CE0];
	v3 =	vadd.f32 v54, v3;
	vm0 =	vmxor vm4, vm5  }
0x261: {  	v57 =	vld [tilespmem:$0xBB60];
	vm6 =	vgt.f32 v7, v1;
	v1 =	vsel vm0, $0x3F800000, v0;
	vm7 =	vlt.s32 v10, $0x1  }
0x262: {  	v59 =	vld [tilespmem:$0x7CF0];
	v1 =	vadd.f32 v1, v3;
	vm0 =	vmxor vm6, vm7  }
0x263: {  	v60 =	vld [tilespmem:$0xBB70];
	vm8 =	vgt.f32 v13, v12;
	vm9 =	vlt.s32 v14, $0x1;
	v58 =	vsel vm0, $0x3F800000, v0  }
0x264: {  	v3 =	vld [tilespmem:$0x3E70];
	vm0 =	vmxor vm8, vm9;
	v1 =	vadd.f32 v58, v1  }
0x265: {  	vm10 =	vgt.f32 v52, v15;
	vm11 =	vlt.s32 v53, $0x1;
	v61 =	vsel vm0, $0x3F800000, v0  }
0x266: {  	vm0 =	vmxor vm10, vm11;
	v1 =	vadd.f32 v61, v1  }
0x267: {  	vm12 =	vgt.f32 v56, v55;
	vm13 =	vlt.s32 v57, $0x1;
	v62 =	vsel vm0, $0x3F800000, v0  }
0x268: {  	vm0 =	vmxor vm12, vm13;
	v1 =	vadd.f32 v62, v1  }
0x269: {  	vm15 =	vlt.s32 v60, $0x1;
	v63 =	vsel vm0, $0x3F800000, v0;
	vm14 =	vgt.f32 v59, v3  }
0x26a: {  	vm0 =	vmxor vm14, vm15;
	v1 =	vadd.f32 v63, v1  }
0x26b: {  	v3 =	vsel vm0, $0x3F800000, v0  }
0x26c: {  	v1 =	vadd.f32 v3, v1  }
0x26d: {  	s8 =	sadd.s32 $0x1, s8  }
0x26e: {  	p2 =	sne.s32 s8, s25;
	v1 =	vpsel p1, v1, v2  }
.Ltmp8:
0x26f: {  	s9 =	simm.s32 $0xBB80;
	[tilespmem:$0xBB80] =	vst v1;
	(pc) =	sbr.rel @p2 .LBB2_1-.Ltmp8, $4  }
0x270: {  	[hbm4b:s24+s2] =	stream.linear.scatter [tilespmem:s9], [sflag:$0x3], $0x10, $0x38;
	[tilespmem:$0xBB90] =	vst v63  }
0x271: {  	_ =	swait.ge [sflag:s7], $0x10  }
0x272: {  	[sflag:s7] =	ssyncset.done $0x0  }
0x273: {  	[sflag:s7] =	ssyncadd.s32 $0xFFFFFFF0  }
0x274: {  	_ =	sfence.sel $0x180000  }
0x275: {  	[bflag:$0x0] =	sbarrier.arrive $0xFFFF  }
0x276: {  	_ =	strace $0x90000047  }
0x277: {  	s0 =	stileid.u32;
	[bflag:$0x2] =	sbarrier.arrive $0xFFFF  }
0x278: {  	p0 =	sne.s32 s0, $0x0;
	s0 =	rddreg [dreg:$0x2]  }
0x279: {  	s0 =	sadd.s32 @!p0 $0x100000, s0  }
0x27a: {  	[sflag:s0] =	ssyncadd.tile.s32 @!p0 $0x1;
	_ =	shalt  }
.Lfunc_end2:
_tile_overlayer_lowered:
.L_overlay_start_2:
0x27b: {  	(tag) =	ssettag $0x2  }
0x27c: {  	s0 =	rddreg [dreg:$0x0];
	s2 =	stileid.u32  }
0x27d: {  	s1 =	rddreg [dreg:$0x1];
	p0 =	sne.s32 s2, $0x0  }
0x27e: {  	s3 =	rddreg [dreg:$0x2];
	[bflag:$0x3] =	sbarrier.arrive $0xFFFF;
	s2 =	simm.s32 @!p0 $0x1C03  }
0x27f: {  	[timem:s3], [sflag:s2] =	dma.local @!p0 [hbm:s0], s1  }
0x280: {  	s0 =	simm.s32 @!p0 $0x3  }
0x281: {  	_ =	swait.ge @!p0 [sflag:s0], s1  }
0x282: {  	s1 =	ssub.s32 @!p0 $0x0, s1;
	[sflag:s0] =	ssyncset.done @!p0 $0x0  }
0x283: {  	[sflag:s0] =	ssyncadd.s32 @!p0 s1  }
0x284: {  	[bflag:$0x3] =	sbarrier.arrive $0xFFFF  }
0x285: {  	_ =	shalt  }

</sc_bundles>
